<compile_context>
chip_gen: v7x
topology: tpu7x:2x2x1
jax: 0.10.2.dev20260603
libtpu: 0.0.44.dev20260713+nightly
codegen_flags: <defaults>
</compile_context>

<pallas_src>
import functools

import jax
import jax.numpy as jnp
from jax import lax
from jax.experimental import pallas as pl
from jax.experimental.pallas import tpu as pltpu
from jax.experimental.pallas import tpu_sc as plsc

N = 10000
E = 320000
D = 128
H = 128
G = 64

NC = 2
NS = 16
NW = NC * NS

EPT = E // NW
K = 80
NCHUNK = EPT // K
NP = 10240
RPT = NP // NS
RCH = 128
NRCH = RPT // RCH


def _sc_body(x_hbm, ei_hbm, out_hbm, src_v, dst_v, rows_v, zbuf,
             agg_sh, gsems, isems, osem):
    cid = lax.axis_index("c")
    sid = lax.axis_index("s")

    def _zfill(i, carry):
        for j in range(8):
            zbuf[i, pl.ds(j * 16, 16)] = jnp.zeros((16,), jnp.float32)
        return carry

    ebase = (cid * NS + sid) * EPT

    def _i_issue(c, s):
        pltpu.async_copy(ei_hbm.at[pl.ds(ebase + c * K, K)], src_v.at[s],
                         isems[s])
        pltpu.async_copy(ei_hbm.at[pl.ds(E + ebase + c * K, K)], dst_v.at[s],
                         isems[s])

    def _i_wait(c, s):
        pltpu.make_async_copy(ei_hbm.at[pl.ds(ebase + c * K, K)],
                              src_v.at[s], isems[s]).wait()
        pltpu.make_async_copy(ei_hbm.at[pl.ds(E + ebase + c * K, K)],
                              dst_v.at[s], isems[s]).wait()

    def _g_issue(s, b):
        pltpu.async_copy(x_hbm.at[src_v.at[s]], rows_v.at[b], gsems[b])

    def _g_wait(s, b):
        pltpu.make_async_copy(x_hbm.at[src_v.at[s]], rows_v.at[b],
                              gsems[b]).wait()

    def _scatter(s, b):
        pltpu.sync_copy(rows_v.at[b], agg_sh.at[dst_v.at[s]], add=True)

    def _step(c, b, s, do_next, do_pref):
        if do_next:
            _i_wait(c + 2, (s + 2) % 4)
            _g_issue((s + 2) % 4, (b + 2) % 3)
        _g_wait(s, b)
        _scatter(s, b)
        if do_pref:
            _i_issue(c + 4, s)

    _i_issue(0, 0)
    _i_issue(1, 1)
    _i_issue(2, 2)
    _i_issue(3, 3)
    lax.fori_loop(0, RCH, _zfill, 0)
    _i_wait(0, 0)
    _g_issue(0, 0)
    _i_wait(1, 1)
    _g_issue(1, 1)

    seed_mine = jnp.where(cid == 0, sid < NS // 2,
                          jnp.logical_and(sid >= NS // 2, sid < NS - 1))

    @pl.when(seed_mine)
    def _seed_x_full():
        pltpu.sync_copy(x_hbm.at[pl.ds(sid * RPT, RPT)],
                        agg_sh.at[pl.ds(sid * RPT, RPT)])

    @pl.when(jnp.logical_and(cid == 1, sid == NS - 1))
    def _seed_x_tail():
        pltpu.sync_copy(x_hbm.at[pl.ds(N - 400, 400)],
                        agg_sh.at[pl.ds(N - 400, 400)])
        pltpu.sync_copy(zbuf, agg_sh.at[pl.ds(N, RCH)])
        pltpu.sync_copy(zbuf.at[pl.ds(0, NP - N - RCH)],
                        agg_sh.at[pl.ds(N + RCH, NP - N - RCH)])

    @pl.when(jnp.logical_not(jnp.logical_or(
        seed_mine, jnp.logical_and(cid == 1, sid == NS - 1))))
    def _seed_zero():
        for r in range(NRCH):
            pltpu.sync_copy(zbuf, agg_sh.at[pl.ds(sid * RPT + r * RCH, RCH)])
    plsc.subcore_barrier()

    def _steady(g, carry):
        for u in range(12):
            _step(12 * g + u, u % 3, u % 4, True, True)
        return carry

    NSTEADY = (NCHUNK - 5) // 12
    lax.fori_loop(0, NSTEADY, _steady, 0)
    for c in range(12 * NSTEADY, NCHUNK):
        _step(c, c % 3, c % 4, c + 2 < NCHUNK, c + 4 < NCHUNK)
    plsc.subcore_barrier()

    for r in range(NRCH):
        row0 = sid * RPT + r * RCH
        pltpu.async_copy(agg_sh.at[pl.ds(row0, RCH)],
                         out_hbm.at[cid, pl.ds(row0, RCH)], osem)
    for r in range(NRCH):
        row0 = sid * RPT + r * RCH
        pltpu.make_async_copy(agg_sh.at[pl.ds(row0, RCH)],
                              out_hbm.at[cid, pl.ds(row0, RCH)], osem).wait()


_sc_scatter = functools.partial(
    pl.kernel,
    out_type=jax.ShapeDtypeStruct((NC, NP, D), jnp.float32),
    mesh=plsc.VectorSubcoreMesh(
        core_axis_name="c", subcore_axis_name="s", num_cores=NC, num_subcores=NS
    ),
    scratch_types=[
        pltpu.VMEM((4, K), jnp.int32),
        pltpu.VMEM((4, K), jnp.int32),
        pltpu.VMEM((3, K, D), jnp.float32),
        pltpu.VMEM((RCH, D), jnp.float32),
        pltpu.VMEM_SHARED((NP, D), jnp.float32),
        [pltpu.SemaphoreType.DMA] * 3,
        [pltpu.SemaphoreType.DMA] * 4,
        pltpu.SemaphoreType.DMA,
    ],
)(_sc_body)


BLK = 2000
NBLK = N // BLK


def _tc_body(p_ref, b_ref, W1_ref, b1_ref, W2_ref, b2_ref, Wh_ref,
             bh_ref, nl_ref, gl_ref):
    i = pl.program_id(0)
    h0 = p_ref[0] + p_ref[1]
    h1 = jnp.dot(h0, W1_ref[...], preferred_element_type=jnp.float32) + b1_ref[...]
    h1 = jnp.maximum(h1, 0.0)
    h2 = jnp.dot(h1, W2_ref[...], preferred_element_type=jnp.float32) + b2_ref[...]
    nl = jnp.dot(h2, Wh_ref[...], preferred_element_type=jnp.float32) + bh_ref[...]
    nl_ref[...] = nl

    seg = b_ref[0, 0, :]
    gids = lax.broadcasted_iota(jnp.int32, (G, BLK), 0)
    onehot = (gids == seg[None, :]).astype(jnp.float32)
    part = jnp.dot(onehot, nl, preferred_element_type=jnp.float32)

    @pl.when(i == 0)
    def _():
        gl_ref[...] = jnp.zeros_like(gl_ref)

    gl_ref[...] += part


def _tc_mlp(parts, batch3, W1, b1r, W2, b2r, Wh, bhr):
    full = lambda shape: pl.BlockSpec(shape, lambda i: tuple(0 for _ in shape))
    return pl.pallas_call(
        _tc_body,
        grid=(NBLK,),
        in_specs=[
            pl.BlockSpec((NC, BLK, D), lambda i: (0, i, 0)),
            pl.BlockSpec((1, 1, BLK), lambda i: (i, 0, 0)),
            full((D, H)),
            full((1, H)),
            full((H, H)),
            full((1, H)),
            full((H, 1)),
            full((1, 1)),
        ],
        out_specs=[
            pl.BlockSpec((BLK, 1), lambda i: (i, 0)),
            pl.BlockSpec((G, 1), lambda i: (0, 0)),
        ],
        out_shape=[
            jax.ShapeDtypeStruct((N, 1), jnp.float32),
            jax.ShapeDtypeStruct((G, 1), jnp.float32),
        ],
    )(parts, batch3, W1, b1r, W2, b2r, Wh, bhr)


def kernel(x, edge_index, batch, W1, b1, W2, b2, Wh, bh):
    parts = _sc_scatter(x, edge_index.reshape(2 * E))
    batch3 = batch.reshape(NBLK, 1, BLK)
    nl, gl = _tc_mlp(
        parts, batch3, W1, b1.reshape(1, H), W2, b2.reshape(1, H), Wh,
        bh.reshape(1, 1),
    )
    return (gl, nl)

# --- scband reference (transcript-rebuilt; emitter-appended) ---
"""Pipeline reference for scband-gin-16758962389175 (READ-ONLY COPY).

The authoritative reference and input builder live on the scoring server;
editing this copy changes nothing except your own understanding.
"""

import jax, jax.numpy as jnp
import numpy as np

N = 10000
E = 320000
D = 128
H = 128
G = 64

def setup_inputs(seed: int = 0) -> dict:
    key = jax.random.key(seed)
    ks = jax.random.split(key, 10)
    x = jax.random.normal(ks[0], (N, D), dtype=jnp.float32)
    edge_index = jax.random.randint(ks[1], (2, E), 0, N, dtype=jnp.int32)
    batch = jnp.sort(jax.random.randint(ks[2], (N,), 0, G, dtype=jnp.int32))
    W1 = jax.random.normal(ks[3], (D, H), dtype=jnp.float32) * (1.0 / np.sqrt(D))
    b1 = jnp.zeros((H,), dtype=jnp.float32)
    W2 = jax.random.normal(ks[4], (H, H), dtype=jnp.float32) * (1.0 / np.sqrt(H))
    b2 = jnp.zeros((H,), dtype=jnp.float32)
    Wh = jax.random.normal(ks[5], (H, 1), dtype=jnp.float32) * (1.0 / np.sqrt(H))
    bh = jnp.zeros((1,), dtype=jnp.float32)
    return {"x": x, "edge_index": edge_index, "batch": batch,
            "W1": W1, "b1": b1, "W2": W2, "b2": b2, "Wh": Wh, "bh": bh}

def reference(x, edge_index, batch, W1, b1, W2, b2, Wh, bh):
    # GINConv: h = MLP((1 + eps) * x + sum_{j in N(i)} x_j), eps = 0
    src = edge_index[0]
    dst = edge_index[1]
    agg = jax.ops.segment_sum(jnp.take(x, src, axis=0), dst, num_segments=N)
    h = x + agg  # (1 + 0) * x + agg
    h = h @ W1 + b1
    h = jax.nn.relu(h)
    h = h @ W2 + b2
    node_logits = h @ Wh + bh
    # global_add_pool: sum node logits per graph id
    graph_logit = jax.ops.segment_sum(node_logits, batch, num_segments=G)
    return (graph_logit, node_logits)

if __name__ == "__main__":
    import jax
    _d = setup_inputs()
    print(jax.jit(kernel)(*tuple(_d.values())))

</pallas_src>

<mosaic_0001>
#map = affine_map<(d0, d1) -> (0, 0)>
#map1 = affine_map<(d0, d1) -> (0)>
#map2 = affine_map<(d0, d1) -> (0, 0, 0)>
module attributes {stable_mosaic.version = 14 : i64} {
  func.func @_sc_body(%arg0: i32, %arg1: i32, %arg2: memref<10000x128xf32, #tpu.memory_space<hbm>>, %arg3: memref<640000xi32, #tpu.memory_space<hbm>>, %arg4: memref<2x10240x128xf32, #tpu.memory_space<hbm>>, %arg5: memref<4x80xi32, #tpu.memory_space<vmem>>, %arg6: memref<4x80xi32, #tpu.memory_space<vmem>>, %arg7: memref<3x80x128xf32, #tpu.memory_space<vmem>>, %arg8: memref<128x128xf32, #tpu.memory_space<vmem>>, %arg9: memref<10240x128xf32, #tpu.memory_space<vmem_shared>>, %arg10: memref<!tpu.dma_semaphore, #tpu.memory_space<semaphore_mem>>, %arg11: memref<!tpu.dma_semaphore, #tpu.memory_space<semaphore_mem>>, %arg12: memref<!tpu.dma_semaphore, #tpu.memory_space<semaphore_mem>>, %arg13: memref<!tpu.dma_semaphore, #tpu.memory_space<semaphore_mem>>, %arg14: memref<!tpu.dma_semaphore, #tpu.memory_space<semaphore_mem>>, %arg15: memref<!tpu.dma_semaphore, #tpu.memory_space<semaphore_mem>>, %arg16: memref<!tpu.dma_semaphore, #tpu.memory_space<semaphore_mem>>, %arg17: memref<!tpu.dma_semaphore, #tpu.memory_space<semaphore_mem>>) attributes {dimension_semantics = [#tpu.dimension_semantics<core_parallel>, #tpu.dimension_semantics<subcore_parallel>], iteration_bounds = array<i64: 2, 16>, scalar_prefetch = 0 : i64, scratch_operands = 13 : i64, tpu.core_type = #tpu.core_type<sc_vector_subcore>, window_params = [{transform_indices = #map}, {transform_indices = #map1}, {transform_indices = #map2}]} {
    %mul3A = arith.constant 16 : i32
    %mul3A_0 = arith.muli %arg0, %mul3A : i32
    %add3A = arith.addi %mul3A_0, %arg1 : i32
    %mul3A_1 = arith.constant 10000 : i32
    %mul3A_2 = arith.muli %add3A, %mul3A_1 : i32
    %add3A_3 = arith.constant 0 : i32
    %add3A_4 = arith.addi %mul3A_2, %add3A_3 : i32
    %dma_start3A = arith.constant 0 : i32
    %dma_start3A_5 = arith.constant 0 : i32
    %dma_start3A_6 = tpu.memref_slice %arg5[%dma_start3A, %dma_start3A_5] : memref<4x80xi32, #tpu.memory_space<vmem>> -> memref<1x80xi32, #tpu.memory_space<vmem>>
    %dma_start3A_7 = tpu.memref_squeeze %dma_start3A_6 : memref<1x80xi32, #tpu.memory_space<vmem>> -> memref<80xi32, #tpu.memory_space<vmem>>
    %dma_start3A_8 = tpu.memref_slice %arg3[%add3A_4] : memref<640000xi32, #tpu.memory_space<hbm>> -> memref<80xi32, #tpu.memory_space<hbm>>
    %dma_start3A_9 = arith.constant 0 : i32
    %dma_start3A_10 = tpu.memref_slice %arg5[%dma_start3A, %dma_start3A_9] : memref<4x80xi32, #tpu.memory_space<vmem>> -> memref<1x80xi32, #tpu.memory_space<vmem>>
    %dma_start3A_11 = tpu.memref_squeeze %dma_start3A_10 : memref<1x80xi32, #tpu.memory_space<vmem>> -> memref<80xi32, #tpu.memory_space<vmem>>
    %dma_start3A_12 = tpu.memref_slice %arg3[%add3A_4] : memref<640000xi32, #tpu.memory_space<hbm>> -> memref<80xi32, #tpu.memory_space<hbm>>
    tpu.enqueue_dma source(%dma_start3A_12 : memref<80xi32, #tpu.memory_space<hbm>>) target(%dma_start3A_11 : memref<80xi32, #tpu.memory_space<vmem>>) target_semaphore(%arg13 : memref<!tpu.dma_semaphore, #tpu.memory_space<semaphore_mem>>)
    %add3A_13 = arith.constant 320000 : i32
    %add3A_14 = arith.addi %add3A_13, %mul3A_2 : i32
    %add3A_15 = arith.constant 0 : i32
    %add3A_16 = arith.addi %add3A_14, %add3A_15 : i32
    %dma_start3A_17 = arith.constant 0 : i32
    %dma_start3A_18 = arith.constant 0 : i32
    %dma_start3A_19 = tpu.memref_slice %arg6[%dma_start3A_17, %dma_start3A_18] : memref<4x80xi32, #tpu.memory_space<vmem>> -> memref<1x80xi32, #tpu.memory_space<vmem>>
    %dma_start3A_20 = tpu.memref_squeeze %dma_start3A_19 : memref<1x80xi32, #tpu.memory_space<vmem>> -> memref<80xi32, #tpu.memory_space<vmem>>
    %dma_start3A_21 = tpu.memref_slice %arg3[%add3A_16] : memref<640000xi32, #tpu.memory_space<hbm>> -> memref<80xi32, #tpu.memory_space<hbm>>
    %dma_start3A_22 = arith.constant 0 : i32
    %dma_start3A_23 = tpu.memref_slice %arg6[%dma_start3A_17, %dma_start3A_22] : memref<4x80xi32, #tpu.memory_space<vmem>> -> memref<1x80xi32, #tpu.memory_space<vmem>>
    %dma_start3A_24 = tpu.memref_squeeze %dma_start3A_23 : memref<1x80xi32, #tpu.memory_space<vmem>> -> memref<80xi32, #tpu.memory_space<vmem>>
    %dma_start3A_25 = tpu.memref_slice %arg3[%add3A_16] : memref<640000xi32, #tpu.memory_space<hbm>> -> memref<80xi32, #tpu.memory_space<hbm>>
    tpu.enqueue_dma source(%dma_start3A_25 : memref<80xi32, #tpu.memory_space<hbm>>) target(%dma_start3A_24 : memref<80xi32, #tpu.memory_space<vmem>>) target_semaphore(%arg13 : memref<!tpu.dma_semaphore, #tpu.memory_space<semaphore_mem>>)
    %add3A_26 = arith.constant 80 : i32
    %add3A_27 = arith.addi %mul3A_2, %add3A_26 : i32
    %dma_start3A_28 = arith.constant 1 : i32
    %dma_start3A_29 = arith.constant 0 : i32
    %dma_start3A_30 = tpu.memref_slice %arg5[%dma_start3A_28, %dma_start3A_29] : memref<4x80xi32, #tpu.memory_space<vmem>> -> memref<1x80xi32, #tpu.memory_space<vmem>>
    %dma_start3A_31 = tpu.memref_squeeze %dma_start3A_30 : memref<1x80xi32, #tpu.memory_space<vmem>> -> memref<80xi32, #tpu.memory_space<vmem>>
    %dma_start3A_32 = tpu.memref_slice %arg3[%add3A_27] : memref<640000xi32, #tpu.memory_space<hbm>> -> memref<80xi32, #tpu.memory_space<hbm>>
    %dma_start3A_33 = arith.constant 0 : i32
    %dma_start3A_34 = tpu.memref_slice %arg5[%dma_start3A_28, %dma_start3A_33] : memref<4x80xi32, #tpu.memory_space<vmem>> -> memref<1x80xi32, #tpu.memory_space<vmem>>
    %dma_start3A_35 = tpu.memref_squeeze %dma_start3A_34 : memref<1x80xi32, #tpu.memory_space<vmem>> -> memref<80xi32, #tpu.memory_space<vmem>>
    %dma_start3A_36 = tpu.memref_slice %arg3[%add3A_27] : memref<640000xi32, #tpu.memory_space<hbm>> -> memref<80xi32, #tpu.memory_space<hbm>>
    tpu.enqueue_dma source(%dma_start3A_36 : memref<80xi32, #tpu.memory_space<hbm>>) target(%dma_start3A_35 : memref<80xi32, #tpu.memory_space<vmem>>) target_semaphore(%arg14 : memref<!tpu.dma_semaphore, #tpu.memory_space<semaphore_mem>>)
    %add3A_37 = arith.constant 320000 : i32
    %add3A_38 = arith.addi %add3A_37, %mul3A_2 : i32
    %add3A_39 = arith.constant 80 : i32
    %add3A_40 = arith.addi %add3A_38, %add3A_39 : i32
    %dma_start3A_41 = arith.constant 1 : i32
    %dma_start3A_42 = arith.constant 0 : i32
    %dma_start3A_43 = tpu.memref_slice %arg6[%dma_start3A_41, %dma_start3A_42] : memref<4x80xi32, #tpu.memory_space<vmem>> -> memref<1x80xi32, #tpu.memory_space<vmem>>
    %dma_start3A_44 = tpu.memref_squeeze %dma_start3A_43 : memref<1x80xi32, #tpu.memory_space<vmem>> -> memref<80xi32, #tpu.memory_space<vmem>>
    %dma_start3A_45 = tpu.memref_slice %arg3[%add3A_40] : memref<640000xi32, #tpu.memory_space<hbm>> -> memref<80xi32, #tpu.memory_space<hbm>>
    %dma_start3A_46 = arith.constant 0 : i32
    %dma_start3A_47 = tpu.memref_slice %arg6[%dma_start3A_41, %dma_start3A_46] : memref<4x80xi32, #tpu.memory_space<vmem>> -> memref<1x80xi32, #tpu.memory_space<vmem>>
    %dma_start3A_48 = tpu.memref_squeeze %dma_start3A_47 : memref<1x80xi32, #tpu.memory_space<vmem>> -> memref<80xi32, #tpu.memory_space<vmem>>
    %dma_start3A_49 = tpu.memref_slice %arg3[%add3A_40] : memref<640000xi32, #tpu.memory_space<hbm>> -> memref<80xi32, #tpu.memory_space<hbm>>
    tpu.enqueue_dma source(%dma_start3A_49 : memref<80xi32, #tpu.memory_space<hbm>>) target(%dma_start3A_48 : memref<80xi32, #tpu.memory_space<vmem>>) target_semaphore(%arg14 : memref<!tpu.dma_semaphore, #tpu.memory_space<semaphore_mem>>)
    %add3A_50 = arith.constant 160 : i32
    %add3A_51 = arith.addi %mul3A_2, %add3A_50 : i32
    %dma_start3A_52 = arith.constant 2 : i32
    %dma_start3A_53 = arith.constant 0 : i32
    %dma_start3A_54 = tpu.memref_slice %arg5[%dma_start3A_52, %dma_start3A_53] : memref<4x80xi32, #tpu.memory_space<vmem>> -> memref<1x80xi32, #tpu.memory_space<vmem>>
    %dma_start3A_55 = tpu.memref_squeeze %dma_start3A_54 : memref<1x80xi32, #tpu.memory_space<vmem>> -> memref<80xi32, #tpu.memory_space<vmem>>
    %dma_start3A_56 = tpu.memref_slice %arg3[%add3A_51] : memref<640000xi32, #tpu.memory_space<hbm>> -> memref<80xi32, #tpu.memory_space<hbm>>
    %dma_start3A_57 = arith.constant 0 : i32
    %dma_start3A_58 = tpu.memref_slice %arg5[%dma_start3A_52, %dma_start3A_57] : memref<4x80xi32, #tpu.memory_space<vmem>> -> memref<1x80xi32, #tpu.memory_space<vmem>>
    %dma_start3A_59 = tpu.memref_squeeze %dma_start3A_58 : memref<1x80xi32, #tpu.memory_space<vmem>> -> memref<80xi32, #tpu.memory_space<vmem>>
    %dma_start3A_60 = tpu.memref_slice %arg3[%add3A_51] : memref<640000xi32, #tpu.memory_space<hbm>> -> memref<80xi32, #tpu.memory_space<hbm>>
    tpu.enqueue_dma source(%dma_start3A_60 : memref<80xi32, #tpu.memory_space<hbm>>) target(%dma_start3A_59 : memref<80xi32, #tpu.memory_space<vmem>>) target_semaphore(%arg15 : memref<!tpu.dma_semaphore, #tpu.memory_space<semaphore_mem>>)
    %add3A_61 = arith.constant 320000 : i32
    %add3A_62 = arith.addi %add3A_61, %mul3A_2 : i32
    %add3A_63 = arith.constant 160 : i32
    %add3A_64 = arith.addi %add3A_62, %add3A_63 : i32
    %dma_start3A_65 = arith.constant 2 : i32
    %dma_start3A_66 = arith.constant 0 : i32
    %dma_start3A_67 = tpu.memref_slice %arg6[%dma_start3A_65, %dma_start3A_66] : memref<4x80xi32, #tpu.memory_space<vmem>> -> memref<1x80xi32, #tpu.memory_space<vmem>>
    %dma_start3A_68 = tpu.memref_squeeze %dma_start3A_67 : memref<1x80xi32, #tpu.memory_space<vmem>> -> memref<80xi32, #tpu.memory_space<vmem>>
    %dma_start3A_69 = tpu.memref_slice %arg3[%add3A_64] : memref<640000xi32, #tpu.memory_space<hbm>> -> memref<80xi32, #tpu.memory_space<hbm>>
    %dma_start3A_70 = arith.constant 0 : i32
    %dma_start3A_71 = tpu.memref_slice %arg6[%dma_start3A_65, %dma_start3A_70] : memref<4x80xi32, #tpu.memory_space<vmem>> -> memref<1x80xi32, #tpu.memory_space<vmem>>
    %dma_start3A_72 = tpu.memref_squeeze %dma_start3A_71 : memref<1x80xi32, #tpu.memory_space<vmem>> -> memref<80xi32, #tpu.memory_space<vmem>>
    %dma_start3A_73 = tpu.memref_slice %arg3[%add3A_64] : memref<640000xi32, #tpu.memory_space<hbm>> -> memref<80xi32, #tpu.memory_space<hbm>>
    tpu.enqueue_dma source(%dma_start3A_73 : memref<80xi32, #tpu.memory_space<hbm>>) target(%dma_start3A_72 : memref<80xi32, #tpu.memory_space<vmem>>) target_semaphore(%arg15 : memref<!tpu.dma_semaphore, #tpu.memory_space<semaphore_mem>>)
    %add3A_74 = arith.constant 240 : i32
    %add3A_75 = arith.addi %mul3A_2, %add3A_74 : i32
    %dma_start3A_76 = arith.constant 3 : i32
    %dma_start3A_77 = arith.constant 0 : i32
    %dma_start3A_78 = tpu.memref_slice %arg5[%dma_start3A_76, %dma_start3A_77] : memref<4x80xi32, #tpu.memory_space<vmem>> -> memref<1x80xi32, #tpu.memory_space<vmem>>
    %dma_start3A_79 = tpu.memref_squeeze %dma_start3A_78 : memref<1x80xi32, #tpu.memory_space<vmem>> -> memref<80xi32, #tpu.memory_space<vmem>>
    %dma_start3A_80 = tpu.memref_slice %arg3[%add3A_75] : memref<640000xi32, #tpu.memory_space<hbm>> -> memref<80xi32, #tpu.memory_space<hbm>>
    %dma_start3A_81 = arith.constant 0 : i32
    %dma_start3A_82 = tpu.memref_slice %arg5[%dma_start3A_76, %dma_start3A_81] : memref<4x80xi32, #tpu.memory_space<vmem>> -> memref<1x80xi32, #tpu.memory_space<vmem>>
    %dma_start3A_83 = tpu.memref_squeeze %dma_start3A_82 : memref<1x80xi32, #tpu.memory_space<vmem>> -> memref<80xi32, #tpu.memory_space<vmem>>
    %dma_start3A_84 = tpu.memref_slice %arg3[%add3A_75] : memref<640000xi32, #tpu.memory_space<hbm>> -> memref<80xi32, #tpu.memory_space<hbm>>
    tpu.enqueue_dma source(%dma_start3A_84 : memref<80xi32, #tpu.memory_space<hbm>>) target(%dma_start3A_83 : memref<80xi32, #tpu.memory_space<vmem>>) target_semaphore(%arg16 : memref<!tpu.dma_semaphore, #tpu.memory_space<semaphore_mem>>)
    %add3A_85 = arith.constant 320000 : i32
    %add3A_86 = arith.addi %add3A_85, %mul3A_2 : i32
    %add3A_87 = arith.constant 240 : i32
    %add3A_88 = arith.addi %add3A_86, %add3A_87 : i32
    %dma_start3A_89 = arith.constant 3 : i32
    %dma_start3A_90 = arith.constant 0 : i32
    %dma_start3A_91 = tpu.memref_slice %arg6[%dma_start3A_89, %dma_start3A_90] : memref<4x80xi32, #tpu.memory_space<vmem>> -> memref<1x80xi32, #tpu.memory_space<vmem>>
    %dma_start3A_92 = tpu.memref_squeeze %dma_start3A_91 : memref<1x80xi32, #tpu.memory_space<vmem>> -> memref<80xi32, #tpu.memory_space<vmem>>
    %dma_start3A_93 = tpu.memref_slice %arg3[%add3A_88] : memref<640000xi32, #tpu.memory_space<hbm>> -> memref<80xi32, #tpu.memory_space<hbm>>
    %dma_start3A_94 = arith.constant 0 : i32
    %dma_start3A_95 = tpu.memref_slice %arg6[%dma_start3A_89, %dma_start3A_94] : memref<4x80xi32, #tpu.memory_space<vmem>> -> memref<1x80xi32, #tpu.memory_space<vmem>>
    %dma_start3A_96 = tpu.memref_squeeze %dma_start3A_95 : memref<1x80xi32, #tpu.memory_space<vmem>> -> memref<80xi32, #tpu.memory_space<vmem>>
    %dma_start3A_97 = tpu.memref_slice %arg3[%add3A_88] : memref<640000xi32, #tpu.memory_space<hbm>> -> memref<80xi32, #tpu.memory_space<hbm>>
    tpu.enqueue_dma source(%dma_start3A_97 : memref<80xi32, #tpu.memory_space<hbm>>) target(%dma_start3A_96 : memref<80xi32, #tpu.memory_space<vmem>>) target_semaphore(%arg16 : memref<!tpu.dma_semaphore, #tpu.memory_space<semaphore_mem>>)
    %scan3A = arith.constant 0 : i32
    %scan3A_98 = arith.constant 0 : i32
    %scan3A_99 = arith.constant 128 : i32
    %scan3A_100 = arith.addi %scan3A_98, %scan3A_99 : i32
    %scan3A_101 = arith.constant 1 : i32
    scf.for %scan3A_495 = %scan3A_98 to %scan3A_100 step %scan3A_101  : i32 {
      %broadcast_in_dim3A = arith.constant 0.000000e+00 : f32
      %broadcast_in_dim3A_496 = vector.broadcast %broadcast_in_dim3A : f32 to vector<16xf32>
      %swap3A = arith.index_cast %scan3A_495 : i32 to index
      %swap3A_497 = arith.constant 0 : index
      %swap3A_498 = tpu.vector_load %arg8[%swap3A, %swap3A_497] {strides = array<i32>} : memref<128x128xf32, #tpu.memory_space<vmem>>, vector<1x16xf32>,
      %swap3A_499 = vector.shape_cast %swap3A_498 : vector<1x16xf32> to vector<16xf32>
      %swap3A_500 = vector.shape_cast %broadcast_in_dim3A_496 : vector<16xf32> to vector<1x16xf32>
      tpu.vector_store %arg8[%swap3A, %swap3A_497], %swap3A_500 {strides = array<i32>} : memref<128x128xf32, #tpu.memory_space<vmem>>, vector<1x16xf32>,
      %broadcast_in_dim3A_501 = arith.constant 0.000000e+00 : f32
      %broadcast_in_dim3A_502 = vector.broadcast %broadcast_in_dim3A_501 : f32 to vector<16xf32>
      %swap3A_503 = arith.index_cast %scan3A_495 : i32 to index
      %swap3A_504 = arith.constant 16 : index
      %swap3A_505 = tpu.vector_load %arg8[%swap3A_503, %swap3A_504] {strides = array<i32>} : memref<128x128xf32, #tpu.memory_space<vmem>>, vector<1x16xf32>,
      %swap3A_506 = vector.shape_cast %swap3A_505 : vector<1x16xf32> to vector<16xf32>
      %swap3A_507 = vector.shape_cast %broadcast_in_dim3A_502 : vector<16xf32> to vector<1x16xf32>
      tpu.vector_store %arg8[%swap3A_503, %swap3A_504], %swap3A_507 {strides = array<i32>} : memref<128x128xf32, #tpu.memory_space<vmem>>, vector<1x16xf32>,
      %broadcast_in_dim3A_508 = arith.constant 0.000000e+00 : f32
      %broadcast_in_dim3A_509 = vector.broadcast %broadcast_in_dim3A_508 : f32 to vector<16xf32>
      %swap3A_510 = arith.index_cast %scan3A_495 : i32 to index
      %swap3A_511 = arith.constant 32 : index
      %swap3A_512 = tpu.vector_load %arg8[%swap3A_510, %swap3A_511] {strides = array<i32>} : memref<128x128xf32, #tpu.memory_space<vmem>>, vector<1x16xf32>,
      %swap3A_513 = vector.shape_cast %swap3A_512 : vector<1x16xf32> to vector<16xf32>
      %swap3A_514 = vector.shape_cast %broadcast_in_dim3A_509 : vector<16xf32> to vector<1x16xf32>
      tpu.vector_store %arg8[%swap3A_510, %swap3A_511], %swap3A_514 {strides = array<i32>} : memref<128x128xf32, #tpu.memory_space<vmem>>, vector<1x16xf32>,
      %broadcast_in_dim3A_515 = arith.constant 0.000000e+00 : f32
      %broadcast_in_dim3A_516 = vector.broadcast %broadcast_in_dim3A_515 : f32 to vector<16xf32>
      %swap3A_517 = arith.index_cast %scan3A_495 : i32 to index
      %swap3A_518 = arith.constant 48 : index
      %swap3A_519 = tpu.vector_load %arg8[%swap3A_517, %swap3A_518] {strides = array<i32>} : memref<128x128xf32, #tpu.memory_space<vmem>>, vector<1x16xf32>,
      %swap3A_520 = vector.shape_cast %swap3A_519 : vector<1x16xf32> to vector<16xf32>
      %swap3A_521 = vector.shape_cast %broadcast_in_dim3A_516 : vector<16xf32> to vector<1x16xf32>
      tpu.vector_store %arg8[%swap3A_517, %swap3A_518], %swap3A_521 {strides = array<i32>} : memref<128x128xf32, #tpu.memory_space<vmem>>, vector<1x16xf32>,
      %broadcast_in_dim3A_522 = arith.constant 0.000000e+00 : f32
      %broadcast_in_dim3A_523 = vector.broadcast %broadcast_in_dim3A_522 : f32 to vector<16xf32>
      %swap3A_524 = arith.index_cast %scan3A_495 : i32 to index
      %swap3A_525 = arith.constant 64 : index
      %swap3A_526 = tpu.vector_load %arg8[%swap3A_524, %swap3A_525] {strides = array<i32>} : memref<128x128xf32, #tpu.memory_space<vmem>>, vector<1x16xf32>,
      %swap3A_527 = vector.shape_cast %swap3A_526 : vector<1x16xf32> to vector<16xf32>
      %swap3A_528 = vector.shape_cast %broadcast_in_dim3A_523 : vector<16xf32> to vector<1x16xf32>
      tpu.vector_store %arg8[%swap3A_524, %swap3A_525], %swap3A_528 {strides = array<i32>} : memref<128x128xf32, #tpu.memory_space<vmem>>, vector<1x16xf32>,
      %broadcast_in_dim3A_529 = arith.constant 0.000000e+00 : f32
      %broadcast_in_dim3A_530 = vector.broadcast %broadcast_in_dim3A_529 : f32 to vector<16xf32>
      %swap3A_531 = arith.index_cast %scan3A_495 : i32 to index
      %swap3A_532 = arith.constant 80 : index
      %swap3A_533 = tpu.vector_load %arg8[%swap3A_531, %swap3A_532] {strides = array<i32>} : memref<128x128xf32, #tpu.memory_space<vmem>>, vector<1x16xf32>,
      %swap3A_534 = vector.shape_cast %swap3A_533 : vector<1x16xf32> to vector<16xf32>
      %swap3A_535 = vector.shape_cast %broadcast_in_dim3A_530 : vector<16xf32> to vector<1x16xf32>
      tpu.vector_store %arg8[%swap3A_531, %swap3A_532], %swap3A_535 {strides = array<i32>} : memref<128x128xf32, #tpu.memory_space<vmem>>, vector<1x16xf32>,
      %broadcast_in_dim3A_536 = arith.constant 0.000000e+00 : f32
      %broadcast_in_dim3A_537 = vector.broadcast %broadcast_in_dim3A_536 : f32 to vector<16xf32>
      %swap3A_538 = arith.index_cast %scan3A_495 : i32 to index
      %swap3A_539 = arith.constant 96 : index
      %swap3A_540 = tpu.vector_load %arg8[%swap3A_538, %swap3A_539] {strides = array<i32>} : memref<128x128xf32, #tpu.memory_space<vmem>>, vector<1x16xf32>,
      %swap3A_541 = vector.shape_cast %swap3A_540 : vector<1x16xf32> to vector<16xf32>
      %swap3A_542 = vector.shape_cast %broadcast_in_dim3A_537 : vector<16xf32> to vector<1x16xf32>
      tpu.vector_store %arg8[%swap3A_538, %swap3A_539], %swap3A_542 {strides = array<i32>} : memref<128x128xf32, #tpu.memory_space<vmem>>, vector<1x16xf32>,
      %broadcast_in_dim3A_543 = arith.constant 0.000000e+00 : f32
      %broadcast_in_dim3A_544 = vector.broadcast %broadcast_in_dim3A_543 : f32 to vector<16xf32>
      %swap3A_545 = arith.index_cast %scan3A_495 : i32 to index
      %swap3A_546 = arith.constant 112 : index
      %swap3A_547 = tpu.vector_load %arg8[%swap3A_545, %swap3A_546] {strides = array<i32>} : memref<128x128xf32, #tpu.memory_space<vmem>>, vector<1x16xf32>,
      %swap3A_548 = vector.shape_cast %swap3A_547 : vector<1x16xf32> to vector<16xf32>
      %swap3A_549 = vector.shape_cast %broadcast_in_dim3A_544 : vector<16xf32> to vector<1x16xf32>
      tpu.vector_store %arg8[%swap3A_545, %swap3A_546], %swap3A_549 {strides = array<i32>} : memref<128x128xf32, #tpu.memory_space<vmem>>, vector<1x16xf32>,
    }
    %scan3A_102 = arith.constant 128 : i32
    %add3A_103 = arith.constant 0 : i32
    %add3A_104 = arith.addi %mul3A_2, %add3A_103 : i32
    %dma_wait3A = arith.constant 0 : i32
    %dma_wait3A_105 = arith.constant 0 : i32
    %dma_wait3A_106 = tpu.memref_slice %arg5[%dma_wait3A, %dma_wait3A_105] : memref<4x80xi32, #tpu.memory_space<vmem>> -> memref<1x80xi32, #tpu.memory_space<vmem>>
    %dma_wait3A_107 = tpu.memref_squeeze %dma_wait3A_106 : memref<1x80xi32, #tpu.memory_space<vmem>> -> memref<80xi32, #tpu.memory_space<vmem>>
    %dma_wait3A_108 = tpu.memref_slice %arg3[%add3A_104] : memref<640000xi32, #tpu.memory_space<hbm>> -> memref<80xi32, #tpu.memory_space<hbm>>
    %dma_wait3A_109 = arith.constant 0 : i32
    %dma_wait3A_110 = tpu.memref_slice %arg5[%dma_wait3A, %dma_wait3A_109] : memref<4x80xi32, #tpu.memory_space<vmem>> -> memref<1x80xi32, #tpu.memory_space<vmem>>
    %dma_wait3A_111 = tpu.memref_squeeze %dma_wait3A_110 : memref<1x80xi32, #tpu.memory_space<vmem>> -> memref<80xi32, #tpu.memory_space<vmem>>
    %dma_wait3A_112 = tpu.memref_slice %arg3[%add3A_104] : memref<640000xi32, #tpu.memory_space<hbm>> -> memref<80xi32, #tpu.memory_space<hbm>>
    tpu.wait_dma2 semaphore(%arg13 : memref<!tpu.dma_semaphore, #tpu.memory_space<semaphore_mem>>) src(%dma_wait3A_112 : memref<80xi32, #tpu.memory_space<hbm>>) dst(%dma_wait3A_111 : memref<80xi32, #tpu.memory_space<vmem>>)
    %add3A_113 = arith.constant 320000 : i32
    %add3A_114 = arith.addi %add3A_113, %mul3A_2 : i32
    %add3A_115 = arith.constant 0 : i32
    %add3A_116 = arith.addi %add3A_114, %add3A_115 : i32
    %dma_wait3A_117 = arith.constant 0 : i32
    %dma_wait3A_118 = arith.constant 0 : i32
    %dma_wait3A_119 = tpu.memref_slice %arg6[%dma_wait3A_117, %dma_wait3A_118] : memref<4x80xi32, #tpu.memory_space<vmem>> -> memref<1x80xi32, #tpu.memory_space<vmem>>
    %dma_wait3A_120 = tpu.memref_squeeze %dma_wait3A_119 : memref<1x80xi32, #tpu.memory_space<vmem>> -> memref<80xi32, #tpu.memory_space<vmem>>
    %dma_wait3A_121 = tpu.memref_slice %arg3[%add3A_116] : memref<640000xi32, #tpu.memory_space<hbm>> -> memref<80xi32, #tpu.memory_space<hbm>>
    %dma_wait3A_122 = arith.constant 0 : i32
    %dma_wait3A_123 = tpu.memref_slice %arg6[%dma_wait3A_117, %dma_wait3A_122] : memref<4x80xi32, #tpu.memory_space<vmem>> -> memref<1x80xi32, #tpu.memory_space<vmem>>
    %dma_wait3A_124 = tpu.memref_squeeze %dma_wait3A_123 : memref<1x80xi32, #tpu.memory_space<vmem>> -> memref<80xi32, #tpu.memory_space<vmem>>
    %dma_wait3A_125 = tpu.memref_slice %arg3[%add3A_116] : memref<640000xi32, #tpu.memory_space<hbm>> -> memref<80xi32, #tpu.memory_space<hbm>>
    tpu.wait_dma2 semaphore(%arg13 : memref<!tpu.dma_semaphore, #tpu.memory_space<semaphore_mem>>) src(%dma_wait3A_125 : memref<80xi32, #tpu.memory_space<hbm>>) dst(%dma_wait3A_124 : memref<80xi32, #tpu.memory_space<vmem>>)
    %dma_start3A_126 = arith.constant 0 : i32
    %dma_start3A_127 = arith.constant 0 : i32
    %dma_start3A_128 = arith.constant 0 : i32
    %dma_start3A_129 = arith.constant 0 : i32
    %dma_start3A_130 = tpu.memref_slice %arg7[%dma_start3A_127, %dma_start3A_128, %dma_start3A_129] : memref<3x80x128xf32, #tpu.memory_space<vmem>> -> memref<1x80x128xf32, #tpu.memory_space<vmem>>
    %dma_start3A_131 = tpu.memref_squeeze %dma_start3A_130 : memref<1x80x128xf32, #tpu.memory_space<vmem>> -> memref<80x128xf32, #tpu.memory_space<vmem>>
    %dma_start3A_132 = arith.constant 0 : i32
    %dma_start3A_133 = tpu.memref_slice %arg5[%dma_start3A_126, %dma_start3A_132] : memref<4x80xi32, #tpu.memory_space<vmem>> -> memref<1x80xi32, #tpu.memory_space<vmem>>
    %dma_start3A_134 = tpu.memref_squeeze %dma_start3A_133 : memref<1x80xi32, #tpu.memory_space<vmem>> -> memref<80xi32, #tpu.memory_space<vmem>>
    %dma_start3A_135 = arith.constant 0 : i32
    %dma_start3A_136 = arith.constant 0 : i32
    %dma_start3A_137 = tpu.memref_slice %arg2[%dma_start3A_135, %dma_start3A_136] : memref<10000x128xf32, #tpu.memory_space<hbm>> -> memref<10000x128xf32, #tpu.memory_space<hbm>>
    tpu.enqueue_indirect_dma source(%dma_start3A_137 : memref<10000x128xf32, #tpu.memory_space<hbm>>) target(%dma_start3A_131 : memref<80x128xf32, #tpu.memory_space<vmem>>) offsets(%dma_start3A_134 : memref<80xi32, #tpu.memory_space<vmem>>) semaphore(%arg10 : memref<!tpu.dma_semaphore, #tpu.memory_space<semaphore_mem>>)
    %add3A_138 = arith.constant 80 : i32
    %add3A_139 = arith.addi %mul3A_2, %add3A_138 : i32
    %dma_wait3A_140 = arith.constant 1 : i32
    %dma_wait3A_141 = arith.constant 0 : i32
    %dma_wait3A_142 = tpu.memref_slice %arg5[%dma_wait3A_140, %dma_wait3A_141] : memref<4x80xi32, #tpu.memory_space<vmem>> -> memref<1x80xi32, #tpu.memory_space<vmem>>
    %dma_wait3A_143 = tpu.memref_squeeze %dma_wait3A_142 : memref<1x80xi32, #tpu.memory_space<vmem>> -> memref<80xi32, #tpu.memory_space<vmem>>
    %dma_wait3A_144 = tpu.memref_slice %arg3[%add3A_139] : memref<640000xi32, #tpu.memory_space<hbm>> -> memref<80xi32, #tpu.memory_space<hbm>>
    %dma_wait3A_145 = arith.constant 0 : i32
    %dma_wait3A_146 = tpu.memref_slice %arg5[%dma_wait3A_140, %dma_wait3A_145] : memref<4x80xi32, #tpu.memory_space<vmem>> -> memref<1x80xi32, #tpu.memory_space<vmem>>
    %dma_wait3A_147 = tpu.memref_squeeze %dma_wait3A_146 : memref<1x80xi32, #tpu.memory_space<vmem>> -> memref<80xi32, #tpu.memory_space<vmem>>
    %dma_wait3A_148 = tpu.memref_slice %arg3[%add3A_139] : memref<640000xi32, #tpu.memory_space<hbm>> -> memref<80xi32, #tpu.memory_space<hbm>>
    tpu.wait_dma2 semaphore(%arg14 : memref<!tpu.dma_semaphore, #tpu.memory_space<semaphore_mem>>) src(%dma_wait3A_148 : memref<80xi32, #tpu.memory_space<hbm>>) dst(%dma_wait3A_147 : memref<80xi32, #tpu.memory_space<vmem>>)
    %add3A_149 = arith.constant 320000 : i32
    %add3A_150 = arith.addi %add3A_149, %mul3A_2 : i32
    %add3A_151 = arith.constant 80 : i32
    %add3A_152 = arith.addi %add3A_150, %add3A_151 : i32
    %dma_wait3A_153 = arith.constant 1 : i32
    %dma_wait3A_154 = arith.constant 0 : i32
    %dma_wait3A_155 = tpu.memref_slice %arg6[%dma_wait3A_153, %dma_wait3A_154] : memref<4x80xi32, #tpu.memory_space<vmem>> -> memref<1x80xi32, #tpu.memory_space<vmem>>
    %dma_wait3A_156 = tpu.memref_squeeze %dma_wait3A_155 : memref<1x80xi32, #tpu.memory_space<vmem>> -> memref<80xi32, #tpu.memory_space<vmem>>
    %dma_wait3A_157 = tpu.memref_slice %arg3[%add3A_152] : memref<640000xi32, #tpu.memory_space<hbm>> -> memref<80xi32, #tpu.memory_space<hbm>>
    %dma_wait3A_158 = arith.constant 0 : i32
    %dma_wait3A_159 = tpu.memref_slice %arg6[%dma_wait3A_153, %dma_wait3A_158] : memref<4x80xi32, #tpu.memory_space<vmem>> -> memref<1x80xi32, #tpu.memory_space<vmem>>
    %dma_wait3A_160 = tpu.memref_squeeze %dma_wait3A_159 : memref<1x80xi32, #tpu.memory_space<vmem>> -> memref<80xi32, #tpu.memory_space<vmem>>
    %dma_wait3A_161 = tpu.memref_slice %arg3[%add3A_152] : memref<640000xi32, #tpu.memory_space<hbm>> -> memref<80xi32, #tpu.memory_space<hbm>>
    tpu.wait_dma2 semaphore(%arg14 : memref<!tpu.dma_semaphore, #tpu.memory_space<semaphore_mem>>) src(%dma_wait3A_161 : memref<80xi32, #tpu.memory_space<hbm>>) dst(%dma_wait3A_160 : memref<80xi32, #tpu.memory_space<vmem>>)
    %dma_start3A_162 = arith.constant 1 : i32
    %dma_start3A_163 = arith.constant 1 : i32
    %dma_start3A_164 = arith.constant 0 : i32
    %dma_start3A_165 = arith.constant 0 : i32
    %dma_start3A_166 = tpu.memref_slice %arg7[%dma_start3A_163, %dma_start3A_164, %dma_start3A_165] : memref<3x80x128xf32, #tpu.memory_space<vmem>> -> memref<1x80x128xf32, #tpu.memory_space<vmem>>
    %dma_start3A_167 = tpu.memref_squeeze %dma_start3A_166 : memref<1x80x128xf32, #tpu.memory_space<vmem>> -> memref<80x128xf32, #tpu.memory_space<vmem>>
    %dma_start3A_168 = arith.constant 0 : i32
    %dma_start3A_169 = tpu.memref_slice %arg5[%dma_start3A_162, %dma_start3A_168] : memref<4x80xi32, #tpu.memory_space<vmem>> -> memref<1x80xi32, #tpu.memory_space<vmem>>
    %dma_start3A_170 = tpu.memref_squeeze %dma_start3A_169 : memref<1x80xi32, #tpu.memory_space<vmem>> -> memref<80xi32, #tpu.memory_space<vmem>>
    %dma_start3A_171 = arith.constant 0 : i32
    %dma_start3A_172 = arith.constant 0 : i32
    %dma_start3A_173 = tpu.memref_slice %arg2[%dma_start3A_171, %dma_start3A_172] : memref<10000x128xf32, #tpu.memory_space<hbm>> -> memref<10000x128xf32, #tpu.memory_space<hbm>>
    tpu.enqueue_indirect_dma source(%dma_start3A_173 : memref<10000x128xf32, #tpu.memory_space<hbm>>) target(%dma_start3A_167 : memref<80x128xf32, #tpu.memory_space<vmem>>) offsets(%dma_start3A_170 : memref<80xi32, #tpu.memory_space<vmem>>) semaphore(%arg11 : memref<!tpu.dma_semaphore, #tpu.memory_space<semaphore_mem>>)
    %eq3A = arith.constant 0 : i32
    %eq3A_174 = arith.cmpi eq, %arg0, %eq3A : i32
    %lt3A = arith.constant 8 : i32
    %lt3A_175 = arith.cmpi slt, %arg1, %lt3A : i32
    %ge3A = arith.constant 8 : i32
    %ge3A_176 = arith.cmpi sge, %arg1, %ge3A : i32
    %lt3A_177 = arith.constant 15 : i32
    %lt3A_178 = arith.cmpi slt, %arg1, %lt3A_177 : i32
    %and3A = arith.andi %ge3A_176, %lt3A_178 : i1
    %select_n3A = arith.select %eq3A_174, %lt3A_175, %and3A : i1
    %convert_element_type3A = arith.extui %select_n3A : i1 to i32
    %cond3A = arith.constant 0 : i32
    %cond3A_179 = arith.cmpi ne, %convert_element_type3A, %cond3A : i32
    scf.if %cond3A_179 {
      %mul3A_495 = arith.constant 640 : i32
      %mul3A_496 = arith.muli %arg1, %mul3A_495 : i32
      %mul3A_497 = arith.constant 640 : i32
      %mul3A_498 = arith.muli %arg1, %mul3A_497 : i32
      "tpu.region"() ({
        %run_scoped3A_499 = tpu.sem_alloc : memref<!tpu.dma_semaphore, #tpu.memory_space<semaphore_mem>>
        %dma_start3A_500 = arith.constant 0 : i32
        %dma_start3A_501 = tpu.memref_slice %arg9[%mul3A_498, %dma_start3A_500] : memref<10240x128xf32, #tpu.memory_space<vmem_shared>> -> memref<640x128xf32, #tpu.memory_space<vmem_shared>>
        %dma_start3A_502 = arith.constant 0 : i32
        %dma_start3A_503 = tpu.memref_slice %arg2[%mul3A_496, %dma_start3A_502] : memref<10000x128xf32, #tpu.memory_space<hbm>> -> memref<640x128xf32, #tpu.memory_space<hbm>>
        tpu.enqueue_dma source(%dma_start3A_503 : memref<640x128xf32, #tpu.memory_space<hbm>>) target(%dma_start3A_501 : memref<640x128xf32, #tpu.memory_space<vmem_shared>>) target_semaphore(%run_scoped3A_499 : memref<!tpu.dma_semaphore, #tpu.memory_space<semaphore_mem>>)
        %dma_wait3A_504 = arith.constant 0 : i32
        %dma_wait3A_505 = tpu.memref_slice %arg9[%mul3A_498, %dma_wait3A_504] : memref<10240x128xf32, #tpu.memory_space<vmem_shared>> -> memref<640x128xf32, #tpu.memory_space<vmem_shared>>
        %dma_wait3A_506 = arith.constant 0 : i32
        %dma_wait3A_507 = tpu.memref_slice %arg2[%mul3A_496, %dma_wait3A_506] : memref<10000x128xf32, #tpu.memory_space<hbm>> -> memref<640x128xf32, #tpu.memory_space<hbm>>
        tpu.wait_dma2 semaphore(%run_scoped3A_499 : memref<!tpu.dma_semaphore, #tpu.memory_space<semaphore_mem>>) src(%dma_wait3A_507 : memref<640x128xf32, #tpu.memory_space<hbm>>) dst(%dma_wait3A_505 : memref<640x128xf32, #tpu.memory_space<vmem_shared>>)
        tpu.yield
      }) : () -> ()
    } else {
    }
    %eq3A_180 = arith.constant 1 : i32
    %eq3A_181 = arith.cmpi eq, %arg0, %eq3A_180 : i32
    %eq3A_182 = arith.constant 15 : i32
    %eq3A_183 = arith.cmpi eq, %arg1, %eq3A_182 : i32
    %and3A_184 = arith.andi %eq3A_181, %eq3A_183 : i1
    %convert_element_type3A_185 = arith.extui %and3A_184 : i1 to i32
    %cond3A_186 = arith.constant 0 : i32
    %cond3A_187 = arith.cmpi ne, %convert_element_type3A_185, %cond3A_186 : i32
    scf.if %cond3A_187 {
      "tpu.region"() ({
        %run_scoped3A_495 = tpu.sem_alloc : memref<!tpu.dma_semaphore, #tpu.memory_space<semaphore_mem>>
        %dma_start3A_496 = arith.constant 9600 : i32
        %dma_start3A_497 = arith.constant 0 : i32
        %dma_start3A_498 = tpu.memref_slice %arg9[%dma_start3A_496, %dma_start3A_497] : memref<10240x128xf32, #tpu.memory_space<vmem_shared>> -> memref<400x128xf32, #tpu.memory_space<vmem_shared>>
        %dma_start3A_499 = arith.constant 9600 : i32
        %dma_start3A_500 = arith.constant 0 : i32
        %dma_start3A_501 = tpu.memref_slice %arg2[%dma_start3A_499, %dma_start3A_500] : memref<10000x128xf32, #tpu.memory_space<hbm>> -> memref<400x128xf32, #tpu.memory_space<hbm>>
        tpu.enqueue_dma source(%dma_start3A_501 : memref<400x128xf32, #tpu.memory_space<hbm>>) target(%dma_start3A_498 : memref<400x128xf32, #tpu.memory_space<vmem_shared>>) target_semaphore(%run_scoped3A_495 : memref<!tpu.dma_semaphore, #tpu.memory_space<semaphore_mem>>)
        %dma_wait3A_502 = arith.constant 9600 : i32
        %dma_wait3A_503 = arith.constant 0 : i32
        %dma_wait3A_504 = tpu.memref_slice %arg9[%dma_wait3A_502, %dma_wait3A_503] : memref<10240x128xf32, #tpu.memory_space<vmem_shared>> -> memref<400x128xf32, #tpu.memory_space<vmem_shared>>
        %dma_wait3A_505 = arith.constant 9600 : i32
        %dma_wait3A_506 = arith.constant 0 : i32
        %dma_wait3A_507 = tpu.memref_slice %arg2[%dma_wait3A_505, %dma_wait3A_506] : memref<10000x128xf32, #tpu.memory_space<hbm>> -> memref<400x128xf32, #tpu.memory_space<hbm>>
        tpu.wait_dma2 semaphore(%run_scoped3A_495 : memref<!tpu.dma_semaphore, #tpu.memory_space<semaphore_mem>>) src(%dma_wait3A_507 : memref<400x128xf32, #tpu.memory_space<hbm>>) dst(%dma_wait3A_504 : memref<400x128xf32, #tpu.memory_space<vmem_shared>>)
        tpu.yield
      }) : () -> ()
      "tpu.region"() ({
        %run_scoped3A_495 = tpu.sem_alloc : memref<!tpu.dma_semaphore, #tpu.memory_space<semaphore_mem>>
        %dma_start3A_496 = arith.constant 10000 : i32
        %dma_start3A_497 = arith.constant 0 : i32
        %dma_start3A_498 = tpu.memref_slice %arg9[%dma_start3A_496, %dma_start3A_497] : memref<10240x128xf32, #tpu.memory_space<vmem_shared>> -> memref<128x128xf32, #tpu.memory_space<vmem_shared>>
        %dma_start3A_499 = arith.constant 10000 : i32
        %dma_start3A_500 = arith.constant 0 : i32
        %dma_start3A_501 = tpu.memref_slice %arg9[%dma_start3A_499, %dma_start3A_500] : memref<10240x128xf32, #tpu.memory_space<vmem_shared>> -> memref<128x128xf32, #tpu.memory_space<vmem_shared>>
        tpu.enqueue_dma source(%arg8 : memref<128x128xf32, #tpu.memory_space<vmem>>) target(%dma_start3A_501 : memref<128x128xf32, #tpu.memory_space<vmem_shared>>) target_semaphore(%run_scoped3A_495 : memref<!tpu.dma_semaphore, #tpu.memory_space<semaphore_mem>>)
        %dma_wait3A_502 = arith.constant 10000 : i32
        %dma_wait3A_503 = arith.constant 0 : i32
        %dma_wait3A_504 = tpu.memref_slice %arg9[%dma_wait3A_502, %dma_wait3A_503] : memref<10240x128xf32, #tpu.memory_space<vmem_shared>> -> memref<128x128xf32, #tpu.memory_space<vmem_shared>>
        %dma_wait3A_505 = arith.constant 10000 : i32
        %dma_wait3A_506 = arith.constant 0 : i32
        %dma_wait3A_507 = tpu.memref_slice %arg9[%dma_wait3A_505, %dma_wait3A_506] : memref<10240x128xf32, #tpu.memory_space<vmem_shared>> -> memref<128x128xf32, #tpu.memory_space<vmem_shared>>
        tpu.wait_dma2 semaphore(%run_scoped3A_495 : memref<!tpu.dma_semaphore, #tpu.memory_space<semaphore_mem>>) src(%arg8 : memref<128x128xf32, #tpu.memory_space<vmem>>) dst(%dma_wait3A_507 : memref<128x128xf32, #tpu.memory_space<vmem_shared>>)
        tpu.yield
      }) : () -> ()
      "tpu.region"() ({
        %run_scoped3A_495 = tpu.sem_alloc : memref<!tpu.dma_semaphore, #tpu.memory_space<semaphore_mem>>
        %dma_start3A_496 = arith.constant 0 : i32
        %dma_start3A_497 = arith.constant 0 : i32
        %dma_start3A_498 = tpu.memref_slice %arg8[%dma_start3A_496, %dma_start3A_497] : memref<128x128xf32, #tpu.memory_space<vmem>> -> memref<112x128xf32, #tpu.memory_space<vmem>>
        %dma_start3A_499 = arith.constant 10128 : i32
        %dma_start3A_500 = arith.constant 0 : i32
        %dma_start3A_501 = tpu.memref_slice %arg9[%dma_start3A_499, %dma_start3A_500] : memref<10240x128xf32, #tpu.memory_space<vmem_shared>> -> memref<112x128xf32, #tpu.memory_space<vmem_shared>>
        %dma_start3A_502 = arith.constant 10128 : i32
        %dma_start3A_503 = arith.constant 0 : i32
        %dma_start3A_504 = tpu.memref_slice %arg9[%dma_start3A_502, %dma_start3A_503] : memref<10240x128xf32, #tpu.memory_space<vmem_shared>> -> memref<112x128xf32, #tpu.memory_space<vmem_shared>>
        %dma_start3A_505 = arith.constant 0 : i32
        %dma_start3A_506 = arith.constant 0 : i32
        %dma_start3A_507 = tpu.memref_slice %arg8[%dma_start3A_505, %dma_start3A_506] : memref<128x128xf32, #tpu.memory_space<vmem>> -> memref<112x128xf32, #tpu.memory_space<vmem>>
        tpu.enqueue_dma source(%dma_start3A_507 : memref<112x128xf32, #tpu.memory_space<vmem>>) target(%dma_start3A_504 : memref<112x128xf32, #tpu.memory_space<vmem_shared>>) target_semaphore(%run_scoped3A_495 : memref<!tpu.dma_semaphore, #tpu.memory_space<semaphore_mem>>)
        %dma_wait3A_508 = arith.constant 0 : i32
        %dma_wait3A_509 = arith.constant 0 : i32
        %dma_wait3A_510 = tpu.memref_slice %arg8[%dma_wait3A_508, %dma_wait3A_509] : memref<128x128xf32, #tpu.memory_space<vmem>> -> memref<112x128xf32, #tpu.memory_space<vmem>>
        %dma_wait3A_511 = arith.constant 10128 : i32
        %dma_wait3A_512 = arith.constant 0 : i32
        %dma_wait3A_513 = tpu.memref_slice %arg9[%dma_wait3A_511, %dma_wait3A_512] : memref<10240x128xf32, #tpu.memory_space<vmem_shared>> -> memref<112x128xf32, #tpu.memory_space<vmem_shared>>
        %dma_wait3A_514 = arith.constant 10128 : i32
        %dma_wait3A_515 = arith.constant 0 : i32
        %dma_wait3A_516 = tpu.memref_slice %arg9[%dma_wait3A_514, %dma_wait3A_515] : memref<10240x128xf32, #tpu.memory_space<vmem_shared>> -> memref<112x128xf32, #tpu.memory_space<vmem_shared>>
        %dma_wait3A_517 = arith.constant 0 : i32
        %dma_wait3A_518 = arith.constant 0 : i32
        %dma_wait3A_519 = tpu.memref_slice %arg8[%dma_wait3A_517, %dma_wait3A_518] : memref<128x128xf32, #tpu.memory_space<vmem>> -> memref<112x128xf32, #tpu.memory_space<vmem>>
        tpu.wait_dma2 semaphore(%run_scoped3A_495 : memref<!tpu.dma_semaphore, #tpu.memory_space<semaphore_mem>>) src(%dma_wait3A_519 : memref<112x128xf32, #tpu.memory_space<vmem>>) dst(%dma_wait3A_516 : memref<112x128xf32, #tpu.memory_space<vmem_shared>>)
        tpu.yield
      }) : () -> ()
    } else {
    }
    %eq3A_188 = arith.constant 1 : i32
    %eq3A_189 = arith.cmpi eq, %arg0, %eq3A_188 : i32
    %eq3A_190 = arith.constant 15 : i32
    %eq3A_191 = arith.cmpi eq, %arg1, %eq3A_190 : i32
    %and3A_192 = arith.andi %eq3A_189, %eq3A_191 : i1
    %or3A = arith.ori %select_n3A, %and3A_192 : i1
    %not3A = arith.constant true
    %not3A_193 = arith.xori %or3A, %not3A : i1
    %convert_element_type3A_194 = arith.extui %not3A_193 : i1 to i32
    %cond3A_195 = arith.constant 0 : i32
    %cond3A_196 = arith.cmpi ne, %convert_element_type3A_194, %cond3A_195 : i32
    scf.if %cond3A_196 {
      %mul3A_495 = arith.constant 640 : i32
      %mul3A_496 = arith.muli %arg1, %mul3A_495 : i32
      %add3A_497 = arith.constant 0 : i32
      %add3A_498 = arith.addi %mul3A_496, %add3A_497 : i32
      "tpu.region"() ({
        %run_scoped3A_515 = tpu.sem_alloc : memref<!tpu.dma_semaphore, #tpu.memory_space<semaphore_mem>>
        %dma_start3A_516 = arith.constant 0 : i32
        %dma_start3A_517 = tpu.memref_slice %arg9[%add3A_498, %dma_start3A_516] : memref<10240x128xf32, #tpu.memory_space<vmem_shared>> -> memref<128x128xf32, #tpu.memory_space<vmem_shared>>
        %dma_start3A_518 = arith.constant 0 : i32
        %dma_start3A_519 = tpu.memref_slice %arg9[%add3A_498, %dma_start3A_518] : memref<10240x128xf32, #tpu.memory_space<vmem_shared>> -> memref<128x128xf32, #tpu.memory_space<vmem_shared>>
        tpu.enqueue_dma source(%arg8 : memref<128x128xf32, #tpu.memory_space<vmem>>) target(%dma_start3A_519 : memref<128x128xf32, #tpu.memory_space<vmem_shared>>) target_semaphore(%run_scoped3A_515 : memref<!tpu.dma_semaphore, #tpu.memory_space<semaphore_mem>>)
        %dma_wait3A_520 = arith.constant 0 : i32
        %dma_wait3A_521 = tpu.memref_slice %arg9[%add3A_498, %dma_wait3A_520] : memref<10240x128xf32, #tpu.memory_space<vmem_shared>> -> memref<128x128xf32, #tpu.memory_space<vmem_shared>>
        %dma_wait3A_522 = arith.constant 0 : i32
        %dma_wait3A_523 = tpu.memref_slice %arg9[%add3A_498, %dma_wait3A_522] : memref<10240x128xf32, #tpu.memory_space<vmem_shared>> -> memref<128x128xf32, #tpu.memory_space<vmem_shared>>
        tpu.wait_dma2 semaphore(%run_scoped3A_515 : memref<!tpu.dma_semaphore, #tpu.memory_space<semaphore_mem>>) src(%arg8 : memref<128x128xf32, #tpu.memory_space<vmem>>) dst(%dma_wait3A_523 : memref<128x128xf32, #tpu.memory_space<vmem_shared>>)
        tpu.yield
      }) : () -> ()
      %mul3A_499 = arith.constant 640 : i32
      %mul3A_500 = arith.muli %arg1, %mul3A_499 : i32
      %add3A_501 = arith.constant 128 : i32
      %add3A_502 = arith.addi %mul3A_500, %add3A_501 : i32
      "tpu.region"() ({
        %run_scoped3A_515 = tpu.sem_alloc : memref<!tpu.dma_semaphore, #tpu.memory_space<semaphore_mem>>
        %dma_start3A_516 = arith.constant 0 : i32
        %dma_start3A_517 = tpu.memref_slice %arg9[%add3A_502, %dma_start3A_516] : memref<10240x128xf32, #tpu.memory_space<vmem_shared>> -> memref<128x128xf32, #tpu.memory_space<vmem_shared>>
        %dma_start3A_518 = arith.constant 0 : i32
        %dma_start3A_519 = tpu.memref_slice %arg9[%add3A_502, %dma_start3A_518] : memref<10240x128xf32, #tpu.memory_space<vmem_shared>> -> memref<128x128xf32, #tpu.memory_space<vmem_shared>>
        tpu.enqueue_dma source(%arg8 : memref<128x128xf32, #tpu.memory_space<vmem>>) target(%dma_start3A_519 : memref<128x128xf32, #tpu.memory_space<vmem_shared>>) target_semaphore(%run_scoped3A_515 : memref<!tpu.dma_semaphore, #tpu.memory_space<semaphore_mem>>)
        %dma_wait3A_520 = arith.constant 0 : i32
        %dma_wait3A_521 = tpu.memref_slice %arg9[%add3A_502, %dma_wait3A_520] : memref<10240x128xf32, #tpu.memory_space<vmem_shared>> -> memref<128x128xf32, #tpu.memory_space<vmem_shared>>
        %dma_wait3A_522 = arith.constant 0 : i32
        %dma_wait3A_523 = tpu.memref_slice %arg9[%add3A_502, %dma_wait3A_522] : memref<10240x128xf32, #tpu.memory_space<vmem_shared>> -> memref<128x128xf32, #tpu.memory_space<vmem_shared>>
        tpu.wait_dma2 semaphore(%run_scoped3A_515 : memref<!tpu.dma_semaphore, #tpu.memory_space<semaphore_mem>>) src(%arg8 : memref<128x128xf32, #tpu.memory_space<vmem>>) dst(%dma_wait3A_523 : memref<128x128xf32, #tpu.memory_space<vmem_shared>>)
        tpu.yield
      }) : () -> ()
      %mul3A_503 = arith.constant 640 : i32
      %mul3A_504 = arith.muli %arg1, %mul3A_503 : i32
      %add3A_505 = arith.constant 256 : i32
      %add3A_506 = arith.addi %mul3A_504, %add3A_505 : i32
      "tpu.region"() ({
        %run_scoped3A_515 = tpu.sem_alloc : memref<!tpu.dma_semaphore, #tpu.memory_space<semaphore_mem>>
        %dma_start3A_516 = arith.constant 0 : i32
        %dma_start3A_517 = tpu.memref_slice %arg9[%add3A_506, %dma_start3A_516] : memref<10240x128xf32, #tpu.memory_space<vmem_shared>> -> memref<128x128xf32, #tpu.memory_space<vmem_shared>>
        %dma_start3A_518 = arith.constant 0 : i32
        %dma_start3A_519 = tpu.memref_slice %arg9[%add3A_506, %dma_start3A_518] : memref<10240x128xf32, #tpu.memory_space<vmem_shared>> -> memref<128x128xf32, #tpu.memory_space<vmem_shared>>
        tpu.enqueue_dma source(%arg8 : memref<128x128xf32, #tpu.memory_space<vmem>>) target(%dma_start3A_519 : memref<128x128xf32, #tpu.memory_space<vmem_shared>>) target_semaphore(%run_scoped3A_515 : memref<!tpu.dma_semaphore, #tpu.memory_space<semaphore_mem>>)
        %dma_wait3A_520 = arith.constant 0 : i32
        %dma_wait3A_521 = tpu.memref_slice %arg9[%add3A_506, %dma_wait3A_520] : memref<10240x128xf32, #tpu.memory_space<vmem_shared>> -> memref<128x128xf32, #tpu.memory_space<vmem_shared>>
        %dma_wait3A_522 = arith.constant 0 : i32
        %dma_wait3A_523 = tpu.memref_slice %arg9[%add3A_506, %dma_wait3A_522] : memref<10240x128xf32, #tpu.memory_space<vmem_shared>> -> memref<128x128xf32, #tpu.memory_space<vmem_shared>>
        tpu.wait_dma2 semaphore(%run_scoped3A_515 : memref<!tpu.dma_semaphore, #tpu.memory_space<semaphore_mem>>) src(%arg8 : memref<128x128xf32, #tpu.memory_space<vmem>>) dst(%dma_wait3A_523 : memref<128x128xf32, #tpu.memory_space<vmem_shared>>)
        tpu.yield
      }) : () -> ()
      %mul3A_507 = arith.constant 640 : i32
      %mul3A_508 = arith.muli %arg1, %mul3A_507 : i32
      %add3A_509 = arith.constant 384 : i32
      %add3A_510 = arith.addi %mul3A_508, %add3A_509 : i32
      "tpu.region"() ({
        %run_scoped3A_515 = tpu.sem_alloc : memref<!tpu.dma_semaphore, #tpu.memory_space<semaphore_mem>>
        %dma_start3A_516 = arith.constant 0 : i32
        %dma_start3A_517 = tpu.memref_slice %arg9[%add3A_510, %dma_start3A_516] : memref<10240x128xf32, #tpu.memory_space<vmem_shared>> -> memref<128x128xf32, #tpu.memory_space<vmem_shared>>
        %dma_start3A_518 = arith.constant 0 : i32
        %dma_start3A_519 = tpu.memref_slice %arg9[%add3A_510, %dma_start3A_518] : memref<10240x128xf32, #tpu.memory_space<vmem_shared>> -> memref<128x128xf32, #tpu.memory_space<vmem_shared>>
        tpu.enqueue_dma source(%arg8 : memref<128x128xf32, #tpu.memory_space<vmem>>) target(%dma_start3A_519 : memref<128x128xf32, #tpu.memory_space<vmem_shared>>) target_semaphore(%run_scoped3A_515 : memref<!tpu.dma_semaphore, #tpu.memory_space<semaphore_mem>>)
        %dma_wait3A_520 = arith.constant 0 : i32
        %dma_wait3A_521 = tpu.memref_slice %arg9[%add3A_510, %dma_wait3A_520] : memref<10240x128xf32, #tpu.memory_space<vmem_shared>> -> memref<128x128xf32, #tpu.memory_space<vmem_shared>>
        %dma_wait3A_522 = arith.constant 0 : i32
        %dma_wait3A_523 = tpu.memref_slice %arg9[%add3A_510, %dma_wait3A_522] : memref<10240x128xf32, #tpu.memory_space<vmem_shared>> -> memref<128x128xf32, #tpu.memory_space<vmem_shared>>
        tpu.wait_dma2 semaphore(%run_scoped3A_515 : memref<!tpu.dma_semaphore, #tpu.memory_space<semaphore_mem>>) src(%arg8 : memref<128x128xf32, #tpu.memory_space<vmem>>) dst(%dma_wait3A_523 : memref<128x128xf32, #tpu.memory_space<vmem_shared>>)
        tpu.yield
      }) : () -> ()
      %mul3A_511 = arith.constant 640 : i32
      %mul3A_512 = arith.muli %arg1, %mul3A_511 : i32
      %add3A_513 = arith.constant 512 : i32
      %add3A_514 = arith.addi %mul3A_512, %add3A_513 : i32
      "tpu.region"() ({
        %run_scoped3A_515 = tpu.sem_alloc : memref<!tpu.dma_semaphore, #tpu.memory_space<semaphore_mem>>
        %dma_start3A_516 = arith.constant 0 : i32
        %dma_start3A_517 = tpu.memref_slice %arg9[%add3A_514, %dma_start3A_516] : memref<10240x128xf32, #tpu.memory_space<vmem_shared>> -> memref<128x128xf32, #tpu.memory_space<vmem_shared>>
        %dma_start3A_518 = arith.constant 0 : i32
        %dma_start3A_519 = tpu.memref_slice %arg9[%add3A_514, %dma_start3A_518] : memref<10240x128xf32, #tpu.memory_space<vmem_shared>> -> memref<128x128xf32, #tpu.memory_space<vmem_shared>>
        tpu.enqueue_dma source(%arg8 : memref<128x128xf32, #tpu.memory_space<vmem>>) target(%dma_start3A_519 : memref<128x128xf32, #tpu.memory_space<vmem_shared>>) target_semaphore(%run_scoped3A_515 : memref<!tpu.dma_semaphore, #tpu.memory_space<semaphore_mem>>)
        %dma_wait3A_520 = arith.constant 0 : i32
        %dma_wait3A_521 = tpu.memref_slice %arg9[%add3A_514, %dma_wait3A_520] : memref<10240x128xf32, #tpu.memory_space<vmem_shared>> -> memref<128x128xf32, #tpu.memory_space<vmem_shared>>
        %dma_wait3A_522 = arith.constant 0 : i32
        %dma_wait3A_523 = tpu.memref_slice %arg9[%add3A_514, %dma_wait3A_522] : memref<10240x128xf32, #tpu.memory_space<vmem_shared>> -> memref<128x128xf32, #tpu.memory_space<vmem_shared>>
        tpu.wait_dma2 semaphore(%run_scoped3A_515 : memref<!tpu.dma_semaphore, #tpu.memory_space<semaphore_mem>>) src(%arg8 : memref<128x128xf32, #tpu.memory_space<vmem>>) dst(%dma_wait3A_523 : memref<128x128xf32, #tpu.memory_space<vmem_shared>>)
        tpu.yield
      }) : () -> ()
    } else {
    }
    %barrier3A = arith.constant 0 : index
    tpu.barrier barrier_id(%barrier3A)
    %scan3A_197 = arith.constant 0 : i32
    %scan3A_198 = arith.constant 0 : i32
    %scan3A_199 = arith.constant 10 : i32
    %scan3A_200 = arith.addi %scan3A_198, %scan3A_199 : i32
    %scan3A_201 = arith.constant 1 : i32
    scf.for %scan3A_495 = %scan3A_198 to %scan3A_200 step %scan3A_201  : i32 {
      %mul3A_496 = arith.constant 12 : i32
      %mul3A_497 = arith.muli %mul3A_496, %scan3A_495 : i32
      %add3A_498 = arith.constant 0 : i32
      %add3A_499 = arith.addi %mul3A_497, %add3A_498 : i32
      %add3A_500 = arith.constant 2 : i32
      %add3A_501 = arith.addi %add3A_499, %add3A_500 : i32
      %mul3A_502 = arith.constant 80 : i32
      %mul3A_503 = arith.muli %add3A_501, %mul3A_502 : i32
      %add3A_504 = arith.addi %mul3A_2, %mul3A_503 : i32
      %dma_wait3A_505 = arith.constant 2 : i32
      %dma_wait3A_506 = arith.constant 0 : i32
      %dma_wait3A_507 = tpu.memref_slice %arg5[%dma_wait3A_505, %dma_wait3A_506] : memref<4x80xi32, #tpu.memory_space<vmem>> -> memref<1x80xi32, #tpu.memory_space<vmem>>
      %dma_wait3A_508 = tpu.memref_squeeze %dma_wait3A_507 : memref<1x80xi32, #tpu.memory_space<vmem>> -> memref<80xi32, #tpu.memory_space<vmem>>
      %dma_wait3A_509 = tpu.memref_slice %arg3[%add3A_504] : memref<640000xi32, #tpu.memory_space<hbm>> -> memref<80xi32, #tpu.memory_space<hbm>>
      %dma_wait3A_510 = arith.constant 0 : i32
      %dma_wait3A_511 = tpu.memref_slice %arg5[%dma_wait3A_505, %dma_wait3A_510] : memref<4x80xi32, #tpu.memory_space<vmem>> -> memref<1x80xi32, #tpu.memory_space<vmem>>
      %dma_wait3A_512 = tpu.memref_squeeze %dma_wait3A_511 : memref<1x80xi32, #tpu.memory_space<vmem>> -> memref<80xi32, #tpu.memory_space<vmem>>
      %dma_wait3A_513 = tpu.memref_slice %arg3[%add3A_504] : memref<640000xi32, #tpu.memory_space<hbm>> -> memref<80xi32, #tpu.memory_space<hbm>>
      tpu.wait_dma2 semaphore(%arg15 : memref<!tpu.dma_semaphore, #tpu.memory_space<semaphore_mem>>) src(%dma_wait3A_513 : memref<80xi32, #tpu.memory_space<hbm>>) dst(%dma_wait3A_512 : memref<80xi32, #tpu.memory_space<vmem>>)
      %add3A_514 = arith.constant 320000 : i32
      %add3A_515 = arith.addi %add3A_514, %mul3A_2 : i32
      %mul3A_516 = arith.constant 80 : i32
      %mul3A_517 = arith.muli %add3A_501, %mul3A_516 : i32
      %add3A_518 = arith.addi %add3A_515, %mul3A_517 : i32
      %dma_wait3A_519 = arith.constant 2 : i32
      %dma_wait3A_520 = arith.constant 0 : i32
      %dma_wait3A_521 = tpu.memref_slice %arg6[%dma_wait3A_519, %dma_wait3A_520] : memref<4x80xi32, #tpu.memory_space<vmem>> -> memref<1x80xi32, #tpu.memory_space<vmem>>
      %dma_wait3A_522 = tpu.memref_squeeze %dma_wait3A_521 : memref<1x80xi32, #tpu.memory_space<vmem>> -> memref<80xi32, #tpu.memory_space<vmem>>
      %dma_wait3A_523 = tpu.memref_slice %arg3[%add3A_518] : memref<640000xi32, #tpu.memory_space<hbm>> -> memref<80xi32, #tpu.memory_space<hbm>>
      %dma_wait3A_524 = arith.constant 0 : i32
      %dma_wait3A_525 = tpu.memref_slice %arg6[%dma_wait3A_519, %dma_wait3A_524] : memref<4x80xi32, #tpu.memory_space<vmem>> -> memref<1x80xi32, #tpu.memory_space<vmem>>
      %dma_wait3A_526 = tpu.memref_squeeze %dma_wait3A_525 : memref<1x80xi32, #tpu.memory_space<vmem>> -> memref<80xi32, #tpu.memory_space<vmem>>
      %dma_wait3A_527 = tpu.memref_slice %arg3[%add3A_518] : memref<640000xi32, #tpu.memory_space<hbm>> -> memref<80xi32, #tpu.memory_space<hbm>>
      tpu.wait_dma2 semaphore(%arg15 : memref<!tpu.dma_semaphore, #tpu.memory_space<semaphore_mem>>) src(%dma_wait3A_527 : memref<80xi32, #tpu.memory_space<hbm>>) dst(%dma_wait3A_526 : memref<80xi32, #tpu.memory_space<vmem>>)
      %dma_start3A_528 = arith.constant 2 : i32
      %dma_start3A_529 = arith.constant 2 : i32
      %dma_start3A_530 = arith.constant 0 : i32
      %dma_start3A_531 = arith.constant 0 : i32
      %dma_start3A_532 = tpu.memref_slice %arg7[%dma_start3A_529, %dma_start3A_530, %dma_start3A_531] : memref<3x80x128xf32, #tpu.memory_space<vmem>> -> memref<1x80x128xf32, #tpu.memory_space<vmem>>
      %dma_start3A_533 = tpu.memref_squeeze %dma_start3A_532 : memref<1x80x128xf32, #tpu.memory_space<vmem>> -> memref<80x128xf32, #tpu.memory_space<vmem>>
      %dma_start3A_534 = arith.constant 0 : i32
      %dma_start3A_535 = tpu.memref_slice %arg5[%dma_start3A_528, %dma_start3A_534] : memref<4x80xi32, #tpu.memory_space<vmem>> -> memref<1x80xi32, #tpu.memory_space<vmem>>
      %dma_start3A_536 = tpu.memref_squeeze %dma_start3A_535 : memref<1x80xi32, #tpu.memory_space<vmem>> -> memref<80xi32, #tpu.memory_space<vmem>>
      %dma_start3A_537 = arith.constant 0 : i32
      %dma_start3A_538 = arith.constant 0 : i32
      %dma_start3A_539 = tpu.memref_slice %arg2[%dma_start3A_537, %dma_start3A_538] : memref<10000x128xf32, #tpu.memory_space<hbm>> -> memref<10000x128xf32, #tpu.memory_space<hbm>>
      tpu.enqueue_indirect_dma source(%dma_start3A_539 : memref<10000x128xf32, #tpu.memory_space<hbm>>) target(%dma_start3A_533 : memref<80x128xf32, #tpu.memory_space<vmem>>) offsets(%dma_start3A_536 : memref<80xi32, #tpu.memory_space<vmem>>) semaphore(%arg12 : memref<!tpu.dma_semaphore, #tpu.memory_space<semaphore_mem>>)
      %dma_wait3A_540 = arith.constant 0 : i32
      %dma_wait3A_541 = arith.constant 0 : i32
      %dma_wait3A_542 = arith.constant 0 : i32
      %dma_wait3A_543 = arith.constant 0 : i32
      %dma_wait3A_544 = tpu.memref_slice %arg7[%dma_wait3A_541, %dma_wait3A_542, %dma_wait3A_543] : memref<3x80x128xf32, #tpu.memory_space<vmem>> -> memref<1x80x128xf32, #tpu.memory_space<vmem>>
      %dma_wait3A_545 = tpu.memref_squeeze %dma_wait3A_544 : memref<1x80x128xf32, #tpu.memory_space<vmem>> -> memref<80x128xf32, #tpu.memory_space<vmem>>
      %dma_wait3A_546 = arith.constant 0 : i32
      %dma_wait3A_547 = tpu.memref_slice %arg5[%dma_wait3A_540, %dma_wait3A_546] : memref<4x80xi32, #tpu.memory_space<vmem>> -> memref<1x80xi32, #tpu.memory_space<vmem>>
      %dma_wait3A_548 = tpu.memref_squeeze %dma_wait3A_547 : memref<1x80xi32, #tpu.memory_space<vmem>> -> memref<80xi32, #tpu.memory_space<vmem>>
      %dma_wait3A_549 = arith.constant 0 : i32
      %dma_wait3A_550 = arith.constant 0 : i32
      %dma_wait3A_551 = tpu.memref_slice %arg2[%dma_wait3A_549, %dma_wait3A_550] : memref<10000x128xf32, #tpu.memory_space<hbm>> -> memref<10000x128xf32, #tpu.memory_space<hbm>>
      tpu.wait_indirect_dma semaphore(%arg10 : memref<!tpu.dma_semaphore, #tpu.memory_space<semaphore_mem>>) src(%dma_wait3A_551 : memref<10000x128xf32, #tpu.memory_space<hbm>>) dst(%dma_wait3A_545 : memref<80x128xf32, #tpu.memory_space<vmem>>)
      %run_scoped3A_552 = arith.constant 0 : i32
      %run_scoped3A_553 = arith.constant 0 : i32
      "tpu.region"() ({
        %run_scoped3A_1528 = tpu.sem_alloc : memref<!tpu.dma_semaphore, #tpu.memory_space<semaphore_mem>>
        %dma_start3A_1529 = arith.constant 0 : i32
        %dma_start3A_1530 = arith.constant 0 : i32
        %dma_start3A_1531 = tpu.memref_slice %arg7[%run_scoped3A_552, %dma_start3A_1529, %dma_start3A_1530] : memref<3x80x128xf32, #tpu.memory_space<vmem>> -> memref<1x80x128xf32, #tpu.memory_space<vmem>>
        %dma_start3A_1532 = tpu.memref_squeeze %dma_start3A_1531 : memref<1x80x128xf32, #tpu.memory_space<vmem>> -> memref<80x128xf32, #tpu.memory_space<vmem>>
        %dma_start3A_1533 = arith.constant 0 : i32
        %dma_start3A_1534 = tpu.memref_slice %arg6[%run_scoped3A_553, %dma_start3A_1533] : memref<4x80xi32, #tpu.memory_space<vmem>> -> memref<1x80xi32, #tpu.memory_space<vmem>>
        %dma_start3A_1535 = tpu.memref_squeeze %dma_start3A_1534 : memref<1x80xi32, #tpu.memory_space<vmem>> -> memref<80xi32, #tpu.memory_space<vmem>>
        %dma_start3A_1536 = arith.constant 0 : i32
        %dma_start3A_1537 = arith.constant 0 : i32
        %dma_start3A_1538 = tpu.memref_slice %arg9[%dma_start3A_1536, %dma_start3A_1537] : memref<10240x128xf32, #tpu.memory_space<vmem_shared>> -> memref<10240x128xf32, #tpu.memory_space<vmem_shared>>
        tpu.enqueue_indirect_dma source(%dma_start3A_1532 : memref<80x128xf32, #tpu.memory_space<vmem>>) target(%dma_start3A_1538 : memref<10240x128xf32, #tpu.memory_space<vmem_shared>>) offsets(%dma_start3A_1535 : memref<80xi32, #tpu.memory_space<vmem>>) semaphore(%run_scoped3A_1528 : memref<!tpu.dma_semaphore, #tpu.memory_space<semaphore_mem>>) {add = true}
        %dma_wait3A_1539 = arith.constant 0 : i32
        %dma_wait3A_1540 = arith.constant 0 : i32
        %dma_wait3A_1541 = tpu.memref_slice %arg7[%run_scoped3A_552, %dma_wait3A_1539, %dma_wait3A_1540] : memref<3x80x128xf32, #tpu.memory_space<vmem>> -> memref<1x80x128xf32, #tpu.memory_space<vmem>>
        %dma_wait3A_1542 = tpu.memref_squeeze %dma_wait3A_1541 : memref<1x80x128xf32, #tpu.memory_space<vmem>> -> memref<80x128xf32, #tpu.memory_space<vmem>>
        %dma_wait3A_1543 = arith.constant 0 : i32
        %dma_wait3A_1544 = tpu.memref_slice %arg6[%run_scoped3A_553, %dma_wait3A_1543] : memref<4x80xi32, #tpu.memory_space<vmem>> -> memref<1x80xi32, #tpu.memory_space<vmem>>
        %dma_wait3A_1545 = tpu.memref_squeeze %dma_wait3A_1544 : memref<1x80xi32, #tpu.memory_space<vmem>> -> memref<80xi32, #tpu.memory_space<vmem>>
        %dma_wait3A_1546 = arith.constant 0 : i32
        %dma_wait3A_1547 = arith.constant 0 : i32
        %dma_wait3A_1548 = tpu.memref_slice %arg9[%dma_wait3A_1546, %dma_wait3A_1547] : memref<10240x128xf32, #tpu.memory_space<vmem_shared>> -> memref<10240x128xf32, #tpu.memory_space<vmem_shared>>
        tpu.wait_indirect_dma semaphore(%run_scoped3A_1528 : memref<!tpu.dma_semaphore, #tpu.memory_space<semaphore_mem>>) src(%dma_wait3A_1542 : memref<80x128xf32, #tpu.memory_space<vmem>>) dst(%dma_wait3A_1548 : memref<10240x128xf32, #tpu.memory_space<vmem_shared>>)
        tpu.yield
      }) : () -> ()
      %add3A_554 = arith.constant 4 : i32
      %add3A_555 = arith.addi %add3A_499, %add3A_554 : i32
      %mul3A_556 = arith.constant 80 : i32
      %mul3A_557 = arith.muli %add3A_555, %mul3A_556 : i32
      %add3A_558 = arith.addi %mul3A_2, %mul3A_557 : i32
      %dma_start3A_559 = arith.constant 0 : i32
      %dma_start3A_560 = arith.constant 0 : i32
      %dma_start3A_561 = tpu.memref_slice %arg5[%dma_start3A_559, %dma_start3A_560] : memref<4x80xi32, #tpu.memory_space<vmem>> -> memref<1x80xi32, #tpu.memory_space<vmem>>
      %dma_start3A_562 = tpu.memref_squeeze %dma_start3A_561 : memref<1x80xi32, #tpu.memory_space<vmem>> -> memref<80xi32, #tpu.memory_space<vmem>>
      %dma_start3A_563 = tpu.memref_slice %arg3[%add3A_558] : memref<640000xi32, #tpu.memory_space<hbm>> -> memref<80xi32, #tpu.memory_space<hbm>>
      %dma_start3A_564 = arith.constant 0 : i32
      %dma_start3A_565 = tpu.memref_slice %arg5[%dma_start3A_559, %dma_start3A_564] : memref<4x80xi32, #tpu.memory_space<vmem>> -> memref<1x80xi32, #tpu.memory_space<vmem>>
      %dma_start3A_566 = tpu.memref_squeeze %dma_start3A_565 : memref<1x80xi32, #tpu.memory_space<vmem>> -> memref<80xi32, #tpu.memory_space<vmem>>
      %dma_start3A_567 = tpu.memref_slice %arg3[%add3A_558] : memref<640000xi32, #tpu.memory_space<hbm>> -> memref<80xi32, #tpu.memory_space<hbm>>
      tpu.enqueue_dma source(%dma_start3A_567 : memref<80xi32, #tpu.memory_space<hbm>>) target(%dma_start3A_566 : memref<80xi32, #tpu.memory_space<vmem>>) target_semaphore(%arg13 : memref<!tpu.dma_semaphore, #tpu.memory_space<semaphore_mem>>)
      %add3A_568 = arith.constant 320000 : i32
      %add3A_569 = arith.addi %add3A_568, %mul3A_2 : i32
      %mul3A_570 = arith.constant 80 : i32
      %mul3A_571 = arith.muli %add3A_555, %mul3A_570 : i32
      %add3A_572 = arith.addi %add3A_569, %mul3A_571 : i32
      %dma_start3A_573 = arith.constant 0 : i32
      %dma_start3A_574 = arith.constant 0 : i32
      %dma_start3A_575 = tpu.memref_slice %arg6[%dma_start3A_573, %dma_start3A_574] : memref<4x80xi32, #tpu.memory_space<vmem>> -> memref<1x80xi32, #tpu.memory_space<vmem>>
      %dma_start3A_576 = tpu.memref_squeeze %dma_start3A_575 : memref<1x80xi32, #tpu.memory_space<vmem>> -> memref<80xi32, #tpu.memory_space<vmem>>
      %dma_start3A_577 = tpu.memref_slice %arg3[%add3A_572] : memref<640000xi32, #tpu.memory_space<hbm>> -> memref<80xi32, #tpu.memory_space<hbm>>
      %dma_start3A_578 = arith.constant 0 : i32
      %dma_start3A_579 = tpu.memref_slice %arg6[%dma_start3A_573, %dma_start3A_578] : memref<4x80xi32, #tpu.memory_space<vmem>> -> memref<1x80xi32, #tpu.memory_space<vmem>>
      %dma_start3A_580 = tpu.memref_squeeze %dma_start3A_579 : memref<1x80xi32, #tpu.memory_space<vmem>> -> memref<80xi32, #tpu.memory_space<vmem>>
      %dma_start3A_581 = tpu.memref_slice %arg3[%add3A_572] : memref<640000xi32, #tpu.memory_space<hbm>> -> memref<80xi32, #tpu.memory_space<hbm>>
      tpu.enqueue_dma source(%dma_start3A_581 : memref<80xi32, #tpu.memory_space<hbm>>) target(%dma_start3A_580 : memref<80xi32, #tpu.memory_space<vmem>>) target_semaphore(%arg13 : memref<!tpu.dma_semaphore, #tpu.memory_space<semaphore_mem>>)
      %mul3A_582 = arith.constant 12 : i32
      %mul3A_583 = arith.muli %mul3A_582, %scan3A_495 : i32
      %add3A_584 = arith.constant 1 : i32
      %add3A_585 = arith.addi %mul3A_583, %add3A_584 : i32
      %add3A_586 = arith.constant 2 : i32
      %add3A_587 = arith.addi %add3A_585, %add3A_586 : i32
      %mul3A_588 = arith.constant 80 : i32
      %mul3A_589 = arith.muli %add3A_587, %mul3A_588 : i32
      %add3A_590 = arith.addi %mul3A_2, %mul3A_589 : i32
      %dma_wait3A_591 = arith.constant 3 : i32
      %dma_wait3A_592 = arith.constant 0 : i32
      %dma_wait3A_593 = tpu.memref_slice %arg5[%dma_wait3A_591, %dma_wait3A_592] : memref<4x80xi32, #tpu.memory_space<vmem>> -> memref<1x80xi32, #tpu.memory_space<vmem>>
      %dma_wait3A_594 = tpu.memref_squeeze %dma_wait3A_593 : memref<1x80xi32, #tpu.memory_space<vmem>> -> memref<80xi32, #tpu.memory_space<vmem>>
      %dma_wait3A_595 = tpu.memref_slice %arg3[%add3A_590] : memref<640000xi32, #tpu.memory_space<hbm>> -> memref<80xi32, #tpu.memory_space<hbm>>
      %dma_wait3A_596 = arith.constant 0 : i32
      %dma_wait3A_597 = tpu.memref_slice %arg5[%dma_wait3A_591, %dma_wait3A_596] : memref<4x80xi32, #tpu.memory_space<vmem>> -> memref<1x80xi32, #tpu.memory_space<vmem>>
      %dma_wait3A_598 = tpu.memref_squeeze %dma_wait3A_597 : memref<1x80xi32, #tpu.memory_space<vmem>> -> memref<80xi32, #tpu.memory_space<vmem>>
      %dma_wait3A_599 = tpu.memref_slice %arg3[%add3A_590] : memref<640000xi32, #tpu.memory_space<hbm>> -> memref<80xi32, #tpu.memory_space<hbm>>
      tpu.wait_dma2 semaphore(%arg16 : memref<!tpu.dma_semaphore, #tpu.memory_space<semaphore_mem>>) src(%dma_wait3A_599 : memref<80xi32, #tpu.memory_space<hbm>>) dst(%dma_wait3A_598 : memref<80xi32, #tpu.memory_space<vmem>>)
      %add3A_600 = arith.constant 320000 : i32
      %add3A_601 = arith.addi %add3A_600, %mul3A_2 : i32
      %mul3A_602 = arith.constant 80 : i32
      %mul3A_603 = arith.muli %add3A_587, %mul3A_602 : i32
      %add3A_604 = arith.addi %add3A_601, %mul3A_603 : i32
      %dma_wait3A_605 = arith.constant 3 : i32
      %dma_wait3A_606 = arith.constant 0 : i32
      %dma_wait3A_607 = tpu.memref_slice %arg6[%dma_wait3A_605, %dma_wait3A_606] : memref<4x80xi32, #tpu.memory_space<vmem>> -> memref<1x80xi32, #tpu.memory_space<vmem>>
      %dma_wait3A_608 = tpu.memref_squeeze %dma_wait3A_607 : memref<1x80xi32, #tpu.memory_space<vmem>> -> memref<80xi32, #tpu.memory_space<vmem>>
      %dma_wait3A_609 = tpu.memref_slice %arg3[%add3A_604] : memref<640000xi32, #tpu.memory_space<hbm>> -> memref<80xi32, #tpu.memory_space<hbm>>
      %dma_wait3A_610 = arith.constant 0 : i32
      %dma_wait3A_611 = tpu.memref_slice %arg6[%dma_wait3A_605, %dma_wait3A_610] : memref<4x80xi32, #tpu.memory_space<vmem>> -> memref<1x80xi32, #tpu.memory_space<vmem>>
      %dma_wait3A_612 = tpu.memref_squeeze %dma_wait3A_611 : memref<1x80xi32, #tpu.memory_space<vmem>> -> memref<80xi32, #tpu.memory_space<vmem>>
      %dma_wait3A_613 = tpu.memref_slice %arg3[%add3A_604] : memref<640000xi32, #tpu.memory_space<hbm>> -> memref<80xi32, #tpu.memory_space<hbm>>
      tpu.wait_dma2 semaphore(%arg16 : memref<!tpu.dma_semaphore, #tpu.memory_space<semaphore_mem>>) src(%dma_wait3A_613 : memref<80xi32, #tpu.memory_space<hbm>>) dst(%dma_wait3A_612 : memref<80xi32, #tpu.memory_space<vmem>>)
      %dma_start3A_614 = arith.constant 3 : i32
      %dma_start3A_615 = arith.constant 0 : i32
      %dma_start3A_616 = arith.constant 0 : i32
      %dma_start3A_617 = arith.constant 0 : i32
      %dma_start3A_618 = tpu.memref_slice %arg7[%dma_start3A_615, %dma_start3A_616, %dma_start3A_617] : memref<3x80x128xf32, #tpu.memory_space<vmem>> -> memref<1x80x128xf32, #tpu.memory_space<vmem>>
      %dma_start3A_619 = tpu.memref_squeeze %dma_start3A_618 : memref<1x80x128xf32, #tpu.memory_space<vmem>> -> memref<80x128xf32, #tpu.memory_space<vmem>>
      %dma_start3A_620 = arith.constant 0 : i32
      %dma_start3A_621 = tpu.memref_slice %arg5[%dma_start3A_614, %dma_start3A_620] : memref<4x80xi32, #tpu.memory_space<vmem>> -> memref<1x80xi32, #tpu.memory_space<vmem>>
      %dma_start3A_622 = tpu.memref_squeeze %dma_start3A_621 : memref<1x80xi32, #tpu.memory_space<vmem>> -> memref<80xi32, #tpu.memory_space<vmem>>
      %dma_start3A_623 = arith.constant 0 : i32
      %dma_start3A_624 = arith.constant 0 : i32
      %dma_start3A_625 = tpu.memref_slice %arg2[%dma_start3A_623, %dma_start3A_624] : memref<10000x128xf32, #tpu.memory_space<hbm>> -> memref<10000x128xf32, #tpu.memory_space<hbm>>
      tpu.enqueue_indirect_dma source(%dma_start3A_625 : memref<10000x128xf32, #tpu.memory_space<hbm>>) target(%dma_start3A_619 : memref<80x128xf32, #tpu.memory_space<vmem>>) offsets(%dma_start3A_622 : memref<80xi32, #tpu.memory_space<vmem>>) semaphore(%arg10 : memref<!tpu.dma_semaphore, #tpu.memory_space<semaphore_mem>>)
      %dma_wait3A_626 = arith.constant 1 : i32
      %dma_wait3A_627 = arith.constant 1 : i32
      %dma_wait3A_628 = arith.constant 0 : i32
      %dma_wait3A_629 = arith.constant 0 : i32
      %dma_wait3A_630 = tpu.memref_slice %arg7[%dma_wait3A_627, %dma_wait3A_628, %dma_wait3A_629] : memref<3x80x128xf32, #tpu.memory_space<vmem>> -> memref<1x80x128xf32, #tpu.memory_space<vmem>>
      %dma_wait3A_631 = tpu.memref_squeeze %dma_wait3A_630 : memref<1x80x128xf32, #tpu.memory_space<vmem>> -> memref<80x128xf32, #tpu.memory_space<vmem>>
      %dma_wait3A_632 = arith.constant 0 : i32
      %dma_wait3A_633 = tpu.memref_slice %arg5[%dma_wait3A_626, %dma_wait3A_632] : memref<4x80xi32, #tpu.memory_space<vmem>> -> memref<1x80xi32, #tpu.memory_space<vmem>>
      %dma_wait3A_634 = tpu.memref_squeeze %dma_wait3A_633 : memref<1x80xi32, #tpu.memory_space<vmem>> -> memref<80xi32, #tpu.memory_space<vmem>>
      %dma_wait3A_635 = arith.constant 0 : i32
      %dma_wait3A_636 = arith.constant 0 : i32
      %dma_wait3A_637 = tpu.memref_slice %arg2[%dma_wait3A_635, %dma_wait3A_636] : memref<10000x128xf32, #tpu.memory_space<hbm>> -> memref<10000x128xf32, #tpu.memory_space<hbm>>
      tpu.wait_indirect_dma semaphore(%arg11 : memref<!tpu.dma_semaphore, #tpu.memory_space<semaphore_mem>>) src(%dma_wait3A_637 : memref<10000x128xf32, #tpu.memory_space<hbm>>) dst(%dma_wait3A_631 : memref<80x128xf32, #tpu.memory_space<vmem>>)
      %run_scoped3A_638 = arith.constant 1 : i32
      %run_scoped3A_639 = arith.constant 1 : i32
      "tpu.region"() ({
        %run_scoped3A_1528 = tpu.sem_alloc : memref<!tpu.dma_semaphore, #tpu.memory_space<semaphore_mem>>
        %dma_start3A_1529 = arith.constant 0 : i32
        %dma_start3A_1530 = arith.constant 0 : i32
        %dma_start3A_1531 = tpu.memref_slice %arg7[%run_scoped3A_638, %dma_start3A_1529, %dma_start3A_1530] : memref<3x80x128xf32, #tpu.memory_space<vmem>> -> memref<1x80x128xf32, #tpu.memory_space<vmem>>
        %dma_start3A_1532 = tpu.memref_squeeze %dma_start3A_1531 : memref<1x80x128xf32, #tpu.memory_space<vmem>> -> memref<80x128xf32, #tpu.memory_space<vmem>>
        %dma_start3A_1533 = arith.constant 0 : i32
        %dma_start3A_1534 = tpu.memref_slice %arg6[%run_scoped3A_639, %dma_start3A_1533] : memref<4x80xi32, #tpu.memory_space<vmem>> -> memref<1x80xi32, #tpu.memory_space<vmem>>
        %dma_start3A_1535 = tpu.memref_squeeze %dma_start3A_1534 : memref<1x80xi32, #tpu.memory_space<vmem>> -> memref<80xi32, #tpu.memory_space<vmem>>
        %dma_start3A_1536 = arith.constant 0 : i32
        %dma_start3A_1537 = arith.constant 0 : i32
        %dma_start3A_1538 = tpu.memref_slice %arg9[%dma_start3A_1536, %dma_start3A_1537] : memref<10240x128xf32, #tpu.memory_space<vmem_shared>> -> memref<10240x128xf32, #tpu.memory_space<vmem_shared>>
        tpu.enqueue_indirect_dma source(%dma_start3A_1532 : memref<80x128xf32, #tpu.memory_space<vmem>>) target(%dma_start3A_1538 : memref<10240x128xf32, #tpu.memory_space<vmem_shared>>) offsets(%dma_start3A_1535 : memref<80xi32, #tpu.memory_space<vmem>>) semaphore(%run_scoped3A_1528 : memref<!tpu.dma_semaphore, #tpu.memory_space<semaphore_mem>>) {add = true}
        %dma_wait3A_1539 = arith.constant 0 : i32
        %dma_wait3A_1540 = arith.constant 0 : i32
        %dma_wait3A_1541 = tpu.memref_slice %arg7[%run_scoped3A_638, %dma_wait3A_1539, %dma_wait3A_1540] : memref<3x80x128xf32, #tpu.memory_space<vmem>> -> memref<1x80x128xf32, #tpu.memory_space<vmem>>
        %dma_wait3A_1542 = tpu.memref_squeeze %dma_wait3A_1541 : memref<1x80x128xf32, #tpu.memory_space<vmem>> -> memref<80x128xf32, #tpu.memory_space<vmem>>
        %dma_wait3A_1543 = arith.constant 0 : i32
        %dma_wait3A_1544 = tpu.memref_slice %arg6[%run_scoped3A_639, %dma_wait3A_1543] : memref<4x80xi32, #tpu.memory_space<vmem>> -> memref<1x80xi32, #tpu.memory_space<vmem>>
        %dma_wait3A_1545 = tpu.memref_squeeze %dma_wait3A_1544 : memref<1x80xi32, #tpu.memory_space<vmem>> -> memref<80xi32, #tpu.memory_space<vmem>>
        %dma_wait3A_1546 = arith.constant 0 : i32
        %dma_wait3A_1547 = arith.constant 0 : i32
        %dma_wait3A_1548 = tpu.memref_slice %arg9[%dma_wait3A_1546, %dma_wait3A_1547] : memref<10240x128xf32, #tpu.memory_space<vmem_shared>> -> memref<10240x128xf32, #tpu.memory_space<vmem_shared>>
        tpu.wait_indirect_dma semaphore(%run_scoped3A_1528 : memref<!tpu.dma_semaphore, #tpu.memory_space<semaphore_mem>>) src(%dma_wait3A_1542 : memref<80x128xf32, #tpu.memory_space<vmem>>) dst(%dma_wait3A_1548 : memref<10240x128xf32, #tpu.memory_space<vmem_shared>>)
        tpu.yield
      }) : () -> ()
      %add3A_640 = arith.constant 4 : i32
      %add3A_641 = arith.addi %add3A_585, %add3A_640 : i32
      %mul3A_642 = arith.constant 80 : i32
      %mul3A_643 = arith.muli %add3A_641, %mul3A_642 : i32
      %add3A_644 = arith.addi %mul3A_2, %mul3A_643 : i32
      %dma_start3A_645 = arith.constant 1 : i32
      %dma_start3A_646 = arith.constant 0 : i32
      %dma_start3A_647 = tpu.memref_slice %arg5[%dma_start3A_645, %dma_start3A_646] : memref<4x80xi32, #tpu.memory_space<vmem>> -> memref<1x80xi32, #tpu.memory_space<vmem>>
      %dma_start3A_648 = tpu.memref_squeeze %dma_start3A_647 : memref<1x80xi32, #tpu.memory_space<vmem>> -> memref<80xi32, #tpu.memory_space<vmem>>
      %dma_start3A_649 = tpu.memref_slice %arg3[%add3A_644] : memref<640000xi32, #tpu.memory_space<hbm>> -> memref<80xi32, #tpu.memory_space<hbm>>
      %dma_start3A_650 = arith.constant 0 : i32
      %dma_start3A_651 = tpu.memref_slice %arg5[%dma_start3A_645, %dma_start3A_650] : memref<4x80xi32, #tpu.memory_space<vmem>> -> memref<1x80xi32, #tpu.memory_space<vmem>>
      %dma_start3A_652 = tpu.memref_squeeze %dma_start3A_651 : memref<1x80xi32, #tpu.memory_space<vmem>> -> memref<80xi32, #tpu.memory_space<vmem>>
      %dma_start3A_653 = tpu.memref_slice %arg3[%add3A_644] : memref<640000xi32, #tpu.memory_space<hbm>> -> memref<80xi32, #tpu.memory_space<hbm>>
      tpu.enqueue_dma source(%dma_start3A_653 : memref<80xi32, #tpu.memory_space<hbm>>) target(%dma_start3A_652 : memref<80xi32, #tpu.memory_space<vmem>>) target_semaphore(%arg14 : memref<!tpu.dma_semaphore, #tpu.memory_space<semaphore_mem>>)
      %add3A_654 = arith.constant 320000 : i32
      %add3A_655 = arith.addi %add3A_654, %mul3A_2 : i32
      %mul3A_656 = arith.constant 80 : i32
      %mul3A_657 = arith.muli %add3A_641, %mul3A_656 : i32
      %add3A_658 = arith.addi %add3A_655, %mul3A_657 : i32
      %dma_start3A_659 = arith.constant 1 : i32
      %dma_start3A_660 = arith.constant 0 : i32
      %dma_start3A_661 = tpu.memref_slice %arg6[%dma_start3A_659, %dma_start3A_660] : memref<4x80xi32, #tpu.memory_space<vmem>> -> memref<1x80xi32, #tpu.memory_space<vmem>>
      %dma_start3A_662 = tpu.memref_squeeze %dma_start3A_661 : memref<1x80xi32, #tpu.memory_space<vmem>> -> memref<80xi32, #tpu.memory_space<vmem>>
      %dma_start3A_663 = tpu.memref_slice %arg3[%add3A_658] : memref<640000xi32, #tpu.memory_space<hbm>> -> memref<80xi32, #tpu.memory_space<hbm>>
      %dma_start3A_664 = arith.constant 0 : i32
      %dma_start3A_665 = tpu.memref_slice %arg6[%dma_start3A_659, %dma_start3A_664] : memref<4x80xi32, #tpu.memory_space<vmem>> -> memref<1x80xi32, #tpu.memory_space<vmem>>
      %dma_start3A_666 = tpu.memref_squeeze %dma_start3A_665 : memref<1x80xi32, #tpu.memory_space<vmem>> -> memref<80xi32, #tpu.memory_space<vmem>>
      %dma_start3A_667 = tpu.memref_slice %arg3[%add3A_658] : memref<640000xi32, #tpu.memory_space<hbm>> -> memref<80xi32, #tpu.memory_space<hbm>>
      tpu.enqueue_dma source(%dma_start3A_667 : memref<80xi32, #tpu.memory_space<hbm>>) target(%dma_start3A_666 : memref<80xi32, #tpu.memory_space<vmem>>) target_semaphore(%arg14 : memref<!tpu.dma_semaphore, #tpu.memory_space<semaphore_mem>>)
      %mul3A_668 = arith.constant 12 : i32
      %mul3A_669 = arith.muli %mul3A_668, %scan3A_495 : i32
      %add3A_670 = arith.constant 2 : i32
      %add3A_671 = arith.addi %mul3A_669, %add3A_670 : i32
      %add3A_672 = arith.constant 2 : i32
      %add3A_673 = arith.addi %add3A_671, %add3A_672 : i32
      %mul3A_674 = arith.constant 80 : i32
      %mul3A_675 = arith.muli %add3A_673, %mul3A_674 : i32
      %add3A_676 = arith.addi %mul3A_2, %mul3A_675 : i32
      %dma_wait3A_677 = arith.constant 0 : i32
      %dma_wait3A_678 = arith.constant 0 : i32
      %dma_wait3A_679 = tpu.memref_slice %arg5[%dma_wait3A_677, %dma_wait3A_678] : memref<4x80xi32, #tpu.memory_space<vmem>> -> memref<1x80xi32, #tpu.memory_space<vmem>>
      %dma_wait3A_680 = tpu.memref_squeeze %dma_wait3A_679 : memref<1x80xi32, #tpu.memory_space<vmem>> -> memref<80xi32, #tpu.memory_space<vmem>>
      %dma_wait3A_681 = tpu.memref_slice %arg3[%add3A_676] : memref<640000xi32, #tpu.memory_space<hbm>> -> memref<80xi32, #tpu.memory_space<hbm>>
      %dma_wait3A_682 = arith.constant 0 : i32
      %dma_wait3A_683 = tpu.memref_slice %arg5[%dma_wait3A_677, %dma_wait3A_682] : memref<4x80xi32, #tpu.memory_space<vmem>> -> memref<1x80xi32, #tpu.memory_space<vmem>>
      %dma_wait3A_684 = tpu.memref_squeeze %dma_wait3A_683 : memref<1x80xi32, #tpu.memory_space<vmem>> -> memref<80xi32, #tpu.memory_space<vmem>>
      %dma_wait3A_685 = tpu.memref_slice %arg3[%add3A_676] : memref<640000xi32, #tpu.memory_space<hbm>> -> memref<80xi32, #tpu.memory_space<hbm>>
      tpu.wait_dma2 semaphore(%arg13 : memref<!tpu.dma_semaphore, #tpu.memory_space<semaphore_mem>>) src(%dma_wait3A_685 : memref<80xi32, #tpu.memory_space<hbm>>) dst(%dma_wait3A_684 : memref<80xi32, #tpu.memory_space<vmem>>)
      %add3A_686 = arith.constant 320000 : i32
      %add3A_687 = arith.addi %add3A_686, %mul3A_2 : i32
      %mul3A_688 = arith.constant 80 : i32
      %mul3A_689 = arith.muli %add3A_673, %mul3A_688 : i32
      %add3A_690 = arith.addi %add3A_687, %mul3A_689 : i32
      %dma_wait3A_691 = arith.constant 0 : i32
      %dma_wait3A_692 = arith.constant 0 : i32
      %dma_wait3A_693 = tpu.memref_slice %arg6[%dma_wait3A_691, %dma_wait3A_692] : memref<4x80xi32, #tpu.memory_space<vmem>> -> memref<1x80xi32, #tpu.memory_space<vmem>>
      %dma_wait3A_694 = tpu.memref_squeeze %dma_wait3A_693 : memref<1x80xi32, #tpu.memory_space<vmem>> -> memref<80xi32, #tpu.memory_space<vmem>>
      %dma_wait3A_695 = tpu.memref_slice %arg3[%add3A_690] : memref<640000xi32, #tpu.memory_space<hbm>> -> memref<80xi32, #tpu.memory_space<hbm>>
      %dma_wait3A_696 = arith.constant 0 : i32
      %dma_wait3A_697 = tpu.memref_slice %arg6[%dma_wait3A_691, %dma_wait3A_696] : memref<4x80xi32, #tpu.memory_space<vmem>> -> memref<1x80xi32, #tpu.memory_space<vmem>>
      %dma_wait3A_698 = tpu.memref_squeeze %dma_wait3A_697 : memref<1x80xi32, #tpu.memory_space<vmem>> -> memref<80xi32, #tpu.memory_space<vmem>>
      %dma_wait3A_699 = tpu.memref_slice %arg3[%add3A_690] : memref<640000xi32, #tpu.memory_space<hbm>> -> memref<80xi32, #tpu.memory_space<hbm>>
      tpu.wait_dma2 semaphore(%arg13 : memref<!tpu.dma_semaphore, #tpu.memory_space<semaphore_mem>>) src(%dma_wait3A_699 : memref<80xi32, #tpu.memory_space<hbm>>) dst(%dma_wait3A_698 : memref<80xi32, #tpu.memory_space<vmem>>)
      %dma_start3A_700 = arith.constant 0 : i32
      %dma_start3A_701 = arith.constant 1 : i32
      %dma_start3A_702 = arith.constant 0 : i32
      %dma_start3A_703 = arith.constant 0 : i32
      %dma_start3A_704 = tpu.memref_slice %arg7[%dma_start3A_701, %dma_start3A_702, %dma_start3A_703] : memref<3x80x128xf32, #tpu.memory_space<vmem>> -> memref<1x80x128xf32, #tpu.memory_space<vmem>>
      %dma_start3A_705 = tpu.memref_squeeze %dma_start3A_704 : memref<1x80x128xf32, #tpu.memory_space<vmem>> -> memref<80x128xf32, #tpu.memory_space<vmem>>
      %dma_start3A_706 = arith.constant 0 : i32
      %dma_start3A_707 = tpu.memref_slice %arg5[%dma_start3A_700, %dma_start3A_706] : memref<4x80xi32, #tpu.memory_space<vmem>> -> memref<1x80xi32, #tpu.memory_space<vmem>>
      %dma_start3A_708 = tpu.memref_squeeze %dma_start3A_707 : memref<1x80xi32, #tpu.memory_space<vmem>> -> memref<80xi32, #tpu.memory_space<vmem>>
      %dma_start3A_709 = arith.constant 0 : i32
      %dma_start3A_710 = arith.constant 0 : i32
      %dma_start3A_711 = tpu.memref_slice %arg2[%dma_start3A_709, %dma_start3A_710] : memref<10000x128xf32, #tpu.memory_space<hbm>> -> memref<10000x128xf32, #tpu.memory_space<hbm>>
      tpu.enqueue_indirect_dma source(%dma_start3A_711 : memref<10000x128xf32, #tpu.memory_space<hbm>>) target(%dma_start3A_705 : memref<80x128xf32, #tpu.memory_space<vmem>>) offsets(%dma_start3A_708 : memref<80xi32, #tpu.memory_space<vmem>>) semaphore(%arg11 : memref<!tpu.dma_semaphore, #tpu.memory_space<semaphore_mem>>)
      %dma_wait3A_712 = arith.constant 2 : i32
      %dma_wait3A_713 = arith.constant 2 : i32
      %dma_wait3A_714 = arith.constant 0 : i32
      %dma_wait3A_715 = arith.constant 0 : i32
      %dma_wait3A_716 = tpu.memref_slice %arg7[%dma_wait3A_713, %dma_wait3A_714, %dma_wait3A_715] : memref<3x80x128xf32, #tpu.memory_space<vmem>> -> memref<1x80x128xf32, #tpu.memory_space<vmem>>
      %dma_wait3A_717 = tpu.memref_squeeze %dma_wait3A_716 : memref<1x80x128xf32, #tpu.memory_space<vmem>> -> memref<80x128xf32, #tpu.memory_space<vmem>>
      %dma_wait3A_718 = arith.constant 0 : i32
      %dma_wait3A_719 = tpu.memref_slice %arg5[%dma_wait3A_712, %dma_wait3A_718] : memref<4x80xi32, #tpu.memory_space<vmem>> -> memref<1x80xi32, #tpu.memory_space<vmem>>
      %dma_wait3A_720 = tpu.memref_squeeze %dma_wait3A_719 : memref<1x80xi32, #tpu.memory_space<vmem>> -> memref<80xi32, #tpu.memory_space<vmem>>
      %dma_wait3A_721 = arith.constant 0 : i32
      %dma_wait3A_722 = arith.constant 0 : i32
      %dma_wait3A_723 = tpu.memref_slice %arg2[%dma_wait3A_721, %dma_wait3A_722] : memref<10000x128xf32, #tpu.memory_space<hbm>> -> memref<10000x128xf32, #tpu.memory_space<hbm>>
      tpu.wait_indirect_dma semaphore(%arg12 : memref<!tpu.dma_semaphore, #tpu.memory_space<semaphore_mem>>) src(%dma_wait3A_723 : memref<10000x128xf32, #tpu.memory_space<hbm>>) dst(%dma_wait3A_717 : memref<80x128xf32, #tpu.memory_space<vmem>>)
      %run_scoped3A_724 = arith.constant 2 : i32
      %run_scoped3A_725 = arith.constant 2 : i32
      "tpu.region"() ({
        %run_scoped3A_1528 = tpu.sem_alloc : memref<!tpu.dma_semaphore, #tpu.memory_space<semaphore_mem>>
        %dma_start3A_1529 = arith.constant 0 : i32
        %dma_start3A_1530 = arith.constant 0 : i32
        %dma_start3A_1531 = tpu.memref_slice %arg7[%run_scoped3A_724, %dma_start3A_1529, %dma_start3A_1530] : memref<3x80x128xf32, #tpu.memory_space<vmem>> -> memref<1x80x128xf32, #tpu.memory_space<vmem>>
        %dma_start3A_1532 = tpu.memref_squeeze %dma_start3A_1531 : memref<1x80x128xf32, #tpu.memory_space<vmem>> -> memref<80x128xf32, #tpu.memory_space<vmem>>
        %dma_start3A_1533 = arith.constant 0 : i32
        %dma_start3A_1534 = tpu.memref_slice %arg6[%run_scoped3A_725, %dma_start3A_1533] : memref<4x80xi32, #tpu.memory_space<vmem>> -> memref<1x80xi32, #tpu.memory_space<vmem>>
        %dma_start3A_1535 = tpu.memref_squeeze %dma_start3A_1534 : memref<1x80xi32, #tpu.memory_space<vmem>> -> memref<80xi32, #tpu.memory_space<vmem>>
        %dma_start3A_1536 = arith.constant 0 : i32
        %dma_start3A_1537 = arith.constant 0 : i32
        %dma_start3A_1538 = tpu.memref_slice %arg9[%dma_start3A_1536, %dma_start3A_1537] : memref<10240x128xf32, #tpu.memory_space<vmem_shared>> -> memref<10240x128xf32, #tpu.memory_space<vmem_shared>>
        tpu.enqueue_indirect_dma source(%dma_start3A_1532 : memref<80x128xf32, #tpu.memory_space<vmem>>) target(%dma_start3A_1538 : memref<10240x128xf32, #tpu.memory_space<vmem_shared>>) offsets(%dma_start3A_1535 : memref<80xi32, #tpu.memory_space<vmem>>) semaphore(%run_scoped3A_1528 : memref<!tpu.dma_semaphore, #tpu.memory_space<semaphore_mem>>) {add = true}
        %dma_wait3A_1539 = arith.constant 0 : i32
        %dma_wait3A_1540 = arith.constant 0 : i32
        %dma_wait3A_1541 = tpu.memref_slice %arg7[%run_scoped3A_724, %dma_wait3A_1539, %dma_wait3A_1540] : memref<3x80x128xf32, #tpu.memory_space<vmem>> -> memref<1x80x128xf32, #tpu.memory_space<vmem>>
        %dma_wait3A_1542 = tpu.memref_squeeze %dma_wait3A_1541 : memref<1x80x128xf32, #tpu.memory_space<vmem>> -> memref<80x128xf32, #tpu.memory_space<vmem>>
        %dma_wait3A_1543 = arith.constant 0 : i32
        %dma_wait3A_1544 = tpu.memref_slice %arg6[%run_scoped3A_725, %dma_wait3A_1543] : memref<4x80xi32, #tpu.memory_space<vmem>> -> memref<1x80xi32, #tpu.memory_space<vmem>>
        %dma_wait3A_1545 = tpu.memref_squeeze %dma_wait3A_1544 : memref<1x80xi32, #tpu.memory_space<vmem>> -> memref<80xi32, #tpu.memory_space<vmem>>
        %dma_wait3A_1546 = arith.constant 0 : i32
        %dma_wait3A_1547 = arith.constant 0 : i32
        %dma_wait3A_1548 = tpu.memref_slice %arg9[%dma_wait3A_1546, %dma_wait3A_1547] : memref<10240x128xf32, #tpu.memory_space<vmem_shared>> -> memref<10240x128xf32, #tpu.memory_space<vmem_shared>>
        tpu.wait_indirect_dma semaphore(%run_scoped3A_1528 : memref<!tpu.dma_semaphore, #tpu.memory_space<semaphore_mem>>) src(%dma_wait3A_1542 : memref<80x128xf32, #tpu.memory_space<vmem>>) dst(%dma_wait3A_1548 : memref<10240x128xf32, #tpu.memory_space<vmem_shared>>)
        tpu.yield
      }) : () -> ()
      %add3A_726 = arith.constant 4 : i32
      %add3A_727 = arith.addi %add3A_671, %add3A_726 : i32
      %mul3A_728 = arith.constant 80 : i32
      %mul3A_729 = arith.muli %add3A_727, %mul3A_728 : i32
      %add3A_730 = arith.addi %mul3A_2, %mul3A_729 : i32
      %dma_start3A_731 = arith.constant 2 : i32
      %dma_start3A_732 = arith.constant 0 : i32
      %dma_start3A_733 = tpu.memref_slice %arg5[%dma_start3A_731, %dma_start3A_732] : memref<4x80xi32, #tpu.memory_space<vmem>> -> memref<1x80xi32, #tpu.memory_space<vmem>>
      %dma_start3A_734 = tpu.memref_squeeze %dma_start3A_733 : memref<1x80xi32, #tpu.memory_space<vmem>> -> memref<80xi32, #tpu.memory_space<vmem>>
      %dma_start3A_735 = tpu.memref_slice %arg3[%add3A_730] : memref<640000xi32, #tpu.memory_space<hbm>> -> memref<80xi32, #tpu.memory_space<hbm>>
      %dma_start3A_736 = arith.constant 0 : i32
      %dma_start3A_737 = tpu.memref_slice %arg5[%dma_start3A_731, %dma_start3A_736] : memref<4x80xi32, #tpu.memory_space<vmem>> -> memref<1x80xi32, #tpu.memory_space<vmem>>
      %dma_start3A_738 = tpu.memref_squeeze %dma_start3A_737 : memref<1x80xi32, #tpu.memory_space<vmem>> -> memref<80xi32, #tpu.memory_space<vmem>>
      %dma_start3A_739 = tpu.memref_slice %arg3[%add3A_730] : memref<640000xi32, #tpu.memory_space<hbm>> -> memref<80xi32, #tpu.memory_space<hbm>>
      tpu.enqueue_dma source(%dma_start3A_739 : memref<80xi32, #tpu.memory_space<hbm>>) target(%dma_start3A_738 : memref<80xi32, #tpu.memory_space<vmem>>) target_semaphore(%arg15 : memref<!tpu.dma_semaphore, #tpu.memory_space<semaphore_mem>>)
      %add3A_740 = arith.constant 320000 : i32
      %add3A_741 = arith.addi %add3A_740, %mul3A_2 : i32
      %mul3A_742 = arith.constant 80 : i32
      %mul3A_743 = arith.muli %add3A_727, %mul3A_742 : i32
      %add3A_744 = arith.addi %add3A_741, %mul3A_743 : i32
      %dma_start3A_745 = arith.constant 2 : i32
      %dma_start3A_746 = arith.constant 0 : i32
      %dma_start3A_747 = tpu.memref_slice %arg6[%dma_start3A_745, %dma_start3A_746] : memref<4x80xi32, #tpu.memory_space<vmem>> -> memref<1x80xi32, #tpu.memory_space<vmem>>
      %dma_start3A_748 = tpu.memref_squeeze %dma_start3A_747 : memref<1x80xi32, #tpu.memory_space<vmem>> -> memref<80xi32, #tpu.memory_space<vmem>>
      %dma_start3A_749 = tpu.memref_slice %arg3[%add3A_744] : memref<640000xi32, #tpu.memory_space<hbm>> -> memref<80xi32, #tpu.memory_space<hbm>>
      %dma_start3A_750 = arith.constant 0 : i32
      %dma_start3A_751 = tpu.memref_slice %arg6[%dma_start3A_745, %dma_start3A_750] : memref<4x80xi32, #tpu.memory_space<vmem>> -> memref<1x80xi32, #tpu.memory_space<vmem>>
      %dma_start3A_752 = tpu.memref_squeeze %dma_start3A_751 : memref<1x80xi32, #tpu.memory_space<vmem>> -> memref<80xi32, #tpu.memory_space<vmem>>
      %dma_start3A_753 = tpu.memref_slice %arg3[%add3A_744] : memref<640000xi32, #tpu.memory_space<hbm>> -> memref<80xi32, #tpu.memory_space<hbm>>
      tpu.enqueue_dma source(%dma_start3A_753 : memref<80xi32, #tpu.memory_space<hbm>>) target(%dma_start3A_752 : memref<80xi32, #tpu.memory_space<vmem>>) target_semaphore(%arg15 : memref<!tpu.dma_semaphore, #tpu.memory_space<semaphore_mem>>)
      %mul3A_754 = arith.constant 12 : i32
      %mul3A_755 = arith.muli %mul3A_754, %scan3A_495 : i32
      %add3A_756 = arith.constant 3 : i32
      %add3A_757 = arith.addi %mul3A_755, %add3A_756 : i32
      %add3A_758 = arith.constant 2 : i32
      %add3A_759 = arith.addi %add3A_757, %add3A_758 : i32
      %mul3A_760 = arith.constant 80 : i32
      %mul3A_761 = arith.muli %add3A_759, %mul3A_760 : i32
      %add3A_762 = arith.addi %mul3A_2, %mul3A_761 : i32
      %dma_wait3A_763 = arith.constant 1 : i32
      %dma_wait3A_764 = arith.constant 0 : i32
      %dma_wait3A_765 = tpu.memref_slice %arg5[%dma_wait3A_763, %dma_wait3A_764] : memref<4x80xi32, #tpu.memory_space<vmem>> -> memref<1x80xi32, #tpu.memory_space<vmem>>
      %dma_wait3A_766 = tpu.memref_squeeze %dma_wait3A_765 : memref<1x80xi32, #tpu.memory_space<vmem>> -> memref<80xi32, #tpu.memory_space<vmem>>
      %dma_wait3A_767 = tpu.memref_slice %arg3[%add3A_762] : memref<640000xi32, #tpu.memory_space<hbm>> -> memref<80xi32, #tpu.memory_space<hbm>>
      %dma_wait3A_768 = arith.constant 0 : i32
      %dma_wait3A_769 = tpu.memref_slice %arg5[%dma_wait3A_763, %dma_wait3A_768] : memref<4x80xi32, #tpu.memory_space<vmem>> -> memref<1x80xi32, #tpu.memory_space<vmem>>
      %dma_wait3A_770 = tpu.memref_squeeze %dma_wait3A_769 : memref<1x80xi32, #tpu.memory_space<vmem>> -> memref<80xi32, #tpu.memory_space<vmem>>
      %dma_wait3A_771 = tpu.memref_slice %arg3[%add3A_762] : memref<640000xi32, #tpu.memory_space<hbm>> -> memref<80xi32, #tpu.memory_space<hbm>>
      tpu.wait_dma2 semaphore(%arg14 : memref<!tpu.dma_semaphore, #tpu.memory_space<semaphore_mem>>) src(%dma_wait3A_771 : memref<80xi32, #tpu.memory_space<hbm>>) dst(%dma_wait3A_770 : memref<80xi32, #tpu.memory_space<vmem>>)
      %add3A_772 = arith.constant 320000 : i32
      %add3A_773 = arith.addi %add3A_772, %mul3A_2 : i32
      %mul3A_774 = arith.constant 80 : i32
      %mul3A_775 = arith.muli %add3A_759, %mul3A_774 : i32
      %add3A_776 = arith.addi %add3A_773, %mul3A_775 : i32
      %dma_wait3A_777 = arith.constant 1 : i32
      %dma_wait3A_778 = arith.constant 0 : i32
      %dma_wait3A_779 = tpu.memref_slice %arg6[%dma_wait3A_777, %dma_wait3A_778] : memref<4x80xi32, #tpu.memory_space<vmem>> -> memref<1x80xi32, #tpu.memory_space<vmem>>
      %dma_wait3A_780 = tpu.memref_squeeze %dma_wait3A_779 : memref<1x80xi32, #tpu.memory_space<vmem>> -> memref<80xi32, #tpu.memory_space<vmem>>
      %dma_wait3A_781 = tpu.memref_slice %arg3[%add3A_776] : memref<640000xi32, #tpu.memory_space<hbm>> -> memref<80xi32, #tpu.memory_space<hbm>>
      %dma_wait3A_782 = arith.constant 0 : i32
      %dma_wait3A_783 = tpu.memref_slice %arg6[%dma_wait3A_777, %dma_wait3A_782] : memref<4x80xi32, #tpu.memory_space<vmem>> -> memref<1x80xi32, #tpu.memory_space<vmem>>
      %dma_wait3A_784 = tpu.memref_squeeze %dma_wait3A_783 : memref<1x80xi32, #tpu.memory_space<vmem>> -> memref<80xi32, #tpu.memory_space<vmem>>
      %dma_wait3A_785 = tpu.memref_slice %arg3[%add3A_776] : memref<640000xi32, #tpu.memory_space<hbm>> -> memref<80xi32, #tpu.memory_space<hbm>>
      tpu.wait_dma2 semaphore(%arg14 : memref<!tpu.dma_semaphore, #tpu.memory_space<semaphore_mem>>) src(%dma_wait3A_785 : memref<80xi32, #tpu.memory_space<hbm>>) dst(%dma_wait3A_784 : memref<80xi32, #tpu.memory_space<vmem>>)
      %dma_start3A_786 = arith.constant 1 : i32
      %dma_start3A_787 = arith.constant 2 : i32
      %dma_start3A_788 = arith.constant 0 : i32
      %dma_start3A_789 = arith.constant 0 : i32
      %dma_start3A_790 = tpu.memref_slice %arg7[%dma_start3A_787, %dma_start3A_788, %dma_start3A_789] : memref<3x80x128xf32, #tpu.memory_space<vmem>> -> memref<1x80x128xf32, #tpu.memory_space<vmem>>
      %dma_start3A_791 = tpu.memref_squeeze %dma_start3A_790 : memref<1x80x128xf32, #tpu.memory_space<vmem>> -> memref<80x128xf32, #tpu.memory_space<vmem>>
      %dma_start3A_792 = arith.constant 0 : i32
      %dma_start3A_793 = tpu.memref_slice %arg5[%dma_start3A_786, %dma_start3A_792] : memref<4x80xi32, #tpu.memory_space<vmem>> -> memref<1x80xi32, #tpu.memory_space<vmem>>
      %dma_start3A_794 = tpu.memref_squeeze %dma_start3A_793 : memref<1x80xi32, #tpu.memory_space<vmem>> -> memref<80xi32, #tpu.memory_space<vmem>>
      %dma_start3A_795 = arith.constant 0 : i32
      %dma_start3A_796 = arith.constant 0 : i32
      %dma_start3A_797 = tpu.memref_slice %arg2[%dma_start3A_795, %dma_start3A_796] : memref<10000x128xf32, #tpu.memory_space<hbm>> -> memref<10000x128xf32, #tpu.memory_space<hbm>>
      tpu.enqueue_indirect_dma source(%dma_start3A_797 : memref<10000x128xf32, #tpu.memory_space<hbm>>) target(%dma_start3A_791 : memref<80x128xf32, #tpu.memory_space<vmem>>) offsets(%dma_start3A_794 : memref<80xi32, #tpu.memory_space<vmem>>) semaphore(%arg12 : memref<!tpu.dma_semaphore, #tpu.memory_space<semaphore_mem>>)
      %dma_wait3A_798 = arith.constant 3 : i32
      %dma_wait3A_799 = arith.constant 0 : i32
      %dma_wait3A_800 = arith.constant 0 : i32
      %dma_wait3A_801 = arith.constant 0 : i32
      %dma_wait3A_802 = tpu.memref_slice %arg7[%dma_wait3A_799, %dma_wait3A_800, %dma_wait3A_801] : memref<3x80x128xf32, #tpu.memory_space<vmem>> -> memref<1x80x128xf32, #tpu.memory_space<vmem>>
      %dma_wait3A_803 = tpu.memref_squeeze %dma_wait3A_802 : memref<1x80x128xf32, #tpu.memory_space<vmem>> -> memref<80x128xf32, #tpu.memory_space<vmem>>
      %dma_wait3A_804 = arith.constant 0 : i32
      %dma_wait3A_805 = tpu.memref_slice %arg5[%dma_wait3A_798, %dma_wait3A_804] : memref<4x80xi32, #tpu.memory_space<vmem>> -> memref<1x80xi32, #tpu.memory_space<vmem>>
      %dma_wait3A_806 = tpu.memref_squeeze %dma_wait3A_805 : memref<1x80xi32, #tpu.memory_space<vmem>> -> memref<80xi32, #tpu.memory_space<vmem>>
      %dma_wait3A_807 = arith.constant 0 : i32
      %dma_wait3A_808 = arith.constant 0 : i32
      %dma_wait3A_809 = tpu.memref_slice %arg2[%dma_wait3A_807, %dma_wait3A_808] : memref<10000x128xf32, #tpu.memory_space<hbm>> -> memref<10000x128xf32, #tpu.memory_space<hbm>>
      tpu.wait_indirect_dma semaphore(%arg10 : memref<!tpu.dma_semaphore, #tpu.memory_space<semaphore_mem>>) src(%dma_wait3A_809 : memref<10000x128xf32, #tpu.memory_space<hbm>>) dst(%dma_wait3A_803 : memref<80x128xf32, #tpu.memory_space<vmem>>)
      %run_scoped3A_810 = arith.constant 0 : i32
      %run_scoped3A_811 = arith.constant 3 : i32
      "tpu.region"() ({
        %run_scoped3A_1528 = tpu.sem_alloc : memref<!tpu.dma_semaphore, #tpu.memory_space<semaphore_mem>>
        %dma_start3A_1529 = arith.constant 0 : i32
        %dma_start3A_1530 = arith.constant 0 : i32
        %dma_start3A_1531 = tpu.memref_slice %arg7[%run_scoped3A_810, %dma_start3A_1529, %dma_start3A_1530] : memref<3x80x128xf32, #tpu.memory_space<vmem>> -> memref<1x80x128xf32, #tpu.memory_space<vmem>>
        %dma_start3A_1532 = tpu.memref_squeeze %dma_start3A_1531 : memref<1x80x128xf32, #tpu.memory_space<vmem>> -> memref<80x128xf32, #tpu.memory_space<vmem>>
        %dma_start3A_1533 = arith.constant 0 : i32
        %dma_start3A_1534 = tpu.memref_slice %arg6[%run_scoped3A_811, %dma_start3A_1533] : memref<4x80xi32, #tpu.memory_space<vmem>> -> memref<1x80xi32, #tpu.memory_space<vmem>>
        %dma_start3A_1535 = tpu.memref_squeeze %dma_start3A_1534 : memref<1x80xi32, #tpu.memory_space<vmem>> -> memref<80xi32, #tpu.memory_space<vmem>>
        %dma_start3A_1536 = arith.constant 0 : i32
        %dma_start3A_1537 = arith.constant 0 : i32
        %dma_start3A_1538 = tpu.memref_slice %arg9[%dma_start3A_1536, %dma_start3A_1537] : memref<10240x128xf32, #tpu.memory_space<vmem_shared>> -> memref<10240x128xf32, #tpu.memory_space<vmem_shared>>
        tpu.enqueue_indirect_dma source(%dma_start3A_1532 : memref<80x128xf32, #tpu.memory_space<vmem>>) target(%dma_start3A_1538 : memref<10240x128xf32, #tpu.memory_space<vmem_shared>>) offsets(%dma_start3A_1535 : memref<80xi32, #tpu.memory_space<vmem>>) semaphore(%run_scoped3A_1528 : memref<!tpu.dma_semaphore, #tpu.memory_space<semaphore_mem>>) {add = true}
        %dma_wait3A_1539 = arith.constant 0 : i32
        %dma_wait3A_1540 = arith.constant 0 : i32
        %dma_wait3A_1541 = tpu.memref_slice %arg7[%run_scoped3A_810, %dma_wait3A_1539, %dma_wait3A_1540] : memref<3x80x128xf32, #tpu.memory_space<vmem>> -> memref<1x80x128xf32, #tpu.memory_space<vmem>>
        %dma_wait3A_1542 = tpu.memref_squeeze %dma_wait3A_1541 : memref<1x80x128xf32, #tpu.memory_space<vmem>> -> memref<80x128xf32, #tpu.memory_space<vmem>>
        %dma_wait3A_1543 = arith.constant 0 : i32
        %dma_wait3A_1544 = tpu.memref_slice %arg6[%run_scoped3A_811, %dma_wait3A_1543] : memref<4x80xi32, #tpu.memory_space<vmem>> -> memref<1x80xi32, #tpu.memory_space<vmem>>
        %dma_wait3A_1545 = tpu.memref_squeeze %dma_wait3A_1544 : memref<1x80xi32, #tpu.memory_space<vmem>> -> memref<80xi32, #tpu.memory_space<vmem>>
        %dma_wait3A_1546 = arith.constant 0 : i32
        %dma_wait3A_1547 = arith.constant 0 : i32
        %dma_wait3A_1548 = tpu.memref_slice %arg9[%dma_wait3A_1546, %dma_wait3A_1547] : memref<10240x128xf32, #tpu.memory_space<vmem_shared>> -> memref<10240x128xf32, #tpu.memory_space<vmem_shared>>
        tpu.wait_indirect_dma semaphore(%run_scoped3A_1528 : memref<!tpu.dma_semaphore, #tpu.memory_space<semaphore_mem>>) src(%dma_wait3A_1542 : memref<80x128xf32, #tpu.memory_space<vmem>>) dst(%dma_wait3A_1548 : memref<10240x128xf32, #tpu.memory_space<vmem_shared>>)
        tpu.yield
      }) : () -> ()
      %add3A_812 = arith.constant 4 : i32
      %add3A_813 = arith.addi %add3A_757, %add3A_812 : i32
      %mul3A_814 = arith.constant 80 : i32
      %mul3A_815 = arith.muli %add3A_813, %mul3A_814 : i32
      %add3A_816 = arith.addi %mul3A_2, %mul3A_815 : i32
      %dma_start3A_817 = arith.constant 3 : i32
      %dma_start3A_818 = arith.constant 0 : i32
      %dma_start3A_819 = tpu.memref_slice %arg5[%dma_start3A_817, %dma_start3A_818] : memref<4x80xi32, #tpu.memory_space<vmem>> -> memref<1x80xi32, #tpu.memory_space<vmem>>
      %dma_start3A_820 = tpu.memref_squeeze %dma_start3A_819 : memref<1x80xi32, #tpu.memory_space<vmem>> -> memref<80xi32, #tpu.memory_space<vmem>>
      %dma_start3A_821 = tpu.memref_slice %arg3[%add3A_816] : memref<640000xi32, #tpu.memory_space<hbm>> -> memref<80xi32, #tpu.memory_space<hbm>>
      %dma_start3A_822 = arith.constant 0 : i32
      %dma_start3A_823 = tpu.memref_slice %arg5[%dma_start3A_817, %dma_start3A_822] : memref<4x80xi32, #tpu.memory_space<vmem>> -> memref<1x80xi32, #tpu.memory_space<vmem>>
      %dma_start3A_824 = tpu.memref_squeeze %dma_start3A_823 : memref<1x80xi32, #tpu.memory_space<vmem>> -> memref<80xi32, #tpu.memory_space<vmem>>
      %dma_start3A_825 = tpu.memref_slice %arg3[%add3A_816] : memref<640000xi32, #tpu.memory_space<hbm>> -> memref<80xi32, #tpu.memory_space<hbm>>
      tpu.enqueue_dma source(%dma_start3A_825 : memref<80xi32, #tpu.memory_space<hbm>>) target(%dma_start3A_824 : memref<80xi32, #tpu.memory_space<vmem>>) target_semaphore(%arg16 : memref<!tpu.dma_semaphore, #tpu.memory_space<semaphore_mem>>)
      %add3A_826 = arith.constant 320000 : i32
      %add3A_827 = arith.addi %add3A_826, %mul3A_2 : i32
      %mul3A_828 = arith.constant 80 : i32
      %mul3A_829 = arith.muli %add3A_813, %mul3A_828 : i32
      %add3A_830 = arith.addi %add3A_827, %mul3A_829 : i32
      %dma_start3A_831 = arith.constant 3 : i32
      %dma_start3A_832 = arith.constant 0 : i32
      %dma_start3A_833 = tpu.memref_slice %arg6[%dma_start3A_831, %dma_start3A_832] : memref<4x80xi32, #tpu.memory_space<vmem>> -> memref<1x80xi32, #tpu.memory_space<vmem>>
      %dma_start3A_834 = tpu.memref_squeeze %dma_start3A_833 : memref<1x80xi32, #tpu.memory_space<vmem>> -> memref<80xi32, #tpu.memory_space<vmem>>
      %dma_start3A_835 = tpu.memref_slice %arg3[%add3A_830] : memref<640000xi32, #tpu.memory_space<hbm>> -> memref<80xi32, #tpu.memory_space<hbm>>
      %dma_start3A_836 = arith.constant 0 : i32
      %dma_start3A_837 = tpu.memref_slice %arg6[%dma_start3A_831, %dma_start3A_836] : memref<4x80xi32, #tpu.memory_space<vmem>> -> memref<1x80xi32, #tpu.memory_space<vmem>>
      %dma_start3A_838 = tpu.memref_squeeze %dma_start3A_837 : memref<1x80xi32, #tpu.memory_space<vmem>> -> memref<80xi32, #tpu.memory_space<vmem>>
      %dma_start3A_839 = tpu.memref_slice %arg3[%add3A_830] : memref<640000xi32, #tpu.memory_space<hbm>> -> memref<80xi32, #tpu.memory_space<hbm>>
      tpu.enqueue_dma source(%dma_start3A_839 : memref<80xi32, #tpu.memory_space<hbm>>) target(%dma_start3A_838 : memref<80xi32, #tpu.memory_space<vmem>>) target_semaphore(%arg16 : memref<!tpu.dma_semaphore, #tpu.memory_space<semaphore_mem>>)
      %mul3A_840 = arith.constant 12 : i32
      %mul3A_841 = arith.muli %mul3A_840, %scan3A_495 : i32
      %add3A_842 = arith.constant 4 : i32
      %add3A_843 = arith.addi %mul3A_841, %add3A_842 : i32
      %add3A_844 = arith.constant 2 : i32
      %add3A_845 = arith.addi %add3A_843, %add3A_844 : i32
      %mul3A_846 = arith.constant 80 : i32
      %mul3A_847 = arith.muli %add3A_845, %mul3A_846 : i32
      %add3A_848 = arith.addi %mul3A_2, %mul3A_847 : i32
      %dma_wait3A_849 = arith.constant 2 : i32
      %dma_wait3A_850 = arith.constant 0 : i32
      %dma_wait3A_851 = tpu.memref_slice %arg5[%dma_wait3A_849, %dma_wait3A_850] : memref<4x80xi32, #tpu.memory_space<vmem>> -> memref<1x80xi32, #tpu.memory_space<vmem>>
      %dma_wait3A_852 = tpu.memref_squeeze %dma_wait3A_851 : memref<1x80xi32, #tpu.memory_space<vmem>> -> memref<80xi32, #tpu.memory_space<vmem>>
      %dma_wait3A_853 = tpu.memref_slice %arg3[%add3A_848] : memref<640000xi32, #tpu.memory_space<hbm>> -> memref<80xi32, #tpu.memory_space<hbm>>
      %dma_wait3A_854 = arith.constant 0 : i32
      %dma_wait3A_855 = tpu.memref_slice %arg5[%dma_wait3A_849, %dma_wait3A_854] : memref<4x80xi32, #tpu.memory_space<vmem>> -> memref<1x80xi32, #tpu.memory_space<vmem>>
      %dma_wait3A_856 = tpu.memref_squeeze %dma_wait3A_855 : memref<1x80xi32, #tpu.memory_space<vmem>> -> memref<80xi32, #tpu.memory_space<vmem>>
      %dma_wait3A_857 = tpu.memref_slice %arg3[%add3A_848] : memref<640000xi32, #tpu.memory_space<hbm>> -> memref<80xi32, #tpu.memory_space<hbm>>
      tpu.wait_dma2 semaphore(%arg15 : memref<!tpu.dma_semaphore, #tpu.memory_space<semaphore_mem>>) src(%dma_wait3A_857 : memref<80xi32, #tpu.memory_space<hbm>>) dst(%dma_wait3A_856 : memref<80xi32, #tpu.memory_space<vmem>>)
      %add3A_858 = arith.constant 320000 : i32
      %add3A_859 = arith.addi %add3A_858, %mul3A_2 : i32
      %mul3A_860 = arith.constant 80 : i32
      %mul3A_861 = arith.muli %add3A_845, %mul3A_860 : i32
      %add3A_862 = arith.addi %add3A_859, %mul3A_861 : i32
      %dma_wait3A_863 = arith.constant 2 : i32
      %dma_wait3A_864 = arith.constant 0 : i32
      %dma_wait3A_865 = tpu.memref_slice %arg6[%dma_wait3A_863, %dma_wait3A_864] : memref<4x80xi32, #tpu.memory_space<vmem>> -> memref<1x80xi32, #tpu.memory_space<vmem>>
      %dma_wait3A_866 = tpu.memref_squeeze %dma_wait3A_865 : memref<1x80xi32, #tpu.memory_space<vmem>> -> memref<80xi32, #tpu.memory_space<vmem>>
      %dma_wait3A_867 = tpu.memref_slice %arg3[%add3A_862] : memref<640000xi32, #tpu.memory_space<hbm>> -> memref<80xi32, #tpu.memory_space<hbm>>
      %dma_wait3A_868 = arith.constant 0 : i32
      %dma_wait3A_869 = tpu.memref_slice %arg6[%dma_wait3A_863, %dma_wait3A_868] : memref<4x80xi32, #tpu.memory_space<vmem>> -> memref<1x80xi32, #tpu.memory_space<vmem>>
      %dma_wait3A_870 = tpu.memref_squeeze %dma_wait3A_869 : memref<1x80xi32, #tpu.memory_space<vmem>> -> memref<80xi32, #tpu.memory_space<vmem>>
      %dma_wait3A_871 = tpu.memref_slice %arg3[%add3A_862] : memref<640000xi32, #tpu.memory_space<hbm>> -> memref<80xi32, #tpu.memory_space<hbm>>
      tpu.wait_dma2 semaphore(%arg15 : memref<!tpu.dma_semaphore, #tpu.memory_space<semaphore_mem>>) src(%dma_wait3A_871 : memref<80xi32, #tpu.memory_space<hbm>>) dst(%dma_wait3A_870 : memref<80xi32, #tpu.memory_space<vmem>>)
      %dma_start3A_872 = arith.constant 2 : i32
      %dma_start3A_873 = arith.constant 0 : i32
      %dma_start3A_874 = arith.constant 0 : i32
      %dma_start3A_875 = arith.constant 0 : i32
      %dma_start3A_876 = tpu.memref_slice %arg7[%dma_start3A_873, %dma_start3A_874, %dma_start3A_875] : memref<3x80x128xf32, #tpu.memory_space<vmem>> -> memref<1x80x128xf32, #tpu.memory_space<vmem>>
      %dma_start3A_877 = tpu.memref_squeeze %dma_start3A_876 : memref<1x80x128xf32, #tpu.memory_space<vmem>> -> memref<80x128xf32, #tpu.memory_space<vmem>>
      %dma_start3A_878 = arith.constant 0 : i32
      %dma_start3A_879 = tpu.memref_slice %arg5[%dma_start3A_872, %dma_start3A_878] : memref<4x80xi32, #tpu.memory_space<vmem>> -> memref<1x80xi32, #tpu.memory_space<vmem>>
      %dma_start3A_880 = tpu.memref_squeeze %dma_start3A_879 : memref<1x80xi32, #tpu.memory_space<vmem>> -> memref<80xi32, #tpu.memory_space<vmem>>
      %dma_start3A_881 = arith.constant 0 : i32
      %dma_start3A_882 = arith.constant 0 : i32
      %dma_start3A_883 = tpu.memref_slice %arg2[%dma_start3A_881, %dma_start3A_882] : memref<10000x128xf32, #tpu.memory_space<hbm>> -> memref<10000x128xf32, #tpu.memory_space<hbm>>
      tpu.enqueue_indirect_dma source(%dma_start3A_883 : memref<10000x128xf32, #tpu.memory_space<hbm>>) target(%dma_start3A_877 : memref<80x128xf32, #tpu.memory_space<vmem>>) offsets(%dma_start3A_880 : memref<80xi32, #tpu.memory_space<vmem>>) semaphore(%arg10 : memref<!tpu.dma_semaphore, #tpu.memory_space<semaphore_mem>>)
      %dma_wait3A_884 = arith.constant 0 : i32
      %dma_wait3A_885 = arith.constant 1 : i32
      %dma_wait3A_886 = arith.constant 0 : i32
      %dma_wait3A_887 = arith.constant 0 : i32
      %dma_wait3A_888 = tpu.memref_slice %arg7[%dma_wait3A_885, %dma_wait3A_886, %dma_wait3A_887] : memref<3x80x128xf32, #tpu.memory_space<vmem>> -> memref<1x80x128xf32, #tpu.memory_space<vmem>>
      %dma_wait3A_889 = tpu.memref_squeeze %dma_wait3A_888 : memref<1x80x128xf32, #tpu.memory_space<vmem>> -> memref<80x128xf32, #tpu.memory_space<vmem>>
      %dma_wait3A_890 = arith.constant 0 : i32
      %dma_wait3A_891 = tpu.memref_slice %arg5[%dma_wait3A_884, %dma_wait3A_890] : memref<4x80xi32, #tpu.memory_space<vmem>> -> memref<1x80xi32, #tpu.memory_space<vmem>>
      %dma_wait3A_892 = tpu.memref_squeeze %dma_wait3A_891 : memref<1x80xi32, #tpu.memory_space<vmem>> -> memref<80xi32, #tpu.memory_space<vmem>>
      %dma_wait3A_893 = arith.constant 0 : i32
      %dma_wait3A_894 = arith.constant 0 : i32
      %dma_wait3A_895 = tpu.memref_slice %arg2[%dma_wait3A_893, %dma_wait3A_894] : memref<10000x128xf32, #tpu.memory_space<hbm>> -> memref<10000x128xf32, #tpu.memory_space<hbm>>
      tpu.wait_indirect_dma semaphore(%arg11 : memref<!tpu.dma_semaphore, #tpu.memory_space<semaphore_mem>>) src(%dma_wait3A_895 : memref<10000x128xf32, #tpu.memory_space<hbm>>) dst(%dma_wait3A_889 : memref<80x128xf32, #tpu.memory_space<vmem>>)
      %run_scoped3A_896 = arith.constant 1 : i32
      %run_scoped3A_897 = arith.constant 0 : i32
      "tpu.region"() ({
        %run_scoped3A_1528 = tpu.sem_alloc : memref<!tpu.dma_semaphore, #tpu.memory_space<semaphore_mem>>
        %dma_start3A_1529 = arith.constant 0 : i32
        %dma_start3A_1530 = arith.constant 0 : i32
        %dma_start3A_1531 = tpu.memref_slice %arg7[%run_scoped3A_896, %dma_start3A_1529, %dma_start3A_1530] : memref<3x80x128xf32, #tpu.memory_space<vmem>> -> memref<1x80x128xf32, #tpu.memory_space<vmem>>
        %dma_start3A_1532 = tpu.memref_squeeze %dma_start3A_1531 : memref<1x80x128xf32, #tpu.memory_space<vmem>> -> memref<80x128xf32, #tpu.memory_space<vmem>>
        %dma_start3A_1533 = arith.constant 0 : i32
        %dma_start3A_1534 = tpu.memref_slice %arg6[%run_scoped3A_897, %dma_start3A_1533] : memref<4x80xi32, #tpu.memory_space<vmem>> -> memref<1x80xi32, #tpu.memory_space<vmem>>
        %dma_start3A_1535 = tpu.memref_squeeze %dma_start3A_1534 : memref<1x80xi32, #tpu.memory_space<vmem>> -> memref<80xi32, #tpu.memory_space<vmem>>
        %dma_start3A_1536 = arith.constant 0 : i32
        %dma_start3A_1537 = arith.constant 0 : i32
        %dma_start3A_1538 = tpu.memref_slice %arg9[%dma_start3A_1536, %dma_start3A_1537] : memref<10240x128xf32, #tpu.memory_space<vmem_shared>> -> memref<10240x128xf32, #tpu.memory_space<vmem_shared>>
        tpu.enqueue_indirect_dma source(%dma_start3A_1532 : memref<80x128xf32, #tpu.memory_space<vmem>>) target(%dma_start3A_1538 : memref<10240x128xf32, #tpu.memory_space<vmem_shared>>) offsets(%dma_start3A_1535 : memref<80xi32, #tpu.memory_space<vmem>>) semaphore(%run_scoped3A_1528 : memref<!tpu.dma_semaphore, #tpu.memory_space<semaphore_mem>>) {add = true}
        %dma_wait3A_1539 = arith.constant 0 : i32
        %dma_wait3A_1540 = arith.constant 0 : i32
        %dma_wait3A_1541 = tpu.memref_slice %arg7[%run_scoped3A_896, %dma_wait3A_1539, %dma_wait3A_1540] : memref<3x80x128xf32, #tpu.memory_space<vmem>> -> memref<1x80x128xf32, #tpu.memory_space<vmem>>
        %dma_wait3A_1542 = tpu.memref_squeeze %dma_wait3A_1541 : memref<1x80x128xf32, #tpu.memory_space<vmem>> -> memref<80x128xf32, #tpu.memory_space<vmem>>
        %dma_wait3A_1543 = arith.constant 0 : i32
        %dma_wait3A_1544 = tpu.memref_slice %arg6[%run_scoped3A_897, %dma_wait3A_1543] : memref<4x80xi32, #tpu.memory_space<vmem>> -> memref<1x80xi32, #tpu.memory_space<vmem>>
        %dma_wait3A_1545 = tpu.memref_squeeze %dma_wait3A_1544 : memref<1x80xi32, #tpu.memory_space<vmem>> -> memref<80xi32, #tpu.memory_space<vmem>>
        %dma_wait3A_1546 = arith.constant 0 : i32
        %dma_wait3A_1547 = arith.constant 0 : i32
        %dma_wait3A_1548 = tpu.memref_slice %arg9[%dma_wait3A_1546, %dma_wait3A_1547] : memref<10240x128xf32, #tpu.memory_space<vmem_shared>> -> memref<10240x128xf32, #tpu.memory_space<vmem_shared>>
        tpu.wait_indirect_dma semaphore(%run_scoped3A_1528 : memref<!tpu.dma_semaphore, #tpu.memory_space<semaphore_mem>>) src(%dma_wait3A_1542 : memref<80x128xf32, #tpu.memory_space<vmem>>) dst(%dma_wait3A_1548 : memref<10240x128xf32, #tpu.memory_space<vmem_shared>>)
        tpu.yield
      }) : () -> ()
      %add3A_898 = arith.constant 4 : i32
      %add3A_899 = arith.addi %add3A_843, %add3A_898 : i32
      %mul3A_900 = arith.constant 80 : i32
      %mul3A_901 = arith.muli %add3A_899, %mul3A_900 : i32
      %add3A_902 = arith.addi %mul3A_2, %mul3A_901 : i32
      %dma_start3A_903 = arith.constant 0 : i32
      %dma_start3A_904 = arith.constant 0 : i32
      %dma_start3A_905 = tpu.memref_slice %arg5[%dma_start3A_903, %dma_start3A_904] : memref<4x80xi32, #tpu.memory_space<vmem>> -> memref<1x80xi32, #tpu.memory_space<vmem>>
      %dma_start3A_906 = tpu.memref_squeeze %dma_start3A_905 : memref<1x80xi32, #tpu.memory_space<vmem>> -> memref<80xi32, #tpu.memory_space<vmem>>
      %dma_start3A_907 = tpu.memref_slice %arg3[%add3A_902] : memref<640000xi32, #tpu.memory_space<hbm>> -> memref<80xi32, #tpu.memory_space<hbm>>
      %dma_start3A_908 = arith.constant 0 : i32
      %dma_start3A_909 = tpu.memref_slice %arg5[%dma_start3A_903, %dma_start3A_908] : memref<4x80xi32, #tpu.memory_space<vmem>> -> memref<1x80xi32, #tpu.memory_space<vmem>>
      %dma_start3A_910 = tpu.memref_squeeze %dma_start3A_909 : memref<1x80xi32, #tpu.memory_space<vmem>> -> memref<80xi32, #tpu.memory_space<vmem>>
      %dma_start3A_911 = tpu.memref_slice %arg3[%add3A_902] : memref<640000xi32, #tpu.memory_space<hbm>> -> memref<80xi32, #tpu.memory_space<hbm>>
      tpu.enqueue_dma source(%dma_start3A_911 : memref<80xi32, #tpu.memory_space<hbm>>) target(%dma_start3A_910 : memref<80xi32, #tpu.memory_space<vmem>>) target_semaphore(%arg13 : memref<!tpu.dma_semaphore, #tpu.memory_space<semaphore_mem>>)
      %add3A_912 = arith.constant 320000 : i32
      %add3A_913 = arith.addi %add3A_912, %mul3A_2 : i32
      %mul3A_914 = arith.constant 80 : i32
      %mul3A_915 = arith.muli %add3A_899, %mul3A_914 : i32
      %add3A_916 = arith.addi %add3A_913, %mul3A_915 : i32
      %dma_start3A_917 = arith.constant 0 : i32
      %dma_start3A_918 = arith.constant 0 : i32
      %dma_start3A_919 = tpu.memref_slice %arg6[%dma_start3A_917, %dma_start3A_918] : memref<4x80xi32, #tpu.memory_space<vmem>> -> memref<1x80xi32, #tpu.memory_space<vmem>>
      %dma_start3A_920 = tpu.memref_squeeze %dma_start3A_919 : memref<1x80xi32, #tpu.memory_space<vmem>> -> memref<80xi32, #tpu.memory_space<vmem>>
      %dma_start3A_921 = tpu.memref_slice %arg3[%add3A_916] : memref<640000xi32, #tpu.memory_space<hbm>> -> memref<80xi32, #tpu.memory_space<hbm>>
      %dma_start3A_922 = arith.constant 0 : i32
      %dma_start3A_923 = tpu.memref_slice %arg6[%dma_start3A_917, %dma_start3A_922] : memref<4x80xi32, #tpu.memory_space<vmem>> -> memref<1x80xi32, #tpu.memory_space<vmem>>
      %dma_start3A_924 = tpu.memref_squeeze %dma_start3A_923 : memref<1x80xi32, #tpu.memory_space<vmem>> -> memref<80xi32, #tpu.memory_space<vmem>>
      %dma_start3A_925 = tpu.memref_slice %arg3[%add3A_916] : memref<640000xi32, #tpu.memory_space<hbm>> -> memref<80xi32, #tpu.memory_space<hbm>>
      tpu.enqueue_dma source(%dma_start3A_925 : memref<80xi32, #tpu.memory_space<hbm>>) target(%dma_start3A_924 : memref<80xi32, #tpu.memory_space<vmem>>) target_semaphore(%arg13 : memref<!tpu.dma_semaphore, #tpu.memory_space<semaphore_mem>>)
      %mul3A_926 = arith.constant 12 : i32
      %mul3A_927 = arith.muli %mul3A_926, %scan3A_495 : i32
      %add3A_928 = arith.constant 5 : i32
      %add3A_929 = arith.addi %mul3A_927, %add3A_928 : i32
      %add3A_930 = arith.constant 2 : i32
      %add3A_931 = arith.addi %add3A_929, %add3A_930 : i32
      %mul3A_932 = arith.constant 80 : i32
      %mul3A_933 = arith.muli %add3A_931, %mul3A_932 : i32
      %add3A_934 = arith.addi %mul3A_2, %mul3A_933 : i32
      %dma_wait3A_935 = arith.constant 3 : i32
      %dma_wait3A_936 = arith.constant 0 : i32
      %dma_wait3A_937 = tpu.memref_slice %arg5[%dma_wait3A_935, %dma_wait3A_936] : memref<4x80xi32, #tpu.memory_space<vmem>> -> memref<1x80xi32, #tpu.memory_space<vmem>>
      %dma_wait3A_938 = tpu.memref_squeeze %dma_wait3A_937 : memref<1x80xi32, #tpu.memory_space<vmem>> -> memref<80xi32, #tpu.memory_space<vmem>>
      %dma_wait3A_939 = tpu.memref_slice %arg3[%add3A_934] : memref<640000xi32, #tpu.memory_space<hbm>> -> memref<80xi32, #tpu.memory_space<hbm>>
      %dma_wait3A_940 = arith.constant 0 : i32
      %dma_wait3A_941 = tpu.memref_slice %arg5[%dma_wait3A_935, %dma_wait3A_940] : memref<4x80xi32, #tpu.memory_space<vmem>> -> memref<1x80xi32, #tpu.memory_space<vmem>>
      %dma_wait3A_942 = tpu.memref_squeeze %dma_wait3A_941 : memref<1x80xi32, #tpu.memory_space<vmem>> -> memref<80xi32, #tpu.memory_space<vmem>>
      %dma_wait3A_943 = tpu.memref_slice %arg3[%add3A_934] : memref<640000xi32, #tpu.memory_space<hbm>> -> memref<80xi32, #tpu.memory_space<hbm>>
      tpu.wait_dma2 semaphore(%arg16 : memref<!tpu.dma_semaphore, #tpu.memory_space<semaphore_mem>>) src(%dma_wait3A_943 : memref<80xi32, #tpu.memory_space<hbm>>) dst(%dma_wait3A_942 : memref<80xi32, #tpu.memory_space<vmem>>)
      %add3A_944 = arith.constant 320000 : i32
      %add3A_945 = arith.addi %add3A_944, %mul3A_2 : i32
      %mul3A_946 = arith.constant 80 : i32
      %mul3A_947 = arith.muli %add3A_931, %mul3A_946 : i32
      %add3A_948 = arith.addi %add3A_945, %mul3A_947 : i32
      %dma_wait3A_949 = arith.constant 3 : i32
      %dma_wait3A_950 = arith.constant 0 : i32
      %dma_wait3A_951 = tpu.memref_slice %arg6[%dma_wait3A_949, %dma_wait3A_950] : memref<4x80xi32, #tpu.memory_space<vmem>> -> memref<1x80xi32, #tpu.memory_space<vmem>>
      %dma_wait3A_952 = tpu.memref_squeeze %dma_wait3A_951 : memref<1x80xi32, #tpu.memory_space<vmem>> -> memref<80xi32, #tpu.memory_space<vmem>>
      %dma_wait3A_953 = tpu.memref_slice %arg3[%add3A_948] : memref<640000xi32, #tpu.memory_space<hbm>> -> memref<80xi32, #tpu.memory_space<hbm>>
      %dma_wait3A_954 = arith.constant 0 : i32
      %dma_wait3A_955 = tpu.memref_slice %arg6[%dma_wait3A_949, %dma_wait3A_954] : memref<4x80xi32, #tpu.memory_space<vmem>> -> memref<1x80xi32, #tpu.memory_space<vmem>>
      %dma_wait3A_956 = tpu.memref_squeeze %dma_wait3A_955 : memref<1x80xi32, #tpu.memory_space<vmem>> -> memref<80xi32, #tpu.memory_space<vmem>>
      %dma_wait3A_957 = tpu.memref_slice %arg3[%add3A_948] : memref<640000xi32, #tpu.memory_space<hbm>> -> memref<80xi32, #tpu.memory_space<hbm>>
      tpu.wait_dma2 semaphore(%arg16 : memref<!tpu.dma_semaphore, #tpu.memory_space<semaphore_mem>>) src(%dma_wait3A_957 : memref<80xi32, #tpu.memory_space<hbm>>) dst(%dma_wait3A_956 : memref<80xi32, #tpu.memory_space<vmem>>)
      %dma_start3A_958 = arith.constant 3 : i32
      %dma_start3A_959 = arith.constant 1 : i32
      %dma_start3A_960 = arith.constant 0 : i32
      %dma_start3A_961 = arith.constant 0 : i32
      %dma_start3A_962 = tpu.memref_slice %arg7[%dma_start3A_959, %dma_start3A_960, %dma_start3A_961] : memref<3x80x128xf32, #tpu.memory_space<vmem>> -> memref<1x80x128xf32, #tpu.memory_space<vmem>>
      %dma_start3A_963 = tpu.memref_squeeze %dma_start3A_962 : memref<1x80x128xf32, #tpu.memory_space<vmem>> -> memref<80x128xf32, #tpu.memory_space<vmem>>
      %dma_start3A_964 = arith.constant 0 : i32
      %dma_start3A_965 = tpu.memref_slice %arg5[%dma_start3A_958, %dma_start3A_964] : memref<4x80xi32, #tpu.memory_space<vmem>> -> memref<1x80xi32, #tpu.memory_space<vmem>>
      %dma_start3A_966 = tpu.memref_squeeze %dma_start3A_965 : memref<1x80xi32, #tpu.memory_space<vmem>> -> memref<80xi32, #tpu.memory_space<vmem>>
      %dma_start3A_967 = arith.constant 0 : i32
      %dma_start3A_968 = arith.constant 0 : i32
      %dma_start3A_969 = tpu.memref_slice %arg2[%dma_start3A_967, %dma_start3A_968] : memref<10000x128xf32, #tpu.memory_space<hbm>> -> memref<10000x128xf32, #tpu.memory_space<hbm>>
      tpu.enqueue_indirect_dma source(%dma_start3A_969 : memref<10000x128xf32, #tpu.memory_space<hbm>>) target(%dma_start3A_963 : memref<80x128xf32, #tpu.memory_space<vmem>>) offsets(%dma_start3A_966 : memref<80xi32, #tpu.memory_space<vmem>>) semaphore(%arg11 : memref<!tpu.dma_semaphore, #tpu.memory_space<semaphore_mem>>)
      %dma_wait3A_970 = arith.constant 1 : i32
      %dma_wait3A_971 = arith.constant 2 : i32
      %dma_wait3A_972 = arith.constant 0 : i32
      %dma_wait3A_973 = arith.constant 0 : i32
      %dma_wait3A_974 = tpu.memref_slice %arg7[%dma_wait3A_971, %dma_wait3A_972, %dma_wait3A_973] : memref<3x80x128xf32, #tpu.memory_space<vmem>> -> memref<1x80x128xf32, #tpu.memory_space<vmem>>
      %dma_wait3A_975 = tpu.memref_squeeze %dma_wait3A_974 : memref<1x80x128xf32, #tpu.memory_space<vmem>> -> memref<80x128xf32, #tpu.memory_space<vmem>>
      %dma_wait3A_976 = arith.constant 0 : i32
      %dma_wait3A_977 = tpu.memref_slice %arg5[%dma_wait3A_970, %dma_wait3A_976] : memref<4x80xi32, #tpu.memory_space<vmem>> -> memref<1x80xi32, #tpu.memory_space<vmem>>
      %dma_wait3A_978 = tpu.memref_squeeze %dma_wait3A_977 : memref<1x80xi32, #tpu.memory_space<vmem>> -> memref<80xi32, #tpu.memory_space<vmem>>
      %dma_wait3A_979 = arith.constant 0 : i32
      %dma_wait3A_980 = arith.constant 0 : i32
      %dma_wait3A_981 = tpu.memref_slice %arg2[%dma_wait3A_979, %dma_wait3A_980] : memref<10000x128xf32, #tpu.memory_space<hbm>> -> memref<10000x128xf32, #tpu.memory_space<hbm>>
      tpu.wait_indirect_dma semaphore(%arg12 : memref<!tpu.dma_semaphore, #tpu.memory_space<semaphore_mem>>) src(%dma_wait3A_981 : memref<10000x128xf32, #tpu.memory_space<hbm>>) dst(%dma_wait3A_975 : memref<80x128xf32, #tpu.memory_space<vmem>>)
      %run_scoped3A_982 = arith.constant 2 : i32
      %run_scoped3A_983 = arith.constant 1 : i32
      "tpu.region"() ({
        %run_scoped3A_1528 = tpu.sem_alloc : memref<!tpu.dma_semaphore, #tpu.memory_space<semaphore_mem>>
        %dma_start3A_1529 = arith.constant 0 : i32
        %dma_start3A_1530 = arith.constant 0 : i32
        %dma_start3A_1531 = tpu.memref_slice %arg7[%run_scoped3A_982, %dma_start3A_1529, %dma_start3A_1530] : memref<3x80x128xf32, #tpu.memory_space<vmem>> -> memref<1x80x128xf32, #tpu.memory_space<vmem>>
        %dma_start3A_1532 = tpu.memref_squeeze %dma_start3A_1531 : memref<1x80x128xf32, #tpu.memory_space<vmem>> -> memref<80x128xf32, #tpu.memory_space<vmem>>
        %dma_start3A_1533 = arith.constant 0 : i32
        %dma_start3A_1534 = tpu.memref_slice %arg6[%run_scoped3A_983, %dma_start3A_1533] : memref<4x80xi32, #tpu.memory_space<vmem>> -> memref<1x80xi32, #tpu.memory_space<vmem>>
        %dma_start3A_1535 = tpu.memref_squeeze %dma_start3A_1534 : memref<1x80xi32, #tpu.memory_space<vmem>> -> memref<80xi32, #tpu.memory_space<vmem>>
        %dma_start3A_1536 = arith.constant 0 : i32
        %dma_start3A_1537 = arith.constant 0 : i32
        %dma_start3A_1538 = tpu.memref_slice %arg9[%dma_start3A_1536, %dma_start3A_1537] : memref<10240x128xf32, #tpu.memory_space<vmem_shared>> -> memref<10240x128xf32, #tpu.memory_space<vmem_shared>>
        tpu.enqueue_indirect_dma source(%dma_start3A_1532 : memref<80x128xf32, #tpu.memory_space<vmem>>) target(%dma_start3A_1538 : memref<10240x128xf32, #tpu.memory_space<vmem_shared>>) offsets(%dma_start3A_1535 : memref<80xi32, #tpu.memory_space<vmem>>) semaphore(%run_scoped3A_1528 : memref<!tpu.dma_semaphore, #tpu.memory_space<semaphore_mem>>) {add = true}
        %dma_wait3A_1539 = arith.constant 0 : i32
        %dma_wait3A_1540 = arith.constant 0 : i32
        %dma_wait3A_1541 = tpu.memref_slice %arg7[%run_scoped3A_982, %dma_wait3A_1539, %dma_wait3A_1540] : memref<3x80x128xf32, #tpu.memory_space<vmem>> -> memref<1x80x128xf32, #tpu.memory_space<vmem>>
        %dma_wait3A_1542 = tpu.memref_squeeze %dma_wait3A_1541 : memref<1x80x128xf32, #tpu.memory_space<vmem>> -> memref<80x128xf32, #tpu.memory_space<vmem>>
        %dma_wait3A_1543 = arith.constant 0 : i32
        %dma_wait3A_1544 = tpu.memref_slice %arg6[%run_scoped3A_983, %dma_wait3A_1543] : memref<4x80xi32, #tpu.memory_space<vmem>> -> memref<1x80xi32, #tpu.memory_space<vmem>>
        %dma_wait3A_1545 = tpu.memref_squeeze %dma_wait3A_1544 : memref<1x80xi32, #tpu.memory_space<vmem>> -> memref<80xi32, #tpu.memory_space<vmem>>
        %dma_wait3A_1546 = arith.constant 0 : i32
        %dma_wait3A_1547 = arith.constant 0 : i32
        %dma_wait3A_1548 = tpu.memref_slice %arg9[%dma_wait3A_1546, %dma_wait3A_1547] : memref<10240x128xf32, #tpu.memory_space<vmem_shared>> -> memref<10240x128xf32, #tpu.memory_space<vmem_shared>>
        tpu.wait_indirect_dma semaphore(%run_scoped3A_1528 : memref<!tpu.dma_semaphore, #tpu.memory_space<semaphore_mem>>) src(%dma_wait3A_1542 : memref<80x128xf32, #tpu.memory_space<vmem>>) dst(%dma_wait3A_1548 : memref<10240x128xf32, #tpu.memory_space<vmem_shared>>)
        tpu.yield
      }) : () -> ()
      %add3A_984 = arith.constant 4 : i32
      %add3A_985 = arith.addi %add3A_929, %add3A_984 : i32
      %mul3A_986 = arith.constant 80 : i32
      %mul3A_987 = arith.muli %add3A_985, %mul3A_986 : i32
      %add3A_988 = arith.addi %mul3A_2, %mul3A_987 : i32
      %dma_start3A_989 = arith.constant 1 : i32
      %dma_start3A_990 = arith.constant 0 : i32
      %dma_start3A_991 = tpu.memref_slice %arg5[%dma_start3A_989, %dma_start3A_990] : memref<4x80xi32, #tpu.memory_space<vmem>> -> memref<1x80xi32, #tpu.memory_space<vmem>>
      %dma_start3A_992 = tpu.memref_squeeze %dma_start3A_991 : memref<1x80xi32, #tpu.memory_space<vmem>> -> memref<80xi32, #tpu.memory_space<vmem>>
      %dma_start3A_993 = tpu.memref_slice %arg3[%add3A_988] : memref<640000xi32, #tpu.memory_space<hbm>> -> memref<80xi32, #tpu.memory_space<hbm>>
      %dma_start3A_994 = arith.constant 0 : i32
      %dma_start3A_995 = tpu.memref_slice %arg5[%dma_start3A_989, %dma_start3A_994] : memref<4x80xi32, #tpu.memory_space<vmem>> -> memref<1x80xi32, #tpu.memory_space<vmem>>
      %dma_start3A_996 = tpu.memref_squeeze %dma_start3A_995 : memref<1x80xi32, #tpu.memory_space<vmem>> -> memref<80xi32, #tpu.memory_space<vmem>>
      %dma_start3A_997 = tpu.memref_slice %arg3[%add3A_988] : memref<640000xi32, #tpu.memory_space<hbm>> -> memref<80xi32, #tpu.memory_space<hbm>>
      tpu.enqueue_dma source(%dma_start3A_997 : memref<80xi32, #tpu.memory_space<hbm>>) target(%dma_start3A_996 : memref<80xi32, #tpu.memory_space<vmem>>) target_semaphore(%arg14 : memref<!tpu.dma_semaphore, #tpu.memory_space<semaphore_mem>>)
      %add3A_998 = arith.constant 320000 : i32
      %add3A_999 = arith.addi %add3A_998, %mul3A_2 : i32
      %mul3A_1000 = arith.constant 80 : i32
      %mul3A_1001 = arith.muli %add3A_985, %mul3A_1000 : i32
      %add3A_1002 = arith.addi %add3A_999, %mul3A_1001 : i32
      %dma_start3A_1003 = arith.constant 1 : i32
      %dma_start3A_1004 = arith.constant 0 : i32
      %dma_start3A_1005 = tpu.memref_slice %arg6[%dma_start3A_1003, %dma_start3A_1004] : memref<4x80xi32, #tpu.memory_space<vmem>> -> memref<1x80xi32, #tpu.memory_space<vmem>>
      %dma_start3A_1006 = tpu.memref_squeeze %dma_start3A_1005 : memref<1x80xi32, #tpu.memory_space<vmem>> -> memref<80xi32, #tpu.memory_space<vmem>>
      %dma_start3A_1007 = tpu.memref_slice %arg3[%add3A_1002] : memref<640000xi32, #tpu.memory_space<hbm>> -> memref<80xi32, #tpu.memory_space<hbm>>
      %dma_start3A_1008 = arith.constant 0 : i32
      %dma_start3A_1009 = tpu.memref_slice %arg6[%dma_start3A_1003, %dma_start3A_1008] : memref<4x80xi32, #tpu.memory_space<vmem>> -> memref<1x80xi32, #tpu.memory_space<vmem>>
      %dma_start3A_1010 = tpu.memref_squeeze %dma_start3A_1009 : memref<1x80xi32, #tpu.memory_space<vmem>> -> memref<80xi32, #tpu.memory_space<vmem>>
      %dma_start3A_1011 = tpu.memref_slice %arg3[%add3A_1002] : memref<640000xi32, #tpu.memory_space<hbm>> -> memref<80xi32, #tpu.memory_space<hbm>>
      tpu.enqueue_dma source(%dma_start3A_1011 : memref<80xi32, #tpu.memory_space<hbm>>) target(%dma_start3A_1010 : memref<80xi32, #tpu.memory_space<vmem>>) target_semaphore(%arg14 : memref<!tpu.dma_semaphore, #tpu.memory_space<semaphore_mem>>)
      %mul3A_1012 = arith.constant 12 : i32
      %mul3A_1013 = arith.muli %mul3A_1012, %scan3A_495 : i32
      %add3A_1014 = arith.constant 6 : i32
      %add3A_1015 = arith.addi %mul3A_1013, %add3A_1014 : i32
      %add3A_1016 = arith.constant 2 : i32
      %add3A_1017 = arith.addi %add3A_1015, %add3A_1016 : i32
      %mul3A_1018 = arith.constant 80 : i32
      %mul3A_1019 = arith.muli %add3A_1017, %mul3A_1018 : i32
      %add3A_1020 = arith.addi %mul3A_2, %mul3A_1019 : i32
      %dma_wait3A_1021 = arith.constant 0 : i32
      %dma_wait3A_1022 = arith.constant 0 : i32
      %dma_wait3A_1023 = tpu.memref_slice %arg5[%dma_wait3A_1021, %dma_wait3A_1022] : memref<4x80xi32, #tpu.memory_space<vmem>> -> memref<1x80xi32, #tpu.memory_space<vmem>>
      %dma_wait3A_1024 = tpu.memref_squeeze %dma_wait3A_1023 : memref<1x80xi32, #tpu.memory_space<vmem>> -> memref<80xi32, #tpu.memory_space<vmem>>
      %dma_wait3A_1025 = tpu.memref_slice %arg3[%add3A_1020] : memref<640000xi32, #tpu.memory_space<hbm>> -> memref<80xi32, #tpu.memory_space<hbm>>
      %dma_wait3A_1026 = arith.constant 0 : i32
      %dma_wait3A_1027 = tpu.memref_slice %arg5[%dma_wait3A_1021, %dma_wait3A_1026] : memref<4x80xi32, #tpu.memory_space<vmem>> -> memref<1x80xi32, #tpu.memory_space<vmem>>
      %dma_wait3A_1028 = tpu.memref_squeeze %dma_wait3A_1027 : memref<1x80xi32, #tpu.memory_space<vmem>> -> memref<80xi32, #tpu.memory_space<vmem>>
      %dma_wait3A_1029 = tpu.memref_slice %arg3[%add3A_1020] : memref<640000xi32, #tpu.memory_space<hbm>> -> memref<80xi32, #tpu.memory_space<hbm>>
      tpu.wait_dma2 semaphore(%arg13 : memref<!tpu.dma_semaphore, #tpu.memory_space<semaphore_mem>>) src(%dma_wait3A_1029 : memref<80xi32, #tpu.memory_space<hbm>>) dst(%dma_wait3A_1028 : memref<80xi32, #tpu.memory_space<vmem>>)
      %add3A_1030 = arith.constant 320000 : i32
      %add3A_1031 = arith.addi %add3A_1030, %mul3A_2 : i32
      %mul3A_1032 = arith.constant 80 : i32
      %mul3A_1033 = arith.muli %add3A_1017, %mul3A_1032 : i32
      %add3A_1034 = arith.addi %add3A_1031, %mul3A_1033 : i32
      %dma_wait3A_1035 = arith.constant 0 : i32
      %dma_wait3A_1036 = arith.constant 0 : i32
      %dma_wait3A_1037 = tpu.memref_slice %arg6[%dma_wait3A_1035, %dma_wait3A_1036] : memref<4x80xi32, #tpu.memory_space<vmem>> -> memref<1x80xi32, #tpu.memory_space<vmem>>
      %dma_wait3A_1038 = tpu.memref_squeeze %dma_wait3A_1037 : memref<1x80xi32, #tpu.memory_space<vmem>> -> memref<80xi32, #tpu.memory_space<vmem>>
      %dma_wait3A_1039 = tpu.memref_slice %arg3[%add3A_1034] : memref<640000xi32, #tpu.memory_space<hbm>> -> memref<80xi32, #tpu.memory_space<hbm>>
      %dma_wait3A_1040 = arith.constant 0 : i32
      %dma_wait3A_1041 = tpu.memref_slice %arg6[%dma_wait3A_1035, %dma_wait3A_1040] : memref<4x80xi32, #tpu.memory_space<vmem>> -> memref<1x80xi32, #tpu.memory_space<vmem>>
      %dma_wait3A_1042 = tpu.memref_squeeze %dma_wait3A_1041 : memref<1x80xi32, #tpu.memory_space<vmem>> -> memref<80xi32, #tpu.memory_space<vmem>>
      %dma_wait3A_1043 = tpu.memref_slice %arg3[%add3A_1034] : memref<640000xi32, #tpu.memory_space<hbm>> -> memref<80xi32, #tpu.memory_space<hbm>>
      tpu.wait_dma2 semaphore(%arg13 : memref<!tpu.dma_semaphore, #tpu.memory_space<semaphore_mem>>) src(%dma_wait3A_1043 : memref<80xi32, #tpu.memory_space<hbm>>) dst(%dma_wait3A_1042 : memref<80xi32, #tpu.memory_space<vmem>>)
      %dma_start3A_1044 = arith.constant 0 : i32
      %dma_start3A_1045 = arith.constant 2 : i32
      %dma_start3A_1046 = arith.constant 0 : i32
      %dma_start3A_1047 = arith.constant 0 : i32
      %dma_start3A_1048 = tpu.memref_slice %arg7[%dma_start3A_1045, %dma_start3A_1046, %dma_start3A_1047] : memref<3x80x128xf32, #tpu.memory_space<vmem>> -> memref<1x80x128xf32, #tpu.memory_space<vmem>>
      %dma_start3A_1049 = tpu.memref_squeeze %dma_start3A_1048 : memref<1x80x128xf32, #tpu.memory_space<vmem>> -> memref<80x128xf32, #tpu.memory_space<vmem>>
      %dma_start3A_1050 = arith.constant 0 : i32
      %dma_start3A_1051 = tpu.memref_slice %arg5[%dma_start3A_1044, %dma_start3A_1050] : memref<4x80xi32, #tpu.memory_space<vmem>> -> memref<1x80xi32, #tpu.memory_space<vmem>>
      %dma_start3A_1052 = tpu.memref_squeeze %dma_start3A_1051 : memref<1x80xi32, #tpu.memory_space<vmem>> -> memref<80xi32, #tpu.memory_space<vmem>>
      %dma_start3A_1053 = arith.constant 0 : i32
      %dma_start3A_1054 = arith.constant 0 : i32
      %dma_start3A_1055 = tpu.memref_slice %arg2[%dma_start3A_1053, %dma_start3A_1054] : memref<10000x128xf32, #tpu.memory_space<hbm>> -> memref<10000x128xf32, #tpu.memory_space<hbm>>
      tpu.enqueue_indirect_dma source(%dma_start3A_1055 : memref<10000x128xf32, #tpu.memory_space<hbm>>) target(%dma_start3A_1049 : memref<80x128xf32, #tpu.memory_space<vmem>>) offsets(%dma_start3A_1052 : memref<80xi32, #tpu.memory_space<vmem>>) semaphore(%arg12 : memref<!tpu.dma_semaphore, #tpu.memory_space<semaphore_mem>>)
      %dma_wait3A_1056 = arith.constant 2 : i32
      %dma_wait3A_1057 = arith.constant 0 : i32
      %dma_wait3A_1058 = arith.constant 0 : i32
      %dma_wait3A_1059 = arith.constant 0 : i32
      %dma_wait3A_1060 = tpu.memref_slice %arg7[%dma_wait3A_1057, %dma_wait3A_1058, %dma_wait3A_1059] : memref<3x80x128xf32, #tpu.memory_space<vmem>> -> memref<1x80x128xf32, #tpu.memory_space<vmem>>
      %dma_wait3A_1061 = tpu.memref_squeeze %dma_wait3A_1060 : memref<1x80x128xf32, #tpu.memory_space<vmem>> -> memref<80x128xf32, #tpu.memory_space<vmem>>
      %dma_wait3A_1062 = arith.constant 0 : i32
      %dma_wait3A_1063 = tpu.memref_slice %arg5[%dma_wait3A_1056, %dma_wait3A_1062] : memref<4x80xi32, #tpu.memory_space<vmem>> -> memref<1x80xi32, #tpu.memory_space<vmem>>
      %dma_wait3A_1064 = tpu.memref_squeeze %dma_wait3A_1063 : memref<1x80xi32, #tpu.memory_space<vmem>> -> memref<80xi32, #tpu.memory_space<vmem>>
      %dma_wait3A_1065 = arith.constant 0 : i32
      %dma_wait3A_1066 = arith.constant 0 : i32
      %dma_wait3A_1067 = tpu.memref_slice %arg2[%dma_wait3A_1065, %dma_wait3A_1066] : memref<10000x128xf32, #tpu.memory_space<hbm>> -> memref<10000x128xf32, #tpu.memory_space<hbm>>
      tpu.wait_indirect_dma semaphore(%arg10 : memref<!tpu.dma_semaphore, #tpu.memory_space<semaphore_mem>>) src(%dma_wait3A_1067 : memref<10000x128xf32, #tpu.memory_space<hbm>>) dst(%dma_wait3A_1061 : memref<80x128xf32, #tpu.memory_space<vmem>>)
      %run_scoped3A_1068 = arith.constant 0 : i32
      %run_scoped3A_1069 = arith.constant 2 : i32
      "tpu.region"() ({
        %run_scoped3A_1528 = tpu.sem_alloc : memref<!tpu.dma_semaphore, #tpu.memory_space<semaphore_mem>>
        %dma_start3A_1529 = arith.constant 0 : i32
        %dma_start3A_1530 = arith.constant 0 : i32
        %dma_start3A_1531 = tpu.memref_slice %arg7[%run_scoped3A_1068, %dma_start3A_1529, %dma_start3A_1530] : memref<3x80x128xf32, #tpu.memory_space<vmem>> -> memref<1x80x128xf32, #tpu.memory_space<vmem>>
        %dma_start3A_1532 = tpu.memref_squeeze %dma_start3A_1531 : memref<1x80x128xf32, #tpu.memory_space<vmem>> -> memref<80x128xf32, #tpu.memory_space<vmem>>
        %dma_start3A_1533 = arith.constant 0 : i32
        %dma_start3A_1534 = tpu.memref_slice %arg6[%run_scoped3A_1069, %dma_start3A_1533] : memref<4x80xi32, #tpu.memory_space<vmem>> -> memref<1x80xi32, #tpu.memory_space<vmem>>
        %dma_start3A_1535 = tpu.memref_squeeze %dma_start3A_1534 : memref<1x80xi32, #tpu.memory_space<vmem>> -> memref<80xi32, #tpu.memory_space<vmem>>
        %dma_start3A_1536 = arith.constant 0 : i32
        %dma_start3A_1537 = arith.constant 0 : i32
        %dma_start3A_1538 = tpu.memref_slice %arg9[%dma_start3A_1536, %dma_start3A_1537] : memref<10240x128xf32, #tpu.memory_space<vmem_shared>> -> memref<10240x128xf32, #tpu.memory_space<vmem_shared>>
        tpu.enqueue_indirect_dma source(%dma_start3A_1532 : memref<80x128xf32, #tpu.memory_space<vmem>>) target(%dma_start3A_1538 : memref<10240x128xf32, #tpu.memory_space<vmem_shared>>) offsets(%dma_start3A_1535 : memref<80xi32, #tpu.memory_space<vmem>>) semaphore(%run_scoped3A_1528 : memref<!tpu.dma_semaphore, #tpu.memory_space<semaphore_mem>>) {add = true}
        %dma_wait3A_1539 = arith.constant 0 : i32
        %dma_wait3A_1540 = arith.constant 0 : i32
        %dma_wait3A_1541 = tpu.memref_slice %arg7[%run_scoped3A_1068, %dma_wait3A_1539, %dma_wait3A_1540] : memref<3x80x128xf32, #tpu.memory_space<vmem>> -> memref<1x80x128xf32, #tpu.memory_space<vmem>>
        %dma_wait3A_1542 = tpu.memref_squeeze %dma_wait3A_1541 : memref<1x80x128xf32, #tpu.memory_space<vmem>> -> memref<80x128xf32, #tpu.memory_space<vmem>>
        %dma_wait3A_1543 = arith.constant 0 : i32
        %dma_wait3A_1544 = tpu.memref_slice %arg6[%run_scoped3A_1069, %dma_wait3A_1543] : memref<4x80xi32, #tpu.memory_space<vmem>> -> memref<1x80xi32, #tpu.memory_space<vmem>>
        %dma_wait3A_1545 = tpu.memref_squeeze %dma_wait3A_1544 : memref<1x80xi32, #tpu.memory_space<vmem>> -> memref<80xi32, #tpu.memory_space<vmem>>
        %dma_wait3A_1546 = arith.constant 0 : i32
        %dma_wait3A_1547 = arith.constant 0 : i32
        %dma_wait3A_1548 = tpu.memref_slice %arg9[%dma_wait3A_1546, %dma_wait3A_1547] : memref<10240x128xf32, #tpu.memory_space<vmem_shared>> -> memref<10240x128xf32, #tpu.memory_space<vmem_shared>>
        tpu.wait_indirect_dma semaphore(%run_scoped3A_1528 : memref<!tpu.dma_semaphore, #tpu.memory_space<semaphore_mem>>) src(%dma_wait3A_1542 : memref<80x128xf32, #tpu.memory_space<vmem>>) dst(%dma_wait3A_1548 : memref<10240x128xf32, #tpu.memory_space<vmem_shared>>)
        tpu.yield
      }) : () -> ()
      %add3A_1070 = arith.constant 4 : i32
      %add3A_1071 = arith.addi %add3A_1015, %add3A_1070 : i32
      %mul3A_1072 = arith.constant 80 : i32
      %mul3A_1073 = arith.muli %add3A_1071, %mul3A_1072 : i32
      %add3A_1074 = arith.addi %mul3A_2, %mul3A_1073 : i32
      %dma_start3A_1075 = arith.constant 2 : i32
      %dma_start3A_1076 = arith.constant 0 : i32
      %dma_start3A_1077 = tpu.memref_slice %arg5[%dma_start3A_1075, %dma_start3A_1076] : memref<4x80xi32, #tpu.memory_space<vmem>> -> memref<1x80xi32, #tpu.memory_space<vmem>>
      %dma_start3A_1078 = tpu.memref_squeeze %dma_start3A_1077 : memref<1x80xi32, #tpu.memory_space<vmem>> -> memref<80xi32, #tpu.memory_space<vmem>>
      %dma_start3A_1079 = tpu.memref_slice %arg3[%add3A_1074] : memref<640000xi32, #tpu.memory_space<hbm>> -> memref<80xi32, #tpu.memory_space<hbm>>
      %dma_start3A_1080 = arith.constant 0 : i32
      %dma_start3A_1081 = tpu.memref_slice %arg5[%dma_start3A_1075, %dma_start3A_1080] : memref<4x80xi32, #tpu.memory_space<vmem>> -> memref<1x80xi32, #tpu.memory_space<vmem>>
      %dma_start3A_1082 = tpu.memref_squeeze %dma_start3A_1081 : memref<1x80xi32, #tpu.memory_space<vmem>> -> memref<80xi32, #tpu.memory_space<vmem>>
      %dma_start3A_1083 = tpu.memref_slice %arg3[%add3A_1074] : memref<640000xi32, #tpu.memory_space<hbm>> -> memref<80xi32, #tpu.memory_space<hbm>>
      tpu.enqueue_dma source(%dma_start3A_1083 : memref<80xi32, #tpu.memory_space<hbm>>) target(%dma_start3A_1082 : memref<80xi32, #tpu.memory_space<vmem>>) target_semaphore(%arg15 : memref<!tpu.dma_semaphore, #tpu.memory_space<semaphore_mem>>)
      %add3A_1084 = arith.constant 320000 : i32
      %add3A_1085 = arith.addi %add3A_1084, %mul3A_2 : i32
      %mul3A_1086 = arith.constant 80 : i32
      %mul3A_1087 = arith.muli %add3A_1071, %mul3A_1086 : i32
      %add3A_1088 = arith.addi %add3A_1085, %mul3A_1087 : i32
      %dma_start3A_1089 = arith.constant 2 : i32
      %dma_start3A_1090 = arith.constant 0 : i32
      %dma_start3A_1091 = tpu.memref_slice %arg6[%dma_start3A_1089, %dma_start3A_1090] : memref<4x80xi32, #tpu.memory_space<vmem>> -> memref<1x80xi32, #tpu.memory_space<vmem>>
      %dma_start3A_1092 = tpu.memref_squeeze %dma_start3A_1091 : memref<1x80xi32, #tpu.memory_space<vmem>> -> memref<80xi32, #tpu.memory_space<vmem>>
      %dma_start3A_1093 = tpu.memref_slice %arg3[%add3A_1088] : memref<640000xi32, #tpu.memory_space<hbm>> -> memref<80xi32, #tpu.memory_space<hbm>>
      %dma_start3A_1094 = arith.constant 0 : i32
      %dma_start3A_1095 = tpu.memref_slice %arg6[%dma_start3A_1089, %dma_start3A_1094] : memref<4x80xi32, #tpu.memory_space<vmem>> -> memref<1x80xi32, #tpu.memory_space<vmem>>
      %dma_start3A_1096 = tpu.memref_squeeze %dma_start3A_1095 : memref<1x80xi32, #tpu.memory_space<vmem>> -> memref<80xi32, #tpu.memory_space<vmem>>
      %dma_start3A_1097 = tpu.memref_slice %arg3[%add3A_1088] : memref<640000xi32, #tpu.memory_space<hbm>> -> memref<80xi32, #tpu.memory_space<hbm>>
      tpu.enqueue_dma source(%dma_start3A_1097 : memref<80xi32, #tpu.memory_space<hbm>>) target(%dma_start3A_1096 : memref<80xi32, #tpu.memory_space<vmem>>) target_semaphore(%arg15 : memref<!tpu.dma_semaphore, #tpu.memory_space<semaphore_mem>>)
      %mul3A_1098 = arith.constant 12 : i32
      %mul3A_1099 = arith.muli %mul3A_1098, %scan3A_495 : i32
      %add3A_1100 = arith.constant 7 : i32
      %add3A_1101 = arith.addi %mul3A_1099, %add3A_1100 : i32
      %add3A_1102 = arith.constant 2 : i32
      %add3A_1103 = arith.addi %add3A_1101, %add3A_1102 : i32
      %mul3A_1104 = arith.constant 80 : i32
      %mul3A_1105 = arith.muli %add3A_1103, %mul3A_1104 : i32
      %add3A_1106 = arith.addi %mul3A_2, %mul3A_1105 : i32
      %dma_wait3A_1107 = arith.constant 1 : i32
      %dma_wait3A_1108 = arith.constant 0 : i32
      %dma_wait3A_1109 = tpu.memref_slice %arg5[%dma_wait3A_1107, %dma_wait3A_1108] : memref<4x80xi32, #tpu.memory_space<vmem>> -> memref<1x80xi32, #tpu.memory_space<vmem>>
      %dma_wait3A_1110 = tpu.memref_squeeze %dma_wait3A_1109 : memref<1x80xi32, #tpu.memory_space<vmem>> -> memref<80xi32, #tpu.memory_space<vmem>>
      %dma_wait3A_1111 = tpu.memref_slice %arg3[%add3A_1106] : memref<640000xi32, #tpu.memory_space<hbm>> -> memref<80xi32, #tpu.memory_space<hbm>>
      %dma_wait3A_1112 = arith.constant 0 : i32
      %dma_wait3A_1113 = tpu.memref_slice %arg5[%dma_wait3A_1107, %dma_wait3A_1112] : memref<4x80xi32, #tpu.memory_space<vmem>> -> memref<1x80xi32, #tpu.memory_space<vmem>>
      %dma_wait3A_1114 = tpu.memref_squeeze %dma_wait3A_1113 : memref<1x80xi32, #tpu.memory_space<vmem>> -> memref<80xi32, #tpu.memory_space<vmem>>
      %dma_wait3A_1115 = tpu.memref_slice %arg3[%add3A_1106] : memref<640000xi32, #tpu.memory_space<hbm>> -> memref<80xi32, #tpu.memory_space<hbm>>
      tpu.wait_dma2 semaphore(%arg14 : memref<!tpu.dma_semaphore, #tpu.memory_space<semaphore_mem>>) src(%dma_wait3A_1115 : memref<80xi32, #tpu.memory_space<hbm>>) dst(%dma_wait3A_1114 : memref<80xi32, #tpu.memory_space<vmem>>)
      %add3A_1116 = arith.constant 320000 : i32
      %add3A_1117 = arith.addi %add3A_1116, %mul3A_2 : i32
      %mul3A_1118 = arith.constant 80 : i32
      %mul3A_1119 = arith.muli %add3A_1103, %mul3A_1118 : i32
      %add3A_1120 = arith.addi %add3A_1117, %mul3A_1119 : i32
      %dma_wait3A_1121 = arith.constant 1 : i32
      %dma_wait3A_1122 = arith.constant 0 : i32
      %dma_wait3A_1123 = tpu.memref_slice %arg6[%dma_wait3A_1121, %dma_wait3A_1122] : memref<4x80xi32, #tpu.memory_space<vmem>> -> memref<1x80xi32, #tpu.memory_space<vmem>>
      %dma_wait3A_1124 = tpu.memref_squeeze %dma_wait3A_1123 : memref<1x80xi32, #tpu.memory_space<vmem>> -> memref<80xi32, #tpu.memory_space<vmem>>
      %dma_wait3A_1125 = tpu.memref_slice %arg3[%add3A_1120] : memref<640000xi32, #tpu.memory_space<hbm>> -> memref<80xi32, #tpu.memory_space<hbm>>
      %dma_wait3A_1126 = arith.constant 0 : i32
      %dma_wait3A_1127 = tpu.memref_slice %arg6[%dma_wait3A_1121, %dma_wait3A_1126] : memref<4x80xi32, #tpu.memory_space<vmem>> -> memref<1x80xi32, #tpu.memory_space<vmem>>
      %dma_wait3A_1128 = tpu.memref_squeeze %dma_wait3A_1127 : memref<1x80xi32, #tpu.memory_space<vmem>> -> memref<80xi32, #tpu.memory_space<vmem>>
      %dma_wait3A_1129 = tpu.memref_slice %arg3[%add3A_1120] : memref<640000xi32, #tpu.memory_space<hbm>> -> memref<80xi32, #tpu.memory_space<hbm>>
      tpu.wait_dma2 semaphore(%arg14 : memref<!tpu.dma_semaphore, #tpu.memory_space<semaphore_mem>>) src(%dma_wait3A_1129 : memref<80xi32, #tpu.memory_space<hbm>>) dst(%dma_wait3A_1128 : memref<80xi32, #tpu.memory_space<vmem>>)
      %dma_start3A_1130 = arith.constant 1 : i32
      %dma_start3A_1131 = arith.constant 0 : i32
      %dma_start3A_1132 = arith.constant 0 : i32
      %dma_start3A_1133 = arith.constant 0 : i32
      %dma_start3A_1134 = tpu.memref_slice %arg7[%dma_start3A_1131, %dma_start3A_1132, %dma_start3A_1133] : memref<3x80x128xf32, #tpu.memory_space<vmem>> -> memref<1x80x128xf32, #tpu.memory_space<vmem>>
      %dma_start3A_1135 = tpu.memref_squeeze %dma_start3A_1134 : memref<1x80x128xf32, #tpu.memory_space<vmem>> -> memref<80x128xf32, #tpu.memory_space<vmem>>
      %dma_start3A_1136 = arith.constant 0 : i32
      %dma_start3A_1137 = tpu.memref_slice %arg5[%dma_start3A_1130, %dma_start3A_1136] : memref<4x80xi32, #tpu.memory_space<vmem>> -> memref<1x80xi32, #tpu.memory_space<vmem>>
      %dma_start3A_1138 = tpu.memref_squeeze %dma_start3A_1137 : memref<1x80xi32, #tpu.memory_space<vmem>> -> memref<80xi32, #tpu.memory_space<vmem>>
      %dma_start3A_1139 = arith.constant 0 : i32
      %dma_start3A_1140 = arith.constant 0 : i32
      %dma_start3A_1141 = tpu.memref_slice %arg2[%dma_start3A_1139, %dma_start3A_1140] : memref<10000x128xf32, #tpu.memory_space<hbm>> -> memref<10000x128xf32, #tpu.memory_space<hbm>>
      tpu.enqueue_indirect_dma source(%dma_start3A_1141 : memref<10000x128xf32, #tpu.memory_space<hbm>>) target(%dma_start3A_1135 : memref<80x128xf32, #tpu.memory_space<vmem>>) offsets(%dma_start3A_1138 : memref<80xi32, #tpu.memory_space<vmem>>) semaphore(%arg10 : memref<!tpu.dma_semaphore, #tpu.memory_space<semaphore_mem>>)
      %dma_wait3A_1142 = arith.constant 3 : i32
      %dma_wait3A_1143 = arith.constant 1 : i32
      %dma_wait3A_1144 = arith.constant 0 : i32
      %dma_wait3A_1145 = arith.constant 0 : i32
      %dma_wait3A_1146 = tpu.memref_slice %arg7[%dma_wait3A_1143, %dma_wait3A_1144, %dma_wait3A_1145] : memref<3x80x128xf32, #tpu.memory_space<vmem>> -> memref<1x80x128xf32, #tpu.memory_space<vmem>>
      %dma_wait3A_1147 = tpu.memref_squeeze %dma_wait3A_1146 : memref<1x80x128xf32, #tpu.memory_space<vmem>> -> memref<80x128xf32, #tpu.memory_space<vmem>>
      %dma_wait3A_1148 = arith.constant 0 : i32
      %dma_wait3A_1149 = tpu.memref_slice %arg5[%dma_wait3A_1142, %dma_wait3A_1148] : memref<4x80xi32, #tpu.memory_space<vmem>> -> memref<1x80xi32, #tpu.memory_space<vmem>>
      %dma_wait3A_1150 = tpu.memref_squeeze %dma_wait3A_1149 : memref<1x80xi32, #tpu.memory_space<vmem>> -> memref<80xi32, #tpu.memory_space<vmem>>
      %dma_wait3A_1151 = arith.constant 0 : i32
      %dma_wait3A_1152 = arith.constant 0 : i32
      %dma_wait3A_1153 = tpu.memref_slice %arg2[%dma_wait3A_1151, %dma_wait3A_1152] : memref<10000x128xf32, #tpu.memory_space<hbm>> -> memref<10000x128xf32, #tpu.memory_space<hbm>>
      tpu.wait_indirect_dma semaphore(%arg11 : memref<!tpu.dma_semaphore, #tpu.memory_space<semaphore_mem>>) src(%dma_wait3A_1153 : memref<10000x128xf32, #tpu.memory_space<hbm>>) dst(%dma_wait3A_1147 : memref<80x128xf32, #tpu.memory_space<vmem>>)
      %run_scoped3A_1154 = arith.constant 1 : i32
      %run_scoped3A_1155 = arith.constant 3 : i32
      "tpu.region"() ({
        %run_scoped3A_1528 = tpu.sem_alloc : memref<!tpu.dma_semaphore, #tpu.memory_space<semaphore_mem>>
        %dma_start3A_1529 = arith.constant 0 : i32
        %dma_start3A_1530 = arith.constant 0 : i32
        %dma_start3A_1531 = tpu.memref_slice %arg7[%run_scoped3A_1154, %dma_start3A_1529, %dma_start3A_1530] : memref<3x80x128xf32, #tpu.memory_space<vmem>> -> memref<1x80x128xf32, #tpu.memory_space<vmem>>
        %dma_start3A_1532 = tpu.memref_squeeze %dma_start3A_1531 : memref<1x80x128xf32, #tpu.memory_space<vmem>> -> memref<80x128xf32, #tpu.memory_space<vmem>>
        %dma_start3A_1533 = arith.constant 0 : i32
        %dma_start3A_1534 = tpu.memref_slice %arg6[%run_scoped3A_1155, %dma_start3A_1533] : memref<4x80xi32, #tpu.memory_space<vmem>> -> memref<1x80xi32, #tpu.memory_space<vmem>>
        %dma_start3A_1535 = tpu.memref_squeeze %dma_start3A_1534 : memref<1x80xi32, #tpu.memory_space<vmem>> -> memref<80xi32, #tpu.memory_space<vmem>>
        %dma_start3A_1536 = arith.constant 0 : i32
        %dma_start3A_1537 = arith.constant 0 : i32
        %dma_start3A_1538 = tpu.memref_slice %arg9[%dma_start3A_1536, %dma_start3A_1537] : memref<10240x128xf32, #tpu.memory_space<vmem_shared>> -> memref<10240x128xf32, #tpu.memory_space<vmem_shared>>
        tpu.enqueue_indirect_dma source(%dma_start3A_1532 : memref<80x128xf32, #tpu.memory_space<vmem>>) target(%dma_start3A_1538 : memref<10240x128xf32, #tpu.memory_space<vmem_shared>>) offsets(%dma_start3A_1535 : memref<80xi32, #tpu.memory_space<vmem>>) semaphore(%run_scoped3A_1528 : memref<!tpu.dma_semaphore, #tpu.memory_space<semaphore_mem>>) {add = true}
        %dma_wait3A_1539 = arith.constant 0 : i32
        %dma_wait3A_1540 = arith.constant 0 : i32
        %dma_wait3A_1541 = tpu.memref_slice %arg7[%run_scoped3A_1154, %dma_wait3A_1539, %dma_wait3A_1540] : memref<3x80x128xf32, #tpu.memory_space<vmem>> -> memref<1x80x128xf32, #tpu.memory_space<vmem>>
        %dma_wait3A_1542 = tpu.memref_squeeze %dma_wait3A_1541 : memref<1x80x128xf32, #tpu.memory_space<vmem>> -> memref<80x128xf32, #tpu.memory_space<vmem>>
        %dma_wait3A_1543 = arith.constant 0 : i32
        %dma_wait3A_1544 = tpu.memref_slice %arg6[%run_scoped3A_1155, %dma_wait3A_1543] : memref<4x80xi32, #tpu.memory_space<vmem>> -> memref<1x80xi32, #tpu.memory_space<vmem>>
        %dma_wait3A_1545 = tpu.memref_squeeze %dma_wait3A_1544 : memref<1x80xi32, #tpu.memory_space<vmem>> -> memref<80xi32, #tpu.memory_space<vmem>>
        %dma_wait3A_1546 = arith.constant 0 : i32
        %dma_wait3A_1547 = arith.constant 0 : i32
        %dma_wait3A_1548 = tpu.memref_slice %arg9[%dma_wait3A_1546, %dma_wait3A_1547] : memref<10240x128xf32, #tpu.memory_space<vmem_shared>> -> memref<10240x128xf32, #tpu.memory_space<vmem_shared>>
        tpu.wait_indirect_dma semaphore(%run_scoped3A_1528 : memref<!tpu.dma_semaphore, #tpu.memory_space<semaphore_mem>>) src(%dma_wait3A_1542 : memref<80x128xf32, #tpu.memory_space<vmem>>) dst(%dma_wait3A_1548 : memref<10240x128xf32, #tpu.memory_space<vmem_shared>>)
        tpu.yield
      }) : () -> ()
      %add3A_1156 = arith.constant 4 : i32
      %add3A_1157 = arith.addi %add3A_1101, %add3A_1156 : i32
      %mul3A_1158 = arith.constant 80 : i32
      %mul3A_1159 = arith.muli %add3A_1157, %mul3A_1158 : i32
      %add3A_1160 = arith.addi %mul3A_2, %mul3A_1159 : i32
      %dma_start3A_1161 = arith.constant 3 : i32
      %dma_start3A_1162 = arith.constant 0 : i32
      %dma_start3A_1163 = tpu.memref_slice %arg5[%dma_start3A_1161, %dma_start3A_1162] : memref<4x80xi32, #tpu.memory_space<vmem>> -> memref<1x80xi32, #tpu.memory_space<vmem>>
      %dma_start3A_1164 = tpu.memref_squeeze %dma_start3A_1163 : memref<1x80xi32, #tpu.memory_space<vmem>> -> memref<80xi32, #tpu.memory_space<vmem>>
      %dma_start3A_1165 = tpu.memref_slice %arg3[%add3A_1160] : memref<640000xi32, #tpu.memory_space<hbm>> -> memref<80xi32, #tpu.memory_space<hbm>>
      %dma_start3A_1166 = arith.constant 0 : i32
      %dma_start3A_1167 = tpu.memref_slice %arg5[%dma_start3A_1161, %dma_start3A_1166] : memref<4x80xi32, #tpu.memory_space<vmem>> -> memref<1x80xi32, #tpu.memory_space<vmem>>
      %dma_start3A_1168 = tpu.memref_squeeze %dma_start3A_1167 : memref<1x80xi32, #tpu.memory_space<vmem>> -> memref<80xi32, #tpu.memory_space<vmem>>
      %dma_start3A_1169 = tpu.memref_slice %arg3[%add3A_1160] : memref<640000xi32, #tpu.memory_space<hbm>> -> memref<80xi32, #tpu.memory_space<hbm>>
      tpu.enqueue_dma source(%dma_start3A_1169 : memref<80xi32, #tpu.memory_space<hbm>>) target(%dma_start3A_1168 : memref<80xi32, #tpu.memory_space<vmem>>) target_semaphore(%arg16 : memref<!tpu.dma_semaphore, #tpu.memory_space<semaphore_mem>>)
      %add3A_1170 = arith.constant 320000 : i32
      %add3A_1171 = arith.addi %add3A_1170, %mul3A_2 : i32
      %mul3A_1172 = arith.constant 80 : i32
      %mul3A_1173 = arith.muli %add3A_1157, %mul3A_1172 : i32
      %add3A_1174 = arith.addi %add3A_1171, %mul3A_1173 : i32
      %dma_start3A_1175 = arith.constant 3 : i32
      %dma_start3A_1176 = arith.constant 0 : i32
      %dma_start3A_1177 = tpu.memref_slice %arg6[%dma_start3A_1175, %dma_start3A_1176] : memref<4x80xi32, #tpu.memory_space<vmem>> -> memref<1x80xi32, #tpu.memory_space<vmem>>
      %dma_start3A_1178 = tpu.memref_squeeze %dma_start3A_1177 : memref<1x80xi32, #tpu.memory_space<vmem>> -> memref<80xi32, #tpu.memory_space<vmem>>
      %dma_start3A_1179 = tpu.memref_slice %arg3[%add3A_1174] : memref<640000xi32, #tpu.memory_space<hbm>> -> memref<80xi32, #tpu.memory_space<hbm>>
      %dma_start3A_1180 = arith.constant 0 : i32
      %dma_start3A_1181 = tpu.memref_slice %arg6[%dma_start3A_1175, %dma_start3A_1180] : memref<4x80xi32, #tpu.memory_space<vmem>> -> memref<1x80xi32, #tpu.memory_space<vmem>>
      %dma_start3A_1182 = tpu.memref_squeeze %dma_start3A_1181 : memref<1x80xi32, #tpu.memory_space<vmem>> -> memref<80xi32, #tpu.memory_space<vmem>>
      %dma_start3A_1183 = tpu.memref_slice %arg3[%add3A_1174] : memref<640000xi32, #tpu.memory_space<hbm>> -> memref<80xi32, #tpu.memory_space<hbm>>
      tpu.enqueue_dma source(%dma_start3A_1183 : memref<80xi32, #tpu.memory_space<hbm>>) target(%dma_start3A_1182 : memref<80xi32, #tpu.memory_space<vmem>>) target_semaphore(%arg16 : memref<!tpu.dma_semaphore, #tpu.memory_space<semaphore_mem>>)
      %mul3A_1184 = arith.constant 12 : i32
      %mul3A_1185 = arith.muli %mul3A_1184, %scan3A_495 : i32
      %add3A_1186 = arith.constant 8 : i32
      %add3A_1187 = arith.addi %mul3A_1185, %add3A_1186 : i32
      %add3A_1188 = arith.constant 2 : i32
      %add3A_1189 = arith.addi %add3A_1187, %add3A_1188 : i32
      %mul3A_1190 = arith.constant 80 : i32
      %mul3A_1191 = arith.muli %add3A_1189, %mul3A_1190 : i32
      %add3A_1192 = arith.addi %mul3A_2, %mul3A_1191 : i32
      %dma_wait3A_1193 = arith.constant 2 : i32
      %dma_wait3A_1194 = arith.constant 0 : i32
      %dma_wait3A_1195 = tpu.memref_slice %arg5[%dma_wait3A_1193, %dma_wait3A_1194] : memref<4x80xi32, #tpu.memory_space<vmem>> -> memref<1x80xi32, #tpu.memory_space<vmem>>
      %dma_wait3A_1196 = tpu.memref_squeeze %dma_wait3A_1195 : memref<1x80xi32, #tpu.memory_space<vmem>> -> memref<80xi32, #tpu.memory_space<vmem>>
      %dma_wait3A_1197 = tpu.memref_slice %arg3[%add3A_1192] : memref<640000xi32, #tpu.memory_space<hbm>> -> memref<80xi32, #tpu.memory_space<hbm>>
      %dma_wait3A_1198 = arith.constant 0 : i32
      %dma_wait3A_1199 = tpu.memref_slice %arg5[%dma_wait3A_1193, %dma_wait3A_1198] : memref<4x80xi32, #tpu.memory_space<vmem>> -> memref<1x80xi32, #tpu.memory_space<vmem>>
      %dma_wait3A_1200 = tpu.memref_squeeze %dma_wait3A_1199 : memref<1x80xi32, #tpu.memory_space<vmem>> -> memref<80xi32, #tpu.memory_space<vmem>>
      %dma_wait3A_1201 = tpu.memref_slice %arg3[%add3A_1192] : memref<640000xi32, #tpu.memory_space<hbm>> -> memref<80xi32, #tpu.memory_space<hbm>>
      tpu.wait_dma2 semaphore(%arg15 : memref<!tpu.dma_semaphore, #tpu.memory_space<semaphore_mem>>) src(%dma_wait3A_1201 : memref<80xi32, #tpu.memory_space<hbm>>) dst(%dma_wait3A_1200 : memref<80xi32, #tpu.memory_space<vmem>>)
      %add3A_1202 = arith.constant 320000 : i32
      %add3A_1203 = arith.addi %add3A_1202, %mul3A_2 : i32
      %mul3A_1204 = arith.constant 80 : i32
      %mul3A_1205 = arith.muli %add3A_1189, %mul3A_1204 : i32
      %add3A_1206 = arith.addi %add3A_1203, %mul3A_1205 : i32
      %dma_wait3A_1207 = arith.constant 2 : i32
      %dma_wait3A_1208 = arith.constant 0 : i32
      %dma_wait3A_1209 = tpu.memref_slice %arg6[%dma_wait3A_1207, %dma_wait3A_1208] : memref<4x80xi32, #tpu.memory_space<vmem>> -> memref<1x80xi32, #tpu.memory_space<vmem>>
      %dma_wait3A_1210 = tpu.memref_squeeze %dma_wait3A_1209 : memref<1x80xi32, #tpu.memory_space<vmem>> -> memref<80xi32, #tpu.memory_space<vmem>>
      %dma_wait3A_1211 = tpu.memref_slice %arg3[%add3A_1206] : memref<640000xi32, #tpu.memory_space<hbm>> -> memref<80xi32, #tpu.memory_space<hbm>>
      %dma_wait3A_1212 = arith.constant 0 : i32
      %dma_wait3A_1213 = tpu.memref_slice %arg6[%dma_wait3A_1207, %dma_wait3A_1212] : memref<4x80xi32, #tpu.memory_space<vmem>> -> memref<1x80xi32, #tpu.memory_space<vmem>>
      %dma_wait3A_1214 = tpu.memref_squeeze %dma_wait3A_1213 : memref<1x80xi32, #tpu.memory_space<vmem>> -> memref<80xi32, #tpu.memory_space<vmem>>
      %dma_wait3A_1215 = tpu.memref_slice %arg3[%add3A_1206] : memref<640000xi32, #tpu.memory_space<hbm>> -> memref<80xi32, #tpu.memory_space<hbm>>
      tpu.wait_dma2 semaphore(%arg15 : memref<!tpu.dma_semaphore, #tpu.memory_space<semaphore_mem>>) src(%dma_wait3A_1215 : memref<80xi32, #tpu.memory_space<hbm>>) dst(%dma_wait3A_1214 : memref<80xi32, #tpu.memory_space<vmem>>)
      %dma_start3A_1216 = arith.constant 2 : i32
      %dma_start3A_1217 = arith.constant 1 : i32
      %dma_start3A_1218 = arith.constant 0 : i32
      %dma_start3A_1219 = arith.constant 0 : i32
      %dma_start3A_1220 = tpu.memref_slice %arg7[%dma_start3A_1217, %dma_start3A_1218, %dma_start3A_1219] : memref<3x80x128xf32, #tpu.memory_space<vmem>> -> memref<1x80x128xf32, #tpu.memory_space<vmem>>
      %dma_start3A_1221 = tpu.memref_squeeze %dma_start3A_1220 : memref<1x80x128xf32, #tpu.memory_space<vmem>> -> memref<80x128xf32, #tpu.memory_space<vmem>>
      %dma_start3A_1222 = arith.constant 0 : i32
      %dma_start3A_1223 = tpu.memref_slice %arg5[%dma_start3A_1216, %dma_start3A_1222] : memref<4x80xi32, #tpu.memory_space<vmem>> -> memref<1x80xi32, #tpu.memory_space<vmem>>
      %dma_start3A_1224 = tpu.memref_squeeze %dma_start3A_1223 : memref<1x80xi32, #tpu.memory_space<vmem>> -> memref<80xi32, #tpu.memory_space<vmem>>
      %dma_start3A_1225 = arith.constant 0 : i32
      %dma_start3A_1226 = arith.constant 0 : i32
      %dma_start3A_1227 = tpu.memref_slice %arg2[%dma_start3A_1225, %dma_start3A_1226] : memref<10000x128xf32, #tpu.memory_space<hbm>> -> memref<10000x128xf32, #tpu.memory_space<hbm>>
      tpu.enqueue_indirect_dma source(%dma_start3A_1227 : memref<10000x128xf32, #tpu.memory_space<hbm>>) target(%dma_start3A_1221 : memref<80x128xf32, #tpu.memory_space<vmem>>) offsets(%dma_start3A_1224 : memref<80xi32, #tpu.memory_space<vmem>>) semaphore(%arg11 : memref<!tpu.dma_semaphore, #tpu.memory_space<semaphore_mem>>)
      %dma_wait3A_1228 = arith.constant 0 : i32
      %dma_wait3A_1229 = arith.constant 2 : i32
      %dma_wait3A_1230 = arith.constant 0 : i32
      %dma_wait3A_1231 = arith.constant 0 : i32
      %dma_wait3A_1232 = tpu.memref_slice %arg7[%dma_wait3A_1229, %dma_wait3A_1230, %dma_wait3A_1231] : memref<3x80x128xf32, #tpu.memory_space<vmem>> -> memref<1x80x128xf32, #tpu.memory_space<vmem>>
      %dma_wait3A_1233 = tpu.memref_squeeze %dma_wait3A_1232 : memref<1x80x128xf32, #tpu.memory_space<vmem>> -> memref<80x128xf32, #tpu.memory_space<vmem>>
      %dma_wait3A_1234 = arith.constant 0 : i32
      %dma_wait3A_1235 = tpu.memref_slice %arg5[%dma_wait3A_1228, %dma_wait3A_1234] : memref<4x80xi32, #tpu.memory_space<vmem>> -> memref<1x80xi32, #tpu.memory_space<vmem>>
      %dma_wait3A_1236 = tpu.memref_squeeze %dma_wait3A_1235 : memref<1x80xi32, #tpu.memory_space<vmem>> -> memref<80xi32, #tpu.memory_space<vmem>>
      %dma_wait3A_1237 = arith.constant 0 : i32
      %dma_wait3A_1238 = arith.constant 0 : i32
      %dma_wait3A_1239 = tpu.memref_slice %arg2[%dma_wait3A_1237, %dma_wait3A_1238] : memref<10000x128xf32, #tpu.memory_space<hbm>> -> memref<10000x128xf32, #tpu.memory_space<hbm>>
      tpu.wait_indirect_dma semaphore(%arg12 : memref<!tpu.dma_semaphore, #tpu.memory_space<semaphore_mem>>) src(%dma_wait3A_1239 : memref<10000x128xf32, #tpu.memory_space<hbm>>) dst(%dma_wait3A_1233 : memref<80x128xf32, #tpu.memory_space<vmem>>)
      %run_scoped3A_1240 = arith.constant 2 : i32
      %run_scoped3A_1241 = arith.constant 0 : i32
      "tpu.region"() ({
        %run_scoped3A_1528 = tpu.sem_alloc : memref<!tpu.dma_semaphore, #tpu.memory_space<semaphore_mem>>
        %dma_start3A_1529 = arith.constant 0 : i32
        %dma_start3A_1530 = arith.constant 0 : i32
        %dma_start3A_1531 = tpu.memref_slice %arg7[%run_scoped3A_1240, %dma_start3A_1529, %dma_start3A_1530] : memref<3x80x128xf32, #tpu.memory_space<vmem>> -> memref<1x80x128xf32, #tpu.memory_space<vmem>>
        %dma_start3A_1532 = tpu.memref_squeeze %dma_start3A_1531 : memref<1x80x128xf32, #tpu.memory_space<vmem>> -> memref<80x128xf32, #tpu.memory_space<vmem>>
        %dma_start3A_1533 = arith.constant 0 : i32
        %dma_start3A_1534 = tpu.memref_slice %arg6[%run_scoped3A_1241, %dma_start3A_1533] : memref<4x80xi32, #tpu.memory_space<vmem>> -> memref<1x80xi32, #tpu.memory_space<vmem>>
        %dma_start3A_1535 = tpu.memref_squeeze %dma_start3A_1534 : memref<1x80xi32, #tpu.memory_space<vmem>> -> memref<80xi32, #tpu.memory_space<vmem>>
        %dma_start3A_1536 = arith.constant 0 : i32
        %dma_start3A_1537 = arith.constant 0 : i32
        %dma_start3A_1538 = tpu.memref_slice %arg9[%dma_start3A_1536, %dma_start3A_1537] : memref<10240x128xf32, #tpu.memory_space<vmem_shared>> -> memref<10240x128xf32, #tpu.memory_space<vmem_shared>>
        tpu.enqueue_indirect_dma source(%dma_start3A_1532 : memref<80x128xf32, #tpu.memory_space<vmem>>) target(%dma_start3A_1538 : memref<10240x128xf32, #tpu.memory_space<vmem_shared>>) offsets(%dma_start3A_1535 : memref<80xi32, #tpu.memory_space<vmem>>) semaphore(%run_scoped3A_1528 : memref<!tpu.dma_semaphore, #tpu.memory_space<semaphore_mem>>) {add = true}
        %dma_wait3A_1539 = arith.constant 0 : i32
        %dma_wait3A_1540 = arith.constant 0 : i32
        %dma_wait3A_1541 = tpu.memref_slice %arg7[%run_scoped3A_1240, %dma_wait3A_1539, %dma_wait3A_1540] : memref<3x80x128xf32, #tpu.memory_space<vmem>> -> memref<1x80x128xf32, #tpu.memory_space<vmem>>
        %dma_wait3A_1542 = tpu.memref_squeeze %dma_wait3A_1541 : memref<1x80x128xf32, #tpu.memory_space<vmem>> -> memref<80x128xf32, #tpu.memory_space<vmem>>
        %dma_wait3A_1543 = arith.constant 0 : i32
        %dma_wait3A_1544 = tpu.memref_slice %arg6[%run_scoped3A_1241, %dma_wait3A_1543] : memref<4x80xi32, #tpu.memory_space<vmem>> -> memref<1x80xi32, #tpu.memory_space<vmem>>
        %dma_wait3A_1545 = tpu.memref_squeeze %dma_wait3A_1544 : memref<1x80xi32, #tpu.memory_space<vmem>> -> memref<80xi32, #tpu.memory_space<vmem>>
        %dma_wait3A_1546 = arith.constant 0 : i32
        %dma_wait3A_1547 = arith.constant 0 : i32
        %dma_wait3A_1548 = tpu.memref_slice %arg9[%dma_wait3A_1546, %dma_wait3A_1547] : memref<10240x128xf32, #tpu.memory_space<vmem_shared>> -> memref<10240x128xf32, #tpu.memory_space<vmem_shared>>
        tpu.wait_indirect_dma semaphore(%run_scoped3A_1528 : memref<!tpu.dma_semaphore, #tpu.memory_space<semaphore_mem>>) src(%dma_wait3A_1542 : memref<80x128xf32, #tpu.memory_space<vmem>>) dst(%dma_wait3A_1548 : memref<10240x128xf32, #tpu.memory_space<vmem_shared>>)
        tpu.yield
      }) : () -> ()
      %add3A_1242 = arith.constant 4 : i32
      %add3A_1243 = arith.addi %add3A_1187, %add3A_1242 : i32
      %mul3A_1244 = arith.constant 80 : i32
      %mul3A_1245 = arith.muli %add3A_1243, %mul3A_1244 : i32
      %add3A_1246 = arith.addi %mul3A_2, %mul3A_1245 : i32
      %dma_start3A_1247 = arith.constant 0 : i32
      %dma_start3A_1248 = arith.constant 0 : i32
      %dma_start3A_1249 = tpu.memref_slice %arg5[%dma_start3A_1247, %dma_start3A_1248] : memref<4x80xi32, #tpu.memory_space<vmem>> -> memref<1x80xi32, #tpu.memory_space<vmem>>
      %dma_start3A_1250 = tpu.memref_squeeze %dma_start3A_1249 : memref<1x80xi32, #tpu.memory_space<vmem>> -> memref<80xi32, #tpu.memory_space<vmem>>
      %dma_start3A_1251 = tpu.memref_slice %arg3[%add3A_1246] : memref<640000xi32, #tpu.memory_space<hbm>> -> memref<80xi32, #tpu.memory_space<hbm>>
      %dma_start3A_1252 = arith.constant 0 : i32
      %dma_start3A_1253 = tpu.memref_slice %arg5[%dma_start3A_1247, %dma_start3A_1252] : memref<4x80xi32, #tpu.memory_space<vmem>> -> memref<1x80xi32, #tpu.memory_space<vmem>>
      %dma_start3A_1254 = tpu.memref_squeeze %dma_start3A_1253 : memref<1x80xi32, #tpu.memory_space<vmem>> -> memref<80xi32, #tpu.memory_space<vmem>>
      %dma_start3A_1255 = tpu.memref_slice %arg3[%add3A_1246] : memref<640000xi32, #tpu.memory_space<hbm>> -> memref<80xi32, #tpu.memory_space<hbm>>
      tpu.enqueue_dma source(%dma_start3A_1255 : memref<80xi32, #tpu.memory_space<hbm>>) target(%dma_start3A_1254 : memref<80xi32, #tpu.memory_space<vmem>>) target_semaphore(%arg13 : memref<!tpu.dma_semaphore, #tpu.memory_space<semaphore_mem>>)
      %add3A_1256 = arith.constant 320000 : i32
      %add3A_1257 = arith.addi %add3A_1256, %mul3A_2 : i32
      %mul3A_1258 = arith.constant 80 : i32
      %mul3A_1259 = arith.muli %add3A_1243, %mul3A_1258 : i32
      %add3A_1260 = arith.addi %add3A_1257, %mul3A_1259 : i32
      %dma_start3A_1261 = arith.constant 0 : i32
      %dma_start3A_1262 = arith.constant 0 : i32
      %dma_start3A_1263 = tpu.memref_slice %arg6[%dma_start3A_1261, %dma_start3A_1262] : memref<4x80xi32, #tpu.memory_space<vmem>> -> memref<1x80xi32, #tpu.memory_space<vmem>>
      %dma_start3A_1264 = tpu.memref_squeeze %dma_start3A_1263 : memref<1x80xi32, #tpu.memory_space<vmem>> -> memref<80xi32, #tpu.memory_space<vmem>>
      %dma_start3A_1265 = tpu.memref_slice %arg3[%add3A_1260] : memref<640000xi32, #tpu.memory_space<hbm>> -> memref<80xi32, #tpu.memory_space<hbm>>
      %dma_start3A_1266 = arith.constant 0 : i32
      %dma_start3A_1267 = tpu.memref_slice %arg6[%dma_start3A_1261, %dma_start3A_1266] : memref<4x80xi32, #tpu.memory_space<vmem>> -> memref<1x80xi32, #tpu.memory_space<vmem>>
      %dma_start3A_1268 = tpu.memref_squeeze %dma_start3A_1267 : memref<1x80xi32, #tpu.memory_space<vmem>> -> memref<80xi32, #tpu.memory_space<vmem>>
      %dma_start3A_1269 = tpu.memref_slice %arg3[%add3A_1260] : memref<640000xi32, #tpu.memory_space<hbm>> -> memref<80xi32, #tpu.memory_space<hbm>>
      tpu.enqueue_dma source(%dma_start3A_1269 : memref<80xi32, #tpu.memory_space<hbm>>) target(%dma_start3A_1268 : memref<80xi32, #tpu.memory_space<vmem>>) target_semaphore(%arg13 : memref<!tpu.dma_semaphore, #tpu.memory_space<semaphore_mem>>)
      %mul3A_1270 = arith.constant 12 : i32
      %mul3A_1271 = arith.muli %mul3A_1270, %scan3A_495 : i32
      %add3A_1272 = arith.constant 9 : i32
      %add3A_1273 = arith.addi %mul3A_1271, %add3A_1272 : i32
      %add3A_1274 = arith.constant 2 : i32
      %add3A_1275 = arith.addi %add3A_1273, %add3A_1274 : i32
      %mul3A_1276 = arith.constant 80 : i32
      %mul3A_1277 = arith.muli %add3A_1275, %mul3A_1276 : i32
      %add3A_1278 = arith.addi %mul3A_2, %mul3A_1277 : i32
      %dma_wait3A_1279 = arith.constant 3 : i32
      %dma_wait3A_1280 = arith.constant 0 : i32
      %dma_wait3A_1281 = tpu.memref_slice %arg5[%dma_wait3A_1279, %dma_wait3A_1280] : memref<4x80xi32, #tpu.memory_space<vmem>> -> memref<1x80xi32, #tpu.memory_space<vmem>>
      %dma_wait3A_1282 = tpu.memref_squeeze %dma_wait3A_1281 : memref<1x80xi32, #tpu.memory_space<vmem>> -> memref<80xi32, #tpu.memory_space<vmem>>
      %dma_wait3A_1283 = tpu.memref_slice %arg3[%add3A_1278] : memref<640000xi32, #tpu.memory_space<hbm>> -> memref<80xi32, #tpu.memory_space<hbm>>
      %dma_wait3A_1284 = arith.constant 0 : i32
      %dma_wait3A_1285 = tpu.memref_slice %arg5[%dma_wait3A_1279, %dma_wait3A_1284] : memref<4x80xi32, #tpu.memory_space<vmem>> -> memref<1x80xi32, #tpu.memory_space<vmem>>
      %dma_wait3A_1286 = tpu.memref_squeeze %dma_wait3A_1285 : memref<1x80xi32, #tpu.memory_space<vmem>> -> memref<80xi32, #tpu.memory_space<vmem>>
      %dma_wait3A_1287 = tpu.memref_slice %arg3[%add3A_1278] : memref<640000xi32, #tpu.memory_space<hbm>> -> memref<80xi32, #tpu.memory_space<hbm>>
      tpu.wait_dma2 semaphore(%arg16 : memref<!tpu.dma_semaphore, #tpu.memory_space<semaphore_mem>>) src(%dma_wait3A_1287 : memref<80xi32, #tpu.memory_space<hbm>>) dst(%dma_wait3A_1286 : memref<80xi32, #tpu.memory_space<vmem>>)
      %add3A_1288 = arith.constant 320000 : i32
      %add3A_1289 = arith.addi %add3A_1288, %mul3A_2 : i32
      %mul3A_1290 = arith.constant 80 : i32
      %mul3A_1291 = arith.muli %add3A_1275, %mul3A_1290 : i32
      %add3A_1292 = arith.addi %add3A_1289, %mul3A_1291 : i32
      %dma_wait3A_1293 = arith.constant 3 : i32
      %dma_wait3A_1294 = arith.constant 0 : i32
      %dma_wait3A_1295 = tpu.memref_slice %arg6[%dma_wait3A_1293, %dma_wait3A_1294] : memref<4x80xi32, #tpu.memory_space<vmem>> -> memref<1x80xi32, #tpu.memory_space<vmem>>
      %dma_wait3A_1296 = tpu.memref_squeeze %dma_wait3A_1295 : memref<1x80xi32, #tpu.memory_space<vmem>> -> memref<80xi32, #tpu.memory_space<vmem>>
      %dma_wait3A_1297 = tpu.memref_slice %arg3[%add3A_1292] : memref<640000xi32, #tpu.memory_space<hbm>> -> memref<80xi32, #tpu.memory_space<hbm>>
      %dma_wait3A_1298 = arith.constant 0 : i32
      %dma_wait3A_1299 = tpu.memref_slice %arg6[%dma_wait3A_1293, %dma_wait3A_1298] : memref<4x80xi32, #tpu.memory_space<vmem>> -> memref<1x80xi32, #tpu.memory_space<vmem>>
      %dma_wait3A_1300 = tpu.memref_squeeze %dma_wait3A_1299 : memref<1x80xi32, #tpu.memory_space<vmem>> -> memref<80xi32, #tpu.memory_space<vmem>>
      %dma_wait3A_1301 = tpu.memref_slice %arg3[%add3A_1292] : memref<640000xi32, #tpu.memory_space<hbm>> -> memref<80xi32, #tpu.memory_space<hbm>>
      tpu.wait_dma2 semaphore(%arg16 : memref<!tpu.dma_semaphore, #tpu.memory_space<semaphore_mem>>) src(%dma_wait3A_1301 : memref<80xi32, #tpu.memory_space<hbm>>) dst(%dma_wait3A_1300 : memref<80xi32, #tpu.memory_space<vmem>>)
      %dma_start3A_1302 = arith.constant 3 : i32
      %dma_start3A_1303 = arith.constant 2 : i32
      %dma_start3A_1304 = arith.constant 0 : i32
      %dma_start3A_1305 = arith.constant 0 : i32
      %dma_start3A_1306 = tpu.memref_slice %arg7[%dma_start3A_1303, %dma_start3A_1304, %dma_start3A_1305] : memref<3x80x128xf32, #tpu.memory_space<vmem>> -> memref<1x80x128xf32, #tpu.memory_space<vmem>>
      %dma_start3A_1307 = tpu.memref_squeeze %dma_start3A_1306 : memref<1x80x128xf32, #tpu.memory_space<vmem>> -> memref<80x128xf32, #tpu.memory_space<vmem>>
      %dma_start3A_1308 = arith.constant 0 : i32
      %dma_start3A_1309 = tpu.memref_slice %arg5[%dma_start3A_1302, %dma_start3A_1308] : memref<4x80xi32, #tpu.memory_space<vmem>> -> memref<1x80xi32, #tpu.memory_space<vmem>>
      %dma_start3A_1310 = tpu.memref_squeeze %dma_start3A_1309 : memref<1x80xi32, #tpu.memory_space<vmem>> -> memref<80xi32, #tpu.memory_space<vmem>>
      %dma_start3A_1311 = arith.constant 0 : i32
      %dma_start3A_1312 = arith.constant 0 : i32
      %dma_start3A_1313 = tpu.memref_slice %arg2[%dma_start3A_1311, %dma_start3A_1312] : memref<10000x128xf32, #tpu.memory_space<hbm>> -> memref<10000x128xf32, #tpu.memory_space<hbm>>
      tpu.enqueue_indirect_dma source(%dma_start3A_1313 : memref<10000x128xf32, #tpu.memory_space<hbm>>) target(%dma_start3A_1307 : memref<80x128xf32, #tpu.memory_space<vmem>>) offsets(%dma_start3A_1310 : memref<80xi32, #tpu.memory_space<vmem>>) semaphore(%arg12 : memref<!tpu.dma_semaphore, #tpu.memory_space<semaphore_mem>>)
      %dma_wait3A_1314 = arith.constant 1 : i32
      %dma_wait3A_1315 = arith.constant 0 : i32
      %dma_wait3A_1316 = arith.constant 0 : i32
      %dma_wait3A_1317 = arith.constant 0 : i32
      %dma_wait3A_1318 = tpu.memref_slice %arg7[%dma_wait3A_1315, %dma_wait3A_1316, %dma_wait3A_1317] : memref<3x80x128xf32, #tpu.memory_space<vmem>> -> memref<1x80x128xf32, #tpu.memory_space<vmem>>
      %dma_wait3A_1319 = tpu.memref_squeeze %dma_wait3A_1318 : memref<1x80x128xf32, #tpu.memory_space<vmem>> -> memref<80x128xf32, #tpu.memory_space<vmem>>
      %dma_wait3A_1320 = arith.constant 0 : i32
      %dma_wait3A_1321 = tpu.memref_slice %arg5[%dma_wait3A_1314, %dma_wait3A_1320] : memref<4x80xi32, #tpu.memory_space<vmem>> -> memref<1x80xi32, #tpu.memory_space<vmem>>
      %dma_wait3A_1322 = tpu.memref_squeeze %dma_wait3A_1321 : memref<1x80xi32, #tpu.memory_space<vmem>> -> memref<80xi32, #tpu.memory_space<vmem>>
      %dma_wait3A_1323 = arith.constant 0 : i32
      %dma_wait3A_1324 = arith.constant 0 : i32
      %dma_wait3A_1325 = tpu.memref_slice %arg2[%dma_wait3A_1323, %dma_wait3A_1324] : memref<10000x128xf32, #tpu.memory_space<hbm>> -> memref<10000x128xf32, #tpu.memory_space<hbm>>
      tpu.wait_indirect_dma semaphore(%arg10 : memref<!tpu.dma_semaphore, #tpu.memory_space<semaphore_mem>>) src(%dma_wait3A_1325 : memref<10000x128xf32, #tpu.memory_space<hbm>>) dst(%dma_wait3A_1319 : memref<80x128xf32, #tpu.memory_space<vmem>>)
      %run_scoped3A_1326 = arith.constant 0 : i32
      %run_scoped3A_1327 = arith.constant 1 : i32
      "tpu.region"() ({
        %run_scoped3A_1528 = tpu.sem_alloc : memref<!tpu.dma_semaphore, #tpu.memory_space<semaphore_mem>>
        %dma_start3A_1529 = arith.constant 0 : i32
        %dma_start3A_1530 = arith.constant 0 : i32
        %dma_start3A_1531 = tpu.memref_slice %arg7[%run_scoped3A_1326, %dma_start3A_1529, %dma_start3A_1530] : memref<3x80x128xf32, #tpu.memory_space<vmem>> -> memref<1x80x128xf32, #tpu.memory_space<vmem>>
        %dma_start3A_1532 = tpu.memref_squeeze %dma_start3A_1531 : memref<1x80x128xf32, #tpu.memory_space<vmem>> -> memref<80x128xf32, #tpu.memory_space<vmem>>
        %dma_start3A_1533 = arith.constant 0 : i32
        %dma_start3A_1534 = tpu.memref_slice %arg6[%run_scoped3A_1327, %dma_start3A_1533] : memref<4x80xi32, #tpu.memory_space<vmem>> -> memref<1x80xi32, #tpu.memory_space<vmem>>
        %dma_start3A_1535 = tpu.memref_squeeze %dma_start3A_1534 : memref<1x80xi32, #tpu.memory_space<vmem>> -> memref<80xi32, #tpu.memory_space<vmem>>
        %dma_start3A_1536 = arith.constant 0 : i32
        %dma_start3A_1537 = arith.constant 0 : i32
        %dma_start3A_1538 = tpu.memref_slice %arg9[%dma_start3A_1536, %dma_start3A_1537] : memref<10240x128xf32, #tpu.memory_space<vmem_shared>> -> memref<10240x128xf32, #tpu.memory_space<vmem_shared>>
        tpu.enqueue_indirect_dma source(%dma_start3A_1532 : memref<80x128xf32, #tpu.memory_space<vmem>>) target(%dma_start3A_1538 : memref<10240x128xf32, #tpu.memory_space<vmem_shared>>) offsets(%dma_start3A_1535 : memref<80xi32, #tpu.memory_space<vmem>>) semaphore(%run_scoped3A_1528 : memref<!tpu.dma_semaphore, #tpu.memory_space<semaphore_mem>>) {add = true}
        %dma_wait3A_1539 = arith.constant 0 : i32
        %dma_wait3A_1540 = arith.constant 0 : i32
        %dma_wait3A_1541 = tpu.memref_slice %arg7[%run_scoped3A_1326, %dma_wait3A_1539, %dma_wait3A_1540] : memref<3x80x128xf32, #tpu.memory_space<vmem>> -> memref<1x80x128xf32, #tpu.memory_space<vmem>>
        %dma_wait3A_1542 = tpu.memref_squeeze %dma_wait3A_1541 : memref<1x80x128xf32, #tpu.memory_space<vmem>> -> memref<80x128xf32, #tpu.memory_space<vmem>>
        %dma_wait3A_1543 = arith.constant 0 : i32
        %dma_wait3A_1544 = tpu.memref_slice %arg6[%run_scoped3A_1327, %dma_wait3A_1543] : memref<4x80xi32, #tpu.memory_space<vmem>> -> memref<1x80xi32, #tpu.memory_space<vmem>>
        %dma_wait3A_1545 = tpu.memref_squeeze %dma_wait3A_1544 : memref<1x80xi32, #tpu.memory_space<vmem>> -> memref<80xi32, #tpu.memory_space<vmem>>
        %dma_wait3A_1546 = arith.constant 0 : i32
        %dma_wait3A_1547 = arith.constant 0 : i32
        %dma_wait3A_1548 = tpu.memref_slice %arg9[%dma_wait3A_1546, %dma_wait3A_1547] : memref<10240x128xf32, #tpu.memory_space<vmem_shared>> -> memref<10240x128xf32, #tpu.memory_space<vmem_shared>>
        tpu.wait_indirect_dma semaphore(%run_scoped3A_1528 : memref<!tpu.dma_semaphore, #tpu.memory_space<semaphore_mem>>) src(%dma_wait3A_1542 : memref<80x128xf32, #tpu.memory_space<vmem>>) dst(%dma_wait3A_1548 : memref<10240x128xf32, #tpu.memory_space<vmem_shared>>)
        tpu.yield
      }) : () -> ()
      %add3A_1328 = arith.constant 4 : i32
      %add3A_1329 = arith.addi %add3A_1273, %add3A_1328 : i32
      %mul3A_1330 = arith.constant 80 : i32
      %mul3A_1331 = arith.muli %add3A_1329, %mul3A_1330 : i32
      %add3A_1332 = arith.addi %mul3A_2, %mul3A_1331 : i32
      %dma_start3A_1333 = arith.constant 1 : i32
      %dma_start3A_1334 = arith.constant 0 : i32
      %dma_start3A_1335 = tpu.memref_slice %arg5[%dma_start3A_1333, %dma_start3A_1334] : memref<4x80xi32, #tpu.memory_space<vmem>> -> memref<1x80xi32, #tpu.memory_space<vmem>>
      %dma_start3A_1336 = tpu.memref_squeeze %dma_start3A_1335 : memref<1x80xi32, #tpu.memory_space<vmem>> -> memref<80xi32, #tpu.memory_space<vmem>>
      %dma_start3A_1337 = tpu.memref_slice %arg3[%add3A_1332] : memref<640000xi32, #tpu.memory_space<hbm>> -> memref<80xi32, #tpu.memory_space<hbm>>
      %dma_start3A_1338 = arith.constant 0 : i32
      %dma_start3A_1339 = tpu.memref_slice %arg5[%dma_start3A_1333, %dma_start3A_1338] : memref<4x80xi32, #tpu.memory_space<vmem>> -> memref<1x80xi32, #tpu.memory_space<vmem>>
      %dma_start3A_1340 = tpu.memref_squeeze %dma_start3A_1339 : memref<1x80xi32, #tpu.memory_space<vmem>> -> memref<80xi32, #tpu.memory_space<vmem>>
      %dma_start3A_1341 = tpu.memref_slice %arg3[%add3A_1332] : memref<640000xi32, #tpu.memory_space<hbm>> -> memref<80xi32, #tpu.memory_space<hbm>>
      tpu.enqueue_dma source(%dma_start3A_1341 : memref<80xi32, #tpu.memory_space<hbm>>) target(%dma_start3A_1340 : memref<80xi32, #tpu.memory_space<vmem>>) target_semaphore(%arg14 : memref<!tpu.dma_semaphore, #tpu.memory_space<semaphore_mem>>)
      %add3A_1342 = arith.constant 320000 : i32
      %add3A_1343 = arith.addi %add3A_1342, %mul3A_2 : i32
      %mul3A_1344 = arith.constant 80 : i32
      %mul3A_1345 = arith.muli %add3A_1329, %mul3A_1344 : i32
      %add3A_1346 = arith.addi %add3A_1343, %mul3A_1345 : i32
      %dma_start3A_1347 = arith.constant 1 : i32
      %dma_start3A_1348 = arith.constant 0 : i32
      %dma_start3A_1349 = tpu.memref_slice %arg6[%dma_start3A_1347, %dma_start3A_1348] : memref<4x80xi32, #tpu.memory_space<vmem>> -> memref<1x80xi32, #tpu.memory_space<vmem>>
      %dma_start3A_1350 = tpu.memref_squeeze %dma_start3A_1349 : memref<1x80xi32, #tpu.memory_space<vmem>> -> memref<80xi32, #tpu.memory_space<vmem>>
      %dma_start3A_1351 = tpu.memref_slice %arg3[%add3A_1346] : memref<640000xi32, #tpu.memory_space<hbm>> -> memref<80xi32, #tpu.memory_space<hbm>>
      %dma_start3A_1352 = arith.constant 0 : i32
      %dma_start3A_1353 = tpu.memref_slice %arg6[%dma_start3A_1347, %dma_start3A_1352] : memref<4x80xi32, #tpu.memory_space<vmem>> -> memref<1x80xi32, #tpu.memory_space<vmem>>
      %dma_start3A_1354 = tpu.memref_squeeze %dma_start3A_1353 : memref<1x80xi32, #tpu.memory_space<vmem>> -> memref<80xi32, #tpu.memory_space<vmem>>
      %dma_start3A_1355 = tpu.memref_slice %arg3[%add3A_1346] : memref<640000xi32, #tpu.memory_space<hbm>> -> memref<80xi32, #tpu.memory_space<hbm>>
      tpu.enqueue_dma source(%dma_start3A_1355 : memref<80xi32, #tpu.memory_space<hbm>>) target(%dma_start3A_1354 : memref<80xi32, #tpu.memory_space<vmem>>) target_semaphore(%arg14 : memref<!tpu.dma_semaphore, #tpu.memory_space<semaphore_mem>>)
      %mul3A_1356 = arith.constant 12 : i32
      %mul3A_1357 = arith.muli %mul3A_1356, %scan3A_495 : i32
      %add3A_1358 = arith.constant 10 : i32
      %add3A_1359 = arith.addi %mul3A_1357, %add3A_1358 : i32
      %add3A_1360 = arith.constant 2 : i32
      %add3A_1361 = arith.addi %add3A_1359, %add3A_1360 : i32
      %mul3A_1362 = arith.constant 80 : i32
      %mul3A_1363 = arith.muli %add3A_1361, %mul3A_1362 : i32
      %add3A_1364 = arith.addi %mul3A_2, %mul3A_1363 : i32
      %dma_wait3A_1365 = arith.constant 0 : i32
      %dma_wait3A_1366 = arith.constant 0 : i32
      %dma_wait3A_1367 = tpu.memref_slice %arg5[%dma_wait3A_1365, %dma_wait3A_1366] : memref<4x80xi32, #tpu.memory_space<vmem>> -> memref<1x80xi32, #tpu.memory_space<vmem>>
      %dma_wait3A_1368 = tpu.memref_squeeze %dma_wait3A_1367 : memref<1x80xi32, #tpu.memory_space<vmem>> -> memref<80xi32, #tpu.memory_space<vmem>>
      %dma_wait3A_1369 = tpu.memref_slice %arg3[%add3A_1364] : memref<640000xi32, #tpu.memory_space<hbm>> -> memref<80xi32, #tpu.memory_space<hbm>>
      %dma_wait3A_1370 = arith.constant 0 : i32
      %dma_wait3A_1371 = tpu.memref_slice %arg5[%dma_wait3A_1365, %dma_wait3A_1370] : memref<4x80xi32, #tpu.memory_space<vmem>> -> memref<1x80xi32, #tpu.memory_space<vmem>>
      %dma_wait3A_1372 = tpu.memref_squeeze %dma_wait3A_1371 : memref<1x80xi32, #tpu.memory_space<vmem>> -> memref<80xi32, #tpu.memory_space<vmem>>
      %dma_wait3A_1373 = tpu.memref_slice %arg3[%add3A_1364] : memref<640000xi32, #tpu.memory_space<hbm>> -> memref<80xi32, #tpu.memory_space<hbm>>
      tpu.wait_dma2 semaphore(%arg13 : memref<!tpu.dma_semaphore, #tpu.memory_space<semaphore_mem>>) src(%dma_wait3A_1373 : memref<80xi32, #tpu.memory_space<hbm>>) dst(%dma_wait3A_1372 : memref<80xi32, #tpu.memory_space<vmem>>)
      %add3A_1374 = arith.constant 320000 : i32
      %add3A_1375 = arith.addi %add3A_1374, %mul3A_2 : i32
      %mul3A_1376 = arith.constant 80 : i32
      %mul3A_1377 = arith.muli %add3A_1361, %mul3A_1376 : i32
      %add3A_1378 = arith.addi %add3A_1375, %mul3A_1377 : i32
      %dma_wait3A_1379 = arith.constant 0 : i32
      %dma_wait3A_1380 = arith.constant 0 : i32
      %dma_wait3A_1381 = tpu.memref_slice %arg6[%dma_wait3A_1379, %dma_wait3A_1380] : memref<4x80xi32, #tpu.memory_space<vmem>> -> memref<1x80xi32, #tpu.memory_space<vmem>>
      %dma_wait3A_1382 = tpu.memref_squeeze %dma_wait3A_1381 : memref<1x80xi32, #tpu.memory_space<vmem>> -> memref<80xi32, #tpu.memory_space<vmem>>
      %dma_wait3A_1383 = tpu.memref_slice %arg3[%add3A_1378] : memref<640000xi32, #tpu.memory_space<hbm>> -> memref<80xi32, #tpu.memory_space<hbm>>
      %dma_wait3A_1384 = arith.constant 0 : i32
      %dma_wait3A_1385 = tpu.memref_slice %arg6[%dma_wait3A_1379, %dma_wait3A_1384] : memref<4x80xi32, #tpu.memory_space<vmem>> -> memref<1x80xi32, #tpu.memory_space<vmem>>
      %dma_wait3A_1386 = tpu.memref_squeeze %dma_wait3A_1385 : memref<1x80xi32, #tpu.memory_space<vmem>> -> memref<80xi32, #tpu.memory_space<vmem>>
      %dma_wait3A_1387 = tpu.memref_slice %arg3[%add3A_1378] : memref<640000xi32, #tpu.memory_space<hbm>> -> memref<80xi32, #tpu.memory_space<hbm>>
      tpu.wait_dma2 semaphore(%arg13 : memref<!tpu.dma_semaphore, #tpu.memory_space<semaphore_mem>>) src(%dma_wait3A_1387 : memref<80xi32, #tpu.memory_space<hbm>>) dst(%dma_wait3A_1386 : memref<80xi32, #tpu.memory_space<vmem>>)
      %dma_start3A_1388 = arith.constant 0 : i32
      %dma_start3A_1389 = arith.constant 0 : i32
      %dma_start3A_1390 = arith.constant 0 : i32
      %dma_start3A_1391 = arith.constant 0 : i32
      %dma_start3A_1392 = tpu.memref_slice %arg7[%dma_start3A_1389, %dma_start3A_1390, %dma_start3A_1391] : memref<3x80x128xf32, #tpu.memory_space<vmem>> -> memref<1x80x128xf32, #tpu.memory_space<vmem>>
      %dma_start3A_1393 = tpu.memref_squeeze %dma_start3A_1392 : memref<1x80x128xf32, #tpu.memory_space<vmem>> -> memref<80x128xf32, #tpu.memory_space<vmem>>
      %dma_start3A_1394 = arith.constant 0 : i32
      %dma_start3A_1395 = tpu.memref_slice %arg5[%dma_start3A_1388, %dma_start3A_1394] : memref<4x80xi32, #tpu.memory_space<vmem>> -> memref<1x80xi32, #tpu.memory_space<vmem>>
      %dma_start3A_1396 = tpu.memref_squeeze %dma_start3A_1395 : memref<1x80xi32, #tpu.memory_space<vmem>> -> memref<80xi32, #tpu.memory_space<vmem>>
      %dma_start3A_1397 = arith.constant 0 : i32
      %dma_start3A_1398 = arith.constant 0 : i32
      %dma_start3A_1399 = tpu.memref_slice %arg2[%dma_start3A_1397, %dma_start3A_1398] : memref<10000x128xf32, #tpu.memory_space<hbm>> -> memref<10000x128xf32, #tpu.memory_space<hbm>>
      tpu.enqueue_indirect_dma source(%dma_start3A_1399 : memref<10000x128xf32, #tpu.memory_space<hbm>>) target(%dma_start3A_1393 : memref<80x128xf32, #tpu.memory_space<vmem>>) offsets(%dma_start3A_1396 : memref<80xi32, #tpu.memory_space<vmem>>) semaphore(%arg10 : memref<!tpu.dma_semaphore, #tpu.memory_space<semaphore_mem>>)
      %dma_wait3A_1400 = arith.constant 2 : i32
      %dma_wait3A_1401 = arith.constant 1 : i32
      %dma_wait3A_1402 = arith.constant 0 : i32
      %dma_wait3A_1403 = arith.constant 0 : i32
      %dma_wait3A_1404 = tpu.memref_slice %arg7[%dma_wait3A_1401, %dma_wait3A_1402, %dma_wait3A_1403] : memref<3x80x128xf32, #tpu.memory_space<vmem>> -> memref<1x80x128xf32, #tpu.memory_space<vmem>>
      %dma_wait3A_1405 = tpu.memref_squeeze %dma_wait3A_1404 : memref<1x80x128xf32, #tpu.memory_space<vmem>> -> memref<80x128xf32, #tpu.memory_space<vmem>>
      %dma_wait3A_1406 = arith.constant 0 : i32
      %dma_wait3A_1407 = tpu.memref_slice %arg5[%dma_wait3A_1400, %dma_wait3A_1406] : memref<4x80xi32, #tpu.memory_space<vmem>> -> memref<1x80xi32, #tpu.memory_space<vmem>>
      %dma_wait3A_1408 = tpu.memref_squeeze %dma_wait3A_1407 : memref<1x80xi32, #tpu.memory_space<vmem>> -> memref<80xi32, #tpu.memory_space<vmem>>
      %dma_wait3A_1409 = arith.constant 0 : i32
      %dma_wait3A_1410 = arith.constant 0 : i32
      %dma_wait3A_1411 = tpu.memref_slice %arg2[%dma_wait3A_1409, %dma_wait3A_1410] : memref<10000x128xf32, #tpu.memory_space<hbm>> -> memref<10000x128xf32, #tpu.memory_space<hbm>>
      tpu.wait_indirect_dma semaphore(%arg11 : memref<!tpu.dma_semaphore, #tpu.memory_space<semaphore_mem>>) src(%dma_wait3A_1411 : memref<10000x128xf32, #tpu.memory_space<hbm>>) dst(%dma_wait3A_1405 : memref<80x128xf32, #tpu.memory_space<vmem>>)
      %run_scoped3A_1412 = arith.constant 1 : i32
      %run_scoped3A_1413 = arith.constant 2 : i32
      "tpu.region"() ({
        %run_scoped3A_1528 = tpu.sem_alloc : memref<!tpu.dma_semaphore, #tpu.memory_space<semaphore_mem>>
        %dma_start3A_1529 = arith.constant 0 : i32
        %dma_start3A_1530 = arith.constant 0 : i32
        %dma_start3A_1531 = tpu.memref_slice %arg7[%run_scoped3A_1412, %dma_start3A_1529, %dma_start3A_1530] : memref<3x80x128xf32, #tpu.memory_space<vmem>> -> memref<1x80x128xf32, #tpu.memory_space<vmem>>
        %dma_start3A_1532 = tpu.memref_squeeze %dma_start3A_1531 : memref<1x80x128xf32, #tpu.memory_space<vmem>> -> memref<80x128xf32, #tpu.memory_space<vmem>>
        %dma_start3A_1533 = arith.constant 0 : i32
        %dma_start3A_1534 = tpu.memref_slice %arg6[%run_scoped3A_1413, %dma_start3A_1533] : memref<4x80xi32, #tpu.memory_space<vmem>> -> memref<1x80xi32, #tpu.memory_space<vmem>>
        %dma_start3A_1535 = tpu.memref_squeeze %dma_start3A_1534 : memref<1x80xi32, #tpu.memory_space<vmem>> -> memref<80xi32, #tpu.memory_space<vmem>>
        %dma_start3A_1536 = arith.constant 0 : i32
        %dma_start3A_1537 = arith.constant 0 : i32
        %dma_start3A_1538 = tpu.memref_slice %arg9[%dma_start3A_1536, %dma_start3A_1537] : memref<10240x128xf32, #tpu.memory_space<vmem_shared>> -> memref<10240x128xf32, #tpu.memory_space<vmem_shared>>
        tpu.enqueue_indirect_dma source(%dma_start3A_1532 : memref<80x128xf32, #tpu.memory_space<vmem>>) target(%dma_start3A_1538 : memref<10240x128xf32, #tpu.memory_space<vmem_shared>>) offsets(%dma_start3A_1535 : memref<80xi32, #tpu.memory_space<vmem>>) semaphore(%run_scoped3A_1528 : memref<!tpu.dma_semaphore, #tpu.memory_space<semaphore_mem>>) {add = true}
        %dma_wait3A_1539 = arith.constant 0 : i32
        %dma_wait3A_1540 = arith.constant 0 : i32
        %dma_wait3A_1541 = tpu.memref_slice %arg7[%run_scoped3A_1412, %dma_wait3A_1539, %dma_wait3A_1540] : memref<3x80x128xf32, #tpu.memory_space<vmem>> -> memref<1x80x128xf32, #tpu.memory_space<vmem>>
        %dma_wait3A_1542 = tpu.memref_squeeze %dma_wait3A_1541 : memref<1x80x128xf32, #tpu.memory_space<vmem>> -> memref<80x128xf32, #tpu.memory_space<vmem>>
        %dma_wait3A_1543 = arith.constant 0 : i32
        %dma_wait3A_1544 = tpu.memref_slice %arg6[%run_scoped3A_1413, %dma_wait3A_1543] : memref<4x80xi32, #tpu.memory_space<vmem>> -> memref<1x80xi32, #tpu.memory_space<vmem>>
        %dma_wait3A_1545 = tpu.memref_squeeze %dma_wait3A_1544 : memref<1x80xi32, #tpu.memory_space<vmem>> -> memref<80xi32, #tpu.memory_space<vmem>>
        %dma_wait3A_1546 = arith.constant 0 : i32
        %dma_wait3A_1547 = arith.constant 0 : i32
        %dma_wait3A_1548 = tpu.memref_slice %arg9[%dma_wait3A_1546, %dma_wait3A_1547] : memref<10240x128xf32, #tpu.memory_space<vmem_shared>> -> memref<10240x128xf32, #tpu.memory_space<vmem_shared>>
        tpu.wait_indirect_dma semaphore(%run_scoped3A_1528 : memref<!tpu.dma_semaphore, #tpu.memory_space<semaphore_mem>>) src(%dma_wait3A_1542 : memref<80x128xf32, #tpu.memory_space<vmem>>) dst(%dma_wait3A_1548 : memref<10240x128xf32, #tpu.memory_space<vmem_shared>>)
        tpu.yield
      }) : () -> ()
      %add3A_1414 = arith.constant 4 : i32
      %add3A_1415 = arith.addi %add3A_1359, %add3A_1414 : i32
      %mul3A_1416 = arith.constant 80 : i32
      %mul3A_1417 = arith.muli %add3A_1415, %mul3A_1416 : i32
      %add3A_1418 = arith.addi %mul3A_2, %mul3A_1417 : i32
      %dma_start3A_1419 = arith.constant 2 : i32
      %dma_start3A_1420 = arith.constant 0 : i32
      %dma_start3A_1421 = tpu.memref_slice %arg5[%dma_start3A_1419, %dma_start3A_1420] : memref<4x80xi32, #tpu.memory_space<vmem>> -> memref<1x80xi32, #tpu.memory_space<vmem>>
      %dma_start3A_1422 = tpu.memref_squeeze %dma_start3A_1421 : memref<1x80xi32, #tpu.memory_space<vmem>> -> memref<80xi32, #tpu.memory_space<vmem>>
      %dma_start3A_1423 = tpu.memref_slice %arg3[%add3A_1418] : memref<640000xi32, #tpu.memory_space<hbm>> -> memref<80xi32, #tpu.memory_space<hbm>>
      %dma_start3A_1424 = arith.constant 0 : i32
      %dma_start3A_1425 = tpu.memref_slice %arg5[%dma_start3A_1419, %dma_start3A_1424] : memref<4x80xi32, #tpu.memory_space<vmem>> -> memref<1x80xi32, #tpu.memory_space<vmem>>
      %dma_start3A_1426 = tpu.memref_squeeze %dma_start3A_1425 : memref<1x80xi32, #tpu.memory_space<vmem>> -> memref<80xi32, #tpu.memory_space<vmem>>
      %dma_start3A_1427 = tpu.memref_slice %arg3[%add3A_1418] : memref<640000xi32, #tpu.memory_space<hbm>> -> memref<80xi32, #tpu.memory_space<hbm>>
      tpu.enqueue_dma source(%dma_start3A_1427 : memref<80xi32, #tpu.memory_space<hbm>>) target(%dma_start3A_1426 : memref<80xi32, #tpu.memory_space<vmem>>) target_semaphore(%arg15 : memref<!tpu.dma_semaphore, #tpu.memory_space<semaphore_mem>>)
      %add3A_1428 = arith.constant 320000 : i32
      %add3A_1429 = arith.addi %add3A_1428, %mul3A_2 : i32
      %mul3A_1430 = arith.constant 80 : i32
      %mul3A_1431 = arith.muli %add3A_1415, %mul3A_1430 : i32
      %add3A_1432 = arith.addi %add3A_1429, %mul3A_1431 : i32
      %dma_start3A_1433 = arith.constant 2 : i32
      %dma_start3A_1434 = arith.constant 0 : i32
      %dma_start3A_1435 = tpu.memref_slice %arg6[%dma_start3A_1433, %dma_start3A_1434] : memref<4x80xi32, #tpu.memory_space<vmem>> -> memref<1x80xi32, #tpu.memory_space<vmem>>
      %dma_start3A_1436 = tpu.memref_squeeze %dma_start3A_1435 : memref<1x80xi32, #tpu.memory_space<vmem>> -> memref<80xi32, #tpu.memory_space<vmem>>
      %dma_start3A_1437 = tpu.memref_slice %arg3[%add3A_1432] : memref<640000xi32, #tpu.memory_space<hbm>> -> memref<80xi32, #tpu.memory_space<hbm>>
      %dma_start3A_1438 = arith.constant 0 : i32
      %dma_start3A_1439 = tpu.memref_slice %arg6[%dma_start3A_1433, %dma_start3A_1438] : memref<4x80xi32, #tpu.memory_space<vmem>> -> memref<1x80xi32, #tpu.memory_space<vmem>>
      %dma_start3A_1440 = tpu.memref_squeeze %dma_start3A_1439 : memref<1x80xi32, #tpu.memory_space<vmem>> -> memref<80xi32, #tpu.memory_space<vmem>>
      %dma_start3A_1441 = tpu.memref_slice %arg3[%add3A_1432] : memref<640000xi32, #tpu.memory_space<hbm>> -> memref<80xi32, #tpu.memory_space<hbm>>
      tpu.enqueue_dma source(%dma_start3A_1441 : memref<80xi32, #tpu.memory_space<hbm>>) target(%dma_start3A_1440 : memref<80xi32, #tpu.memory_space<vmem>>) target_semaphore(%arg15 : memref<!tpu.dma_semaphore, #tpu.memory_space<semaphore_mem>>)
      %mul3A_1442 = arith.constant 12 : i32
      %mul3A_1443 = arith.muli %mul3A_1442, %scan3A_495 : i32
      %add3A_1444 = arith.constant 11 : i32
      %add3A_1445 = arith.addi %mul3A_1443, %add3A_1444 : i32
      %add3A_1446 = arith.constant 2 : i32
      %add3A_1447 = arith.addi %add3A_1445, %add3A_1446 : i32
      %mul3A_1448 = arith.constant 80 : i32
      %mul3A_1449 = arith.muli %add3A_1447, %mul3A_1448 : i32
      %add3A_1450 = arith.addi %mul3A_2, %mul3A_1449 : i32
      %dma_wait3A_1451 = arith.constant 1 : i32
      %dma_wait3A_1452 = arith.constant 0 : i32
      %dma_wait3A_1453 = tpu.memref_slice %arg5[%dma_wait3A_1451, %dma_wait3A_1452] : memref<4x80xi32, #tpu.memory_space<vmem>> -> memref<1x80xi32, #tpu.memory_space<vmem>>
      %dma_wait3A_1454 = tpu.memref_squeeze %dma_wait3A_1453 : memref<1x80xi32, #tpu.memory_space<vmem>> -> memref<80xi32, #tpu.memory_space<vmem>>
      %dma_wait3A_1455 = tpu.memref_slice %arg3[%add3A_1450] : memref<640000xi32, #tpu.memory_space<hbm>> -> memref<80xi32, #tpu.memory_space<hbm>>
      %dma_wait3A_1456 = arith.constant 0 : i32
      %dma_wait3A_1457 = tpu.memref_slice %arg5[%dma_wait3A_1451, %dma_wait3A_1456] : memref<4x80xi32, #tpu.memory_space<vmem>> -> memref<1x80xi32, #tpu.memory_space<vmem>>
      %dma_wait3A_1458 = tpu.memref_squeeze %dma_wait3A_1457 : memref<1x80xi32, #tpu.memory_space<vmem>> -> memref<80xi32, #tpu.memory_space<vmem>>
      %dma_wait3A_1459 = tpu.memref_slice %arg3[%add3A_1450] : memref<640000xi32, #tpu.memory_space<hbm>> -> memref<80xi32, #tpu.memory_space<hbm>>
      tpu.wait_dma2 semaphore(%arg14 : memref<!tpu.dma_semaphore, #tpu.memory_space<semaphore_mem>>) src(%dma_wait3A_1459 : memref<80xi32, #tpu.memory_space<hbm>>) dst(%dma_wait3A_1458 : memref<80xi32, #tpu.memory_space<vmem>>)
      %add3A_1460 = arith.constant 320000 : i32
      %add3A_1461 = arith.addi %add3A_1460, %mul3A_2 : i32
      %mul3A_1462 = arith.constant 80 : i32
      %mul3A_1463 = arith.muli %add3A_1447, %mul3A_1462 : i32
      %add3A_1464 = arith.addi %add3A_1461, %mul3A_1463 : i32
      %dma_wait3A_1465 = arith.constant 1 : i32
      %dma_wait3A_1466 = arith.constant 0 : i32
      %dma_wait3A_1467 = tpu.memref_slice %arg6[%dma_wait3A_1465, %dma_wait3A_1466] : memref<4x80xi32, #tpu.memory_space<vmem>> -> memref<1x80xi32, #tpu.memory_space<vmem>>
      %dma_wait3A_1468 = tpu.memref_squeeze %dma_wait3A_1467 : memref<1x80xi32, #tpu.memory_space<vmem>> -> memref<80xi32, #tpu.memory_space<vmem>>
      %dma_wait3A_1469 = tpu.memref_slice %arg3[%add3A_1464] : memref<640000xi32, #tpu.memory_space<hbm>> -> memref<80xi32, #tpu.memory_space<hbm>>
      %dma_wait3A_1470 = arith.constant 0 : i32
      %dma_wait3A_1471 = tpu.memref_slice %arg6[%dma_wait3A_1465, %dma_wait3A_1470] : memref<4x80xi32, #tpu.memory_space<vmem>> -> memref<1x80xi32, #tpu.memory_space<vmem>>
      %dma_wait3A_1472 = tpu.memref_squeeze %dma_wait3A_1471 : memref<1x80xi32, #tpu.memory_space<vmem>> -> memref<80xi32, #tpu.memory_space<vmem>>
      %dma_wait3A_1473 = tpu.memref_slice %arg3[%add3A_1464] : memref<640000xi32, #tpu.memory_space<hbm>> -> memref<80xi32, #tpu.memory_space<hbm>>
      tpu.wait_dma2 semaphore(%arg14 : memref<!tpu.dma_semaphore, #tpu.memory_space<semaphore_mem>>) src(%dma_wait3A_1473 : memref<80xi32, #tpu.memory_space<hbm>>) dst(%dma_wait3A_1472 : memref<80xi32, #tpu.memory_space<vmem>>)
      %dma_start3A_1474 = arith.constant 1 : i32
      %dma_start3A_1475 = arith.constant 1 : i32
      %dma_start3A_1476 = arith.constant 0 : i32
      %dma_start3A_1477 = arith.constant 0 : i32
      %dma_start3A_1478 = tpu.memref_slice %arg7[%dma_start3A_1475, %dma_start3A_1476, %dma_start3A_1477] : memref<3x80x128xf32, #tpu.memory_space<vmem>> -> memref<1x80x128xf32, #tpu.memory_space<vmem>>
      %dma_start3A_1479 = tpu.memref_squeeze %dma_start3A_1478 : memref<1x80x128xf32, #tpu.memory_space<vmem>> -> memref<80x128xf32, #tpu.memory_space<vmem>>
      %dma_start3A_1480 = arith.constant 0 : i32
      %dma_start3A_1481 = tpu.memref_slice %arg5[%dma_start3A_1474, %dma_start3A_1480] : memref<4x80xi32, #tpu.memory_space<vmem>> -> memref<1x80xi32, #tpu.memory_space<vmem>>
      %dma_start3A_1482 = tpu.memref_squeeze %dma_start3A_1481 : memref<1x80xi32, #tpu.memory_space<vmem>> -> memref<80xi32, #tpu.memory_space<vmem>>
      %dma_start3A_1483 = arith.constant 0 : i32
      %dma_start3A_1484 = arith.constant 0 : i32
      %dma_start3A_1485 = tpu.memref_slice %arg2[%dma_start3A_1483, %dma_start3A_1484] : memref<10000x128xf32, #tpu.memory_space<hbm>> -> memref<10000x128xf32, #tpu.memory_space<hbm>>
      tpu.enqueue_indirect_dma source(%dma_start3A_1485 : memref<10000x128xf32, #tpu.memory_space<hbm>>) target(%dma_start3A_1479 : memref<80x128xf32, #tpu.memory_space<vmem>>) offsets(%dma_start3A_1482 : memref<80xi32, #tpu.memory_space<vmem>>) semaphore(%arg11 : memref<!tpu.dma_semaphore, #tpu.memory_space<semaphore_mem>>)
      %dma_wait3A_1486 = arith.constant 3 : i32
      %dma_wait3A_1487 = arith.constant 2 : i32
      %dma_wait3A_1488 = arith.constant 0 : i32
      %dma_wait3A_1489 = arith.constant 0 : i32
      %dma_wait3A_1490 = tpu.memref_slice %arg7[%dma_wait3A_1487, %dma_wait3A_1488, %dma_wait3A_1489] : memref<3x80x128xf32, #tpu.memory_space<vmem>> -> memref<1x80x128xf32, #tpu.memory_space<vmem>>
      %dma_wait3A_1491 = tpu.memref_squeeze %dma_wait3A_1490 : memref<1x80x128xf32, #tpu.memory_space<vmem>> -> memref<80x128xf32, #tpu.memory_space<vmem>>
      %dma_wait3A_1492 = arith.constant 0 : i32
      %dma_wait3A_1493 = tpu.memref_slice %arg5[%dma_wait3A_1486, %dma_wait3A_1492] : memref<4x80xi32, #tpu.memory_space<vmem>> -> memref<1x80xi32, #tpu.memory_space<vmem>>
      %dma_wait3A_1494 = tpu.memref_squeeze %dma_wait3A_1493 : memref<1x80xi32, #tpu.memory_space<vmem>> -> memref<80xi32, #tpu.memory_space<vmem>>
      %dma_wait3A_1495 = arith.constant 0 : i32
      %dma_wait3A_1496 = arith.constant 0 : i32
      %dma_wait3A_1497 = tpu.memref_slice %arg2[%dma_wait3A_1495, %dma_wait3A_1496] : memref<10000x128xf32, #tpu.memory_space<hbm>> -> memref<10000x128xf32, #tpu.memory_space<hbm>>
      tpu.wait_indirect_dma semaphore(%arg12 : memref<!tpu.dma_semaphore, #tpu.memory_space<semaphore_mem>>) src(%dma_wait3A_1497 : memref<10000x128xf32, #tpu.memory_space<hbm>>) dst(%dma_wait3A_1491 : memref<80x128xf32, #tpu.memory_space<vmem>>)
      %run_scoped3A_1498 = arith.constant 2 : i32
      %run_scoped3A_1499 = arith.constant 3 : i32
      "tpu.region"() ({
        %run_scoped3A_1528 = tpu.sem_alloc : memref<!tpu.dma_semaphore, #tpu.memory_space<semaphore_mem>>
        %dma_start3A_1529 = arith.constant 0 : i32
        %dma_start3A_1530 = arith.constant 0 : i32
        %dma_start3A_1531 = tpu.memref_slice %arg7[%run_scoped3A_1498, %dma_start3A_1529, %dma_start3A_1530] : memref<3x80x128xf32, #tpu.memory_space<vmem>> -> memref<1x80x128xf32, #tpu.memory_space<vmem>>
        %dma_start3A_1532 = tpu.memref_squeeze %dma_start3A_1531 : memref<1x80x128xf32, #tpu.memory_space<vmem>> -> memref<80x128xf32, #tpu.memory_space<vmem>>
        %dma_start3A_1533 = arith.constant 0 : i32
        %dma_start3A_1534 = tpu.memref_slice %arg6[%run_scoped3A_1499, %dma_start3A_1533] : memref<4x80xi32, #tpu.memory_space<vmem>> -> memref<1x80xi32, #tpu.memory_space<vmem>>
        %dma_start3A_1535 = tpu.memref_squeeze %dma_start3A_1534 : memref<1x80xi32, #tpu.memory_space<vmem>> -> memref<80xi32, #tpu.memory_space<vmem>>
        %dma_start3A_1536 = arith.constant 0 : i32
        %dma_start3A_1537 = arith.constant 0 : i32
        %dma_start3A_1538 = tpu.memref_slice %arg9[%dma_start3A_1536, %dma_start3A_1537] : memref<10240x128xf32, #tpu.memory_space<vmem_shared>> -> memref<10240x128xf32, #tpu.memory_space<vmem_shared>>
        tpu.enqueue_indirect_dma source(%dma_start3A_1532 : memref<80x128xf32, #tpu.memory_space<vmem>>) target(%dma_start3A_1538 : memref<10240x128xf32, #tpu.memory_space<vmem_shared>>) offsets(%dma_start3A_1535 : memref<80xi32, #tpu.memory_space<vmem>>) semaphore(%run_scoped3A_1528 : memref<!tpu.dma_semaphore, #tpu.memory_space<semaphore_mem>>) {add = true}
        %dma_wait3A_1539 = arith.constant 0 : i32
        %dma_wait3A_1540 = arith.constant 0 : i32
        %dma_wait3A_1541 = tpu.memref_slice %arg7[%run_scoped3A_1498, %dma_wait3A_1539, %dma_wait3A_1540] : memref<3x80x128xf32, #tpu.memory_space<vmem>> -> memref<1x80x128xf32, #tpu.memory_space<vmem>>
        %dma_wait3A_1542 = tpu.memref_squeeze %dma_wait3A_1541 : memref<1x80x128xf32, #tpu.memory_space<vmem>> -> memref<80x128xf32, #tpu.memory_space<vmem>>
        %dma_wait3A_1543 = arith.constant 0 : i32
        %dma_wait3A_1544 = tpu.memref_slice %arg6[%run_scoped3A_1499, %dma_wait3A_1543] : memref<4x80xi32, #tpu.memory_space<vmem>> -> memref<1x80xi32, #tpu.memory_space<vmem>>
        %dma_wait3A_1545 = tpu.memref_squeeze %dma_wait3A_1544 : memref<1x80xi32, #tpu.memory_space<vmem>> -> memref<80xi32, #tpu.memory_space<vmem>>
        %dma_wait3A_1546 = arith.constant 0 : i32
        %dma_wait3A_1547 = arith.constant 0 : i32
        %dma_wait3A_1548 = tpu.memref_slice %arg9[%dma_wait3A_1546, %dma_wait3A_1547] : memref<10240x128xf32, #tpu.memory_space<vmem_shared>> -> memref<10240x128xf32, #tpu.memory_space<vmem_shared>>
        tpu.wait_indirect_dma semaphore(%run_scoped3A_1528 : memref<!tpu.dma_semaphore, #tpu.memory_space<semaphore_mem>>) src(%dma_wait3A_1542 : memref<80x128xf32, #tpu.memory_space<vmem>>) dst(%dma_wait3A_1548 : memref<10240x128xf32, #tpu.memory_space<vmem_shared>>)
        tpu.yield
      }) : () -> ()
      %add3A_1500 = arith.constant 4 : i32
      %add3A_1501 = arith.addi %add3A_1445, %add3A_1500 : i32
      %mul3A_1502 = arith.constant 80 : i32
      %mul3A_1503 = arith.muli %add3A_1501, %mul3A_1502 : i32
      %add3A_1504 = arith.addi %mul3A_2, %mul3A_1503 : i32
      %dma_start3A_1505 = arith.constant 3 : i32
      %dma_start3A_1506 = arith.constant 0 : i32
      %dma_start3A_1507 = tpu.memref_slice %arg5[%dma_start3A_1505, %dma_start3A_1506] : memref<4x80xi32, #tpu.memory_space<vmem>> -> memref<1x80xi32, #tpu.memory_space<vmem>>
      %dma_start3A_1508 = tpu.memref_squeeze %dma_start3A_1507 : memref<1x80xi32, #tpu.memory_space<vmem>> -> memref<80xi32, #tpu.memory_space<vmem>>
      %dma_start3A_1509 = tpu.memref_slice %arg3[%add3A_1504] : memref<640000xi32, #tpu.memory_space<hbm>> -> memref<80xi32, #tpu.memory_space<hbm>>
      %dma_start3A_1510 = arith.constant 0 : i32
      %dma_start3A_1511 = tpu.memref_slice %arg5[%dma_start3A_1505, %dma_start3A_1510] : memref<4x80xi32, #tpu.memory_space<vmem>> -> memref<1x80xi32, #tpu.memory_space<vmem>>
      %dma_start3A_1512 = tpu.memref_squeeze %dma_start3A_1511 : memref<1x80xi32, #tpu.memory_space<vmem>> -> memref<80xi32, #tpu.memory_space<vmem>>
      %dma_start3A_1513 = tpu.memref_slice %arg3[%add3A_1504] : memref<640000xi32, #tpu.memory_space<hbm>> -> memref<80xi32, #tpu.memory_space<hbm>>
      tpu.enqueue_dma source(%dma_start3A_1513 : memref<80xi32, #tpu.memory_space<hbm>>) target(%dma_start3A_1512 : memref<80xi32, #tpu.memory_space<vmem>>) target_semaphore(%arg16 : memref<!tpu.dma_semaphore, #tpu.memory_space<semaphore_mem>>)
      %add3A_1514 = arith.constant 320000 : i32
      %add3A_1515 = arith.addi %add3A_1514, %mul3A_2 : i32
      %mul3A_1516 = arith.constant 80 : i32
      %mul3A_1517 = arith.muli %add3A_1501, %mul3A_1516 : i32
      %add3A_1518 = arith.addi %add3A_1515, %mul3A_1517 : i32
      %dma_start3A_1519 = arith.constant 3 : i32
      %dma_start3A_1520 = arith.constant 0 : i32
      %dma_start3A_1521 = tpu.memref_slice %arg6[%dma_start3A_1519, %dma_start3A_1520] : memref<4x80xi32, #tpu.memory_space<vmem>> -> memref<1x80xi32, #tpu.memory_space<vmem>>
      %dma_start3A_1522 = tpu.memref_squeeze %dma_start3A_1521 : memref<1x80xi32, #tpu.memory_space<vmem>> -> memref<80xi32, #tpu.memory_space<vmem>>
      %dma_start3A_1523 = tpu.memref_slice %arg3[%add3A_1518] : memref<640000xi32, #tpu.memory_space<hbm>> -> memref<80xi32, #tpu.memory_space<hbm>>
      %dma_start3A_1524 = arith.constant 0 : i32
      %dma_start3A_1525 = tpu.memref_slice %arg6[%dma_start3A_1519, %dma_start3A_1524] : memref<4x80xi32, #tpu.memory_space<vmem>> -> memref<1x80xi32, #tpu.memory_space<vmem>>
      %dma_start3A_1526 = tpu.memref_squeeze %dma_start3A_1525 : memref<1x80xi32, #tpu.memory_space<vmem>> -> memref<80xi32, #tpu.memory_space<vmem>>
      %dma_start3A_1527 = tpu.memref_slice %arg3[%add3A_1518] : memref<640000xi32, #tpu.memory_space<hbm>> -> memref<80xi32, #tpu.memory_space<hbm>>
      tpu.enqueue_dma source(%dma_start3A_1527 : memref<80xi32, #tpu.memory_space<hbm>>) target(%dma_start3A_1526 : memref<80xi32, #tpu.memory_space<vmem>>) target_semaphore(%arg16 : memref<!tpu.dma_semaphore, #tpu.memory_space<semaphore_mem>>)
    }
    %scan3A_202 = arith.constant 10 : i32
    %add3A_203 = arith.constant 9760 : i32
    %add3A_204 = arith.addi %mul3A_2, %add3A_203 : i32
    %dma_wait3A_205 = arith.constant 2 : i32
    %dma_wait3A_206 = arith.constant 0 : i32
    %dma_wait3A_207 = tpu.memref_slice %arg5[%dma_wait3A_205, %dma_wait3A_206] : memref<4x80xi32, #tpu.memory_space<vmem>> -> memref<1x80xi32, #tpu.memory_space<vmem>>
    %dma_wait3A_208 = tpu.memref_squeeze %dma_wait3A_207 : memref<1x80xi32, #tpu.memory_space<vmem>> -> memref<80xi32, #tpu.memory_space<vmem>>
    %dma_wait3A_209 = tpu.memref_slice %arg3[%add3A_204] : memref<640000xi32, #tpu.memory_space<hbm>> -> memref<80xi32, #tpu.memory_space<hbm>>
    %dma_wait3A_210 = arith.constant 0 : i32
    %dma_wait3A_211 = tpu.memref_slice %arg5[%dma_wait3A_205, %dma_wait3A_210] : memref<4x80xi32, #tpu.memory_space<vmem>> -> memref<1x80xi32, #tpu.memory_space<vmem>>
    %dma_wait3A_212 = tpu.memref_squeeze %dma_wait3A_211 : memref<1x80xi32, #tpu.memory_space<vmem>> -> memref<80xi32, #tpu.memory_space<vmem>>
    %dma_wait3A_213 = tpu.memref_slice %arg3[%add3A_204] : memref<640000xi32, #tpu.memory_space<hbm>> -> memref<80xi32, #tpu.memory_space<hbm>>
    tpu.wait_dma2 semaphore(%arg15 : memref<!tpu.dma_semaphore, #tpu.memory_space<semaphore_mem>>) src(%dma_wait3A_213 : memref<80xi32, #tpu.memory_space<hbm>>) dst(%dma_wait3A_212 : memref<80xi32, #tpu.memory_space<vmem>>)
    %add3A_214 = arith.constant 320000 : i32
    %add3A_215 = arith.addi %add3A_214, %mul3A_2 : i32
    %add3A_216 = arith.constant 9760 : i32
    %add3A_217 = arith.addi %add3A_215, %add3A_216 : i32
    %dma_wait3A_218 = arith.constant 2 : i32
    %dma_wait3A_219 = arith.constant 0 : i32
    %dma_wait3A_220 = tpu.memref_slice %arg6[%dma_wait3A_218, %dma_wait3A_219] : memref<4x80xi32, #tpu.memory_space<vmem>> -> memref<1x80xi32, #tpu.memory_space<vmem>>
    %dma_wait3A_221 = tpu.memref_squeeze %dma_wait3A_220 : memref<1x80xi32, #tpu.memory_space<vmem>> -> memref<80xi32, #tpu.memory_space<vmem>>
    %dma_wait3A_222 = tpu.memref_slice %arg3[%add3A_217] : memref<640000xi32, #tpu.memory_space<hbm>> -> memref<80xi32, #tpu.memory_space<hbm>>
    %dma_wait3A_223 = arith.constant 0 : i32
    %dma_wait3A_224 = tpu.memref_slice %arg6[%dma_wait3A_218, %dma_wait3A_223] : memref<4x80xi32, #tpu.memory_space<vmem>> -> memref<1x80xi32, #tpu.memory_space<vmem>>
    %dma_wait3A_225 = tpu.memref_squeeze %dma_wait3A_224 : memref<1x80xi32, #tpu.memory_space<vmem>> -> memref<80xi32, #tpu.memory_space<vmem>>
    %dma_wait3A_226 = tpu.memref_slice %arg3[%add3A_217] : memref<640000xi32, #tpu.memory_space<hbm>> -> memref<80xi32, #tpu.memory_space<hbm>>
    tpu.wait_dma2 semaphore(%arg15 : memref<!tpu.dma_semaphore, #tpu.memory_space<semaphore_mem>>) src(%dma_wait3A_226 : memref<80xi32, #tpu.memory_space<hbm>>) dst(%dma_wait3A_225 : memref<80xi32, #tpu.memory_space<vmem>>)
    %dma_start3A_227 = arith.constant 2 : i32
    %dma_start3A_228 = arith.constant 2 : i32
    %dma_start3A_229 = arith.constant 0 : i32
    %dma_start3A_230 = arith.constant 0 : i32
    %dma_start3A_231 = tpu.memref_slice %arg7[%dma_start3A_228, %dma_start3A_229, %dma_start3A_230] : memref<3x80x128xf32, #tpu.memory_space<vmem>> -> memref<1x80x128xf32, #tpu.memory_space<vmem>>
    %dma_start3A_232 = tpu.memref_squeeze %dma_start3A_231 : memref<1x80x128xf32, #tpu.memory_space<vmem>> -> memref<80x128xf32, #tpu.memory_space<vmem>>
    %dma_start3A_233 = arith.constant 0 : i32
    %dma_start3A_234 = tpu.memref_slice %arg5[%dma_start3A_227, %dma_start3A_233] : memref<4x80xi32, #tpu.memory_space<vmem>> -> memref<1x80xi32, #tpu.memory_space<vmem>>
    %dma_start3A_235 = tpu.memref_squeeze %dma_start3A_234 : memref<1x80xi32, #tpu.memory_space<vmem>> -> memref<80xi32, #tpu.memory_space<vmem>>
    %dma_start3A_236 = arith.constant 0 : i32
    %dma_start3A_237 = arith.constant 0 : i32
    %dma_start3A_238 = tpu.memref_slice %arg2[%dma_start3A_236, %dma_start3A_237] : memref<10000x128xf32, #tpu.memory_space<hbm>> -> memref<10000x128xf32, #tpu.memory_space<hbm>>
    tpu.enqueue_indirect_dma source(%dma_start3A_238 : memref<10000x128xf32, #tpu.memory_space<hbm>>) target(%dma_start3A_232 : memref<80x128xf32, #tpu.memory_space<vmem>>) offsets(%dma_start3A_235 : memref<80xi32, #tpu.memory_space<vmem>>) semaphore(%arg12 : memref<!tpu.dma_semaphore, #tpu.memory_space<semaphore_mem>>)
    %dma_wait3A_239 = arith.constant 0 : i32
    %dma_wait3A_240 = arith.constant 0 : i32
    %dma_wait3A_241 = arith.constant 0 : i32
    %dma_wait3A_242 = arith.constant 0 : i32
    %dma_wait3A_243 = tpu.memref_slice %arg7[%dma_wait3A_240, %dma_wait3A_241, %dma_wait3A_242] : memref<3x80x128xf32, #tpu.memory_space<vmem>> -> memref<1x80x128xf32, #tpu.memory_space<vmem>>
    %dma_wait3A_244 = tpu.memref_squeeze %dma_wait3A_243 : memref<1x80x128xf32, #tpu.memory_space<vmem>> -> memref<80x128xf32, #tpu.memory_space<vmem>>
    %dma_wait3A_245 = arith.constant 0 : i32
    %dma_wait3A_246 = tpu.memref_slice %arg5[%dma_wait3A_239, %dma_wait3A_245] : memref<4x80xi32, #tpu.memory_space<vmem>> -> memref<1x80xi32, #tpu.memory_space<vmem>>
    %dma_wait3A_247 = tpu.memref_squeeze %dma_wait3A_246 : memref<1x80xi32, #tpu.memory_space<vmem>> -> memref<80xi32, #tpu.memory_space<vmem>>
    %dma_wait3A_248 = arith.constant 0 : i32
    %dma_wait3A_249 = arith.constant 0 : i32
    %dma_wait3A_250 = tpu.memref_slice %arg2[%dma_wait3A_248, %dma_wait3A_249] : memref<10000x128xf32, #tpu.memory_space<hbm>> -> memref<10000x128xf32, #tpu.memory_space<hbm>>
    tpu.wait_indirect_dma semaphore(%arg10 : memref<!tpu.dma_semaphore, #tpu.memory_space<semaphore_mem>>) src(%dma_wait3A_250 : memref<10000x128xf32, #tpu.memory_space<hbm>>) dst(%dma_wait3A_244 : memref<80x128xf32, #tpu.memory_space<vmem>>)
    %run_scoped3A = arith.constant 0 : i32
    %run_scoped3A_251 = arith.constant 0 : i32
    "tpu.region"() ({
      %run_scoped3A_495 = tpu.sem_alloc : memref<!tpu.dma_semaphore, #tpu.memory_space<semaphore_mem>>
      %dma_start3A_496 = arith.constant 0 : i32
      %dma_start3A_497 = arith.constant 0 : i32
      %dma_start3A_498 = tpu.memref_slice %arg7[%run_scoped3A, %dma_start3A_496, %dma_start3A_497] : memref<3x80x128xf32, #tpu.memory_space<vmem>> -> memref<1x80x128xf32, #tpu.memory_space<vmem>>
      %dma_start3A_499 = tpu.memref_squeeze %dma_start3A_498 : memref<1x80x128xf32, #tpu.memory_space<vmem>> -> memref<80x128xf32, #tpu.memory_space<vmem>>
      %dma_start3A_500 = arith.constant 0 : i32
      %dma_start3A_501 = tpu.memref_slice %arg6[%run_scoped3A_251, %dma_start3A_500] : memref<4x80xi32, #tpu.memory_space<vmem>> -> memref<1x80xi32, #tpu.memory_space<vmem>>
      %dma_start3A_502 = tpu.memref_squeeze %dma_start3A_501 : memref<1x80xi32, #tpu.memory_space<vmem>> -> memref<80xi32, #tpu.memory_space<vmem>>
      %dma_start3A_503 = arith.constant 0 : i32
      %dma_start3A_504 = arith.constant 0 : i32
      %dma_start3A_505 = tpu.memref_slice %arg9[%dma_start3A_503, %dma_start3A_504] : memref<10240x128xf32, #tpu.memory_space<vmem_shared>> -> memref<10240x128xf32, #tpu.memory_space<vmem_shared>>
      tpu.enqueue_indirect_dma source(%dma_start3A_499 : memref<80x128xf32, #tpu.memory_space<vmem>>) target(%dma_start3A_505 : memref<10240x128xf32, #tpu.memory_space<vmem_shared>>) offsets(%dma_start3A_502 : memref<80xi32, #tpu.memory_space<vmem>>) semaphore(%run_scoped3A_495 : memref<!tpu.dma_semaphore, #tpu.memory_space<semaphore_mem>>) {add = true}
      %dma_wait3A_506 = arith.constant 0 : i32
      %dma_wait3A_507 = arith.constant 0 : i32
      %dma_wait3A_508 = tpu.memref_slice %arg7[%run_scoped3A, %dma_wait3A_506, %dma_wait3A_507] : memref<3x80x128xf32, #tpu.memory_space<vmem>> -> memref<1x80x128xf32, #tpu.memory_space<vmem>>
      %dma_wait3A_509 = tpu.memref_squeeze %dma_wait3A_508 : memref<1x80x128xf32, #tpu.memory_space<vmem>> -> memref<80x128xf32, #tpu.memory_space<vmem>>
      %dma_wait3A_510 = arith.constant 0 : i32
      %dma_wait3A_511 = tpu.memref_slice %arg6[%run_scoped3A_251, %dma_wait3A_510] : memref<4x80xi32, #tpu.memory_space<vmem>> -> memref<1x80xi32, #tpu.memory_space<vmem>>
      %dma_wait3A_512 = tpu.memref_squeeze %dma_wait3A_511 : memref<1x80xi32, #tpu.memory_space<vmem>> -> memref<80xi32, #tpu.memory_space<vmem>>
      %dma_wait3A_513 = arith.constant 0 : i32
      %dma_wait3A_514 = arith.constant 0 : i32
      %dma_wait3A_515 = tpu.memref_slice %arg9[%dma_wait3A_513, %dma_wait3A_514] : memref<10240x128xf32, #tpu.memory_space<vmem_shared>> -> memref<10240x128xf32, #tpu.memory_space<vmem_shared>>
      tpu.wait_indirect_dma semaphore(%run_scoped3A_495 : memref<!tpu.dma_semaphore, #tpu.memory_space<semaphore_mem>>) src(%dma_wait3A_509 : memref<80x128xf32, #tpu.memory_space<vmem>>) dst(%dma_wait3A_515 : memref<10240x128xf32, #tpu.memory_space<vmem_shared>>)
      tpu.yield
    }) : () -> ()
    %add3A_252 = arith.constant 9920 : i32
    %add3A_253 = arith.addi %mul3A_2, %add3A_252 : i32
    %dma_start3A_254 = arith.constant 0 : i32
    %dma_start3A_255 = arith.constant 0 : i32
    %dma_start3A_256 = tpu.memref_slice %arg5[%dma_start3A_254, %dma_start3A_255] : memref<4x80xi32, #tpu.memory_space<vmem>> -> memref<1x80xi32, #tpu.memory_space<vmem>>
    %dma_start3A_257 = tpu.memref_squeeze %dma_start3A_256 : memref<1x80xi32, #tpu.memory_space<vmem>> -> memref<80xi32, #tpu.memory_space<vmem>>
    %dma_start3A_258 = tpu.memref_slice %arg3[%add3A_253] : memref<640000xi32, #tpu.memory_space<hbm>> -> memref<80xi32, #tpu.memory_space<hbm>>
    %dma_start3A_259 = arith.constant 0 : i32
    %dma_start3A_260 = tpu.memref_slice %arg5[%dma_start3A_254, %dma_start3A_259] : memref<4x80xi32, #tpu.memory_space<vmem>> -> memref<1x80xi32, #tpu.memory_space<vmem>>
    %dma_start3A_261 = tpu.memref_squeeze %dma_start3A_260 : memref<1x80xi32, #tpu.memory_space<vmem>> -> memref<80xi32, #tpu.memory_space<vmem>>
    %dma_start3A_262 = tpu.memref_slice %arg3[%add3A_253] : memref<640000xi32, #tpu.memory_space<hbm>> -> memref<80xi32, #tpu.memory_space<hbm>>
    tpu.enqueue_dma source(%dma_start3A_262 : memref<80xi32, #tpu.memory_space<hbm>>) target(%dma_start3A_261 : memref<80xi32, #tpu.memory_space<vmem>>) target_semaphore(%arg13 : memref<!tpu.dma_semaphore, #tpu.memory_space<semaphore_mem>>)
    %add3A_263 = arith.constant 320000 : i32
    %add3A_264 = arith.addi %add3A_263, %mul3A_2 : i32
    %add3A_265 = arith.constant 9920 : i32
    %add3A_266 = arith.addi %add3A_264, %add3A_265 : i32
    %dma_start3A_267 = arith.constant 0 : i32
    %dma_start3A_268 = arith.constant 0 : i32
    %dma_start3A_269 = tpu.memref_slice %arg6[%dma_start3A_267, %dma_start3A_268] : memref<4x80xi32, #tpu.memory_space<vmem>> -> memref<1x80xi32, #tpu.memory_space<vmem>>
    %dma_start3A_270 = tpu.memref_squeeze %dma_start3A_269 : memref<1x80xi32, #tpu.memory_space<vmem>> -> memref<80xi32, #tpu.memory_space<vmem>>
    %dma_start3A_271 = tpu.memref_slice %arg3[%add3A_266] : memref<640000xi32, #tpu.memory_space<hbm>> -> memref<80xi32, #tpu.memory_space<hbm>>
    %dma_start3A_272 = arith.constant 0 : i32
    %dma_start3A_273 = tpu.memref_slice %arg6[%dma_start3A_267, %dma_start3A_272] : memref<4x80xi32, #tpu.memory_space<vmem>> -> memref<1x80xi32, #tpu.memory_space<vmem>>
    %dma_start3A_274 = tpu.memref_squeeze %dma_start3A_273 : memref<1x80xi32, #tpu.memory_space<vmem>> -> memref<80xi32, #tpu.memory_space<vmem>>
    %dma_start3A_275 = tpu.memref_slice %arg3[%add3A_266] : memref<640000xi32, #tpu.memory_space<hbm>> -> memref<80xi32, #tpu.memory_space<hbm>>
    tpu.enqueue_dma source(%dma_start3A_275 : memref<80xi32, #tpu.memory_space<hbm>>) target(%dma_start3A_274 : memref<80xi32, #tpu.memory_space<vmem>>) target_semaphore(%arg13 : memref<!tpu.dma_semaphore, #tpu.memory_space<semaphore_mem>>)
    %add3A_276 = arith.constant 9840 : i32
    %add3A_277 = arith.addi %mul3A_2, %add3A_276 : i32
    %dma_wait3A_278 = arith.constant 3 : i32
    %dma_wait3A_279 = arith.constant 0 : i32
    %dma_wait3A_280 = tpu.memref_slice %arg5[%dma_wait3A_278, %dma_wait3A_279] : memref<4x80xi32, #tpu.memory_space<vmem>> -> memref<1x80xi32, #tpu.memory_space<vmem>>
    %dma_wait3A_281 = tpu.memref_squeeze %dma_wait3A_280 : memref<1x80xi32, #tpu.memory_space<vmem>> -> memref<80xi32, #tpu.memory_space<vmem>>
    %dma_wait3A_282 = tpu.memref_slice %arg3[%add3A_277] : memref<640000xi32, #tpu.memory_space<hbm>> -> memref<80xi32, #tpu.memory_space<hbm>>
    %dma_wait3A_283 = arith.constant 0 : i32
    %dma_wait3A_284 = tpu.memref_slice %arg5[%dma_wait3A_278, %dma_wait3A_283] : memref<4x80xi32, #tpu.memory_space<vmem>> -> memref<1x80xi32, #tpu.memory_space<vmem>>
    %dma_wait3A_285 = tpu.memref_squeeze %dma_wait3A_284 : memref<1x80xi32, #tpu.memory_space<vmem>> -> memref<80xi32, #tpu.memory_space<vmem>>
    %dma_wait3A_286 = tpu.memref_slice %arg3[%add3A_277] : memref<640000xi32, #tpu.memory_space<hbm>> -> memref<80xi32, #tpu.memory_space<hbm>>
    tpu.wait_dma2 semaphore(%arg16 : memref<!tpu.dma_semaphore, #tpu.memory_space<semaphore_mem>>) src(%dma_wait3A_286 : memref<80xi32, #tpu.memory_space<hbm>>) dst(%dma_wait3A_285 : memref<80xi32, #tpu.memory_space<vmem>>)
    %add3A_287 = arith.constant 320000 : i32
    %add3A_288 = arith.addi %add3A_287, %mul3A_2 : i32
    %add3A_289 = arith.constant 9840 : i32
    %add3A_290 = arith.addi %add3A_288, %add3A_289 : i32
    %dma_wait3A_291 = arith.constant 3 : i32
    %dma_wait3A_292 = arith.constant 0 : i32
    %dma_wait3A_293 = tpu.memref_slice %arg6[%dma_wait3A_291, %dma_wait3A_292] : memref<4x80xi32, #tpu.memory_space<vmem>> -> memref<1x80xi32, #tpu.memory_space<vmem>>
    %dma_wait3A_294 = tpu.memref_squeeze %dma_wait3A_293 : memref<1x80xi32, #tpu.memory_space<vmem>> -> memref<80xi32, #tpu.memory_space<vmem>>
    %dma_wait3A_295 = tpu.memref_slice %arg3[%add3A_290] : memref<640000xi32, #tpu.memory_space<hbm>> -> memref<80xi32, #tpu.memory_space<hbm>>
    %dma_wait3A_296 = arith.constant 0 : i32
    %dma_wait3A_297 = tpu.memref_slice %arg6[%dma_wait3A_291, %dma_wait3A_296] : memref<4x80xi32, #tpu.memory_space<vmem>> -> memref<1x80xi32, #tpu.memory_space<vmem>>
    %dma_wait3A_298 = tpu.memref_squeeze %dma_wait3A_297 : memref<1x80xi32, #tpu.memory_space<vmem>> -> memref<80xi32, #tpu.memory_space<vmem>>
    %dma_wait3A_299 = tpu.memref_slice %arg3[%add3A_290] : memref<640000xi32, #tpu.memory_space<hbm>> -> memref<80xi32, #tpu.memory_space<hbm>>
    tpu.wait_dma2 semaphore(%arg16 : memref<!tpu.dma_semaphore, #tpu.memory_space<semaphore_mem>>) src(%dma_wait3A_299 : memref<80xi32, #tpu.memory_space<hbm>>) dst(%dma_wait3A_298 : memref<80xi32, #tpu.memory_space<vmem>>)
    %dma_start3A_300 = arith.constant 3 : i32
    %dma_start3A_301 = arith.constant 0 : i32
    %dma_start3A_302 = arith.constant 0 : i32
    %dma_start3A_303 = arith.constant 0 : i32
    %dma_start3A_304 = tpu.memref_slice %arg7[%dma_start3A_301, %dma_start3A_302, %dma_start3A_303] : memref<3x80x128xf32, #tpu.memory_space<vmem>> -> memref<1x80x128xf32, #tpu.memory_space<vmem>>
    %dma_start3A_305 = tpu.memref_squeeze %dma_start3A_304 : memref<1x80x128xf32, #tpu.memory_space<vmem>> -> memref<80x128xf32, #tpu.memory_space<vmem>>
    %dma_start3A_306 = arith.constant 0 : i32
    %dma_start3A_307 = tpu.memref_slice %arg5[%dma_start3A_300, %dma_start3A_306] : memref<4x80xi32, #tpu.memory_space<vmem>> -> memref<1x80xi32, #tpu.memory_space<vmem>>
    %dma_start3A_308 = tpu.memref_squeeze %dma_start3A_307 : memref<1x80xi32, #tpu.memory_space<vmem>> -> memref<80xi32, #tpu.memory_space<vmem>>
    %dma_start3A_309 = arith.constant 0 : i32
    %dma_start3A_310 = arith.constant 0 : i32
    %dma_start3A_311 = tpu.memref_slice %arg2[%dma_start3A_309, %dma_start3A_310] : memref<10000x128xf32, #tpu.memory_space<hbm>> -> memref<10000x128xf32, #tpu.memory_space<hbm>>
    tpu.enqueue_indirect_dma source(%dma_start3A_311 : memref<10000x128xf32, #tpu.memory_space<hbm>>) target(%dma_start3A_305 : memref<80x128xf32, #tpu.memory_space<vmem>>) offsets(%dma_start3A_308 : memref<80xi32, #tpu.memory_space<vmem>>) semaphore(%arg10 : memref<!tpu.dma_semaphore, #tpu.memory_space<semaphore_mem>>)
    %dma_wait3A_312 = arith.constant 1 : i32
    %dma_wait3A_313 = arith.constant 1 : i32
    %dma_wait3A_314 = arith.constant 0 : i32
    %dma_wait3A_315 = arith.constant 0 : i32
    %dma_wait3A_316 = tpu.memref_slice %arg7[%dma_wait3A_313, %dma_wait3A_314, %dma_wait3A_315] : memref<3x80x128xf32, #tpu.memory_space<vmem>> -> memref<1x80x128xf32, #tpu.memory_space<vmem>>
    %dma_wait3A_317 = tpu.memref_squeeze %dma_wait3A_316 : memref<1x80x128xf32, #tpu.memory_space<vmem>> -> memref<80x128xf32, #tpu.memory_space<vmem>>
    %dma_wait3A_318 = arith.constant 0 : i32
    %dma_wait3A_319 = tpu.memref_slice %arg5[%dma_wait3A_312, %dma_wait3A_318] : memref<4x80xi32, #tpu.memory_space<vmem>> -> memref<1x80xi32, #tpu.memory_space<vmem>>
    %dma_wait3A_320 = tpu.memref_squeeze %dma_wait3A_319 : memref<1x80xi32, #tpu.memory_space<vmem>> -> memref<80xi32, #tpu.memory_space<vmem>>
    %dma_wait3A_321 = arith.constant 0 : i32
    %dma_wait3A_322 = arith.constant 0 : i32
    %dma_wait3A_323 = tpu.memref_slice %arg2[%dma_wait3A_321, %dma_wait3A_322] : memref<10000x128xf32, #tpu.memory_space<hbm>> -> memref<10000x128xf32, #tpu.memory_space<hbm>>
    tpu.wait_indirect_dma semaphore(%arg11 : memref<!tpu.dma_semaphore, #tpu.memory_space<semaphore_mem>>) src(%dma_wait3A_323 : memref<10000x128xf32, #tpu.memory_space<hbm>>) dst(%dma_wait3A_317 : memref<80x128xf32, #tpu.memory_space<vmem>>)
    %run_scoped3A_324 = arith.constant 1 : i32
    %run_scoped3A_325 = arith.constant 1 : i32
    "tpu.region"() ({
      %run_scoped3A_495 = tpu.sem_alloc : memref<!tpu.dma_semaphore, #tpu.memory_space<semaphore_mem>>
      %dma_start3A_496 = arith.constant 0 : i32
      %dma_start3A_497 = arith.constant 0 : i32
      %dma_start3A_498 = tpu.memref_slice %arg7[%run_scoped3A_324, %dma_start3A_496, %dma_start3A_497] : memref<3x80x128xf32, #tpu.memory_space<vmem>> -> memref<1x80x128xf32, #tpu.memory_space<vmem>>
      %dma_start3A_499 = tpu.memref_squeeze %dma_start3A_498 : memref<1x80x128xf32, #tpu.memory_space<vmem>> -> memref<80x128xf32, #tpu.memory_space<vmem>>
      %dma_start3A_500 = arith.constant 0 : i32
      %dma_start3A_501 = tpu.memref_slice %arg6[%run_scoped3A_325, %dma_start3A_500] : memref<4x80xi32, #tpu.memory_space<vmem>> -> memref<1x80xi32, #tpu.memory_space<vmem>>
      %dma_start3A_502 = tpu.memref_squeeze %dma_start3A_501 : memref<1x80xi32, #tpu.memory_space<vmem>> -> memref<80xi32, #tpu.memory_space<vmem>>
      %dma_start3A_503 = arith.constant 0 : i32
      %dma_start3A_504 = arith.constant 0 : i32
      %dma_start3A_505 = tpu.memref_slice %arg9[%dma_start3A_503, %dma_start3A_504] : memref<10240x128xf32, #tpu.memory_space<vmem_shared>> -> memref<10240x128xf32, #tpu.memory_space<vmem_shared>>
      tpu.enqueue_indirect_dma source(%dma_start3A_499 : memref<80x128xf32, #tpu.memory_space<vmem>>) target(%dma_start3A_505 : memref<10240x128xf32, #tpu.memory_space<vmem_shared>>) offsets(%dma_start3A_502 : memref<80xi32, #tpu.memory_space<vmem>>) semaphore(%run_scoped3A_495 : memref<!tpu.dma_semaphore, #tpu.memory_space<semaphore_mem>>) {add = true}
      %dma_wait3A_506 = arith.constant 0 : i32
      %dma_wait3A_507 = arith.constant 0 : i32
      %dma_wait3A_508 = tpu.memref_slice %arg7[%run_scoped3A_324, %dma_wait3A_506, %dma_wait3A_507] : memref<3x80x128xf32, #tpu.memory_space<vmem>> -> memref<1x80x128xf32, #tpu.memory_space<vmem>>
      %dma_wait3A_509 = tpu.memref_squeeze %dma_wait3A_508 : memref<1x80x128xf32, #tpu.memory_space<vmem>> -> memref<80x128xf32, #tpu.memory_space<vmem>>
      %dma_wait3A_510 = arith.constant 0 : i32
      %dma_wait3A_511 = tpu.memref_slice %arg6[%run_scoped3A_325, %dma_wait3A_510] : memref<4x80xi32, #tpu.memory_space<vmem>> -> memref<1x80xi32, #tpu.memory_space<vmem>>
      %dma_wait3A_512 = tpu.memref_squeeze %dma_wait3A_511 : memref<1x80xi32, #tpu.memory_space<vmem>> -> memref<80xi32, #tpu.memory_space<vmem>>
      %dma_wait3A_513 = arith.constant 0 : i32
      %dma_wait3A_514 = arith.constant 0 : i32
      %dma_wait3A_515 = tpu.memref_slice %arg9[%dma_wait3A_513, %dma_wait3A_514] : memref<10240x128xf32, #tpu.memory_space<vmem_shared>> -> memref<10240x128xf32, #tpu.memory_space<vmem_shared>>
      tpu.wait_indirect_dma semaphore(%run_scoped3A_495 : memref<!tpu.dma_semaphore, #tpu.memory_space<semaphore_mem>>) src(%dma_wait3A_509 : memref<80x128xf32, #tpu.memory_space<vmem>>) dst(%dma_wait3A_515 : memref<10240x128xf32, #tpu.memory_space<vmem_shared>>)
      tpu.yield
    }) : () -> ()
    %add3A_326 = arith.constant 9920 : i32
    %add3A_327 = arith.addi %mul3A_2, %add3A_326 : i32
    %dma_wait3A_328 = arith.constant 0 : i32
    %dma_wait3A_329 = arith.constant 0 : i32
    %dma_wait3A_330 = tpu.memref_slice %arg5[%dma_wait3A_328, %dma_wait3A_329] : memref<4x80xi32, #tpu.memory_space<vmem>> -> memref<1x80xi32, #tpu.memory_space<vmem>>
    %dma_wait3A_331 = tpu.memref_squeeze %dma_wait3A_330 : memref<1x80xi32, #tpu.memory_space<vmem>> -> memref<80xi32, #tpu.memory_space<vmem>>
    %dma_wait3A_332 = tpu.memref_slice %arg3[%add3A_327] : memref<640000xi32, #tpu.memory_space<hbm>> -> memref<80xi32, #tpu.memory_space<hbm>>
    %dma_wait3A_333 = arith.constant 0 : i32
    %dma_wait3A_334 = tpu.memref_slice %arg5[%dma_wait3A_328, %dma_wait3A_333] : memref<4x80xi32, #tpu.memory_space<vmem>> -> memref<1x80xi32, #tpu.memory_space<vmem>>
    %dma_wait3A_335 = tpu.memref_squeeze %dma_wait3A_334 : memref<1x80xi32, #tpu.memory_space<vmem>> -> memref<80xi32, #tpu.memory_space<vmem>>
    %dma_wait3A_336 = tpu.memref_slice %arg3[%add3A_327] : memref<640000xi32, #tpu.memory_space<hbm>> -> memref<80xi32, #tpu.memory_space<hbm>>
    tpu.wait_dma2 semaphore(%arg13 : memref<!tpu.dma_semaphore, #tpu.memory_space<semaphore_mem>>) src(%dma_wait3A_336 : memref<80xi32, #tpu.memory_space<hbm>>) dst(%dma_wait3A_335 : memref<80xi32, #tpu.memory_space<vmem>>)
    %add3A_337 = arith.constant 320000 : i32
    %add3A_338 = arith.addi %add3A_337, %mul3A_2 : i32
    %add3A_339 = arith.constant 9920 : i32
    %add3A_340 = arith.addi %add3A_338, %add3A_339 : i32
    %dma_wait3A_341 = arith.constant 0 : i32
    %dma_wait3A_342 = arith.constant 0 : i32
    %dma_wait3A_343 = tpu.memref_slice %arg6[%dma_wait3A_341, %dma_wait3A_342] : memref<4x80xi32, #tpu.memory_space<vmem>> -> memref<1x80xi32, #tpu.memory_space<vmem>>
    %dma_wait3A_344 = tpu.memref_squeeze %dma_wait3A_343 : memref<1x80xi32, #tpu.memory_space<vmem>> -> memref<80xi32, #tpu.memory_space<vmem>>
    %dma_wait3A_345 = tpu.memref_slice %arg3[%add3A_340] : memref<640000xi32, #tpu.memory_space<hbm>> -> memref<80xi32, #tpu.memory_space<hbm>>
    %dma_wait3A_346 = arith.constant 0 : i32
    %dma_wait3A_347 = tpu.memref_slice %arg6[%dma_wait3A_341, %dma_wait3A_346] : memref<4x80xi32, #tpu.memory_space<vmem>> -> memref<1x80xi32, #tpu.memory_space<vmem>>
    %dma_wait3A_348 = tpu.memref_squeeze %dma_wait3A_347 : memref<1x80xi32, #tpu.memory_space<vmem>> -> memref<80xi32, #tpu.memory_space<vmem>>
    %dma_wait3A_349 = tpu.memref_slice %arg3[%add3A_340] : memref<640000xi32, #tpu.memory_space<hbm>> -> memref<80xi32, #tpu.memory_space<hbm>>
    tpu.wait_dma2 semaphore(%arg13 : memref<!tpu.dma_semaphore, #tpu.memory_space<semaphore_mem>>) src(%dma_wait3A_349 : memref<80xi32, #tpu.memory_space<hbm>>) dst(%dma_wait3A_348 : memref<80xi32, #tpu.memory_space<vmem>>)
    %dma_start3A_350 = arith.constant 0 : i32
    %dma_start3A_351 = arith.constant 1 : i32
    %dma_start3A_352 = arith.constant 0 : i32
    %dma_start3A_353 = arith.constant 0 : i32
    %dma_start3A_354 = tpu.memref_slice %arg7[%dma_start3A_351, %dma_start3A_352, %dma_start3A_353] : memref<3x80x128xf32, #tpu.memory_space<vmem>> -> memref<1x80x128xf32, #tpu.memory_space<vmem>>
    %dma_start3A_355 = tpu.memref_squeeze %dma_start3A_354 : memref<1x80x128xf32, #tpu.memory_space<vmem>> -> memref<80x128xf32, #tpu.memory_space<vmem>>
    %dma_start3A_356 = arith.constant 0 : i32
    %dma_start3A_357 = tpu.memref_slice %arg5[%dma_start3A_350, %dma_start3A_356] : memref<4x80xi32, #tpu.memory_space<vmem>> -> memref<1x80xi32, #tpu.memory_space<vmem>>
    %dma_start3A_358 = tpu.memref_squeeze %dma_start3A_357 : memref<1x80xi32, #tpu.memory_space<vmem>> -> memref<80xi32, #tpu.memory_space<vmem>>
    %dma_start3A_359 = arith.constant 0 : i32
    %dma_start3A_360 = arith.constant 0 : i32
    %dma_start3A_361 = tpu.memref_slice %arg2[%dma_start3A_359, %dma_start3A_360] : memref<10000x128xf32, #tpu.memory_space<hbm>> -> memref<10000x128xf32, #tpu.memory_space<hbm>>
    tpu.enqueue_indirect_dma source(%dma_start3A_361 : memref<10000x128xf32, #tpu.memory_space<hbm>>) target(%dma_start3A_355 : memref<80x128xf32, #tpu.memory_space<vmem>>) offsets(%dma_start3A_358 : memref<80xi32, #tpu.memory_space<vmem>>) semaphore(%arg11 : memref<!tpu.dma_semaphore, #tpu.memory_space<semaphore_mem>>)
    %dma_wait3A_362 = arith.constant 2 : i32
    %dma_wait3A_363 = arith.constant 2 : i32
    %dma_wait3A_364 = arith.constant 0 : i32
    %dma_wait3A_365 = arith.constant 0 : i32
    %dma_wait3A_366 = tpu.memref_slice %arg7[%dma_wait3A_363, %dma_wait3A_364, %dma_wait3A_365] : memref<3x80x128xf32, #tpu.memory_space<vmem>> -> memref<1x80x128xf32, #tpu.memory_space<vmem>>
    %dma_wait3A_367 = tpu.memref_squeeze %dma_wait3A_366 : memref<1x80x128xf32, #tpu.memory_space<vmem>> -> memref<80x128xf32, #tpu.memory_space<vmem>>
    %dma_wait3A_368 = arith.constant 0 : i32
    %dma_wait3A_369 = tpu.memref_slice %arg5[%dma_wait3A_362, %dma_wait3A_368] : memref<4x80xi32, #tpu.memory_space<vmem>> -> memref<1x80xi32, #tpu.memory_space<vmem>>
    %dma_wait3A_370 = tpu.memref_squeeze %dma_wait3A_369 : memref<1x80xi32, #tpu.memory_space<vmem>> -> memref<80xi32, #tpu.memory_space<vmem>>
    %dma_wait3A_371 = arith.constant 0 : i32
    %dma_wait3A_372 = arith.constant 0 : i32
    %dma_wait3A_373 = tpu.memref_slice %arg2[%dma_wait3A_371, %dma_wait3A_372] : memref<10000x128xf32, #tpu.memory_space<hbm>> -> memref<10000x128xf32, #tpu.memory_space<hbm>>
    tpu.wait_indirect_dma semaphore(%arg12 : memref<!tpu.dma_semaphore, #tpu.memory_space<semaphore_mem>>) src(%dma_wait3A_373 : memref<10000x128xf32, #tpu.memory_space<hbm>>) dst(%dma_wait3A_367 : memref<80x128xf32, #tpu.memory_space<vmem>>)
    %run_scoped3A_374 = arith.constant 2 : i32
    %run_scoped3A_375 = arith.constant 2 : i32
    "tpu.region"() ({
      %run_scoped3A_495 = tpu.sem_alloc : memref<!tpu.dma_semaphore, #tpu.memory_space<semaphore_mem>>
      %dma_start3A_496 = arith.constant 0 : i32
      %dma_start3A_497 = arith.constant 0 : i32
      %dma_start3A_498 = tpu.memref_slice %arg7[%run_scoped3A_374, %dma_start3A_496, %dma_start3A_497] : memref<3x80x128xf32, #tpu.memory_space<vmem>> -> memref<1x80x128xf32, #tpu.memory_space<vmem>>
      %dma_start3A_499 = tpu.memref_squeeze %dma_start3A_498 : memref<1x80x128xf32, #tpu.memory_space<vmem>> -> memref<80x128xf32, #tpu.memory_space<vmem>>
      %dma_start3A_500 = arith.constant 0 : i32
      %dma_start3A_501 = tpu.memref_slice %arg6[%run_scoped3A_375, %dma_start3A_500] : memref<4x80xi32, #tpu.memory_space<vmem>> -> memref<1x80xi32, #tpu.memory_space<vmem>>
      %dma_start3A_502 = tpu.memref_squeeze %dma_start3A_501 : memref<1x80xi32, #tpu.memory_space<vmem>> -> memref<80xi32, #tpu.memory_space<vmem>>
      %dma_start3A_503 = arith.constant 0 : i32
      %dma_start3A_504 = arith.constant 0 : i32
      %dma_start3A_505 = tpu.memref_slice %arg9[%dma_start3A_503, %dma_start3A_504] : memref<10240x128xf32, #tpu.memory_space<vmem_shared>> -> memref<10240x128xf32, #tpu.memory_space<vmem_shared>>
      tpu.enqueue_indirect_dma source(%dma_start3A_499 : memref<80x128xf32, #tpu.memory_space<vmem>>) target(%dma_start3A_505 : memref<10240x128xf32, #tpu.memory_space<vmem_shared>>) offsets(%dma_start3A_502 : memref<80xi32, #tpu.memory_space<vmem>>) semaphore(%run_scoped3A_495 : memref<!tpu.dma_semaphore, #tpu.memory_space<semaphore_mem>>) {add = true}
      %dma_wait3A_506 = arith.constant 0 : i32
      %dma_wait3A_507 = arith.constant 0 : i32
      %dma_wait3A_508 = tpu.memref_slice %arg7[%run_scoped3A_374, %dma_wait3A_506, %dma_wait3A_507] : memref<3x80x128xf32, #tpu.memory_space<vmem>> -> memref<1x80x128xf32, #tpu.memory_space<vmem>>
      %dma_wait3A_509 = tpu.memref_squeeze %dma_wait3A_508 : memref<1x80x128xf32, #tpu.memory_space<vmem>> -> memref<80x128xf32, #tpu.memory_space<vmem>>
      %dma_wait3A_510 = arith.constant 0 : i32
      %dma_wait3A_511 = tpu.memref_slice %arg6[%run_scoped3A_375, %dma_wait3A_510] : memref<4x80xi32, #tpu.memory_space<vmem>> -> memref<1x80xi32, #tpu.memory_space<vmem>>
      %dma_wait3A_512 = tpu.memref_squeeze %dma_wait3A_511 : memref<1x80xi32, #tpu.memory_space<vmem>> -> memref<80xi32, #tpu.memory_space<vmem>>
      %dma_wait3A_513 = arith.constant 0 : i32
      %dma_wait3A_514 = arith.constant 0 : i32
      %dma_wait3A_515 = tpu.memref_slice %arg9[%dma_wait3A_513, %dma_wait3A_514] : memref<10240x128xf32, #tpu.memory_space<vmem_shared>> -> memref<10240x128xf32, #tpu.memory_space<vmem_shared>>
      tpu.wait_indirect_dma semaphore(%run_scoped3A_495 : memref<!tpu.dma_semaphore, #tpu.memory_space<semaphore_mem>>) src(%dma_wait3A_509 : memref<80x128xf32, #tpu.memory_space<vmem>>) dst(%dma_wait3A_515 : memref<10240x128xf32, #tpu.memory_space<vmem_shared>>)
      tpu.yield
    }) : () -> ()
    %dma_wait3A_376 = arith.constant 3 : i32
    %dma_wait3A_377 = arith.constant 0 : i32
    %dma_wait3A_378 = arith.constant 0 : i32
    %dma_wait3A_379 = arith.constant 0 : i32
    %dma_wait3A_380 = tpu.memref_slice %arg7[%dma_wait3A_377, %dma_wait3A_378, %dma_wait3A_379] : memref<3x80x128xf32, #tpu.memory_space<vmem>> -> memref<1x80x128xf32, #tpu.memory_space<vmem>>
    %dma_wait3A_381 = tpu.memref_squeeze %dma_wait3A_380 : memref<1x80x128xf32, #tpu.memory_space<vmem>> -> memref<80x128xf32, #tpu.memory_space<vmem>>
    %dma_wait3A_382 = arith.constant 0 : i32
    %dma_wait3A_383 = tpu.memref_slice %arg5[%dma_wait3A_376, %dma_wait3A_382] : memref<4x80xi32, #tpu.memory_space<vmem>> -> memref<1x80xi32, #tpu.memory_space<vmem>>
    %dma_wait3A_384 = tpu.memref_squeeze %dma_wait3A_383 : memref<1x80xi32, #tpu.memory_space<vmem>> -> memref<80xi32, #tpu.memory_space<vmem>>
    %dma_wait3A_385 = arith.constant 0 : i32
    %dma_wait3A_386 = arith.constant 0 : i32
    %dma_wait3A_387 = tpu.memref_slice %arg2[%dma_wait3A_385, %dma_wait3A_386] : memref<10000x128xf32, #tpu.memory_space<hbm>> -> memref<10000x128xf32, #tpu.memory_space<hbm>>
    tpu.wait_indirect_dma semaphore(%arg10 : memref<!tpu.dma_semaphore, #tpu.memory_space<semaphore_mem>>) src(%dma_wait3A_387 : memref<10000x128xf32, #tpu.memory_space<hbm>>) dst(%dma_wait3A_381 : memref<80x128xf32, #tpu.memory_space<vmem>>)
    %run_scoped3A_388 = arith.constant 0 : i32
    %run_scoped3A_389 = arith.constant 3 : i32
    "tpu.region"() ({
      %run_scoped3A_495 = tpu.sem_alloc : memref<!tpu.dma_semaphore, #tpu.memory_space<semaphore_mem>>
      %dma_start3A_496 = arith.constant 0 : i32
      %dma_start3A_497 = arith.constant 0 : i32
      %dma_start3A_498 = tpu.memref_slice %arg7[%run_scoped3A_388, %dma_start3A_496, %dma_start3A_497] : memref<3x80x128xf32, #tpu.memory_space<vmem>> -> memref<1x80x128xf32, #tpu.memory_space<vmem>>
      %dma_start3A_499 = tpu.memref_squeeze %dma_start3A_498 : memref<1x80x128xf32, #tpu.memory_space<vmem>> -> memref<80x128xf32, #tpu.memory_space<vmem>>
      %dma_start3A_500 = arith.constant 0 : i32
      %dma_start3A_501 = tpu.memref_slice %arg6[%run_scoped3A_389, %dma_start3A_500] : memref<4x80xi32, #tpu.memory_space<vmem>> -> memref<1x80xi32, #tpu.memory_space<vmem>>
      %dma_start3A_502 = tpu.memref_squeeze %dma_start3A_501 : memref<1x80xi32, #tpu.memory_space<vmem>> -> memref<80xi32, #tpu.memory_space<vmem>>
      %dma_start3A_503 = arith.constant 0 : i32
      %dma_start3A_504 = arith.constant 0 : i32
      %dma_start3A_505 = tpu.memref_slice %arg9[%dma_start3A_503, %dma_start3A_504] : memref<10240x128xf32, #tpu.memory_space<vmem_shared>> -> memref<10240x128xf32, #tpu.memory_space<vmem_shared>>
      tpu.enqueue_indirect_dma source(%dma_start3A_499 : memref<80x128xf32, #tpu.memory_space<vmem>>) target(%dma_start3A_505 : memref<10240x128xf32, #tpu.memory_space<vmem_shared>>) offsets(%dma_start3A_502 : memref<80xi32, #tpu.memory_space<vmem>>) semaphore(%run_scoped3A_495 : memref<!tpu.dma_semaphore, #tpu.memory_space<semaphore_mem>>) {add = true}
      %dma_wait3A_506 = arith.constant 0 : i32
      %dma_wait3A_507 = arith.constant 0 : i32
      %dma_wait3A_508 = tpu.memref_slice %arg7[%run_scoped3A_388, %dma_wait3A_506, %dma_wait3A_507] : memref<3x80x128xf32, #tpu.memory_space<vmem>> -> memref<1x80x128xf32, #tpu.memory_space<vmem>>
      %dma_wait3A_509 = tpu.memref_squeeze %dma_wait3A_508 : memref<1x80x128xf32, #tpu.memory_space<vmem>> -> memref<80x128xf32, #tpu.memory_space<vmem>>
      %dma_wait3A_510 = arith.constant 0 : i32
      %dma_wait3A_511 = tpu.memref_slice %arg6[%run_scoped3A_389, %dma_wait3A_510] : memref<4x80xi32, #tpu.memory_space<vmem>> -> memref<1x80xi32, #tpu.memory_space<vmem>>
      %dma_wait3A_512 = tpu.memref_squeeze %dma_wait3A_511 : memref<1x80xi32, #tpu.memory_space<vmem>> -> memref<80xi32, #tpu.memory_space<vmem>>
      %dma_wait3A_513 = arith.constant 0 : i32
      %dma_wait3A_514 = arith.constant 0 : i32
      %dma_wait3A_515 = tpu.memref_slice %arg9[%dma_wait3A_513, %dma_wait3A_514] : memref<10240x128xf32, #tpu.memory_space<vmem_shared>> -> memref<10240x128xf32, #tpu.memory_space<vmem_shared>>
      tpu.wait_indirect_dma semaphore(%run_scoped3A_495 : memref<!tpu.dma_semaphore, #tpu.memory_space<semaphore_mem>>) src(%dma_wait3A_509 : memref<80x128xf32, #tpu.memory_space<vmem>>) dst(%dma_wait3A_515 : memref<10240x128xf32, #tpu.memory_space<vmem_shared>>)
      tpu.yield
    }) : () -> ()
    %dma_wait3A_390 = arith.constant 0 : i32
    %dma_wait3A_391 = arith.constant 1 : i32
    %dma_wait3A_392 = arith.constant 0 : i32
    %dma_wait3A_393 = arith.constant 0 : i32
    %dma_wait3A_394 = tpu.memref_slice %arg7[%dma_wait3A_391, %dma_wait3A_392, %dma_wait3A_393] : memref<3x80x128xf32, #tpu.memory_space<vmem>> -> memref<1x80x128xf32, #tpu.memory_space<vmem>>
    %dma_wait3A_395 = tpu.memref_squeeze %dma_wait3A_394 : memref<1x80x128xf32, #tpu.memory_space<vmem>> -> memref<80x128xf32, #tpu.memory_space<vmem>>
    %dma_wait3A_396 = arith.constant 0 : i32
    %dma_wait3A_397 = tpu.memref_slice %arg5[%dma_wait3A_390, %dma_wait3A_396] : memref<4x80xi32, #tpu.memory_space<vmem>> -> memref<1x80xi32, #tpu.memory_space<vmem>>
    %dma_wait3A_398 = tpu.memref_squeeze %dma_wait3A_397 : memref<1x80xi32, #tpu.memory_space<vmem>> -> memref<80xi32, #tpu.memory_space<vmem>>
    %dma_wait3A_399 = arith.constant 0 : i32
    %dma_wait3A_400 = arith.constant 0 : i32
    %dma_wait3A_401 = tpu.memref_slice %arg2[%dma_wait3A_399, %dma_wait3A_400] : memref<10000x128xf32, #tpu.memory_space<hbm>> -> memref<10000x128xf32, #tpu.memory_space<hbm>>
    tpu.wait_indirect_dma semaphore(%arg11 : memref<!tpu.dma_semaphore, #tpu.memory_space<semaphore_mem>>) src(%dma_wait3A_401 : memref<10000x128xf32, #tpu.memory_space<hbm>>) dst(%dma_wait3A_395 : memref<80x128xf32, #tpu.memory_space<vmem>>)
    %run_scoped3A_402 = arith.constant 1 : i32
    %run_scoped3A_403 = arith.constant 0 : i32
    "tpu.region"() ({
      %run_scoped3A_495 = tpu.sem_alloc : memref<!tpu.dma_semaphore, #tpu.memory_space<semaphore_mem>>
      %dma_start3A_496 = arith.constant 0 : i32
      %dma_start3A_497 = arith.constant 0 : i32
      %dma_start3A_498 = tpu.memref_slice %arg7[%run_scoped3A_402, %dma_start3A_496, %dma_start3A_497] : memref<3x80x128xf32, #tpu.memory_space<vmem>> -> memref<1x80x128xf32, #tpu.memory_space<vmem>>
      %dma_start3A_499 = tpu.memref_squeeze %dma_start3A_498 : memref<1x80x128xf32, #tpu.memory_space<vmem>> -> memref<80x128xf32, #tpu.memory_space<vmem>>
      %dma_start3A_500 = arith.constant 0 : i32
      %dma_start3A_501 = tpu.memref_slice %arg6[%run_scoped3A_403, %dma_start3A_500] : memref<4x80xi32, #tpu.memory_space<vmem>> -> memref<1x80xi32, #tpu.memory_space<vmem>>
      %dma_start3A_502 = tpu.memref_squeeze %dma_start3A_501 : memref<1x80xi32, #tpu.memory_space<vmem>> -> memref<80xi32, #tpu.memory_space<vmem>>
      %dma_start3A_503 = arith.constant 0 : i32
      %dma_start3A_504 = arith.constant 0 : i32
      %dma_start3A_505 = tpu.memref_slice %arg9[%dma_start3A_503, %dma_start3A_504] : memref<10240x128xf32, #tpu.memory_space<vmem_shared>> -> memref<10240x128xf32, #tpu.memory_space<vmem_shared>>
      tpu.enqueue_indirect_dma source(%dma_start3A_499 : memref<80x128xf32, #tpu.memory_space<vmem>>) target(%dma_start3A_505 : memref<10240x128xf32, #tpu.memory_space<vmem_shared>>) offsets(%dma_start3A_502 : memref<80xi32, #tpu.memory_space<vmem>>) semaphore(%run_scoped3A_495 : memref<!tpu.dma_semaphore, #tpu.memory_space<semaphore_mem>>) {add = true}
      %dma_wait3A_506 = arith.constant 0 : i32
      %dma_wait3A_507 = arith.constant 0 : i32
      %dma_wait3A_508 = tpu.memref_slice %arg7[%run_scoped3A_402, %dma_wait3A_506, %dma_wait3A_507] : memref<3x80x128xf32, #tpu.memory_space<vmem>> -> memref<1x80x128xf32, #tpu.memory_space<vmem>>
      %dma_wait3A_509 = tpu.memref_squeeze %dma_wait3A_508 : memref<1x80x128xf32, #tpu.memory_space<vmem>> -> memref<80x128xf32, #tpu.memory_space<vmem>>
      %dma_wait3A_510 = arith.constant 0 : i32
      %dma_wait3A_511 = tpu.memref_slice %arg6[%run_scoped3A_403, %dma_wait3A_510] : memref<4x80xi32, #tpu.memory_space<vmem>> -> memref<1x80xi32, #tpu.memory_space<vmem>>
      %dma_wait3A_512 = tpu.memref_squeeze %dma_wait3A_511 : memref<1x80xi32, #tpu.memory_space<vmem>> -> memref<80xi32, #tpu.memory_space<vmem>>
      %dma_wait3A_513 = arith.constant 0 : i32
      %dma_wait3A_514 = arith.constant 0 : i32
      %dma_wait3A_515 = tpu.memref_slice %arg9[%dma_wait3A_513, %dma_wait3A_514] : memref<10240x128xf32, #tpu.memory_space<vmem_shared>> -> memref<10240x128xf32, #tpu.memory_space<vmem_shared>>
      tpu.wait_indirect_dma semaphore(%run_scoped3A_495 : memref<!tpu.dma_semaphore, #tpu.memory_space<semaphore_mem>>) src(%dma_wait3A_509 : memref<80x128xf32, #tpu.memory_space<vmem>>) dst(%dma_wait3A_515 : memref<10240x128xf32, #tpu.memory_space<vmem_shared>>)
      tpu.yield
    }) : () -> ()
    %barrier3A_404 = arith.constant 0 : index
    tpu.barrier barrier_id(%barrier3A_404)
    %mul3A_405 = arith.constant 640 : i32
    %mul3A_406 = arith.muli %arg1, %mul3A_405 : i32
    %add3A_407 = arith.constant 0 : i32
    %add3A_408 = arith.addi %mul3A_406, %add3A_407 : i32
    %dma_start3A_409 = arith.constant 0 : i32
    %dma_start3A_410 = tpu.memref_slice %arg4[%arg0, %add3A_408, %dma_start3A_409] : memref<2x10240x128xf32, #tpu.memory_space<hbm>> -> memref<1x128x128xf32, #tpu.memory_space<hbm>>
    %dma_start3A_411 = tpu.memref_squeeze %dma_start3A_410 : memref<1x128x128xf32, #tpu.memory_space<hbm>> -> memref<128x128xf32, #tpu.memory_space<hbm>>
    %dma_start3A_412 = arith.constant 0 : i32
    %dma_start3A_413 = tpu.memref_slice %arg9[%add3A_408, %dma_start3A_412] : memref<10240x128xf32, #tpu.memory_space<vmem_shared>> -> memref<128x128xf32, #tpu.memory_space<vmem_shared>>
    tpu.enqueue_dma source(%dma_start3A_413 : memref<128x128xf32, #tpu.memory_space<vmem_shared>>) target(%dma_start3A_411 : memref<128x128xf32, #tpu.memory_space<hbm>>) target_semaphore(%arg17 : memref<!tpu.dma_semaphore, #tpu.memory_space<semaphore_mem>>)
    %mul3A_414 = arith.constant 640 : i32
    %mul3A_415 = arith.muli %arg1, %mul3A_414 : i32
    %add3A_416 = arith.constant 128 : i32
    %add3A_417 = arith.addi %mul3A_415, %add3A_416 : i32
    %dma_start3A_418 = arith.constant 0 : i32
    %dma_start3A_419 = tpu.memref_slice %arg4[%arg0, %add3A_417, %dma_start3A_418] : memref<2x10240x128xf32, #tpu.memory_space<hbm>> -> memref<1x128x128xf32, #tpu.memory_space<hbm>>
    %dma_start3A_420 = tpu.memref_squeeze %dma_start3A_419 : memref<1x128x128xf32, #tpu.memory_space<hbm>> -> memref<128x128xf32, #tpu.memory_space<hbm>>
    %dma_start3A_421 = arith.constant 0 : i32
    %dma_start3A_422 = tpu.memref_slice %arg9[%add3A_417, %dma_start3A_421] : memref<10240x128xf32, #tpu.memory_space<vmem_shared>> -> memref<128x128xf32, #tpu.memory_space<vmem_shared>>
    tpu.enqueue_dma source(%dma_start3A_422 : memref<128x128xf32, #tpu.memory_space<vmem_shared>>) target(%dma_start3A_420 : memref<128x128xf32, #tpu.memory_space<hbm>>) target_semaphore(%arg17 : memref<!tpu.dma_semaphore, #tpu.memory_space<semaphore_mem>>)
    %mul3A_423 = arith.constant 640 : i32
    %mul3A_424 = arith.muli %arg1, %mul3A_423 : i32
    %add3A_425 = arith.constant 256 : i32
    %add3A_426 = arith.addi %mul3A_424, %add3A_425 : i32
    %dma_start3A_427 = arith.constant 0 : i32
    %dma_start3A_428 = tpu.memref_slice %arg4[%arg0, %add3A_426, %dma_start3A_427] : memref<2x10240x128xf32, #tpu.memory_space<hbm>> -> memref<1x128x128xf32, #tpu.memory_space<hbm>>
    %dma_start3A_429 = tpu.memref_squeeze %dma_start3A_428 : memref<1x128x128xf32, #tpu.memory_space<hbm>> -> memref<128x128xf32, #tpu.memory_space<hbm>>
    %dma_start3A_430 = arith.constant 0 : i32
    %dma_start3A_431 = tpu.memref_slice %arg9[%add3A_426, %dma_start3A_430] : memref<10240x128xf32, #tpu.memory_space<vmem_shared>> -> memref<128x128xf32, #tpu.memory_space<vmem_shared>>
    tpu.enqueue_dma source(%dma_start3A_431 : memref<128x128xf32, #tpu.memory_space<vmem_shared>>) target(%dma_start3A_429 : memref<128x128xf32, #tpu.memory_space<hbm>>) target_semaphore(%arg17 : memref<!tpu.dma_semaphore, #tpu.memory_space<semaphore_mem>>)
    %mul3A_432 = arith.constant 640 : i32
    %mul3A_433 = arith.muli %arg1, %mul3A_432 : i32
    %add3A_434 = arith.constant 384 : i32
    %add3A_435 = arith.addi %mul3A_433, %add3A_434 : i32
    %dma_start3A_436 = arith.constant 0 : i32
    %dma_start3A_437 = tpu.memref_slice %arg4[%arg0, %add3A_435, %dma_start3A_436] : memref<2x10240x128xf32, #tpu.memory_space<hbm>> -> memref<1x128x128xf32, #tpu.memory_space<hbm>>
    %dma_start3A_438 = tpu.memref_squeeze %dma_start3A_437 : memref<1x128x128xf32, #tpu.memory_space<hbm>> -> memref<128x128xf32, #tpu.memory_space<hbm>>
    %dma_start3A_439 = arith.constant 0 : i32
    %dma_start3A_440 = tpu.memref_slice %arg9[%add3A_435, %dma_start3A_439] : memref<10240x128xf32, #tpu.memory_space<vmem_shared>> -> memref<128x128xf32, #tpu.memory_space<vmem_shared>>
    tpu.enqueue_dma source(%dma_start3A_440 : memref<128x128xf32, #tpu.memory_space<vmem_shared>>) target(%dma_start3A_438 : memref<128x128xf32, #tpu.memory_space<hbm>>) target_semaphore(%arg17 : memref<!tpu.dma_semaphore, #tpu.memory_space<semaphore_mem>>)
    %mul3A_441 = arith.constant 640 : i32
    %mul3A_442 = arith.muli %arg1, %mul3A_441 : i32
    %add3A_443 = arith.constant 512 : i32
    %add3A_444 = arith.addi %mul3A_442, %add3A_443 : i32
    %dma_start3A_445 = arith.constant 0 : i32
    %dma_start3A_446 = tpu.memref_slice %arg4[%arg0, %add3A_444, %dma_start3A_445] : memref<2x10240x128xf32, #tpu.memory_space<hbm>> -> memref<1x128x128xf32, #tpu.memory_space<hbm>>
    %dma_start3A_447 = tpu.memref_squeeze %dma_start3A_446 : memref<1x128x128xf32, #tpu.memory_space<hbm>> -> memref<128x128xf32, #tpu.memory_space<hbm>>
    %dma_start3A_448 = arith.constant 0 : i32
    %dma_start3A_449 = tpu.memref_slice %arg9[%add3A_444, %dma_start3A_448] : memref<10240x128xf32, #tpu.memory_space<vmem_shared>> -> memref<128x128xf32, #tpu.memory_space<vmem_shared>>
    tpu.enqueue_dma source(%dma_start3A_449 : memref<128x128xf32, #tpu.memory_space<vmem_shared>>) target(%dma_start3A_447 : memref<128x128xf32, #tpu.memory_space<hbm>>) target_semaphore(%arg17 : memref<!tpu.dma_semaphore, #tpu.memory_space<semaphore_mem>>)
    %mul3A_450 = arith.constant 640 : i32
    %mul3A_451 = arith.muli %arg1, %mul3A_450 : i32
    %add3A_452 = arith.constant 0 : i32
    %add3A_453 = arith.addi %mul3A_451, %add3A_452 : i32
    %dma_wait3A_454 = arith.constant 0 : i32
    %dma_wait3A_455 = tpu.memref_slice %arg4[%arg0, %add3A_453, %dma_wait3A_454] : memref<2x10240x128xf32, #tpu.memory_space<hbm>> -> memref<1x128x128xf32, #tpu.memory_space<hbm>>
    %dma_wait3A_456 = tpu.memref_squeeze %dma_wait3A_455 : memref<1x128x128xf32, #tpu.memory_space<hbm>> -> memref<128x128xf32, #tpu.memory_space<hbm>>
    %dma_wait3A_457 = arith.constant 0 : i32
    %dma_wait3A_458 = tpu.memref_slice %arg9[%add3A_453, %dma_wait3A_457] : memref<10240x128xf32, #tpu.memory_space<vmem_shared>> -> memref<128x128xf32, #tpu.memory_space<vmem_shared>>
    tpu.wait_dma2 semaphore(%arg17 : memref<!tpu.dma_semaphore, #tpu.memory_space<semaphore_mem>>) src(%dma_wait3A_458 : memref<128x128xf32, #tpu.memory_space<vmem_shared>>) dst(%dma_wait3A_456 : memref<128x128xf32, #tpu.memory_space<hbm>>)
    %mul3A_459 = arith.constant 640 : i32
    %mul3A_460 = arith.muli %arg1, %mul3A_459 : i32
    %add3A_461 = arith.constant 128 : i32
    %add3A_462 = arith.addi %mul3A_460, %add3A_461 : i32
    %dma_wait3A_463 = arith.constant 0 : i32
    %dma_wait3A_464 = tpu.memref_slice %arg4[%arg0, %add3A_462, %dma_wait3A_463] : memref<2x10240x128xf32, #tpu.memory_space<hbm>> -> memref<1x128x128xf32, #tpu.memory_space<hbm>>
    %dma_wait3A_465 = tpu.memref_squeeze %dma_wait3A_464 : memref<1x128x128xf32, #tpu.memory_space<hbm>> -> memref<128x128xf32, #tpu.memory_space<hbm>>
    %dma_wait3A_466 = arith.constant 0 : i32
    %dma_wait3A_467 = tpu.memref_slice %arg9[%add3A_462, %dma_wait3A_466] : memref<10240x128xf32, #tpu.memory_space<vmem_shared>> -> memref<128x128xf32, #tpu.memory_space<vmem_shared>>
    tpu.wait_dma2 semaphore(%arg17 : memref<!tpu.dma_semaphore, #tpu.memory_space<semaphore_mem>>) src(%dma_wait3A_467 : memref<128x128xf32, #tpu.memory_space<vmem_shared>>) dst(%dma_wait3A_465 : memref<128x128xf32, #tpu.memory_space<hbm>>)
    %mul3A_468 = arith.constant 640 : i32
    %mul3A_469 = arith.muli %arg1, %mul3A_468 : i32
    %add3A_470 = arith.constant 256 : i32
    %add3A_471 = arith.addi %mul3A_469, %add3A_470 : i32
    %dma_wait3A_472 = arith.constant 0 : i32
    %dma_wait3A_473 = tpu.memref_slice %arg4[%arg0, %add3A_471, %dma_wait3A_472] : memref<2x10240x128xf32, #tpu.memory_space<hbm>> -> memref<1x128x128xf32, #tpu.memory_space<hbm>>
    %dma_wait3A_474 = tpu.memref_squeeze %dma_wait3A_473 : memref<1x128x128xf32, #tpu.memory_space<hbm>> -> memref<128x128xf32, #tpu.memory_space<hbm>>
    %dma_wait3A_475 = arith.constant 0 : i32
    %dma_wait3A_476 = tpu.memref_slice %arg9[%add3A_471, %dma_wait3A_475] : memref<10240x128xf32, #tpu.memory_space<vmem_shared>> -> memref<128x128xf32, #tpu.memory_space<vmem_shared>>
    tpu.wait_dma2 semaphore(%arg17 : memref<!tpu.dma_semaphore, #tpu.memory_space<semaphore_mem>>) src(%dma_wait3A_476 : memref<128x128xf32, #tpu.memory_space<vmem_shared>>) dst(%dma_wait3A_474 : memref<128x128xf32, #tpu.memory_space<hbm>>)
    %mul3A_477 = arith.constant 640 : i32
    %mul3A_478 = arith.muli %arg1, %mul3A_477 : i32
    %add3A_479 = arith.constant 384 : i32
    %add3A_480 = arith.addi %mul3A_478, %add3A_479 : i32
    %dma_wait3A_481 = arith.constant 0 : i32
    %dma_wait3A_482 = tpu.memref_slice %arg4[%arg0, %add3A_480, %dma_wait3A_481] : memref<2x10240x128xf32, #tpu.memory_space<hbm>> -> memref<1x128x128xf32, #tpu.memory_space<hbm>>
    %dma_wait3A_483 = tpu.memref_squeeze %dma_wait3A_482 : memref<1x128x128xf32, #tpu.memory_space<hbm>> -> memref<128x128xf32, #tpu.memory_space<hbm>>
    %dma_wait3A_484 = arith.constant 0 : i32
    %dma_wait3A_485 = tpu.memref_slice %arg9[%add3A_480, %dma_wait3A_484] : memref<10240x128xf32, #tpu.memory_space<vmem_shared>> -> memref<128x128xf32, #tpu.memory_space<vmem_shared>>
    tpu.wait_dma2 semaphore(%arg17 : memref<!tpu.dma_semaphore, #tpu.memory_space<semaphore_mem>>) src(%dma_wait3A_485 : memref<128x128xf32, #tpu.memory_space<vmem_shared>>) dst(%dma_wait3A_483 : memref<128x128xf32, #tpu.memory_space<hbm>>)
    %mul3A_486 = arith.constant 640 : i32
    %mul3A_487 = arith.muli %arg1, %mul3A_486 : i32
    %add3A_488 = arith.constant 512 : i32
    %add3A_489 = arith.addi %mul3A_487, %add3A_488 : i32
    %dma_wait3A_490 = arith.constant 0 : i32
    %dma_wait3A_491 = tpu.memref_slice %arg4[%arg0, %add3A_489, %dma_wait3A_490] : memref<2x10240x128xf32, #tpu.memory_space<hbm>> -> memref<1x128x128xf32, #tpu.memory_space<hbm>>
    %dma_wait3A_492 = tpu.memref_squeeze %dma_wait3A_491 : memref<1x128x128xf32, #tpu.memory_space<hbm>> -> memref<128x128xf32, #tpu.memory_space<hbm>>
    %dma_wait3A_493 = arith.constant 0 : i32
    %dma_wait3A_494 = tpu.memref_slice %arg9[%add3A_489, %dma_wait3A_493] : memref<10240x128xf32, #tpu.memory_space<vmem_shared>> -> memref<128x128xf32, #tpu.memory_space<vmem_shared>>
    tpu.wait_dma2 semaphore(%arg17 : memref<!tpu.dma_semaphore, #tpu.memory_space<semaphore_mem>>) src(%dma_wait3A_494 : memref<128x128xf32, #tpu.memory_space<vmem_shared>>) dst(%dma_wait3A_492 : memref<128x128xf32, #tpu.memory_space<hbm>>)
    return
  }
}

module attributes {stable_mosaic.version = 14 : i64} {
  func.func @_tc_body(%arg0: i32, %arg1: memref<2x2000x128xf32, #tpu.memory_space<vmem>>, %arg2: memref<1x1x2000xi32, #tpu.memory_space<vmem>>, %arg3: memref<128x128xf32, #tpu.memory_space<vmem>>, %arg4: memref<1x128xf32, #tpu.memory_space<vmem>>, %arg5: memref<128x128xf32, #tpu.memory_space<vmem>>, %arg6: memref<1x128xf32, #tpu.memory_space<vmem>>, %arg7: memref<128x1xf32, #tpu.memory_space<vmem>>, %arg8: memref<1x1xf32, #tpu.memory_space<vmem>>, %arg9: memref<2000x1xf32, #tpu.memory_space<vmem>>, %arg10: memref<64x1xf32, #tpu.memory_space<vmem>>) attributes {dimension_semantics = [#tpu.dimension_semantics<arbitrary>], iteration_bounds = array<i64: 5>, scalar_prefetch = 0 : i64, scratch_operands = 0 : i64, tpu.core_type = #tpu.core_type<tc>, window_params = [{transform_indices = @transform_0, window_bounds = array<i64: 2, 2000, 128>}, {transform_indices = @transform_1, window_bounds = array<i64: 1, 1, 2000>}, {pipeline_mode = #tpu.pipeline_mode<synchronous>, transform_indices = @transform_2, window_bounds = array<i64: 128, 128>}, {pipeline_mode = #tpu.pipeline_mode<synchronous>, transform_indices = @transform_3, window_bounds = array<i64: 1, 128>}, {pipeline_mode = #tpu.pipeline_mode<synchronous>, transform_indices = @transform_4, window_bounds = array<i64: 128, 128>}, {pipeline_mode = #tpu.pipeline_mode<synchronous>, transform_indices = @transform_5, window_bounds = array<i64: 1, 128>}, {pipeline_mode = #tpu.pipeline_mode<synchronous>, transform_indices = @transform_6, window_bounds = array<i64: 128, 1>}, {pipeline_mode = #tpu.pipeline_mode<synchronous>, transform_indices = @transform_7, window_bounds = array<i64: 1, 1>}, {transform_indices = @transform_8, window_bounds = array<i64: 2000, 1>}, {pipeline_mode = #tpu.pipeline_mode<synchronous>, transform_indices = @transform_9, window_bounds = array<i64: 64, 1>}]} {
    %get3A = arith.constant 0 : index
    %get3A_0 = arith.constant 0 : index
    %get3A_1 = arith.constant 0 : index
    %get3A_2 = vector.load %arg1[%get3A, %get3A_0, %get3A_1] : memref<2x2000x128xf32, #tpu.memory_space<vmem>>, vector<1x2000x128xf32>
    %get3A_3 = vector.shape_cast %get3A_2 : vector<1x2000x128xf32> to vector<2000x128xf32>
    %get3A_4 = arith.constant 1 : index
    %get3A_5 = arith.constant 0 : index
    %get3A_6 = arith.constant 0 : index
    %get3A_7 = vector.load %arg1[%get3A_4, %get3A_5, %get3A_6] : memref<2x2000x128xf32, #tpu.memory_space<vmem>>, vector<1x2000x128xf32>
    %get3A_8 = vector.shape_cast %get3A_7 : vector<1x2000x128xf32> to vector<2000x128xf32>
    %add3A = arith.addf %get3A_3, %get3A_8 : vector<2000x128xf32>
    %get3A_9 = arith.constant 0 : index
    %get3A_10 = arith.constant 0 : index
    %get3A_11 = vector.load %arg3[%get3A_9, %get3A_10] : memref<128x128xf32, #tpu.memory_space<vmem>>, vector<128x128xf32>
    %dot_general3A = arith.constant dense<0.000000e+00> : vector<2000x128xf32>
    %dot_general3A_12 = tpu.matmul %add3A, %get3A_11, %dot_general3A {dimension_numbers = #tpu.dot_dimension_numbers<[1], [0], [0], [1], [0, 0, 1, 1], [], []>, transpose_lhs_hint = false} : vector<2000x128xf32>, vector<128x128xf32>, vector<2000x128xf32> -> vector<2000x128xf32>
    %get3A_13 = arith.constant 0 : index
    %get3A_14 = arith.constant 0 : index
    %get3A_15 = vector.load %arg4[%get3A_13, %get3A_14] : memref<1x128xf32, #tpu.memory_space<vmem>>, vector<1x128xf32>
    %add3A_16 = vector.broadcast %get3A_15 : vector<1x128xf32> to vector<2000x128xf32>
    %add3A_17 = arith.addf %dot_general3A_12, %add3A_16 : vector<2000x128xf32>
    %max3A = arith.constant 0.000000e+00 : f32
    %max3A_18 = vector.broadcast %max3A : f32 to vector<2000x128xf32>
    %max3A_19 = arith.maximumf %add3A_17, %max3A_18 : vector<2000x128xf32>
    %get3A_20 = arith.constant 0 : index
    %get3A_21 = arith.constant 0 : index
    %get3A_22 = vector.load %arg5[%get3A_20, %get3A_21] : memref<128x128xf32, #tpu.memory_space<vmem>>, vector<128x128xf32>
    %dot_general3A_23 = arith.constant dense<0.000000e+00> : vector<2000x128xf32>
    %dot_general3A_24 = tpu.matmul %max3A_19, %get3A_22, %dot_general3A_23 {dimension_numbers = #tpu.dot_dimension_numbers<[1], [0], [0], [1], [0, 0, 1, 1], [], []>, transpose_lhs_hint = false} : vector<2000x128xf32>, vector<128x128xf32>, vector<2000x128xf32> -> vector<2000x128xf32>
    %get3A_25 = arith.constant 0 : index
    %get3A_26 = arith.constant 0 : index
    %get3A_27 = vector.load %arg6[%get3A_25, %get3A_26] : memref<1x128xf32, #tpu.memory_space<vmem>>, vector<1x128xf32>
    %add3A_28 = vector.broadcast %get3A_27 : vector<1x128xf32> to vector<2000x128xf32>
    %add3A_29 = arith.addf %dot_general3A_24, %add3A_28 : vector<2000x128xf32>
    %get3A_30 = arith.constant 0 : index
    %get3A_31 = arith.constant 0 : index
    %get3A_32 = vector.load %arg7[%get3A_30, %get3A_31] : memref<128x1xf32, #tpu.memory_space<vmem>>, vector<128x1xf32>
    %dot_general3A_33 = arith.constant dense<0.000000e+00> : vector<2000x1xf32>
    %dot_general3A_34 = tpu.matmul %add3A_29, %get3A_32, %dot_general3A_33 {dimension_numbers = #tpu.dot_dimension_numbers<[1], [0], [0], [1], [0, 0, 1, 1], [], []>, transpose_lhs_hint = false} : vector<2000x128xf32>, vector<128x1xf32>, vector<2000x1xf32> -> vector<2000x1xf32>
    %get3A_35 = arith.constant 0 : index
    %get3A_36 = arith.constant 0 : index
    %get3A_37 = vector.load %arg8[%get3A_35, %get3A_36] : memref<1x1xf32, #tpu.memory_space<vmem>>, vector<1x1xf32>
    %add3A_38 = vector.broadcast %get3A_37 : vector<1x1xf32> to vector<2000x1xf32>
    %add3A_39 = arith.addf %dot_general3A_34, %add3A_38 : vector<2000x1xf32>
    %swap3A = arith.constant 0 : index
    %swap3A_40 = arith.constant 0 : index
    %swap3A_41 = vector.load %arg9[%swap3A, %swap3A_40] : memref<2000x1xf32, #tpu.memory_space<vmem>>, vector<2000x1xf32>
    tpu.vector_store %arg9[%swap3A, %swap3A_40], %add3A_39 {strides = array<i32>} : memref<2000x1xf32, #tpu.memory_space<vmem>>, vector<2000x1xf32>,
    %get3A_42 = arith.constant 0 : index
    %get3A_43 = arith.constant 0 : index
    %get3A_44 = arith.constant 0 : index
    %get3A_45 = vector.load %arg2[%get3A_42, %get3A_43, %get3A_44] : memref<1x1x2000xi32, #tpu.memory_space<vmem>>, vector<1x1x2000xi32>
    %get3A_46 = vector.shape_cast %get3A_45 : vector<1x1x2000xi32> to vector<2000xi32>
    %iota3A = tpu.iota {dimensions = array<i32: 0>} : vector<64x2000xi32>
    %broadcast_in_dim3A = vector.shape_cast %get3A_46 : vector<2000xi32> to vector<1x2000xi32>
    %eq3A = vector.broadcast %broadcast_in_dim3A : vector<1x2000xi32> to vector<64x2000xi32>
    %eq3A_47 = arith.cmpi eq, %iota3A, %eq3A : vector<64x2000xi32>
    %convert_element_type3A = arith.extui %eq3A_47 : vector<64x2000xi1> to vector<64x2000xi32>
    %convert_element_type3A_48 = arith.sitofp %convert_element_type3A : vector<64x2000xi32> to vector<64x2000xf32>
    %dot_general3A_49 = arith.constant dense<0.000000e+00> : vector<64x1xf32>
    %dot_general3A_50 = tpu.matmul %convert_element_type3A_48, %add3A_39, %dot_general3A_49 {dimension_numbers = #tpu.dot_dimension_numbers<[1], [0], [0], [1], [0, 0, 1, 1], [], []>, transpose_lhs_hint = false} : vector<64x2000xf32>, vector<2000x1xf32>, vector<64x1xf32> -> vector<64x1xf32>
    %eq3A_51 = arith.constant 0 : i32
    %eq3A_52 = arith.cmpi eq, %arg0, %eq3A_51 : i32
    %convert_element_type3A_53 = arith.extui %eq3A_52 : i1 to i32
    %cond3A = arith.constant 0 : i32
    %cond3A_54 = arith.cmpi ne, %convert_element_type3A_53, %cond3A : i32
    scf.if %cond3A_54 {
      %broadcast_in_dim3A_62 = arith.constant 0.000000e+00 : f32
      %broadcast_in_dim3A_63 = vector.broadcast %broadcast_in_dim3A_62 : f32 to vector<64x1xf32>
      %swap3A_64 = arith.constant 0 : index
      %swap3A_65 = arith.constant 0 : index
      %swap3A_66 = vector.load %arg10[%swap3A_64, %swap3A_65] : memref<64x1xf32, #tpu.memory_space<vmem>>, vector<64x1xf32>
      tpu.vector_store %arg10[%swap3A_64, %swap3A_65], %broadcast_in_dim3A_63 {strides = array<i32>} : memref<64x1xf32, #tpu.memory_space<vmem>>, vector<64x1xf32>,
    } else {
    }
    %get3A_55 = arith.constant 0 : index
    %get3A_56 = arith.constant 0 : index
    %get3A_57 = vector.load %arg10[%get3A_55, %get3A_56] : memref<64x1xf32, #tpu.memory_space<vmem>>, vector<64x1xf32>
    %add3A_58 = arith.addf %get3A_57, %dot_general3A_50 : vector<64x1xf32>
    %swap3A_59 = arith.constant 0 : index
    %swap3A_60 = arith.constant 0 : index
    %swap3A_61 = vector.load %arg10[%swap3A_59, %swap3A_60] : memref<64x1xf32, #tpu.memory_space<vmem>>, vector<64x1xf32>
    tpu.vector_store %arg10[%swap3A_59, %swap3A_60], %add3A_58 {strides = array<i32>} : memref<64x1xf32, #tpu.memory_space<vmem>>, vector<64x1xf32>,
    return
  }
  func.func @transform_0(%arg0: i32) -> (i32, i32, i32) {
    %c0_i32 = arith.constant 0 : i32
    %c0_i32_0 = arith.constant 0 : i32
    %c0_i32_1 = arith.constant 0 : i32
    return %c0_i32, %arg0, %c0_i32_0 : i32, i32, i32
  }
  func.func @transform_1(%arg0: i32) -> (i32, i32, i32) {
    %c0_i32 = arith.constant 0 : i32
    %c0_i32_0 = arith.constant 0 : i32
    %c0_i32_1 = arith.constant 0 : i32
    return %arg0, %c0_i32, %c0_i32_0 : i32, i32, i32
  }
  func.func @transform_2(%arg0: i32) -> (i32, i32) {
    %c0_i32 = arith.constant 0 : i32
    %c0_i32_0 = arith.constant 0 : i32
    %c0_i32_1 = arith.constant 0 : i32
    return %c0_i32, %c0_i32_0 : i32, i32
  }
  func.func @transform_3(%arg0: i32) -> (i32, i32) {
    %c0_i32 = arith.constant 0 : i32
    %c0_i32_0 = arith.constant 0 : i32
    %c0_i32_1 = arith.constant 0 : i32
    return %c0_i32, %c0_i32_0 : i32, i32
  }
  func.func @transform_4(%arg0: i32) -> (i32, i32) {
    %c0_i32 = arith.constant 0 : i32
    %c0_i32_0 = arith.constant 0 : i32
    %c0_i32_1 = arith.constant 0 : i32
    return %c0_i32, %c0_i32_0 : i32, i32
  }
  func.func @transform_5(%arg0: i32) -> (i32, i32) {
    %c0_i32 = arith.constant 0 : i32
    %c0_i32_0 = arith.constant 0 : i32
    %c0_i32_1 = arith.constant 0 : i32
    return %c0_i32, %c0_i32_0 : i32, i32
  }
  func.func @transform_6(%arg0: i32) -> (i32, i32) {
    %c0_i32 = arith.constant 0 : i32
    %c0_i32_0 = arith.constant 0 : i32
    %c0_i32_1 = arith.constant 0 : i32
    return %c0_i32, %c0_i32_0 : i32, i32
  }
  func.func @transform_7(%arg0: i32) -> (i32, i32) {
    %c0_i32 = arith.constant 0 : i32
    %c0_i32_0 = arith.constant 0 : i32
    %c0_i32_1 = arith.constant 0 : i32
    return %c0_i32, %c0_i32_0 : i32, i32
  }
  func.func @transform_8(%arg0: i32) -> (i32, i32) {
    %c0_i32 = arith.constant 0 : i32
    %c0_i32_0 = arith.constant 0 : i32
    return %arg0, %c0_i32 : i32, i32
  }
  func.func @transform_9(%arg0: i32) -> (i32, i32) {
    %c0_i32 = arith.constant 0 : i32
    %c0_i32_0 = arith.constant 0 : i32
    %c0_i32_1 = arith.constant 0 : i32
    return %c0_i32, %c0_i32_0 : i32, i32
  }
}

</mosaic_0001>

<sc_bundles>
// kernel: kernel.4.cloned.1.call-start
scs
__scs_entry_jumppad:
0x0: {  	(pc) =	sbr.rel $0x88, $3  }
0x1: {  	(tag) =	ssettag $0x0;
	lr =	simm.s32 $0x1  }
0x2: {  	[smem:$0x3F98] =	sst lr;
	_ =	strace $0xD0000000  }
0x3: {  	_ = 	snop  }
0x4: {  	_ = 	snop  }
0x5: {  	_ = 	snop  }
0x6: {  	_ = 	snop  }
0x7: {  	_ = 	snop  }
__scs_overlays_trampoline_lowered:
0x8: {  	[smem:$0x3FA7] =	sst s0  }
0x9: {  	[smem:$0x3FA8] =	sst s1  }
0xa: {  	[smem:$0x3FA9] =	sst s2  }
0xb: {  	[smem:$0x3FAA] =	sst s3  }
0xc: {  	[smem:$0x3FAB] =	sst s4  }
0xd: {  	[smem:$0x3FAC] =	sst s5  }
0xe: {  	[smem:$0x3FAD] =	sst s6  }
0xf: {  	[smem:$0x3FAE] =	sst s7  }
0x10: {  	[smem:$0x3FAF] =	sst s8  }
0x11: {  	[smem:$0x3FB0] =	sst s9;
	s0 =	simm.s32 @!p0 $0x0  }
0x12: {  	s1 =	sld [smem:$0x3F96];
	s0 =	simm.s32 @p0 $0x1  }
0x13: {  	[smem:$0x3FB1] =	sst s0;
	s0 =	simm.s32 @!p1 $0x0  }
0x14: {  	s2 =	sld [smem:$0x3F95];
	s0 =	simm.s32 @p1 $0x1  }
0x15: {  	[smem:$0x3FB2] =	sst s0;
	s0 =	simm.s32 @!p2 $0x0  }
0x16: {  	s3 =	sld [smem:$0x3FDB];
	s0 =	simm.s32 @p2 $0x1  }
0x17: {  	s4 =	simm.s32 $0x1BF5;
	[smem:$0x3FB4] =	sst s0  }
0x18: {  	s0 =	sld [smem:$0x3F97];
	_ =	swait.ge [sflag:s4], $0x0  }
0x19: {  	s7 =	sld [smem:$0x3F98]  }
0x1a: {  	s8 =	sadd.s32 $0xFFFFE003, lr  }
0x1b: {  	s9 =	sadd.s32 $0xFFFFFEF7, lr;
	s5 =	simm.s32 $0xFFFFFFFF;
	p2 =	slt.u32 s8, $0xFFFFF086  }
0x1c: {  	p1 =	slt.u32 s9, $0xF7A;
	s5 =	simm.s32 @!p2 $0x0  }
0x1d: {  	s5 =	simm.s32 @p1 $0x1;
	p0 =	seq.s32 s7, s2  }
0x1e: {  	s7 =	smul.u32 @!p0 $0xF7A, s2;
	p2 =	seq.s32 @!p0 s5, $0x0  }
0x1f: {  	s9 =	smul.u32 $0xF7A, s1;
	s8 =	simm.s32 @!p0 $0x1BF5;
	p2 =	por !p2, p0  }
0x20: {  	[sflag:s8] =	ssyncset.s32 @!p0 $0xFFFFF086;
	s6 =	sadd.s32 @!p0 s3, s7;
	s7 =	simm.s32 @!p0 $0x108  }
0x21: {  	s3 =	sadd.s32 s3, s9;
	s6 =	sadd.s32 @!p0 $0x88, s6;
	s7 =	simm.s32 @p2 $0x1082  }
0x22: {  	[simem:s7], [sflag:s8] =	dma.local @!p0 [hbm:s6], $0xF7A  }
0x23: {  	s9 =	sor.u32 $0xD0000000, s2;
	s6 =	simm.s32 $0x108;
	_ =	swait.ge @!p0 [sflag:s8], $0x0  }
0x24: {  	s3 =	sadd.s32 $0x88, s3;
	s6 =	simm.s32 @!p1 $0x1082;
	[sflag:s4] =	ssyncset.s32 $0xFFFFF086  }
0x25: {  	[simem:s6], [sflag:s4] =	dma.local [hbm:s3], $0xF7A  }
0x26: {  	[smem:$0x3F98] =	sst s1;
	(tag) =	ssettag s2;
	_ =	strace s9  }
0x27: {  	s1 =	sld [smem:$0x3FA8]  }
0x28: {  	s2 =	sld [smem:$0x3FA9]  }
0x29: {  	s4 =	sld [smem:$0x3FAB]  }
0x2a: {  	p0 =	seq.s32 s5, $0x0;
	s5 =	sld [smem:$0x3FAC]  }
0x2b: {  	s6 =	sld [smem:$0x3FAD]  }
0x2c: {  	s7 =	sld [smem:$0x3FAE]  }
0x2d: {  	s3 =	simm.s32 $0x108;
	s8 =	sld [smem:$0x3FAF]  }
0x2e: {  	s3 =	simm.s32 @!p0 $0x1082;
	s9 =	sld [smem:$0x3FB0]  }
0x2f: {  	lr =	sadd.s32 s0, s3;
	s0 =	sld [smem:$0x3FA7]  }
0x30: {  	s3 =	sld [smem:$0x3FAA]  }
0x31: {  	[smem:$0x3FB3] =	sst s10  }
0x32: {  	s10 =	sld [smem:$0x3FB1];
	_ =	sdelay $0x3  }
0x33: {  	p0 =	seq.s32 s10, $0x1;
	s10 =	sld [smem:$0x3FB3];
	_ =	sdelay $0x3  }
0x34: {  	[smem:$0x3FB3] =	sst s10  }
0x35: {  	s10 =	sld [smem:$0x3FB2];
	_ =	sdelay $0x3  }
0x36: {  	p1 =	seq.s32 s10, $0x1;
	s10 =	sld [smem:$0x3FB3];
	_ =	sdelay $0x3  }
0x37: {  	[smem:$0x3FB3] =	sst s10  }
0x38: {  	s10 =	sld [smem:$0x3FB4]  }
0x39: {  	_ = 	snop;
	(pc) =	sbr.ind lr, $3  }
0x3a: {  	_ = 	snop  }
0x3b: {  	_ = 	snop  }
0x3c: {  	p2 =	seq.s32 s10, $0x1;
	s10 =	sld [smem:$0x3FB3]  }
0x3d: {  	_ =	shalt  }
0x3e: {  	_ =	shalt  }
0x3f: {  	_ =	shalt  }
0x40: {  	_ =	shalt  }
0x41: {  	_ =	shalt  }
0x42: {  	_ =	shalt  }
0x43: {  	_ =	shalt  }
0x44: {  	_ =	shalt  }
0x45: {  	_ =	shalt  }
0x46: {  	_ =	shalt  }
0x47: {  	_ =	shalt  }
0x48: {  	_ =	shalt  }
0x49: {  	_ =	shalt  }
0x4a: {  	_ =	shalt  }
0x4b: {  	_ =	shalt  }
0x4c: {  	_ =	shalt  }
0x4d: {  	_ =	shalt  }
0x4e: {  	_ =	shalt  }
0x4f: {  	_ =	shalt  }
0x50: {  	_ =	shalt  }
0x51: {  	_ =	shalt  }
0x52: {  	_ =	shalt  }
0x53: {  	_ =	shalt  }
0x54: {  	_ =	shalt  }
0x55: {  	_ =	shalt  }
0x56: {  	_ =	shalt  }
0x57: {  	_ =	shalt  }
0x58: {  	_ =	shalt  }
0x59: {  	_ =	shalt  }
0x5a: {  	_ =	shalt  }
0x5b: {  	_ =	shalt  }
0x5c: {  	_ =	shalt  }
0x5d: {  	_ =	shalt  }
0x5e: {  	_ =	shalt  }
0x5f: {  	_ =	shalt  }
0x60: {  	_ =	shalt  }
0x61: {  	_ =	shalt  }
0x62: {  	_ =	shalt  }
0x63: {  	_ =	shalt  }
0x64: {  	_ =	shalt  }
0x65: {  	_ =	shalt  }
0x66: {  	_ =	shalt  }
0x67: {  	_ =	shalt  }
0x68: {  	_ =	shalt  }
0x69: {  	_ =	shalt  }
0x6a: {  	_ =	shalt  }
0x6b: {  	_ =	shalt  }
0x6c: {  	_ =	shalt  }
0x6d: {  	_ =	shalt  }
0x6e: {  	_ =	shalt  }
0x6f: {  	_ =	shalt  }
0x70: {  	_ =	shalt  }
0x71: {  	_ =	shalt  }
0x72: {  	_ =	shalt  }
0x73: {  	_ =	shalt  }
0x74: {  	_ =	shalt  }
0x75: {  	_ =	shalt  }
0x76: {  	_ =	shalt  }
0x77: {  	_ =	shalt  }
0x78: {  	_ =	shalt  }
0x79: {  	_ =	shalt  }
0x7a: {  	_ =	shalt  }
0x7b: {  	_ =	shalt  }
0x7c: {  	_ =	shalt  }
0x7d: {  	_ =	shalt  }
0x7e: {  	_ =	shalt  }
0x7f: {  	_ =	shalt  }
0x80: {  	_ =	shalt  }
0x81: {  	_ =	shalt  }
0x82: {  	_ =	shalt  }
0x83: {  	_ =	shalt  }
0x84: {  	_ =	shalt  }
0x85: {  	_ =	shalt  }
0x86: {  	_ =	shalt  }
0x87: {  	_ =	shalt  }
.Lfunc_end0:
.L_simem_size_0:
called_computation_lowered:
.L_overlay_start_0:
0x88: {  	s2 =	sld [smem:$0x3FD9]  }
0x89: {  	s3 =	sld [smem:$0x3FFE];
	_ =	sdelay $0x1  }
0x8a: {  	s1 =	srdreg.scid  }
0x8b: {  	s0 =	sand.u32 $0x1, s1  }
0x8c: {  	s17 =	sshll.u32 s0, $0xA;
	s2 =	sadd.s32 s3, s2  }
0x8d: {  	s2 =	sadd.s32 s2, s17  }
0x8e: {  	[smem:$0x3FBF] =	sst s2  }
0x8f: {  	_ = 	snop  }
0x90: {  	s2 =	sld [smem:$0x3FC9];
	(tm) =	ssettm $0x1  }
0x91: {  	s18 =	sld [smem:$0x3FFB];
	_ =	sdelay $0x3  }
0x92: {  	_ =	strace s18  }
0x93: {  	s3 =	sld [smem:$0x3FFC];
	_ =	sdelay $0x3  }
0x94: {  	_ =	strace s3  }
0x95: {  	s3 =	sld [smem:$0x3FFD];
	_ =	sdelay $0x3  }
0x96: {  	_ =	strace s3  }
0x97: {  	_ =	strace $0x8FFFFFFF  }
0x98: {  	s19 =	sld [smem:$0x3FDB];
	_ =	sdelay $0x1  }
0x99: {  	s4 =	simm.s32 $_scs_section_size  }
0x9a: {  	s5 =	simm.s32 $_size__tile_overlayer_lowered;
	s6 =	simm.s32 $_tile_overlayer_lowered  }
0x9b: {  	s22 =	simm.s32 $0x1BFF;
	s21 =	sshll.u32 s6, $0x1;
	s3 =	sadd.s32 s4, s19  }
0x9c: {  	s7 =	simm.s32 $0x0;
	s20 =	sshll.u32 s5, $0x1;
	s5 =	sadd.s32 s21, s3  }
0x9d: {  	[timem:s7], [sflag:s22] =	dma.local [hbm:s5], s20  }
0x9e: {  	_ =	swait.ge [sflag:s22], s20  }
0x9f: {  	s4 =	ssub.s32 $0x0, s20;
	[sflag:s22] =	ssyncset.done $0x0  }
0xa0: {  	[sflag:s22] =	ssyncadd.s32 s4;
	_ =	sdelay $0x1  }
0xa1: {  	s23 =	simm.s32 $0x1B8B  }
0xa2: {  	_ =	swait.ge [sflag:s23], $0x1  }
0xa3: {  	[sflag:s23] =	ssyncset.done $0x0  }
0xa4: {  	s25 =	simm.s32 $0x1B8E;
	s24 =	sld [smem:$0x3FFE];
	[sflag:s23] =	ssyncadd.s32 $0xFFFFFFFF  }
0xa5: {  	s26 =	simm.s32 $execute0_lowered;
	[smem:$0x3FD2] =	sst s25  }
0xa6: {  	s5 =	sshll.u32 s26, $0x1;
	_ =	strace $0x80000046;
	[dreg:$0x1] =	wrdreg $0xFFFFFFFF  }
0xa7: {  	s28 =	simm.s32 $_size_execute0_lowered;
	s3 =	sadd.s32 s3, s5;
	[dreg:$0x0] =	wrdreg $0x0  }
0xa8: {  	s5 =	sshll.u32 s28, $0x1;
	[dreg:$0x2] =	wrdreg s3  }
0xa9: {  	[dreg:$0x3] =	wrdreg s5  }
0xaa: {  	[dreg:$0x4] =	wrdreg $0xC0  }
0xab: {  	_ =	task [dreg:s7], $0x5FFFF  }
0xac: {  	[dreg:$0x1] =	wrdreg $0xFFFFFFFF  }
0xad: {  	[dreg:$0x0] =	wrdreg $0x60  }
0xae: {  	[dreg:$0x2] =	wrdreg s2  }
0xaf: {  	[dreg:$0x3] =	wrdreg s24  }
0xb0: {  	[dreg:$0x4] =	wrdreg $0xBC000  }
0xb1: {  	[dreg:$0x5] =	wrdreg $0x9  }
0xb2: {  	_ =	task.clear_ibuf [dreg:s7], $0x6FFFF;
	_ =	strace $0x90000046  }
0xb3: {  	s29 =	simm.s32 $0x9;
	_ =	strace $0x80000048  }
0xb4: {  	_ =	swait.ge [sflag:s29], $0x1  }
0xb5: {  	[sflag:s29] =	ssyncadd.s32 $0xFFFFFFFF  }
0xb6: {  	_ =	strace $0x90000048  }
0xb7: {  	_ =	sfence  }
0xb8: {  	s30 =	sld [smem:$0x0];
	_ =	sdelay $0x2  }
0xb9: {  	s31 =	sshll.u32 s1, $0xD;
	s1 =	sshrl.u32 s1, $0x2  }
0xba: {  	s3 =	sand.u32 $0x4000, s31;
	s1 =	sadd.s32 s1, s30  }
0xbb: {  	s0 =	sor.u32 s3, s0;
	s1 =	sshll.u32 s1, $0x11  }
0xbc: {  	s0 =	sor.u32 s1, s0  }
0xbd: {  	s0 =	sadd.s32 $0x8F2B, s0  }
0xbe: {  	[sflag:s0] =	ssyncadd.remote.s32 $0x1  }
0xbf: {  	_ =	sfence.sel $0xFFFF  }
0xc0: {  	[dreg:$0x0] =	wrdreg $0xFFFFFFFF;
	(pc) =	sbr.abs _section_cstart, $3  }
0xc1: {  	[dreg:$0x1] =	wrdreg $0xFFFFFFFF  }
0xc2: {  	_ =	task.clear_ibuf [dreg:s7], $0x2FFFF;
	_ =	strace $0x9FFFFFFF  }
0xc3: {  	(tm) =	ssettm $0x7FFFFFFF  }
tec
execute0_lowered:
.L_overlay_start_1:
0x0: {  	(tag) =	ssettag $0x1  }
0x1: {  	s0 =	rddreg [dreg:$0x0]  }
0x2: {  	s2 =	rddreg [dreg:$0x1]  }
0x3: {  	s1 =	srdreg.scid;
	s3 =	rddreg [dreg:$0x2]  }
0x4: {  	s15 =	stileid.u32;
	s4 =	simm.s32 $0x0;
	s29 =	simm.s32 $0x80  }
0x5: {  	s30 =	simm.s32 $0x280;
	s31 =	simm.s32 $0x100;
	s28 =	simm.s32 $0x0  }
0x6: {  	s7 =	sand.u32 $0x1, s1;
	[smem:$0x7FF] =	sst s4;
	s5 =	sadd.s32 $0x1400, s2  }
0x7: {  	s10 =	sadd.s32 $0x14E00, s2;
	s8 =	smul.u32 $0x14000, s15;
	s21 =	sadd.s32 $0xFFFFFFF1, s15  }
0x8: {  	p0 =	sgt.u32 s15, $0x7;
	p6 =	sne.s32 s15, $0xF;
	s1 =	sshll.u32 s7, $0x4  }
0x9: {  	_ =	strace $0x80000047;
	s6 =	ssub.s32 $0x2, s7;
	s9 =	smul.u32 $0x140000, s7  }
0xa: {  	p1 =	seq.s32 s7, $0x0;
	p2 =	slt.u32 s21, $0xFFFFFFF9;
	s12 =	smul.u32 $0x27100, s7  }
0xb: {  	s1 =	sor.u32 s15, s1;
	s13 =	sshrl.u32 s6, $0x1;
	s2 =	sadd.s32 $0x4000, s8  }
0xc: {  	s7 =	sadd.s32 $0xC000, s8;
	s1 =	smul.u32 $0x2710, s1;
	s11 =	sadd.s32 s8, s9  }
0xd: {  	s23 =	sadd.s32 s9, s2;
	s2 =	sadd.s32 s2, s3;
	s22 =	sshrl.u32 s11, $0x3  }
0xe: {  	s11 =	sshrl.u32 s23, $0x3;
	s2 =	sshrl.u32 s2, $0x3;
	s1 =	sshrl.u32 s1, $0x3  }
0xf: {  	s11 =	sadd.s32 s10, s11;
	[smem:$0x7ED] =	sst s2;
	s16 =	sadd.s32 s5, s1  }
0x10: {  	s1 =	ssub.s32 s6, s13;
	s6 =	sadd.s32 s10, s22;
	[smem:$0x7E7] =	sst s11  }
0x11: {  	p0 =	por @!p1 p2, p2;
	p1 =	por p1, p6;
	[smem:$0x7E6] =	sst s6  }
0x12: {  	s25 =	sadd.s32 s9, s7;
	s14 =	sadd.s32 $0x9C40, s16;
	[dreg:$0x1b] =	wrdreg s16  }
0x13: {  	s7 =	sadd.s32 s7, s3;
	s17 =	sadd.s32 $0xA, s16;
	[dreg:$0x1c] =	wrdreg s14  }
0x14: {  	s2 =	simm.s32 $0x300;
	s18 =	sadd.s32 $0x9C4A, s16;
	[dreg:$0x1d] =	wrdreg s17  }
0x15: {  	s13 =	smul.u32 $0x2710, s15;
	s19 =	sadd.s32 $0x14, s16;
	[dreg:$0x1e] =	wrdreg s18  }
0x16: {  	s20 =	sadd.s32 $0x9C54, s16;
	s6 =	sadd.s32 $0x8000, s8;
	[dreg:$0x1f] =	wrdreg s19  }
0x17: {  	s8 =	sadd.s32 $0x10000, s8;
	s1 =	smax.u32 s1, $0x1;
	[smem:$0x7E5] =	sst s20  }
0x18: {  	s24 =	sadd.s32 s9, s6;
	s14 =	sadd.s32 s9, s8;
	s9 =	sadd.s32 s13, s12  }
0x19: {  	s6 =	sadd.s32 s6, s3;
	s8 =	sadd.s32 s8, s3;
	[smem:$0x7EC] =	sst s1  }
0x1a: {  	s11 =	sshrl.u32 s24, $0x3;
	s26 =	sshrl.u32 s14, $0x3;
	s12 =	sadd.s32 $0x4B0, s9  }
0x1b: {  	s14 =	sadd.s32 $0x4E6B0, s9;
	s17 =	sadd.s32 $0x460, s9;
	s21 =	sadd.s32 $0x4E660, s9  }
0x1c: {  	s23 =	sadd.s32 $0x410, s9;
	s24 =	sadd.s32 $0x4E610, s9;
	s6 =	sshrl.u32 s6, $0x3  }
0x1d: {  	s11 =	sadd.s32 s10, s11;
	s13 =	sshrl.u32 s12, $0x3;
	s19 =	sshrl.u32 s17, $0x3  }
0x1e: {  	s22 =	sshrl.u32 s21, $0x3;
	s12 =	sadd.s32 $0x4E5C0, s9;
	[smem:$0x7EE] =	sst s6  }
0x1f: {  	s17 =	sadd.s32 $0x4E570, s9;
	s21 =	sadd.s32 $0x320, s9;
	[smem:$0x7E8] =	sst s11  }
0x20: {  	s11 =	sshrl.u32 s25, $0x3;
	s20 =	sadd.s32 s19, s5;
	s19 =	sshrl.u32 s17, $0x3  }
0x21: {  	s17 =	sadd.s32 $0x4E480, s9;
	s11 =	sadd.s32 s10, s11;
	s10 =	sadd.s32 s10, s26  }
0x22: {  	[dreg:$0x6] =	wrdreg s20;
	s26 =	sshrl.u32 s24, $0x3;
	s20 =	sadd.s32 s19, s5  }
0x23: {  	s24 =	sadd.s32 $0x2D0, s9;
	s19 =	sshrl.u32 s17, $0x3;
	[smem:$0x7E9] =	sst s11  }
0x24: {  	s17 =	sadd.s32 $0x190, s9;
	[smem:$0x7EA] =	sst s10;
	s10 =	sadd.s32 s13, s5  }
0x25: {  	s11 =	sshrl.u32 s14, $0x3;
	s13 =	sshrl.u32 s12, $0x3;
	s14 =	sadd.s32 $0x370, s9  }
0x26: {  	[dreg:$0xc] =	wrdreg s20;
	s12 =	sadd.s32 $0x4E4D0, s9;
	s20 =	sadd.s32 s19, s5  }
0x27: {  	[dreg:$0x4] =	wrdreg s10;
	s18 =	sadd.s32 s11, s5;
	s10 =	sadd.s32 s22, s5  }
0x28: {  	s11 =	sshrl.u32 s23, $0x3;
	s22 =	sshrl.u32 s21, $0x3;
	[dreg:$0x12] =	wrdreg s20  }
0x29: {  	s23 =	sadd.s32 $0x4E520, s9;
	s21 =	sadd.s32 $0x230, s9;
	[dreg:$0x5] =	wrdreg s18  }
0x2a: {  	s20 =	sadd.s32 $0x4E390, s9;
	[dreg:$0x7] =	wrdreg s10;
	s25 =	sadd.s32 s11, s5  }
0x2b: {  	s11 =	sadd.s32 s26, s5;
	s10 =	sadd.s32 s13, s5;
	[dreg:$0x8] =	wrdreg s25  }
0x2c: {  	s26 =	sshrl.u32 s24, $0x3;
	s13 =	sshrl.u32 s12, $0x3;
	[dreg:$0x9] =	wrdreg s11  }
0x2d: {  	s24 =	sadd.s32 $0x1E0, s9;
	s11 =	sshrl.u32 s14, $0x3;
	[dreg:$0xa] =	wrdreg s10  }
0x2e: {  	s10 =	sadd.s32 s22, s5;
	s14 =	sadd.s32 $0x280, s9;
	s22 =	sshrl.u32 s21, $0x3  }
0x2f: {  	s21 =	sshrl.u32 s20, $0x3;
	s18 =	sadd.s32 s11, s5;
	[dreg:$0xd] =	wrdreg s10  }
0x30: {  	s11 =	sshrl.u32 s23, $0x3;
	s10 =	sadd.s32 s13, s5;
	[dreg:$0xb] =	wrdreg s18  }
0x31: {  	s20 =	sadd.s32 $0x3C0, s9;
	s25 =	sadd.s32 s11, s5;
	[dreg:$0x10] =	wrdreg s10  }
0x32: {  	s13 =	sadd.s32 $0x4E3E0, s9;
	s11 =	sadd.s32 s26, s5;
	[dreg:$0xe] =	wrdreg s25  }
0x33: {  	s10 =	sadd.s32 s22, s5;
	s26 =	sshrl.u32 s24, $0x3;
	[dreg:$0xf] =	wrdreg s11  }
0x34: {  	s11 =	sshrl.u32 s14, $0x3;
	[dreg:$0x13] =	wrdreg s10;
	s12 =	sadd.s32 s26, s5  }
0x35: {  	s14 =	sshrl.u32 s13, $0x3;
	s18 =	sadd.s32 s11, s5;
	[dreg:$0x15] =	wrdreg s12  }
0x36: {  	s26 =	sadd.s32 $0x12C000, s3;
	s10 =	sadd.s32 s14, s5;
	[dreg:$0x11] =	wrdreg s18  }
0x37: {  	s23 =	sadd.s32 $0x4E430, s9;
	s13 =	sshrl.u32 s26, $0x3;
	[dreg:$0x16] =	wrdreg s10  }
0x38: {  	s22 =	sadd.s32 $0x140, s9;
	s14 =	sadd.s32 $0x1E, s16;
	[smem:$0x7F1] =	sst s13  }
0x39: {  	s11 =	sshrl.u32 s23, $0x3;
	s26 =	sadd.s32 $0xA118, s16;
	[smem:$0x7F2] =	sst s14  }
0x3a: {  	s24 =	smul.u32 $0x2800, s15;
	s25 =	sadd.s32 s11, s5;
	[smem:$0x7FD] =	sst s26  }
0x3b: {  	s18 =	smul.u32 $0x50000, s15;
	s10 =	sadd.s32 s21, s5;
	[dreg:$0x14] =	wrdreg s25  }
0x3c: {  	s11 =	sshrl.u32 s17, $0x3;
	s15 =	sadd.s32 $0x9C5E, s16;
	[dreg:$0x18] =	wrdreg s10  }
0x3d: {  	s17 =	sadd.s32 $0x25800, s0;
	s13 =	simm.s32 $0x2C00;
	[smem:$0x7F3] =	sst s15  }
0x3e: {  	s19 =	sadd.s32 s11, s5;
	s11 =	sshrl.u32 s22, $0x3;
	[smem:$0x7F4] =	sst s17  }
0x3f: {  	s25 =	sadd.s32 $0x4E340, s9;
	s9 =	sshrl.u32 s7, $0x3;
	[dreg:$0x17] =	wrdreg s19  }
0x40: {  	s26 =	simm.s32 $0x8;
	s23 =	sadd.s32 s11, s5;
	[smem:$0x7EF] =	sst s9  }
0x41: {  	s7 =	simm.s32 $0x180;
	s11 =	sadd.s32 s0, s24;
	[dreg:$0x19] =	wrdreg s23  }
0x42: {  	s12 =	sshrl.u32 s18, $0x2;
	s18 =	sadd.s32 $0x138800, s3;
	[smem:$0x7EB] =	sst s11  }
0x43: {  	s15 =	simm.s32 $0x9;
	s19 =	sadd.s32 $0x13C800, s3;
	[smem:$0x7F5] =	sst s18  }
0x44: {  	s10 =	sshrl.u32 s25, $0x3;
	s25 =	sadd.s32 $0x4D8, s16;
	[smem:$0x7F6] =	sst s19  }
0x45: {  	s9 =	simm.s32 $0x4;
	s10 =	sadd.s32 s10, s5;
	[smem:$0x7FC] =	sst s25  }
0x46: {  	s16 =	simm.s32 $0x6;
	s11 =	sshrl.u32 s8, $0x3;
	[dreg:$0x1a] =	wrdreg s10  }
0x47: {  	s12 =	sadd.s32 s12, s3;
	s25 =	simm.s32 $0x200;
	[smem:$0x7F0] =	sst s11  }
0x48: {  	s8 =	simm.s32 $0x380;
	s21 =	sadd.s32 $0x4000, s12;
	[smem:$0x7FA] =	sst s12  }
0x49: {  	s19 =	simm.s32 $0x5400;
	s22 =	sadd.s32 $0x8000, s12;
	[smem:$0x7F7] =	sst s21  }
0x4a: {  	s23 =	sadd.s32 $0xC000, s12;
	s24 =	sadd.s32 $0x10000, s12;
	[smem:$0x7F8] =	sst s22  }
0x4b: {  	s10 =	simm.s32 $0x50;
	s11 =	simm.s32 $0x400;
	[smem:$0x7F9] =	sst s23  }
0x4c: {  	s12 =	simm.s32 $0x5;
	[smem:$0x7FB] =	sst s24;
	s21 =	simm.s32 $0x1  }
0x4d: {  	v0 =	vimm.f32 $0.0e+00;
	s22 =	simm.s32 $0x7;
	s23 =	simm.s32 $0x2;
	s24 =	simm.s32 $0x3  }
.LBB2_1:
0x4e: {  	s1 =	rddreg [dreg:$0x1b]  }
0x4f: {  	s14 =	rddreg [dreg:$0x1c]  }
0x50: {  	[tilespmem:s4], [sflag:$0x4] =	stream.linear.gather [hbm4b:s1+s4], $0x50, $0x38;
	[tilespmem:$0x1FC00] =	vst v63  }
0x51: {  	s17 =	rddreg [dreg:$0x1d]  }
0x52: {  	[tilespmem:s25], [sflag:$0x4] =	stream.linear.gather [hbm4b:s14+s4], $0x50, $0x38;
	[tilespmem:$0x1FC00] =	vst v63  }
0x53: {  	s18 =	rddreg [dreg:$0x1e]  }
0x54: {  	[tilespmem:s29], [sflag:$0x5] =	stream.linear.gather [hbm4b:s17+s4], $0x50, $0x38;
	[tilespmem:$0x1FC00] =	vst v63  }
0x55: {  	s6 =	rddreg [dreg:$0x1f]  }
0x56: {  	[tilespmem:s30], [sflag:$0x5] =	stream.linear.gather [hbm4b:s18+s4], $0x50, $0x38;
	[tilespmem:$0x1FC00] =	vst v63  }
0x57: {  	s14 =	sld [smem:$0x7E5]  }
0x58: {  	[tilespmem:s31], [sflag:$0x6] =	stream.linear.gather [hbm4b:s6+s4], $0x50, $0x38;
	[tilespmem:$0x1FC00] =	vst v63  }
0x59: {  	s17 =	sld [smem:$0x7F2]  }
0x5a: {  	[tilespmem:s2], [sflag:$0x6] =	stream.linear.gather [hbm4b:s14+s4], $0x50, $0x38;
	[tilespmem:$0x1FC00] =	vst v63  }
0x5b: {  	s18 =	sld [smem:$0x7F3]  }
0x5c: {  	[tilespmem:s7], [sflag:$0x7] =	stream.linear.gather [hbm4b:s17+s4], $0x50, $0x38;
	[tilespmem:$0x1FC00] =	vst v63  }
0x5d: {  	s1 =	simm.s32 $0x0;
	s6 =	simm.s32 $0x200  }
0x5e: {  	[tilespmem:s8], [sflag:$0x7] =	stream.linear.gather [hbm4b:s18+s4], $0x50, $0x38;
	[tilespmem:$0x1FC00] =	vst v63  }
.LBB2_2:
0x5f: {  	p2 =	sne.s32 s6, $0xFE00;
	[tilespmem:s1+$0x7C70] =	vst v0  }
0x60: {  	[tilespmem:s1+$0x7C00] =	vst v0  }
0x61: {  	[tilespmem:s1+$0x7C10] =	vst v0  }
.Ltmp0:
0x62: {  	[tilespmem:s1+$0x7C20] =	vst v0;
	(pc) =	sbr.rel @p2 .LBB2_2-.Ltmp0, $4  }
0x63: {  	[tilespmem:s1+$0x7C30] =	vst v0  }
0x64: {  	[tilespmem:s1+$0x7C40] =	vst v0  }
0x65: {  	[tilespmem:s1+$0x7C50] =	vst v0  }
0x66: {  	[tilespmem:s1+$0x7C60] =	vst v0;
	s1 =	sshra.s32 s6, $0x2;
	s6 =	sadd.s32 $0x200, s6  }
0x67: {  	[tilespmem:s1+$0x7C70] =	vst v0  }
0x68: {  	[tilespmem:s1+$0x7C00] =	vst v0  }
0x69: {  	[tilespmem:s1+$0x7C10] =	vst v0  }
0x6a: {  	[tilespmem:s1+$0x7C20] =	vst v0  }
0x6b: {  	[tilespmem:s1+$0x7C30] =	vst v0  }
0x6c: {  	[tilespmem:s1+$0x7C40] =	vst v0  }
0x6d: {  	[tilespmem:s1+$0x7C50] =	vst v0  }
0x6e: {  	[tilespmem:s1+$0x7C60] =	vst v0  }
0x6f: {  	_ =	swait.ge [sflag:s9], $0x50  }
0x70: {  	[sflag:s9] =	ssyncset.done $0x0  }
0x71: {  	[sflag:s9] =	ssyncadd.s32 $0xFFFFFFB0  }
0x72: {  	_ =	swait.ge [sflag:s9], $0x50  }
0x73: {  	[sflag:s9] =	ssyncset.done $0x0  }
0x74: {  	[sflag:s9] =	ssyncadd.s32 $0xFFFFFFB0  }
0x75: {  	[tilespmem:s11], [sflag:$0x1] =	stream.indirect.gather [hbm4b:s0+s10], $0x80, s4, s10, $0xb8;
	[tilespmem:$0x1FC00] =	vst v63  }
0x76: {  	_ =	swait.ge [sflag:s12], $0x50  }
0x77: {  	[sflag:s12] =	ssyncset.done $0x0  }
.Ltmp1:
0x78: {  	[sflag:s12] =	ssyncadd.s32 $0xFFFFFFB0;
	(pc) =	sbr.rel @!p0 .LBB2_6-.Ltmp1, $4  }
0x79: {  	_ =	swait.ge [sflag:s12], $0x50  }
0x7a: {  	[sflag:s12] =	ssyncset.done $0x0  }
0x7b: {  	[sflag:s12] =	ssyncadd.s32 $0xFFFFFFB0  }
0x7c: {  	[tilespmem:s13], [sflag:$0x2] =	stream.indirect.gather [hbm4b:s0+s10], $0x80, s29, s10, $0xb8;
	[tilespmem:$0x1FC00] =	vst v63  }
.Ltmp2:
0x7d: {  	(pc) =	sbr.rel @!p1 .LBB2_7-.Ltmp2, $1  }
0x7e: {  	_ =	sdelay $0x3  }
0x7f: {  	s1 =	sld [smem:$0x7FA];
	_ =	sdelay $0x1  }
0x80: {  	s6 =	simm.s32 $0x7C00  }
0x81: {  	[spmem:s1] =	stream.linear.scatter [tilespmem:s6], [sflag:$0x9], $0x4000, $0x38;
	[tilespmem:$0x1FC00] =	vst v63  }
0x82: {  	_ =	swait.ge [sflag:s15], $0x4000  }
0x83: {  	s18 =	sld [smem:$0x7F7]  }
0x84: {  	[sflag:s15] =	ssyncset.done $0x0  }
0x85: {  	[sflag:s15] =	ssyncadd.s32 $0xFFFFC000  }
0x86: {  	[spmem:s18] =	stream.linear.scatter [tilespmem:s6], [sflag:$0x9], $0x4000, $0x38;
	[tilespmem:$0x1FC00] =	vst v63  }
0x87: {  	_ =	swait.ge [sflag:s15], $0x4000  }
0x88: {  	s14 =	sld [smem:$0x7F8]  }
0x89: {  	[sflag:s15] =	ssyncset.done $0x0  }
0x8a: {  	[sflag:s15] =	ssyncadd.s32 $0xFFFFC000  }
0x8b: {  	[spmem:s14] =	stream.linear.scatter [tilespmem:s6], [sflag:$0x9], $0x4000, $0x38;
	[tilespmem:$0x1FC00] =	vst v63  }
0x8c: {  	_ =	swait.ge [sflag:s15], $0x4000  }
0x8d: {  	s17 =	sld [smem:$0x7F9]  }
0x8e: {  	[sflag:s15] =	ssyncset.done $0x0  }
0x8f: {  	[sflag:s15] =	ssyncadd.s32 $0xFFFFC000  }
0x90: {  	[spmem:s17] =	stream.linear.scatter [tilespmem:s6], [sflag:$0x9], $0x4000, $0x38;
	[tilespmem:$0x1FC00] =	vst v63  }
0x91: {  	_ =	swait.ge [sflag:s15], $0x4000  }
0x92: {  	s18 =	sld [smem:$0x7FB]  }
0x93: {  	[sflag:s15] =	ssyncset.done $0x0  }
.Ltmp3:
0x94: {  	[sflag:s15] =	ssyncadd.s32 $0xFFFFC000;
	(pc) =	sbr.rel .LBB2_8-.Ltmp3, $4  }
0x95: {  	[spmem:s18] =	stream.linear.scatter [tilespmem:s6], [sflag:$0x9], $0x4000, $0x38;
	[tilespmem:$0x1FC00] =	vst v63  }
0x96: {  	_ =	swait.ge [sflag:s15], $0x4000  }
0x97: {  	[sflag:s15] =	ssyncset.done $0x0  }
0x98: {  	[sflag:s15] =	ssyncadd.s32 $0xFFFFC000  }
.LBB2_6:
0x99: {  	s6 =	sld [smem:$0x7FA]  }
0x9a: {  	s1 =	stileid.u32;
	s14 =	sld [smem:$0x7EB]  }
0x9b: {  	s1 =	sshll.u32 s1, $0x6  }
.Ltmp4:
0x9c: {  	s1 =	sor.u32 $0x1C09, s1;
	s6 =	sshrl.u32 s6, $0x3;
	(pc) =	sbr.rel @p1 .LBB2_8-.Ltmp4, $4  }
0x9d: {  	[spmem:s6], [sflag:s1] =	dma.local [hbm:s14], $0x2800  }
0x9e: {  	_ =	swait.ge [sflag:s15], $0x2800  }
0x9f: {  	[sflag:s15] =	ssyncset.done $0x0  }
0xa0: {  	[sflag:s15] =	ssyncadd.s32 $0xFFFFD800  }
.LBB2_7:
0xa1: {  	s1 =	sld [smem:$0x7F1]  }
0xa2: {  	s6 =	sld [smem:$0x7F4];
	_ =	sdelay $0x1  }
0xa3: {  	s14 =	simm.s32 $0x1FC9  }
0xa4: {  	[spmem:s1], [sflag:s14] =	dma.local [hbm:s6], $0x1900  }
0xa5: {  	_ =	swait.ge [sflag:s15], $0x1900  }
0xa6: {  	s14 =	sld [smem:$0x7F5]  }
0xa7: {  	[sflag:s15] =	ssyncset.done $0x0  }
0xa8: {  	s17 =	simm.s32 $0x7C00;
	[sflag:s15] =	ssyncadd.s32 $0xFFFFE700  }
0xa9: {  	[spmem:s14] =	stream.linear.scatter [tilespmem:s17], [sflag:$0x9], $0x4000, $0x38;
	[tilespmem:$0x1FC00] =	vst v63  }
0xaa: {  	_ =	swait.ge [sflag:s15], $0x4000  }
0xab: {  	s18 =	sld [smem:$0x7F6]  }
0xac: {  	[sflag:s15] =	ssyncset.done $0x0  }
0xad: {  	[sflag:s15] =	ssyncadd.s32 $0xFFFFC000  }
0xae: {  	[spmem:s18] =	stream.linear.scatter [tilespmem:s17], [sflag:$0x9], $0x3800, $0x38;
	[tilespmem:$0x1FC00] =	vst v63  }
0xaf: {  	_ =	swait.ge [sflag:s15], $0x3800  }
0xb0: {  	[sflag:s15] =	ssyncset.done $0x0  }
0xb1: {  	[sflag:s15] =	ssyncadd.s32 $0xFFFFC800  }
.LBB2_8:
0xb2: {  	[bflag:$0x0] =	sbarrier.arrive $0xFFFF  }
0xb3: {  	_ =	swait.ge [sflag:s16], $0x50  }
0xb4: {  	[sflag:s16] =	ssyncset.done $0x0  }
0xb5: {  	[sflag:s16] =	ssyncadd.s32 $0xFFFFFFB0  }
0xb6: {  	_ =	swait.ge [sflag:s16], $0x50  }
0xb7: {  	[sflag:s16] =	ssyncset.done $0x0  }
0xb8: {  	[sflag:s16] =	ssyncadd.s32 $0xFFFFFFB0  }
0xb9: {  	[tilespmem:s19], [sflag:$0x3] =	stream.indirect.gather [hbm4b:s0+s10], $0x80, s31, s10, $0xb8;
	[tilespmem:$0x1FC00] =	vst v63  }
0xba: {  	_ =	swait.ge [sflag:s21], $0x2800  }
0xbb: {  	[sflag:s21] =	ssyncset.done $0x0  }
0xbc: {  	[sflag:s21] =	ssyncadd.s32 $0xFFFFD800  }
0xbd: {  	[spmem:s3] =	stream.indirect.scatter.add.f32 [tilespmem:s11], [sflag:$0x9], $0x80, s25, s10, $0xb8;
	[tilespmem:$0x1FC00] =	vst v63  }
0xbe: {  	_ =	swait.ge [sflag:s15], $0x2800  }
0xbf: {  	s1 =	rddreg [dreg:$0x19];
	[sflag:s15] =	ssyncset.done $0x0  }
0xc0: {  	s6 =	rddreg [dreg:$0x1a];
	[sflag:s15] =	ssyncadd.s32 $0xFFFFD800;
	s1 =	sadd.s32 $0x0, s1  }
0xc1: {  	[tilespmem:s4], [sflag:$0x4] =	stream.linear.gather [hbm4b:s1+s4], $0x50, $0x38;
	[tilespmem:$0x1FC00] =	vst v63  }
0xc2: {  	s14 =	sadd.s32 $0x0, s6  }
0xc3: {  	[tilespmem:s25], [sflag:$0x4] =	stream.linear.gather [hbm4b:s14+s4], $0x50, $0x38;
	[tilespmem:$0x1FC00] =	vst v63  }
0xc4: {  	_ =	swait.ge [sflag:s22], $0x50  }
0xc5: {  	[sflag:s22] =	ssyncset.done $0x0  }
0xc6: {  	[sflag:s22] =	ssyncadd.s32 $0xFFFFFFB0  }
0xc7: {  	_ =	swait.ge [sflag:s22], $0x50  }
0xc8: {  	[sflag:s22] =	ssyncset.done $0x0  }
0xc9: {  	[sflag:s22] =	ssyncadd.s32 $0xFFFFFFB0  }
0xca: {  	[tilespmem:s11], [sflag:$0x1] =	stream.indirect.gather [hbm4b:s0+s10], $0x80, s7, s10, $0xb8;
	[tilespmem:$0x1FC00] =	vst v63  }
0xcb: {  	_ =	swait.ge [sflag:s23], $0x2800  }
0xcc: {  	[sflag:s23] =	ssyncset.done $0x0  }
0xcd: {  	[sflag:s23] =	ssyncadd.s32 $0xFFFFD800  }
0xce: {  	[spmem:s3] =	stream.indirect.scatter.add.f32 [tilespmem:s13], [sflag:$0x9], $0x80, s30, s10, $0xb8;
	[tilespmem:$0x1FC00] =	vst v63  }
0xcf: {  	_ =	swait.ge [sflag:s15], $0x2800  }
0xd0: {  	s17 =	rddreg [dreg:$0x17];
	[sflag:s15] =	ssyncset.done $0x0  }
0xd1: {  	s18 =	rddreg [dreg:$0x18];
	[sflag:s15] =	ssyncadd.s32 $0xFFFFD800;
	s1 =	sadd.s32 $0x0, s17  }
0xd2: {  	[tilespmem:s29], [sflag:$0x5] =	stream.linear.gather [hbm4b:s1+s4], $0x50, $0x38;
	[tilespmem:$0x1FC00] =	vst v63  }
0xd3: {  	s14 =	sadd.s32 $0x0, s18  }
0xd4: {  	[tilespmem:s30], [sflag:$0x5] =	stream.linear.gather [hbm4b:s14+s4], $0x50, $0x38;
	[tilespmem:$0x1FC00] =	vst v63  }
0xd5: {  	_ =	swait.ge [sflag:s9], $0x50  }
0xd6: {  	[sflag:s9] =	ssyncset.done $0x0  }
0xd7: {  	[sflag:s9] =	ssyncadd.s32 $0xFFFFFFB0  }
0xd8: {  	_ =	swait.ge [sflag:s9], $0x50  }
0xd9: {  	[sflag:s9] =	ssyncset.done $0x0  }
0xda: {  	[sflag:s9] =	ssyncadd.s32 $0xFFFFFFB0  }
0xdb: {  	[tilespmem:s13], [sflag:$0x2] =	stream.indirect.gather [hbm4b:s0+s10], $0x80, s4, s10, $0xb8;
	[tilespmem:$0x1FC00] =	vst v63  }
0xdc: {  	_ =	swait.ge [sflag:s24], $0x2800  }
0xdd: {  	[sflag:s24] =	ssyncset.done $0x0  }
0xde: {  	[sflag:s24] =	ssyncadd.s32 $0xFFFFD800  }
0xdf: {  	[spmem:s3] =	stream.indirect.scatter.add.f32 [tilespmem:s19], [sflag:$0x9], $0x80, s2, s10, $0xb8;
	[tilespmem:$0x1FC00] =	vst v63  }
0xe0: {  	_ =	swait.ge [sflag:s15], $0x2800  }
0xe1: {  	s17 =	rddreg [dreg:$0x15];
	[sflag:s15] =	ssyncset.done $0x0  }
0xe2: {  	s18 =	rddreg [dreg:$0x16];
	[sflag:s15] =	ssyncadd.s32 $0xFFFFD800;
	s1 =	sadd.s32 $0x0, s17  }
0xe3: {  	[tilespmem:s31], [sflag:$0x6] =	stream.linear.gather [hbm4b:s1+s4], $0x50, $0x38;
	[tilespmem:$0x1FC00] =	vst v63  }
0xe4: {  	s14 =	sadd.s32 $0x0, s18  }
0xe5: {  	[tilespmem:s2], [sflag:$0x6] =	stream.linear.gather [hbm4b:s14+s4], $0x50, $0x38;
	[tilespmem:$0x1FC00] =	vst v63  }
0xe6: {  	_ =	swait.ge [sflag:s12], $0x50  }
0xe7: {  	[sflag:s12] =	ssyncset.done $0x0  }
0xe8: {  	[sflag:s12] =	ssyncadd.s32 $0xFFFFFFB0  }
0xe9: {  	_ =	swait.ge [sflag:s12], $0x50  }
0xea: {  	[sflag:s12] =	ssyncset.done $0x0  }
0xeb: {  	[sflag:s12] =	ssyncadd.s32 $0xFFFFFFB0  }
0xec: {  	[tilespmem:s19], [sflag:$0x3] =	stream.indirect.gather [hbm4b:s0+s10], $0x80, s29, s10, $0xb8;
	[tilespmem:$0x1FC00] =	vst v63  }
0xed: {  	_ =	swait.ge [sflag:s21], $0x2800  }
0xee: {  	[sflag:s21] =	ssyncset.done $0x0  }
0xef: {  	[sflag:s21] =	ssyncadd.s32 $0xFFFFD800  }
0xf0: {  	[spmem:s3] =	stream.indirect.scatter.add.f32 [tilespmem:s11], [sflag:$0x9], $0x80, s8, s10, $0xb8;
	[tilespmem:$0x1FC00] =	vst v63  }
0xf1: {  	_ =	swait.ge [sflag:s15], $0x2800  }
0xf2: {  	s17 =	rddreg [dreg:$0x13];
	[sflag:s15] =	ssyncset.done $0x0  }
0xf3: {  	s18 =	rddreg [dreg:$0x14];
	[sflag:s15] =	ssyncadd.s32 $0xFFFFD800;
	s1 =	sadd.s32 $0x0, s17  }
0xf4: {  	[tilespmem:s7], [sflag:$0x7] =	stream.linear.gather [hbm4b:s1+s4], $0x50, $0x38;
	[tilespmem:$0x1FC00] =	vst v63  }
0xf5: {  	s14 =	sadd.s32 $0x0, s18  }
0xf6: {  	[tilespmem:s8], [sflag:$0x7] =	stream.linear.gather [hbm4b:s14+s4], $0x50, $0x38;
	[tilespmem:$0x1FC00] =	vst v63  }
0xf7: {  	_ =	swait.ge [sflag:s16], $0x50  }
0xf8: {  	[sflag:s16] =	ssyncset.done $0x0  }
0xf9: {  	[sflag:s16] =	ssyncadd.s32 $0xFFFFFFB0  }
0xfa: {  	_ =	swait.ge [sflag:s16], $0x50  }
0xfb: {  	[sflag:s16] =	ssyncset.done $0x0  }
0xfc: {  	[sflag:s16] =	ssyncadd.s32 $0xFFFFFFB0  }
0xfd: {  	[tilespmem:s11], [sflag:$0x1] =	stream.indirect.gather [hbm4b:s0+s10], $0x80, s31, s10, $0xb8;
	[tilespmem:$0x1FC00] =	vst v63  }
0xfe: {  	_ =	swait.ge [sflag:s23], $0x2800  }
0xff: {  	[sflag:s23] =	ssyncset.done $0x0  }
0x100: {  	[sflag:s23] =	ssyncadd.s32 $0xFFFFD800  }
0x101: {  	[spmem:s3] =	stream.indirect.scatter.add.f32 [tilespmem:s13], [sflag:$0x9], $0x80, s25, s10, $0xb8;
	[tilespmem:$0x1FC00] =	vst v63  }
0x102: {  	_ =	swait.ge [sflag:s15], $0x2800  }
0x103: {  	s17 =	rddreg [dreg:$0x11];
	[sflag:s15] =	ssyncset.done $0x0  }
0x104: {  	s18 =	rddreg [dreg:$0x12];
	[sflag:s15] =	ssyncadd.s32 $0xFFFFD800;
	s1 =	sadd.s32 $0x0, s17  }
0x105: {  	[tilespmem:s4], [sflag:$0x4] =	stream.linear.gather [hbm4b:s1+s4], $0x50, $0x38;
	[tilespmem:$0x1FC00] =	vst v63  }
0x106: {  	s14 =	sadd.s32 $0x0, s18  }
0x107: {  	[tilespmem:s25], [sflag:$0x4] =	stream.linear.gather [hbm4b:s14+s4], $0x50, $0x38;
	[tilespmem:$0x1FC00] =	vst v63  }
0x108: {  	_ =	swait.ge [sflag:s22], $0x50  }
0x109: {  	[sflag:s22] =	ssyncset.done $0x0  }
0x10a: {  	[sflag:s22] =	ssyncadd.s32 $0xFFFFFFB0  }
0x10b: {  	_ =	swait.ge [sflag:s22], $0x50  }
0x10c: {  	[sflag:s22] =	ssyncset.done $0x0  }
0x10d: {  	[sflag:s22] =	ssyncadd.s32 $0xFFFFFFB0  }
0x10e: {  	[tilespmem:s13], [sflag:$0x2] =	stream.indirect.gather [hbm4b:s0+s10], $0x80, s7, s10, $0xb8;
	[tilespmem:$0x1FC00] =	vst v63  }
0x10f: {  	_ =	swait.ge [sflag:s24], $0x2800  }
0x110: {  	[sflag:s24] =	ssyncset.done $0x0  }
0x111: {  	[sflag:s24] =	ssyncadd.s32 $0xFFFFD800  }
0x112: {  	[spmem:s3] =	stream.indirect.scatter.add.f32 [tilespmem:s19], [sflag:$0x9], $0x80, s30, s10, $0xb8;
	[tilespmem:$0x1FC00] =	vst v63  }
0x113: {  	_ =	swait.ge [sflag:s15], $0x2800  }
0x114: {  	s17 =	rddreg [dreg:$0xf];
	[sflag:s15] =	ssyncset.done $0x0  }
0x115: {  	s18 =	rddreg [dreg:$0x10];
	[sflag:s15] =	ssyncadd.s32 $0xFFFFD800;
	s1 =	sadd.s32 $0x0, s17  }
0x116: {  	[tilespmem:s29], [sflag:$0x5] =	stream.linear.gather [hbm4b:s1+s4], $0x50, $0x38;
	[tilespmem:$0x1FC00] =	vst v63  }
0x117: {  	s14 =	sadd.s32 $0x0, s18  }
0x118: {  	[tilespmem:s30], [sflag:$0x5] =	stream.linear.gather [hbm4b:s14+s4], $0x50, $0x38;
	[tilespmem:$0x1FC00] =	vst v63  }
0x119: {  	_ =	swait.ge [sflag:s9], $0x50  }
0x11a: {  	[sflag:s9] =	ssyncset.done $0x0  }
0x11b: {  	[sflag:s9] =	ssyncadd.s32 $0xFFFFFFB0  }
0x11c: {  	_ =	swait.ge [sflag:s9], $0x50  }
0x11d: {  	[sflag:s9] =	ssyncset.done $0x0  }
0x11e: {  	[sflag:s9] =	ssyncadd.s32 $0xFFFFFFB0  }
0x11f: {  	[tilespmem:s19], [sflag:$0x3] =	stream.indirect.gather [hbm4b:s0+s10], $0x80, s4, s10, $0xb8;
	[tilespmem:$0x1FC00] =	vst v63  }
0x120: {  	_ =	swait.ge [sflag:s21], $0x2800  }
0x121: {  	[sflag:s21] =	ssyncset.done $0x0  }
0x122: {  	[sflag:s21] =	ssyncadd.s32 $0xFFFFD800  }
0x123: {  	[spmem:s3] =	stream.indirect.scatter.add.f32 [tilespmem:s11], [sflag:$0x9], $0x80, s2, s10, $0xb8;
	[tilespmem:$0x1FC00] =	vst v63  }
0x124: {  	_ =	swait.ge [sflag:s15], $0x2800  }
0x125: {  	s17 =	rddreg [dreg:$0xd];
	[sflag:s15] =	ssyncset.done $0x0  }
0x126: {  	s18 =	rddreg [dreg:$0xe];
	[sflag:s15] =	ssyncadd.s32 $0xFFFFD800;
	s1 =	sadd.s32 $0x0, s17  }
0x127: {  	[tilespmem:s31], [sflag:$0x6] =	stream.linear.gather [hbm4b:s1+s4], $0x50, $0x38;
	[tilespmem:$0x1FC00] =	vst v63  }
0x128: {  	s14 =	sadd.s32 $0x0, s18  }
0x129: {  	[tilespmem:s2], [sflag:$0x6] =	stream.linear.gather [hbm4b:s14+s4], $0x50, $0x38;
	[tilespmem:$0x1FC00] =	vst v63  }
0x12a: {  	_ =	swait.ge [sflag:s12], $0x50  }
0x12b: {  	[sflag:s12] =	ssyncset.done $0x0  }
0x12c: {  	[sflag:s12] =	ssyncadd.s32 $0xFFFFFFB0  }
0x12d: {  	_ =	swait.ge [sflag:s12], $0x50  }
0x12e: {  	[sflag:s12] =	ssyncset.done $0x0  }
0x12f: {  	[sflag:s12] =	ssyncadd.s32 $0xFFFFFFB0  }
0x130: {  	[tilespmem:s11], [sflag:$0x1] =	stream.indirect.gather [hbm4b:s0+s10], $0x80, s29, s10, $0xb8;
	[tilespmem:$0x1FC00] =	vst v63  }
0x131: {  	_ =	swait.ge [sflag:s23], $0x2800  }
0x132: {  	[sflag:s23] =	ssyncset.done $0x0  }
0x133: {  	[sflag:s23] =	ssyncadd.s32 $0xFFFFD800  }
0x134: {  	[spmem:s3] =	stream.indirect.scatter.add.f32 [tilespmem:s13], [sflag:$0x9], $0x80, s8, s10, $0xb8;
	[tilespmem:$0x1FC00] =	vst v63  }
0x135: {  	_ =	swait.ge [sflag:s15], $0x2800  }
0x136: {  	s17 =	rddreg [dreg:$0xb];
	[sflag:s15] =	ssyncset.done $0x0  }
0x137: {  	s18 =	rddreg [dreg:$0xc];
	[sflag:s15] =	ssyncadd.s32 $0xFFFFD800;
	s1 =	sadd.s32 $0x0, s17  }
0x138: {  	[tilespmem:s7], [sflag:$0x7] =	stream.linear.gather [hbm4b:s1+s4], $0x50, $0x38;
	[tilespmem:$0x1FC00] =	vst v63  }
0x139: {  	s14 =	sadd.s32 $0x0, s18  }
0x13a: {  	[tilespmem:s8], [sflag:$0x7] =	stream.linear.gather [hbm4b:s14+s4], $0x50, $0x38;
	[tilespmem:$0x1FC00] =	vst v63  }
0x13b: {  	_ =	swait.ge [sflag:s16], $0x50  }
0x13c: {  	[sflag:s16] =	ssyncset.done $0x0  }
0x13d: {  	[sflag:s16] =	ssyncadd.s32 $0xFFFFFFB0  }
0x13e: {  	_ =	swait.ge [sflag:s16], $0x50  }
0x13f: {  	[sflag:s16] =	ssyncset.done $0x0  }
0x140: {  	[sflag:s16] =	ssyncadd.s32 $0xFFFFFFB0  }
0x141: {  	[tilespmem:s13], [sflag:$0x2] =	stream.indirect.gather [hbm4b:s0+s10], $0x80, s31, s10, $0xb8;
	[tilespmem:$0x1FC00] =	vst v63  }
0x142: {  	_ =	swait.ge [sflag:s24], $0x2800  }
0x143: {  	[sflag:s24] =	ssyncset.done $0x0  }
0x144: {  	[sflag:s24] =	ssyncadd.s32 $0xFFFFD800  }
0x145: {  	[spmem:s3] =	stream.indirect.scatter.add.f32 [tilespmem:s19], [sflag:$0x9], $0x80, s25, s10, $0xb8;
	[tilespmem:$0x1FC00] =	vst v63  }
0x146: {  	_ =	swait.ge [sflag:s15], $0x2800  }
0x147: {  	s17 =	sshrl.u32 s20, $0x3;
	[sflag:s15] =	ssyncset.done $0x0  }
0x148: {  	s1 =	sadd.s32 s5, s17;
	s18 =	rddreg [dreg:$0xa];
	[sflag:s15] =	ssyncadd.s32 $0xFFFFD800  }
0x149: {  	[tilespmem:s4], [sflag:$0x4] =	stream.linear.gather [hbm4b:s1+s4], $0x50, $0x38;
	[tilespmem:$0x1FC00] =	vst v63  }
0x14a: {  	s14 =	sadd.s32 $0x0, s18  }
0x14b: {  	[tilespmem:s25], [sflag:$0x4] =	stream.linear.gather [hbm4b:s14+s4], $0x50, $0x38;
	[tilespmem:$0x1FC00] =	vst v63  }
0x14c: {  	_ =	swait.ge [sflag:s22], $0x50  }
0x14d: {  	[sflag:s22] =	ssyncset.done $0x0  }
0x14e: {  	[sflag:s22] =	ssyncadd.s32 $0xFFFFFFB0  }
0x14f: {  	_ =	swait.ge [sflag:s22], $0x50  }
0x150: {  	[sflag:s22] =	ssyncset.done $0x0  }
0x151: {  	[sflag:s22] =	ssyncadd.s32 $0xFFFFFFB0  }
0x152: {  	[tilespmem:s19], [sflag:$0x3] =	stream.indirect.gather [hbm4b:s0+s10], $0x80, s7, s10, $0xb8;
	[tilespmem:$0x1FC00] =	vst v63  }
0x153: {  	_ =	swait.ge [sflag:s21], $0x2800  }
0x154: {  	[sflag:s21] =	ssyncset.done $0x0  }
0x155: {  	[sflag:s21] =	ssyncadd.s32 $0xFFFFD800  }
0x156: {  	[spmem:s3] =	stream.indirect.scatter.add.f32 [tilespmem:s11], [sflag:$0x9], $0x80, s30, s10, $0xb8;
	[tilespmem:$0x1FC00] =	vst v63  }
0x157: {  	_ =	swait.ge [sflag:s15], $0x2800  }
0x158: {  	s17 =	rddreg [dreg:$0x8];
	[sflag:s15] =	ssyncset.done $0x0  }
0x159: {  	s18 =	rddreg [dreg:$0x9];
	[sflag:s15] =	ssyncadd.s32 $0xFFFFD800;
	s1 =	sadd.s32 $0x0, s17  }
0x15a: {  	[tilespmem:s29], [sflag:$0x5] =	stream.linear.gather [hbm4b:s1+s4], $0x50, $0x38;
	[tilespmem:$0x1FC00] =	vst v63  }
0x15b: {  	s14 =	sadd.s32 $0x0, s18  }
0x15c: {  	[tilespmem:s30], [sflag:$0x5] =	stream.linear.gather [hbm4b:s14+s4], $0x50, $0x38;
	[tilespmem:$0x1FC00] =	vst v63  }
0x15d: {  	_ =	swait.ge [sflag:s9], $0x50  }
0x15e: {  	[sflag:s9] =	ssyncset.done $0x0  }
0x15f: {  	[sflag:s9] =	ssyncadd.s32 $0xFFFFFFB0  }
0x160: {  	_ =	swait.ge [sflag:s9], $0x50  }
0x161: {  	[sflag:s9] =	ssyncset.done $0x0  }
0x162: {  	[sflag:s9] =	ssyncadd.s32 $0xFFFFFFB0  }
0x163: {  	[tilespmem:s11], [sflag:$0x1] =	stream.indirect.gather [hbm4b:s0+s10], $0x80, s4, s10, $0xb8;
	[tilespmem:$0x1FC00] =	vst v63  }
0x164: {  	_ =	swait.ge [sflag:s23], $0x2800  }
0x165: {  	[sflag:s23] =	ssyncset.done $0x0  }
0x166: {  	[sflag:s23] =	ssyncadd.s32 $0xFFFFD800  }
0x167: {  	[spmem:s3] =	stream.indirect.scatter.add.f32 [tilespmem:s13], [sflag:$0x9], $0x80, s2, s10, $0xb8;
	[tilespmem:$0x1FC00] =	vst v63  }
0x168: {  	_ =	swait.ge [sflag:s15], $0x2800  }
0x169: {  	s17 =	rddreg [dreg:$0x6];
	[sflag:s15] =	ssyncset.done $0x0  }
0x16a: {  	s18 =	rddreg [dreg:$0x7];
	[sflag:s15] =	ssyncadd.s32 $0xFFFFD800;
	s1 =	sadd.s32 $0x0, s17  }
0x16b: {  	[tilespmem:s31], [sflag:$0x6] =	stream.linear.gather [hbm4b:s1+s4], $0x50, $0x38;
	[tilespmem:$0x1FC00] =	vst v63  }
0x16c: {  	s14 =	sadd.s32 $0x0, s18  }
0x16d: {  	[tilespmem:s2], [sflag:$0x6] =	stream.linear.gather [hbm4b:s14+s4], $0x50, $0x38;
	[tilespmem:$0x1FC00] =	vst v63  }
0x16e: {  	_ =	swait.ge [sflag:s12], $0x50  }
0x16f: {  	[sflag:s12] =	ssyncset.done $0x0  }
0x170: {  	[sflag:s12] =	ssyncadd.s32 $0xFFFFFFB0  }
0x171: {  	_ =	swait.ge [sflag:s12], $0x50  }
0x172: {  	[sflag:s12] =	ssyncset.done $0x0  }
0x173: {  	[sflag:s12] =	ssyncadd.s32 $0xFFFFFFB0  }
0x174: {  	[tilespmem:s13], [sflag:$0x2] =	stream.indirect.gather [hbm4b:s0+s10], $0x80, s29, s10, $0xb8;
	[tilespmem:$0x1FC00] =	vst v63  }
0x175: {  	_ =	swait.ge [sflag:s24], $0x2800  }
0x176: {  	[sflag:s24] =	ssyncset.done $0x0  }
0x177: {  	[sflag:s24] =	ssyncadd.s32 $0xFFFFD800  }
0x178: {  	[spmem:s3] =	stream.indirect.scatter.add.f32 [tilespmem:s19], [sflag:$0x9], $0x80, s8, s10, $0xb8;
	[tilespmem:$0x1FC00] =	vst v63  }
0x179: {  	_ =	swait.ge [sflag:s15], $0x2800  }
0x17a: {  	s17 =	rddreg [dreg:$0x4];
	[sflag:s15] =	ssyncset.done $0x0  }
0x17b: {  	s18 =	rddreg [dreg:$0x5];
	[sflag:s15] =	ssyncadd.s32 $0xFFFFD800;
	s1 =	sadd.s32 $0x0, s17  }
0x17c: {  	[tilespmem:s7], [sflag:$0x7] =	stream.linear.gather [hbm4b:s1+s4], $0x50, $0x38;
	[tilespmem:$0x1FC00] =	vst v63  }
0x17d: {  	s6 =	sadd.s32 $0x0, s18;
	s18 =	sadd.s32 $0x3C0, s20;
	s1 =	simm.s32 $0x78  }
.LBB2_9:
0x17e: {  	[tilespmem:s8], [sflag:$0x7] =	stream.linear.gather [hbm4b:s6+s4], $0x50, $0x38;
	[tilespmem:$0x1FC00] =	vst v63  }
0x17f: {  	_ =	swait.ge [sflag:s16], $0x50  }
0x180: {  	[sflag:s16] =	ssyncset.done $0x0  }
0x181: {  	[sflag:s16] =	ssyncadd.s32 $0xFFFFFFB0  }
0x182: {  	_ =	swait.ge [sflag:s16], $0x50  }
0x183: {  	[sflag:s16] =	ssyncset.done $0x0  }
0x184: {  	[sflag:s16] =	ssyncadd.s32 $0xFFFFFFB0  }
0x185: {  	[tilespmem:s19], [sflag:$0x3] =	stream.indirect.gather [hbm4b:s0+s10], $0x80, s31, s10, $0xb8;
	[tilespmem:$0x1FC00] =	vst v63  }
0x186: {  	_ =	swait.ge [sflag:s21], $0x2800  }
0x187: {  	[sflag:s21] =	ssyncset.done $0x0  }
0x188: {  	[sflag:s21] =	ssyncadd.s32 $0xFFFFD800  }
0x189: {  	[spmem:s3] =	stream.indirect.scatter.add.f32 [tilespmem:s11], [sflag:$0x9], $0x80, s25, s10, $0xb8;
	[tilespmem:$0x1FC00] =	vst v63  }
0x18a: {  	_ =	swait.ge [sflag:s15], $0x2800  }
0x18b: {  	s6 =	smov.u32 s1;
	s14 =	rddreg [dreg:$0x19];
	[sflag:s15] =	ssyncset.done $0x0  }
0x18c: {  	s17 =	rddreg [dreg:$0x1a];
	[sflag:s15] =	ssyncadd.s32 $0xFFFFD800;
	s14 =	sadd.s32 s6, s14  }
0x18d: {  	[tilespmem:s4], [sflag:$0x4] =	stream.linear.gather [hbm4b:s14+s4], $0x50, $0x38;
	[tilespmem:$0x1FC00] =	vst v63  }
0x18e: {  	s17 =	sadd.s32 s6, s17  }
0x18f: {  	[tilespmem:s25], [sflag:$0x4] =	stream.linear.gather [hbm4b:s17+s4], $0x50, $0x38;
	[tilespmem:$0x1FC00] =	vst v63  }
0x190: {  	_ =	swait.ge [sflag:s22], $0x50  }
0x191: {  	[sflag:s22] =	ssyncset.done $0x0  }
0x192: {  	[sflag:s22] =	ssyncadd.s32 $0xFFFFFFB0  }
0x193: {  	_ =	swait.ge [sflag:s22], $0x50  }
0x194: {  	[sflag:s22] =	ssyncset.done $0x0  }
0x195: {  	[sflag:s22] =	ssyncadd.s32 $0xFFFFFFB0  }
0x196: {  	[tilespmem:s11], [sflag:$0x1] =	stream.indirect.gather [hbm4b:s0+s10], $0x80, s7, s10, $0xb8;
	[tilespmem:$0x1FC00] =	vst v63  }
0x197: {  	_ =	swait.ge [sflag:s23], $0x2800  }
0x198: {  	[sflag:s23] =	ssyncset.done $0x0  }
0x199: {  	[sflag:s23] =	ssyncadd.s32 $0xFFFFD800  }
0x19a: {  	[spmem:s3] =	stream.indirect.scatter.add.f32 [tilespmem:s13], [sflag:$0x9], $0x80, s30, s10, $0xb8;
	[tilespmem:$0x1FC00] =	vst v63  }
0x19b: {  	_ =	swait.ge [sflag:s15], $0x2800  }
0x19c: {  	s14 =	rddreg [dreg:$0x17];
	[sflag:s15] =	ssyncset.done $0x0  }
0x19d: {  	s17 =	rddreg [dreg:$0x18];
	[sflag:s15] =	ssyncadd.s32 $0xFFFFD800;
	s14 =	sadd.s32 s6, s14  }
0x19e: {  	[tilespmem:s29], [sflag:$0x5] =	stream.linear.gather [hbm4b:s14+s4], $0x50, $0x38;
	[tilespmem:$0x1FC00] =	vst v63  }
0x19f: {  	s17 =	sadd.s32 s6, s17  }
0x1a0: {  	[tilespmem:s30], [sflag:$0x5] =	stream.linear.gather [hbm4b:s17+s4], $0x50, $0x38;
	[tilespmem:$0x1FC00] =	vst v63  }
0x1a1: {  	_ =	swait.ge [sflag:s9], $0x50  }
0x1a2: {  	[sflag:s9] =	ssyncset.done $0x0  }
0x1a3: {  	[sflag:s9] =	ssyncadd.s32 $0xFFFFFFB0  }
0x1a4: {  	_ =	swait.ge [sflag:s9], $0x50  }
0x1a5: {  	[sflag:s9] =	ssyncset.done $0x0  }
0x1a6: {  	[sflag:s9] =	ssyncadd.s32 $0xFFFFFFB0  }
0x1a7: {  	[tilespmem:s13], [sflag:$0x2] =	stream.indirect.gather [hbm4b:s0+s10], $0x80, s4, s10, $0xb8;
	[tilespmem:$0x1FC00] =	vst v63  }
0x1a8: {  	_ =	swait.ge [sflag:s24], $0x2800  }
0x1a9: {  	[sflag:s24] =	ssyncset.done $0x0  }
0x1aa: {  	[sflag:s24] =	ssyncadd.s32 $0xFFFFD800  }
0x1ab: {  	[spmem:s3] =	stream.indirect.scatter.add.f32 [tilespmem:s19], [sflag:$0x9], $0x80, s2, s10, $0xb8;
	[tilespmem:$0x1FC00] =	vst v63  }
0x1ac: {  	_ =	swait.ge [sflag:s15], $0x2800  }
0x1ad: {  	s14 =	rddreg [dreg:$0x15];
	[sflag:s15] =	ssyncset.done $0x0  }
0x1ae: {  	s17 =	rddreg [dreg:$0x16];
	[sflag:s15] =	ssyncadd.s32 $0xFFFFD800;
	s14 =	sadd.s32 s6, s14  }
0x1af: {  	[tilespmem:s31], [sflag:$0x6] =	stream.linear.gather [hbm4b:s14+s4], $0x50, $0x38;
	[tilespmem:$0x1FC00] =	vst v63  }
0x1b0: {  	s17 =	sadd.s32 s6, s17  }
0x1b1: {  	[tilespmem:s2], [sflag:$0x6] =	stream.linear.gather [hbm4b:s17+s4], $0x50, $0x38;
	[tilespmem:$0x1FC00] =	vst v63  }
0x1b2: {  	_ =	swait.ge [sflag:s12], $0x50  }
0x1b3: {  	[sflag:s12] =	ssyncset.done $0x0  }
0x1b4: {  	[sflag:s12] =	ssyncadd.s32 $0xFFFFFFB0  }
0x1b5: {  	_ =	swait.ge [sflag:s12], $0x50  }
0x1b6: {  	[sflag:s12] =	ssyncset.done $0x0  }
0x1b7: {  	[sflag:s12] =	ssyncadd.s32 $0xFFFFFFB0  }
0x1b8: {  	[tilespmem:s19], [sflag:$0x3] =	stream.indirect.gather [hbm4b:s0+s10], $0x80, s29, s10, $0xb8;
	[tilespmem:$0x1FC00] =	vst v63  }
0x1b9: {  	_ =	swait.ge [sflag:s21], $0x2800  }
0x1ba: {  	[sflag:s21] =	ssyncset.done $0x0  }
0x1bb: {  	[sflag:s21] =	ssyncadd.s32 $0xFFFFD800  }
0x1bc: {  	[spmem:s3] =	stream.indirect.scatter.add.f32 [tilespmem:s11], [sflag:$0x9], $0x80, s8, s10, $0xb8;
	[tilespmem:$0x1FC00] =	vst v63  }
0x1bd: {  	_ =	swait.ge [sflag:s15], $0x2800  }
0x1be: {  	s14 =	rddreg [dreg:$0x13];
	[sflag:s15] =	ssyncset.done $0x0  }
0x1bf: {  	s17 =	rddreg [dreg:$0x14];
	[sflag:s15] =	ssyncadd.s32 $0xFFFFD800;
	s14 =	sadd.s32 s6, s14  }
0x1c0: {  	[tilespmem:s7], [sflag:$0x7] =	stream.linear.gather [hbm4b:s14+s4], $0x50, $0x38;
	[tilespmem:$0x1FC00] =	vst v63  }
0x1c1: {  	s17 =	sadd.s32 s6, s17  }
0x1c2: {  	[tilespmem:s8], [sflag:$0x7] =	stream.linear.gather [hbm4b:s17+s4], $0x50, $0x38;
	[tilespmem:$0x1FC00] =	vst v63  }
0x1c3: {  	_ =	swait.ge [sflag:s16], $0x50  }
0x1c4: {  	[sflag:s16] =	ssyncset.done $0x0  }
0x1c5: {  	[sflag:s16] =	ssyncadd.s32 $0xFFFFFFB0  }
0x1c6: {  	_ =	swait.ge [sflag:s16], $0x50  }
0x1c7: {  	[sflag:s16] =	ssyncset.done $0x0  }
0x1c8: {  	[sflag:s16] =	ssyncadd.s32 $0xFFFFFFB0  }
0x1c9: {  	[tilespmem:s11], [sflag:$0x1] =	stream.indirect.gather [hbm4b:s0+s10], $0x80, s31, s10, $0xb8;
	[tilespmem:$0x1FC00] =	vst v63  }
0x1ca: {  	_ =	swait.ge [sflag:s23], $0x2800  }
0x1cb: {  	[sflag:s23] =	ssyncset.done $0x0  }
0x1cc: {  	[sflag:s23] =	ssyncadd.s32 $0xFFFFD800  }
0x1cd: {  	[spmem:s3] =	stream.indirect.scatter.add.f32 [tilespmem:s13], [sflag:$0x9], $0x80, s25, s10, $0xb8;
	[tilespmem:$0x1FC00] =	vst v63  }
0x1ce: {  	_ =	swait.ge [sflag:s15], $0x2800  }
0x1cf: {  	s14 =	rddreg [dreg:$0x11];
	[sflag:s15] =	ssyncset.done $0x0  }
0x1d0: {  	s17 =	rddreg [dreg:$0x12];
	[sflag:s15] =	ssyncadd.s32 $0xFFFFD800;
	s14 =	sadd.s32 s6, s14  }
0x1d1: {  	[tilespmem:s4], [sflag:$0x4] =	stream.linear.gather [hbm4b:s14+s4], $0x50, $0x38;
	[tilespmem:$0x1FC00] =	vst v63  }
0x1d2: {  	s17 =	sadd.s32 s6, s17  }
0x1d3: {  	[tilespmem:s25], [sflag:$0x4] =	stream.linear.gather [hbm4b:s17+s4], $0x50, $0x38;
	[tilespmem:$0x1FC00] =	vst v63  }
0x1d4: {  	_ =	swait.ge [sflag:s22], $0x50  }
0x1d5: {  	[sflag:s22] =	ssyncset.done $0x0  }
0x1d6: {  	[sflag:s22] =	ssyncadd.s32 $0xFFFFFFB0  }
0x1d7: {  	_ =	swait.ge [sflag:s22], $0x50  }
0x1d8: {  	[sflag:s22] =	ssyncset.done $0x0  }
0x1d9: {  	[sflag:s22] =	ssyncadd.s32 $0xFFFFFFB0  }
0x1da: {  	[tilespmem:s13], [sflag:$0x2] =	stream.indirect.gather [hbm4b:s0+s10], $0x80, s7, s10, $0xb8;
	[tilespmem:$0x1FC00] =	vst v63  }
0x1db: {  	_ =	swait.ge [sflag:s24], $0x2800  }
0x1dc: {  	[sflag:s24] =	ssyncset.done $0x0  }
0x1dd: {  	[sflag:s24] =	ssyncadd.s32 $0xFFFFD800  }
0x1de: {  	[spmem:s3] =	stream.indirect.scatter.add.f32 [tilespmem:s19], [sflag:$0x9], $0x80, s30, s10, $0xb8;
	[tilespmem:$0x1FC00] =	vst v63  }
0x1df: {  	_ =	swait.ge [sflag:s15], $0x2800  }
0x1e0: {  	s14 =	rddreg [dreg:$0xf];
	[sflag:s15] =	ssyncset.done $0x0  }
0x1e1: {  	s17 =	rddreg [dreg:$0x10];
	[sflag:s15] =	ssyncadd.s32 $0xFFFFD800;
	s14 =	sadd.s32 s6, s14  }
0x1e2: {  	[tilespmem:s29], [sflag:$0x5] =	stream.linear.gather [hbm4b:s14+s4], $0x50, $0x38;
	[tilespmem:$0x1FC00] =	vst v63  }
0x1e3: {  	s17 =	sadd.s32 s6, s17  }
0x1e4: {  	[tilespmem:s30], [sflag:$0x5] =	stream.linear.gather [hbm4b:s17+s4], $0x50, $0x38;
	[tilespmem:$0x1FC00] =	vst v63  }
0x1e5: {  	_ =	swait.ge [sflag:s9], $0x50  }
0x1e6: {  	[sflag:s9] =	ssyncset.done $0x0  }
0x1e7: {  	[sflag:s9] =	ssyncadd.s32 $0xFFFFFFB0  }
0x1e8: {  	_ =	swait.ge [sflag:s9], $0x50  }
0x1e9: {  	[sflag:s9] =	ssyncset.done $0x0  }
0x1ea: {  	[sflag:s9] =	ssyncadd.s32 $0xFFFFFFB0  }
0x1eb: {  	[tilespmem:s19], [sflag:$0x3] =	stream.indirect.gather [hbm4b:s0+s10], $0x80, s4, s10, $0xb8;
	[tilespmem:$0x1FC00] =	vst v63  }
0x1ec: {  	_ =	swait.ge [sflag:s21], $0x2800  }
0x1ed: {  	[sflag:s21] =	ssyncset.done $0x0  }
0x1ee: {  	[sflag:s21] =	ssyncadd.s32 $0xFFFFD800  }
0x1ef: {  	[spmem:s3] =	stream.indirect.scatter.add.f32 [tilespmem:s11], [sflag:$0x9], $0x80, s2, s10, $0xb8;
	[tilespmem:$0x1FC00] =	vst v63  }
0x1f0: {  	_ =	swait.ge [sflag:s15], $0x2800  }
0x1f1: {  	s14 =	rddreg [dreg:$0xd];
	[sflag:s15] =	ssyncset.done $0x0  }
0x1f2: {  	s17 =	rddreg [dreg:$0xe];
	[sflag:s15] =	ssyncadd.s32 $0xFFFFD800;
	s14 =	sadd.s32 s6, s14  }
0x1f3: {  	[tilespmem:s31], [sflag:$0x6] =	stream.linear.gather [hbm4b:s14+s4], $0x50, $0x38;
	[tilespmem:$0x1FC00] =	vst v63  }
0x1f4: {  	s17 =	sadd.s32 s6, s17  }
0x1f5: {  	[tilespmem:s2], [sflag:$0x6] =	stream.linear.gather [hbm4b:s17+s4], $0x50, $0x38;
	[tilespmem:$0x1FC00] =	vst v63  }
0x1f6: {  	_ =	swait.ge [sflag:s12], $0x50  }
0x1f7: {  	[sflag:s12] =	ssyncset.done $0x0  }
0x1f8: {  	[sflag:s12] =	ssyncadd.s32 $0xFFFFFFB0  }
0x1f9: {  	_ =	swait.ge [sflag:s12], $0x50  }
0x1fa: {  	[sflag:s12] =	ssyncset.done $0x0  }
0x1fb: {  	[sflag:s12] =	ssyncadd.s32 $0xFFFFFFB0  }
0x1fc: {  	[tilespmem:s11], [sflag:$0x1] =	stream.indirect.gather [hbm4b:s0+s10], $0x80, s29, s10, $0xb8;
	[tilespmem:$0x1FC00] =	vst v63  }
0x1fd: {  	_ =	swait.ge [sflag:s23], $0x2800  }
0x1fe: {  	[sflag:s23] =	ssyncset.done $0x0  }
0x1ff: {  	[sflag:s23] =	ssyncadd.s32 $0xFFFFD800  }
0x200: {  	[spmem:s3] =	stream.indirect.scatter.add.f32 [tilespmem:s13], [sflag:$0x9], $0x80, s8, s10, $0xb8;
	[tilespmem:$0x1FC00] =	vst v63  }
0x201: {  	_ =	swait.ge [sflag:s15], $0x2800  }
0x202: {  	s14 =	rddreg [dreg:$0xb];
	[sflag:s15] =	ssyncset.done $0x0  }
0x203: {  	s17 =	rddreg [dreg:$0xc];
	[sflag:s15] =	ssyncadd.s32 $0xFFFFD800;
	s14 =	sadd.s32 s6, s14  }
0x204: {  	[tilespmem:s7], [sflag:$0x7] =	stream.linear.gather [hbm4b:s14+s4], $0x50, $0x38;
	[tilespmem:$0x1FC00] =	vst v63  }
0x205: {  	s17 =	sadd.s32 s6, s17  }
0x206: {  	[tilespmem:s8], [sflag:$0x7] =	stream.linear.gather [hbm4b:s17+s4], $0x50, $0x38;
	[tilespmem:$0x1FC00] =	vst v63  }
0x207: {  	_ =	swait.ge [sflag:s16], $0x50  }
0x208: {  	[sflag:s16] =	ssyncset.done $0x0  }
0x209: {  	[sflag:s16] =	ssyncadd.s32 $0xFFFFFFB0  }
0x20a: {  	_ =	swait.ge [sflag:s16], $0x50  }
0x20b: {  	[sflag:s16] =	ssyncset.done $0x0  }
0x20c: {  	[sflag:s16] =	ssyncadd.s32 $0xFFFFFFB0  }
0x20d: {  	[tilespmem:s13], [sflag:$0x2] =	stream.indirect.gather [hbm4b:s0+s10], $0x80, s31, s10, $0xb8;
	[tilespmem:$0x1FC00] =	vst v63  }
0x20e: {  	_ =	swait.ge [sflag:s24], $0x2800  }
0x20f: {  	[sflag:s24] =	ssyncset.done $0x0  }
0x210: {  	[sflag:s24] =	ssyncadd.s32 $0xFFFFD800  }
0x211: {  	[spmem:s3] =	stream.indirect.scatter.add.f32 [tilespmem:s19], [sflag:$0x9], $0x80, s25, s10, $0xb8;
	[tilespmem:$0x1FC00] =	vst v63  }
0x212: {  	_ =	swait.ge [sflag:s15], $0x2800  }
0x213: {  	s14 =	sshrl.u32 s18, $0x3;
	[sflag:s15] =	ssyncset.done $0x0  }
0x214: {  	s14 =	sadd.s32 s5, s14;
	s17 =	rddreg [dreg:$0xa];
	[sflag:s15] =	ssyncadd.s32 $0xFFFFD800  }
0x215: {  	[tilespmem:s4], [sflag:$0x4] =	stream.linear.gather [hbm4b:s14+s4], $0x50, $0x38;
	[tilespmem:$0x1FC00] =	vst v63  }
0x216: {  	s17 =	sadd.s32 s6, s17  }
0x217: {  	[tilespmem:s25], [sflag:$0x4] =	stream.linear.gather [hbm4b:s17+s4], $0x50, $0x38;
	[tilespmem:$0x1FC00] =	vst v63  }
0x218: {  	_ =	swait.ge [sflag:s22], $0x50  }
0x219: {  	[sflag:s22] =	ssyncset.done $0x0  }
0x21a: {  	[sflag:s22] =	ssyncadd.s32 $0xFFFFFFB0  }
0x21b: {  	_ =	swait.ge [sflag:s22], $0x50  }
0x21c: {  	[sflag:s22] =	ssyncset.done $0x0  }
0x21d: {  	[sflag:s22] =	ssyncadd.s32 $0xFFFFFFB0  }
0x21e: {  	[tilespmem:s19], [sflag:$0x3] =	stream.indirect.gather [hbm4b:s0+s10], $0x80, s7, s10, $0xb8;
	[tilespmem:$0x1FC00] =	vst v63  }
0x21f: {  	_ =	swait.ge [sflag:s21], $0x2800  }
0x220: {  	[sflag:s21] =	ssyncset.done $0x0  }
0x221: {  	[sflag:s21] =	ssyncadd.s32 $0xFFFFD800  }
0x222: {  	[spmem:s3] =	stream.indirect.scatter.add.f32 [tilespmem:s11], [sflag:$0x9], $0x80, s30, s10, $0xb8;
	[tilespmem:$0x1FC00] =	vst v63  }
0x223: {  	_ =	swait.ge [sflag:s15], $0x2800  }
0x224: {  	s14 =	rddreg [dreg:$0x8];
	[sflag:s15] =	ssyncset.done $0x0  }
0x225: {  	s17 =	rddreg [dreg:$0x9];
	[sflag:s15] =	ssyncadd.s32 $0xFFFFD800;
	s14 =	sadd.s32 s6, s14  }
0x226: {  	[tilespmem:s29], [sflag:$0x5] =	stream.linear.gather [hbm4b:s14+s4], $0x50, $0x38;
	[tilespmem:$0x1FC00] =	vst v63  }
0x227: {  	s17 =	sadd.s32 s6, s17  }
0x228: {  	[tilespmem:s30], [sflag:$0x5] =	stream.linear.gather [hbm4b:s17+s4], $0x50, $0x38;
	[tilespmem:$0x1FC00] =	vst v63  }
0x229: {  	_ =	swait.ge [sflag:s9], $0x50  }
0x22a: {  	[sflag:s9] =	ssyncset.done $0x0  }
0x22b: {  	[sflag:s9] =	ssyncadd.s32 $0xFFFFFFB0  }
0x22c: {  	_ =	swait.ge [sflag:s9], $0x50  }
0x22d: {  	[sflag:s9] =	ssyncset.done $0x0  }
0x22e: {  	[sflag:s9] =	ssyncadd.s32 $0xFFFFFFB0  }
0x22f: {  	[tilespmem:s11], [sflag:$0x1] =	stream.indirect.gather [hbm4b:s0+s10], $0x80, s4, s10, $0xb8;
	[tilespmem:$0x1FC00] =	vst v63  }
0x230: {  	_ =	swait.ge [sflag:s23], $0x2800  }
0x231: {  	[sflag:s23] =	ssyncset.done $0x0  }
0x232: {  	[sflag:s23] =	ssyncadd.s32 $0xFFFFD800  }
0x233: {  	[spmem:s3] =	stream.indirect.scatter.add.f32 [tilespmem:s13], [sflag:$0x9], $0x80, s2, s10, $0xb8;
	[tilespmem:$0x1FC00] =	vst v63  }
0x234: {  	_ =	swait.ge [sflag:s15], $0x2800  }
0x235: {  	s14 =	rddreg [dreg:$0x6];
	[sflag:s15] =	ssyncset.done $0x0  }
0x236: {  	s17 =	rddreg [dreg:$0x7];
	[sflag:s15] =	ssyncadd.s32 $0xFFFFD800;
	s14 =	sadd.s32 s6, s14  }
0x237: {  	[tilespmem:s31], [sflag:$0x6] =	stream.linear.gather [hbm4b:s14+s4], $0x50, $0x38;
	[tilespmem:$0x1FC00] =	vst v63  }
0x238: {  	s17 =	sadd.s32 s6, s17  }
0x239: {  	[tilespmem:s2], [sflag:$0x6] =	stream.linear.gather [hbm4b:s17+s4], $0x50, $0x38;
	[tilespmem:$0x1FC00] =	vst v63  }
0x23a: {  	_ =	swait.ge [sflag:s12], $0x50  }
0x23b: {  	[sflag:s12] =	ssyncset.done $0x0  }
0x23c: {  	[sflag:s12] =	ssyncadd.s32 $0xFFFFFFB0  }
0x23d: {  	_ =	swait.ge [sflag:s12], $0x50  }
0x23e: {  	[sflag:s12] =	ssyncset.done $0x0  }
0x23f: {  	[sflag:s12] =	ssyncadd.s32 $0xFFFFFFB0  }
0x240: {  	[tilespmem:s13], [sflag:$0x2] =	stream.indirect.gather [hbm4b:s0+s10], $0x80, s29, s10, $0xb8;
	[tilespmem:$0x1FC00] =	vst v63  }
0x241: {  	_ =	swait.ge [sflag:s24], $0x2800  }
0x242: {  	[sflag:s24] =	ssyncset.done $0x0  }
0x243: {  	p2 =	sne.s32 s1, $0x438;
	[sflag:s24] =	ssyncadd.s32 $0xFFFFD800  }
0x244: {  	[spmem:s3] =	stream.indirect.scatter.add.f32 [tilespmem:s19], [sflag:$0x9], $0x80, s8, s10, $0xb8;
	[tilespmem:$0x1FC00] =	vst v63  }
.Ltmp5:
0x245: {  	_ =	swait.ge [sflag:s15], $0x2800;
	(pc) =	sbr.rel @p2 .LBB2_9-.Ltmp5, $4  }
0x246: {  	s1 =	sadd.s32 $0x78, s1;
	s14 =	rddreg [dreg:$0x4]  }
0x247: {  	s18 =	sadd.s32 $0x3C0, s18;
	s17 =	rddreg [dreg:$0x5];
	[sflag:s15] =	ssyncset.done $0x0  }
0x248: {  	[sflag:s15] =	ssyncadd.s32 $0xFFFFD800;
	s14 =	sadd.s32 s6, s14;
	s6 =	sadd.s32 s6, s17  }
0x249: {  	[tilespmem:s7], [sflag:$0x7] =	stream.linear.gather [hbm4b:s14+s4], $0x50, $0x38;
	[tilespmem:$0x1FC00] =	vst v63  }
0x24a: {  	[tilespmem:s8], [sflag:$0x7] =	stream.linear.gather [hbm4b:s6+s4], $0x50, $0x38;
	[tilespmem:$0x1FC00] =	vst v63  }
0x24b: {  	_ =	swait.ge [sflag:s16], $0x50  }
0x24c: {  	[sflag:s16] =	ssyncset.done $0x0  }
0x24d: {  	[sflag:s16] =	ssyncadd.s32 $0xFFFFFFB0  }
0x24e: {  	_ =	swait.ge [sflag:s16], $0x50  }
0x24f: {  	[sflag:s16] =	ssyncset.done $0x0  }
0x250: {  	[sflag:s16] =	ssyncadd.s32 $0xFFFFFFB0  }
0x251: {  	[tilespmem:s19], [sflag:$0x3] =	stream.indirect.gather [hbm4b:s0+s10], $0x80, s31, s10, $0xb8;
	[tilespmem:$0x1FC00] =	vst v63  }
0x252: {  	_ =	swait.ge [sflag:s21], $0x2800  }
0x253: {  	[sflag:s21] =	ssyncset.done $0x0  }
0x254: {  	[sflag:s21] =	ssyncadd.s32 $0xFFFFD800  }
0x255: {  	[spmem:s3] =	stream.indirect.scatter.add.f32 [tilespmem:s11], [sflag:$0x9], $0x80, s25, s10, $0xb8;
	[tilespmem:$0x1FC00] =	vst v63  }
0x256: {  	_ =	swait.ge [sflag:s15], $0x2800  }
0x257: {  	s1 =	sld [smem:$0x7FC]  }
0x258: {  	[sflag:s15] =	ssyncset.done $0x0  }
0x259: {  	s6 =	sld [smem:$0x7FD];
	[sflag:s15] =	ssyncadd.s32 $0xFFFFD800  }
0x25a: {  	[tilespmem:s4], [sflag:$0x4] =	stream.linear.gather [hbm4b:s1+s4], $0x50, $0x38;
	[tilespmem:$0x1FC00] =	vst v63  }
0x25b: {  	_ = 	snop  }
0x25c: {  	[tilespmem:s25], [sflag:$0x4] =	stream.linear.gather [hbm4b:s6+s4], $0x50, $0x38;
	[tilespmem:$0x1FC00] =	vst v63  }
0x25d: {  	_ =	swait.ge [sflag:s22], $0x50  }
0x25e: {  	[sflag:s22] =	ssyncset.done $0x0  }
0x25f: {  	[sflag:s22] =	ssyncadd.s32 $0xFFFFFFB0  }
0x260: {  	_ =	swait.ge [sflag:s22], $0x50  }
0x261: {  	[sflag:s22] =	ssyncset.done $0x0  }
0x262: {  	[sflag:s22] =	ssyncadd.s32 $0xFFFFFFB0  }
0x263: {  	[tilespmem:s11], [sflag:$0x1] =	stream.indirect.gather [hbm4b:s0+s10], $0x80, s7, s10, $0xb8;
	[tilespmem:$0x1FC00] =	vst v63  }
0x264: {  	_ =	swait.ge [sflag:s23], $0x2800  }
0x265: {  	[sflag:s23] =	ssyncset.done $0x0  }
0x266: {  	[sflag:s23] =	ssyncadd.s32 $0xFFFFD800  }
0x267: {  	[spmem:s3] =	stream.indirect.scatter.add.f32 [tilespmem:s13], [sflag:$0x9], $0x80, s30, s10, $0xb8;
	[tilespmem:$0x1FC00] =	vst v63  }
0x268: {  	_ =	swait.ge [sflag:s15], $0x2800  }
0x269: {  	[sflag:s15] =	ssyncset.done $0x0  }
0x26a: {  	[sflag:s15] =	ssyncadd.s32 $0xFFFFD800  }
0x26b: {  	_ =	swait.ge [sflag:s9], $0x50  }
0x26c: {  	[sflag:s9] =	ssyncset.done $0x0  }
0x26d: {  	[sflag:s9] =	ssyncadd.s32 $0xFFFFFFB0  }
0x26e: {  	_ =	swait.ge [sflag:s9], $0x50  }
0x26f: {  	[sflag:s9] =	ssyncset.done $0x0  }
0x270: {  	[sflag:s9] =	ssyncadd.s32 $0xFFFFFFB0  }
0x271: {  	[tilespmem:s13], [sflag:$0x2] =	stream.indirect.gather [hbm4b:s0+s10], $0x80, s4, s10, $0xb8;
	[tilespmem:$0x1FC00] =	vst v63  }
0x272: {  	_ =	swait.ge [sflag:s24], $0x2800  }
0x273: {  	[sflag:s24] =	ssyncset.done $0x0  }
0x274: {  	[sflag:s24] =	ssyncadd.s32 $0xFFFFD800  }
0x275: {  	[spmem:s3] =	stream.indirect.scatter.add.f32 [tilespmem:s19], [sflag:$0x9], $0x80, s2, s10, $0xb8;
	[tilespmem:$0x1FC00] =	vst v63  }
0x276: {  	_ =	swait.ge [sflag:s15], $0x2800  }
0x277: {  	[sflag:s15] =	ssyncset.done $0x0  }
0x278: {  	[sflag:s15] =	ssyncadd.s32 $0xFFFFD800  }
0x279: {  	_ =	swait.ge [sflag:s21], $0x2800  }
0x27a: {  	[sflag:s21] =	ssyncset.done $0x0  }
0x27b: {  	[sflag:s21] =	ssyncadd.s32 $0xFFFFD800  }
0x27c: {  	[spmem:s3] =	stream.indirect.scatter.add.f32 [tilespmem:s11], [sflag:$0x9], $0x80, s8, s10, $0xb8;
	[tilespmem:$0x1FC00] =	vst v63  }
0x27d: {  	_ =	swait.ge [sflag:s15], $0x2800  }
0x27e: {  	[sflag:s15] =	ssyncset.done $0x0  }
0x27f: {  	[sflag:s15] =	ssyncadd.s32 $0xFFFFD800  }
0x280: {  	_ =	swait.ge [sflag:s23], $0x2800  }
0x281: {  	[sflag:s23] =	ssyncset.done $0x0  }
0x282: {  	[sflag:s23] =	ssyncadd.s32 $0xFFFFD800  }
0x283: {  	[spmem:s3] =	stream.indirect.scatter.add.f32 [tilespmem:s13], [sflag:$0x9], $0x80, s25, s10, $0xb8;
	[tilespmem:$0x1FC00] =	vst v63  }
0x284: {  	_ =	swait.ge [sflag:s15], $0x2800  }
0x285: {  	[sflag:s15] =	ssyncset.done $0x0  }
0x286: {  	[sflag:s15] =	ssyncadd.s32 $0xFFFFD800  }
0x287: {  	[bflag:$0x0] =	sbarrier.arrive $0xFFFF  }
0x288: {  	s14 =	stileid.u32;
	s17 =	sld [smem:$0x7FA]  }
0x289: {  	s1 =	sshll.u32 s14, $0x6;
	s14 =	sld [smem:$0x7E6];
	_ =	sdelay $0x1  }
0x28a: {  	s1 =	sor.u32 $0x1C08, s1;
	s6 =	sshrl.u32 s17, $0x3  }
0x28b: {  	[hbm:s14], [sflag:s1] =	dma.local [spmem:s6], $0x800  }
0x28c: {  	s6 =	sld [smem:$0x7E7]  }
0x28d: {  	s14 =	sld [smem:$0x7ED];
	_ =	sdelay $0x2  }
0x28e: {  	[hbm:s6], [sflag:s1] =	dma.local [spmem:s14], $0x800  }
0x28f: {  	s6 =	sld [smem:$0x7E8]  }
0x290: {  	s14 =	sld [smem:$0x7EE];
	_ =	sdelay $0x2  }
0x291: {  	[hbm:s6], [sflag:s1] =	dma.local [spmem:s14], $0x800  }
0x292: {  	s6 =	sld [smem:$0x7E9]  }
0x293: {  	s14 =	sld [smem:$0x7EF];
	_ =	sdelay $0x2  }
0x294: {  	[hbm:s6], [sflag:s1] =	dma.local [spmem:s14], $0x800  }
0x295: {  	s6 =	sld [smem:$0x7EA]  }
0x296: {  	s14 =	sld [smem:$0x7F0];
	_ =	sdelay $0x2  }
0x297: {  	[hbm:s6], [sflag:s1] =	dma.local [spmem:s14], $0x800  }
0x298: {  	_ =	swait.ge [sflag:s26], $0x800  }
0x299: {  	[sflag:s26] =	ssyncset.done $0x0  }
0x29a: {  	[sflag:s26] =	ssyncadd.s32 $0xFFFFF800  }
0x29b: {  	_ =	swait.ge [sflag:s26], $0x800  }
0x29c: {  	[sflag:s26] =	ssyncset.done $0x0  }
0x29d: {  	[sflag:s26] =	ssyncadd.s32 $0xFFFFF800  }
0x29e: {  	_ =	swait.ge [sflag:s26], $0x800  }
0x29f: {  	[sflag:s26] =	ssyncset.done $0x0  }
0x2a0: {  	[sflag:s26] =	ssyncadd.s32 $0xFFFFF800  }
0x2a1: {  	_ =	swait.ge [sflag:s26], $0x800  }
0x2a2: {  	[sflag:s26] =	ssyncset.done $0x0  }
0x2a3: {  	[sflag:s26] =	ssyncadd.s32 $0xFFFFF800  }
0x2a4: {  	_ =	swait.ge [sflag:s26], $0x800  }
0x2a5: {  	s18 =	sld [smem:$0x7EC];
	_ =	sdelay $0x1  }
0x2a6: {  	s28 =	sadd.s32 $0x1, s28  }
0x2a7: {  	p2 =	sne.s32 s28, s18  }
.Ltmp6:
0x2a8: {  	_ = 	snop;
	(pc) =	sbr.rel @p2 .LBB2_1-.Ltmp6, $3  }
0x2a9: {  	_ =	sdelay $0x1  }
0x2aa: {  	[sflag:s26] =	ssyncset.done $0x0  }
0x2ab: {  	[sflag:s26] =	ssyncadd.s32 $0xFFFFF800  }
0x2ac: {  	_ =	sfence.sel $0x180000  }
0x2ad: {  	[bflag:$0x0] =	sbarrier.arrive $0xFFFF  }
0x2ae: {  	_ =	strace $0x90000047  }
0x2af: {  	s0 =	stileid.u32;
	[bflag:$0x2] =	sbarrier.arrive $0xFFFF  }
0x2b0: {  	p0 =	sne.s32 s0, $0x0;
	s0 =	rddreg [dreg:$0x3]  }
0x2b1: {  	s0 =	sadd.s32 @!p0 $0x100000, s0  }
0x2b2: {  	[sflag:s0] =	ssyncadd.tile.s32 @!p0 $0x1;
	_ =	shalt  }
.Lfunc_end2:
_tile_overlayer_lowered:
.L_overlay_start_2:
0x2b3: {  	(tag) =	ssettag $0x2  }
0x2b4: {  	s0 =	rddreg [dreg:$0x0];
	s2 =	stileid.u32  }
0x2b5: {  	s1 =	rddreg [dreg:$0x1];
	p0 =	sne.s32 s2, $0x0  }
0x2b6: {  	s3 =	rddreg [dreg:$0x2];
	[bflag:$0x3] =	sbarrier.arrive $0xFFFF;
	s2 =	simm.s32 @!p0 $0x1C09  }
0x2b7: {  	[timem:s3], [sflag:s2] =	dma.local @!p0 [hbm:s0], s1  }
0x2b8: {  	s0 =	simm.s32 @!p0 $0x9  }
0x2b9: {  	_ =	swait.ge @!p0 [sflag:s0], s1  }
0x2ba: {  	s1 =	ssub.s32 @!p0 $0x0, s1;
	[sflag:s0] =	ssyncset.done @!p0 $0x0  }
0x2bb: {  	[sflag:s0] =	ssyncadd.s32 @!p0 s1  }
0x2bc: {  	[bflag:$0x3] =	sbarrier.arrive $0xFFFF  }
0x2bd: {  	_ =	shalt  }

</sc_bundles>
